<compile_context>
chip_gen: v7x
topology: tpu7x:2x2x1
jax: 0.10.2.dev20260603
libtpu: 0.0.44.dev20260713+nightly
codegen_flags: <defaults>
</compile_context>

<pallas_src>
import functools

import jax
import jax.numpy as jnp
import numpy as np
from jax import lax
from jax.experimental import pallas as pl
from jax.experimental.pallas import tpu as pltpu
from jax.experimental.pallas import tpu_sc as plsc

_NC, _NS = 2, 16
_NW = _NC * _NS


def _sc_gather(table, idx, row_w):
    R = idx.shape[0]
    per_w = R // _NW
    C = 80
    assert R % _NW == 0 and per_w % C == 0, (R, per_w)
    n_it = per_w // C
    mesh = plsc.VectorSubcoreMesh(core_axis_name="c", subcore_axis_name="s")

    assert n_it % 2 == 1 and n_it >= 3

    @functools.partial(
        pl.kernel,
        mesh=mesh,
        out_type=jax.ShapeDtypeStruct((R, row_w), jnp.float32),
        scratch_types=[
            pltpu.VMEM((2, C), jnp.int32),
            pltpu.VMEM((2, C, row_w), jnp.float32),
            pltpu.SemaphoreType.DMA,
            pltpu.SemaphoreType.DMA,
            pltpu.SemaphoreType.DMA,
            pltpu.SemaphoreType.DMA,
            pltpu.SemaphoreType.DMA,
            pltpu.SemaphoreType.DMA,
        ],
    )
    def gk(table_hbm, idx_hbm, out_hbm, idx_v, rows_v,
           gi0, gi1, gg0, gg1, go0, go1):
        wid = lax.axis_index("s") * _NC + lax.axis_index("c")
        gis, ggs, gos = (gi0, gi1), (gg0, gg1), (go0, go1)

        def start_idx(it, k):
            base = wid * per_w + it * C
            pltpu.async_copy(idx_hbm.at[pl.ds(base, C)], idx_v.at[k], gis[k])

        def wait_idx(it, k):
            base = wid * per_w + it * C
            pltpu.make_async_copy(idx_hbm.at[pl.ds(base, C)],
                                  idx_v.at[k], gis[k]).wait()

        start_idx(0, 0)

        def body(it2, carry):
            it = it2 * 2

            @pl.when(it2 > 0)
            def _():
                base_p = wid * per_w + (it - 2) * C
                pltpu.make_async_copy(rows_v.at[0],
                                      out_hbm.at[pl.ds(base_p, C)],
                                      gos[0]).wait()
            wait_idx(it, 0)
            start_idx(it + 1, 1)
            pltpu.async_copy(table_hbm.at[idx_v.at[0]], rows_v.at[0],
                             ggs[0]).wait()
            base0 = wid * per_w + it * C
            pltpu.async_copy(rows_v.at[0], out_hbm.at[pl.ds(base0, C)],
                             gos[0])

            @pl.when(it2 > 0)
            def _():
                base_p = wid * per_w + (it - 1) * C
                pltpu.make_async_copy(rows_v.at[1],
                                      out_hbm.at[pl.ds(base_p, C)],
                                      gos[1]).wait()
            wait_idx(it + 1, 1)
            start_idx(it + 2, 0)
            pltpu.async_copy(table_hbm.at[idx_v.at[1]], rows_v.at[1],
                             ggs[1]).wait()
            base1 = wid * per_w + (it + 1) * C
            pltpu.async_copy(rows_v.at[1], out_hbm.at[pl.ds(base1, C)],
                             gos[1])
            return carry

        lax.fori_loop(0, (n_it - 1) // 2, body, 0)

        itl = n_it - 1
        base_p = wid * per_w + (itl - 2) * C
        pltpu.make_async_copy(rows_v.at[0], out_hbm.at[pl.ds(base_p, C)],
                              gos[0]).wait()
        wait_idx(itl, 0)
        pltpu.async_copy(table_hbm.at[idx_v.at[0]], rows_v.at[0],
                         ggs[0]).wait()
        basel = wid * per_w + itl * C
        pltpu.async_copy(rows_v.at[0], out_hbm.at[pl.ds(basel, C)], gos[0])
        pltpu.make_async_copy(rows_v.at[1],
                              out_hbm.at[pl.ds(wid * per_w + (itl - 1) * C, C)],
                              gos[1]).wait()
        pltpu.make_async_copy(rows_v.at[0], out_hbm.at[pl.ds(basel, C)],
                              gos[0]).wait()

    return gk(table, idx)


def _erf(x):
    a1, a2, a3, a4, a5 = (0.254829592, -0.284496736, 1.421413741,
                          -1.453152027, 1.061405429)
    p = 0.3275911
    ax = jnp.abs(x)
    t = 1.0 / (1.0 + p * ax)
    poly = ((((a5 * t + a4) * t + a3) * t + a2) * t + a1) * t
    y = 1.0 - poly * jnp.exp(-ax * ax)
    return jnp.sign(x) * y


def _gelu(x):
    return 0.5 * x * (1.0 + _erf(x * np.float32(1.0 / np.sqrt(2.0))))


def _edge_compute_body(a_ref, gp_ref, W1_ref, b1_ref, W2_ref, b2_ref,
                       R2_ref, Q2_ref, outA_ref, outB_ref, *, emb, t_dim):
    bf = jnp.bfloat16
    a = a_ref[...]
    h = _gelu(jnp.dot(a.astype(bf), W1_ref[...].astype(bf),
                      preferred_element_type=jnp.float32) + b1_ref[...])
    w = jnp.dot(h.astype(bf), W2_ref[...].astype(bf),
                preferred_element_type=jnp.float32) + b2_ref[...]
    gp = gp_ref[...]
    gpb = gp.astype(bf)
    wb = w.astype(bf)
    R2c = R2_ref[...].astype(bf)
    Q2c = Q2_ref[...].astype(bf)
    acc = 1.01 * gp
    for i in range(emb):
        G_i = gpb[:, i * t_dim:(i + 1) * t_dim]
        W_i = wb[:, i * emb:(i + 1) * emb]
        Grep = jnp.dot(G_i, R2c, preferred_element_type=jnp.float32)
        Wtil = jnp.dot(W_i, Q2c, preferred_element_type=jnp.float32)
        acc = acc + Grep * Wtil
    half = emb * t_dim // 2
    outA_ref[...] = acc[:, :half]
    outB_ref[...] = acc[:, half:]


def _edge_compute(a2, gp2, W1, b1, W2, b2, attr, emb, t_dim):
    BE = a2.shape[0]
    L = emb * t_dim
    K = 2560
    assert BE % K == 0, (BE, K)
    grid = (BE // K,)
    R2 = np.zeros((t_dim, L), dtype=np.float32)
    Q2 = np.zeros((emb, L), dtype=np.float32)
    for o in range(emb):
        for t in range(t_dim):
            R2[t, o * t_dim + t] = 1.0
            Q2[o, o * t_dim + t] = 1.0
    body = functools.partial(_edge_compute_body, emb=emb, t_dim=t_dim)
    return pl.pallas_call(
        body,
        grid=grid,
        in_specs=[
            pl.BlockSpec((K, attr), lambda i: (i, 0)),
            pl.BlockSpec((K, L), lambda i: (i, 0)),
            pl.BlockSpec((attr, 64), lambda i: (0, 0)),
            pl.BlockSpec((64,), lambda i: (0,)),
            pl.BlockSpec((64, emb * emb), lambda i: (0, 0)),
            pl.BlockSpec((emb * emb,), lambda i: (0,)),
            pl.BlockSpec((t_dim, L), lambda i: (0, 0)),
            pl.BlockSpec((emb, L), lambda i: (0, 0)),
        ],
        out_specs=[
            pl.BlockSpec((K, L // 2), lambda i: (i, 0)),
            pl.BlockSpec((K, L // 2), lambda i: (i, 0)),
        ],
        out_shape=(
            jax.ShapeDtypeStruct((BE, L // 2), jnp.float32),
            jax.ShapeDtypeStruct((BE, L // 2), jnp.float32),
        ),
    )(a2, gp2, W1, b1, W2, b2, jnp.asarray(R2), jnp.asarray(Q2))


def _sc_scatter_mean_sums(msgA, msgB, edge_to, N):
    BE, W = msgA.shape
    E = edge_to.shape[0]
    B = BE // E
    assert B == _NC, (B, _NC)
    C = 80
    per_tile = E // _NS
    assert per_tile % C == 0
    n_it = per_tile // C
    zpt = ((N + _NS - 1) // _NS + 7) // 8 * 8
    ACC = zpt * _NS
    dpt = N // _NS // 8 * 8
    tail = N - dpt * _NS
    assert tail % 8 == 0 and tail <= zpt
    mesh = plsc.VectorSubcoreMesh(core_axis_name="c", subcore_axis_name="s")

    @functools.partial(
        pl.kernel,
        mesh=mesh,
        out_type=(
            jax.ShapeDtypeStruct((B * N, W), jnp.float32),
            jax.ShapeDtypeStruct((B * N, W), jnp.float32),
            jax.ShapeDtypeStruct((N, 16), jnp.float32),
        ),
        scratch_types=[
            pltpu.VMEM_SHARED((ACC, W), jnp.float32),
            pltpu.VMEM_SHARED((ACC, 16), jnp.float32),
            pltpu.VMEM((4, C), jnp.int32),
            pltpu.VMEM((4, C, W), jnp.float32),
            pltpu.VMEM((C, 16), jnp.float32),
            pltpu.VMEM((zpt, W), jnp.float32),
            pltpu.VMEM((zpt, 16), jnp.float32),
        ] + [pltpu.SemaphoreType.DMA] * 13,
        compiler_params=pltpu.CompilerParams(use_tc_tiling_on_sc=False),
    )
    def sk(msgA_hbm, msgB_hbm, to_hbm, sumsA_hbm, sumsB_hbm, cnt_hbm,
           acc, cacc, idx_v, msg_v, ones_v, stage, cstage,
           si0, si1, si2, si3, sm0, sm1, sm2, sm3,
           sa0, sa1, sa2, sa3, scnt):
        c = lax.axis_index("c")
        tid = lax.axis_index("s")
        sis = (si0, si1, si2, si3)
        sms = (sm0, sm1, sm2, sm3)
        sas = (sa0, sa1, sa2, sa3)

        def orow(i, _):
            ones_v[i, :] = jnp.ones((16,), jnp.float32)
            return _

        lax.fori_loop(0, C, orow, 0)

        for p, (msg_hbm, sums_hbm) in enumerate(
                ((msgA_hbm, sumsA_hbm), (msgB_hbm, sumsB_hbm))):
            def zrow(i, _):
                z16 = jnp.zeros((16,), jnp.float32)
                for j in range(W // 16):
                    stage[i, pl.ds(j * 16, 16)] = z16
                if p == 0:
                    cstage[i, :] = z16
                return _

            lax.fori_loop(0, zpt, zrow, 0)
            pltpu.sync_copy(stage, acc.at[pl.ds(tid * zpt, zpt)])
            if p == 0:
                pltpu.sync_copy(cstage, cacc.at[pl.ds(tid * zpt, zpt)])
            plsc.subcore_barrier()

            def start_dma(it, b):
                e_base = tid * per_tile + it * C
                pltpu.async_copy(to_hbm.at[pl.ds(e_base, C)],
                                 idx_v.at[b], sis[b])
                pltpu.async_copy(msg_hbm.at[pl.ds(c * E + e_base, C)],
                                 msg_v.at[b], sms[b])

            def wait_dma(it, b):
                e_base = tid * per_tile + it * C
                pltpu.make_async_copy(to_hbm.at[pl.ds(e_base, C)],
                                      idx_v.at[b], sis[b]).wait()
                pltpu.make_async_copy(msg_hbm.at[pl.ds(c * E + e_base, C)],
                                      msg_v.at[b], sms[b]).wait()

            def issue_add(b):
                pltpu.async_copy(msg_v.at[b], acc.at[idx_v.at[b]], sas[b],
                                 add=True)
                if p == 0:
                    @pl.when(c == 0)
                    def _():
                        pltpu.async_copy(ones_v, cacc.at[idx_v.at[b]], scnt,
                                         add=True)

            def wait_add(b):
                pltpu.make_async_copy(msg_v.at[b], acc.at[idx_v.at[b]],
                                      sas[b]).wait()

            start_dma(0, 0)
            start_dma(1, 1)

            def quad(q, carry):
                for j in range(4):
                    it = q * 4 + j
                    bn = (j + 2) % 4

                    @pl.when(it >= 2)
                    def _():
                        wait_add(bn)

                    @pl.when(it + 2 <= n_it - 1)
                    def _():
                        start_dma(it + 2, bn)

                    wait_dma(it, j)
                    issue_add(j)
                return carry

            lax.fori_loop(0, n_it // 4, quad, 0)
            for itl in range(n_it // 4 * 4, n_it):
                j = itl % 4
                bn = (j + 2) % 4
                wait_add(bn)
                if itl + 2 <= n_it - 1:
                    start_dma(itl + 2, bn)
                wait_dma(itl, j)
                issue_add(j)
            wait_add((n_it - 2) % 4)
            wait_add((n_it - 1) % 4)
            if p == 0:
                @pl.when(c == 0)
                def _():
                    def cw(i, carry):
                        pltpu.make_async_copy(ones_v, cacc.at[idx_v.at[0]],
                                              scnt).wait()
                        return carry

                    lax.fori_loop(0, n_it, cw, 0)
            plsc.subcore_barrier()

            pltpu.sync_copy(acc.at[pl.ds(tid * dpt, dpt)],
                            stage.at[pl.ds(0, dpt)])
            pltpu.sync_copy(stage.at[pl.ds(0, dpt)],
                            sums_hbm.at[pl.ds(c * N + tid * dpt, dpt)])

            if p == 0:
                @pl.when(c == 0)
                def _():
                    pltpu.sync_copy(cacc.at[pl.ds(tid * dpt, dpt)],
                                    cstage.at[pl.ds(0, dpt)])
                    pltpu.sync_copy(cstage.at[pl.ds(0, dpt)],
                                    cnt_hbm.at[pl.ds(tid * dpt, dpt)])

            if tail:
                @pl.when(tid == _NS - 1)
                def _():
                    tb = dpt * _NS
                    pltpu.sync_copy(acc.at[pl.ds(tb, tail)],
                                    stage.at[pl.ds(0, tail)])
                    pltpu.sync_copy(stage.at[pl.ds(0, tail)],
                                    sums_hbm.at[pl.ds(c * N + tb, tail)])

                    if p == 0:
                        @pl.when(c == 0)
                        def _():
                            pltpu.sync_copy(cacc.at[pl.ds(tb, tail)],
                                            cstage.at[pl.ds(0, tail)])
                            pltpu.sync_copy(cstage.at[pl.ds(0, tail)],
                                            cnt_hbm.at[pl.ds(tb, tail)])

            plsc.subcore_barrier()

    return sk(msgA, msgB, edge_to)


def _finalize_body(sA_ref, sB_ref, c_ref, P_ref, bias_ref, out_ref):
    cnt = c_ref[...][:, 0:1]
    recip = 1.0 / jnp.maximum(cnt, 1.0)
    s = jnp.concatenate([sA_ref[...], sB_ref[...]], axis=1)
    y = jnp.dot(s * recip, P_ref[...], preferred_element_type=jnp.float32)
    out_ref[...] = y + bias_ref[...][0:1, :]


def _finalize(sumsA, sumsB, counts, P, bias_row, N, W):
    BN = sumsA.shape[0]
    Kn = 2000
    nb = N // Kn
    grid = (BN // Kn,)
    return pl.pallas_call(
        _finalize_body,
        grid=grid,
        in_specs=[
            pl.BlockSpec((Kn, W // 2), lambda i: (i, 0)),
            pl.BlockSpec((Kn, W // 2), lambda i: (i, 0)),
            pl.BlockSpec((Kn, 16), lambda i, _nb=nb: (i % _nb, 0)),
            pl.BlockSpec((W, W), lambda i: (0, 0)),
            pl.BlockSpec((8, W), lambda i: (0, 0)),
        ],
        out_specs=pl.BlockSpec((Kn, W), lambda i: (i, 0)),
        out_shape=jax.ShapeDtypeStruct((BN, W), jnp.float32),
    )(sumsA, sumsB, counts, P, bias_row)


def kernel(u_l, edge_attr, grid_size, edge_from, edge_to, W1, b1, W2, b2, bias):
    B, N, T, EMB = u_l.shape
    E = edge_attr.shape[1]
    ATTR = edge_attr.shape[2]
    L = EMB * T

    u_perm = jnp.transpose(u_l, (0, 1, 3, 2)).reshape(B * N, L)
    idx_full = jnp.concatenate([edge_from + b * N for b in range(B)])
    gp2 = _sc_gather(u_perm, idx_full.astype(jnp.int32), L)
    a2 = edge_attr.reshape(B * E, ATTR)

    msgA, msgB = _edge_compute(a2, gp2, W1, b1, W2, b2, ATTR, EMB, T)

    sumsA, sumsB, counts = _sc_scatter_mean_sums(
        msgA, msgB, edge_to.astype(jnp.int32), N)

    P = np.zeros((L, L), dtype=np.float32)
    for o in range(EMB):
        for t in range(T):
            P[o * T + t, t * EMB + o] = 1.0
    gr = ((grid_size[0] - B) + (grid_size[1] - N) + (grid_size[2] - T))
    bias_row = jnp.tile(bias, T) + jnp.asarray(gr, jnp.float32)
    bias2d = jnp.broadcast_to(bias_row, (8, L))
    out2d = _finalize(sumsA, sumsB, counts, jnp.asarray(P), bias2d, N, L)
    return out2d.reshape(B, N, T, EMB)

# --- scband reference (transcript-rebuilt; emitter-appended) ---
"""Pipeline reference for scband-attr-mean-24730421690460 (READ-ONLY COPY).

The authoritative reference and input builder live on the scoring server;
editing this copy changes nothing except your own understanding.
"""

import jax, jax.numpy as jnp
import numpy as np

B, N, T, EMB = 2, 10000, 8, 16
E = 160000
ATTR = 16
HID = 64


def setup_inputs(seed: int = 0) -> dict:
    key = jax.random.key(seed)
    ks = jax.random.split(key, 8)
    u_l = jax.random.normal(ks[0], (B, N, T, EMB), dtype=jnp.float32)
    edge_attr = jax.random.normal(ks[1], (B, E, ATTR), dtype=jnp.float32)
    edge_from = jax.random.randint(ks[2], (E,), 0, N, dtype=jnp.int64 if jax.config.jax_enable_x64 else jnp.int32)
    edge_to = jax.random.randint(ks[3], (E,), 0, N, dtype=jnp.int64 if jax.config.jax_enable_x64 else jnp.int32)
    # DenseNet([ATTR, HID, EMB*EMB], GELU) parameters
    W1 = jax.random.normal(ks[4], (ATTR, HID), dtype=jnp.float32) * (1.0 / np.sqrt(ATTR))
    b1 = jnp.zeros((HID,), dtype=jnp.float32)
    W2 = jax.random.normal(ks[5], (HID, EMB * EMB), dtype=jnp.float32) * (1.0 / np.sqrt(HID))
    b2 = jnp.zeros((EMB * EMB,), dtype=jnp.float32)
    bias = jax.random.normal(ks[6], (EMB,), dtype=jnp.float32)
    grid_size = (B, N, T)
    return {
        "u_l": u_l,
        "edge_attr": edge_attr,
        "grid_size": grid_size,
        "edge_from": edge_from,
        "edge_to": edge_to,
        "W1": W1,
        "b1": b1,
        "W2": W2,
        "b2": b2,
        "bias": bias,
    }


def reference(u_l, edge_attr, grid_size, edge_from, edge_to, W1, b1, W2, b2, bias):
    Bsz, Nn, Tt = grid_size
    embed_size = u_l.shape[-1]
    num_nodes = u_l.shape[1]
    # u_l = u_l[:, edge_from]  -> gather source node features per edge
    gathered = jnp.take(u_l, edge_from, axis=1)  # [B, E, T, emb]
    node_num = gathered.shape[1]
    # DenseNet: Linear -> GELU -> Linear (no activation after last layer)
    h = jax.nn.gelu(edge_attr @ W1 + b1, approximate=False)
    weight = h @ W2 + b2  # [B, E, emb*emb]
    weight = weight.reshape(-1, node_num, embed_size, embed_size)  # [B, E, emb, emb]
    # message = einsum('bnti,bnio->bnto') + 1.01 * u_l
    message = jnp.einsum("bnti,bnio->bnto", gathered, weight)
    message = message + (1 + 0.01) * gathered
    # scatter_mean(message, edge_to, dim=1, out=zeros(B, N, T, emb))
    msg_t = jnp.transpose(message, (1, 0, 2, 3))  # [E, B, T, emb]
    sums = jax.ops.segment_sum(msg_t, edge_to, num_segments=num_nodes)  # [N, B, T, emb]
    counts = jax.ops.segment_sum(jnp.ones((edge_to.shape[0],), dtype=jnp.float32), edge_to, num_segments=num_nodes)
    out = jnp.transpose(sums, (1, 0, 2, 3)) / jnp.clip(counts, 1.0, None)[None, :, None, None]
    grid_residual = (
        (jnp.asarray(Bsz) - u_l.shape[0])
        + (jnp.asarray(Nn) - u_l.shape[1])
        + (jnp.asarray(Tt) - u_l.shape[2])
    )
    out = out + bias + grid_residual.astype(out.dtype)
    return out

if __name__ == "__main__":
    import jax
    _d = setup_inputs()
    print(jax.jit(kernel)(*tuple(_d.values())))

</pallas_src>

<mosaic_0001>
#map = affine_map<(d0, d1) -> (0, 0)>
#map1 = affine_map<(d0, d1) -> (0)>
module attributes {stable_mosaic.version = 14 : i64} {
  func.func @gk(%arg0: i32, %arg1: i32, %arg2: memref<20000x128xf32, #tpu.memory_space<hbm>>, %arg3: memref<320000xi32, #tpu.memory_space<hbm>>, %arg4: memref<320000x128xf32, #tpu.memory_space<hbm>>, %arg5: memref<2x80xi32, #tpu.memory_space<vmem>>, %arg6: memref<2x80x128xf32, #tpu.memory_space<vmem>>, %arg7: memref<!tpu.dma_semaphore, #tpu.memory_space<semaphore_mem>>, %arg8: memref<!tpu.dma_semaphore, #tpu.memory_space<semaphore_mem>>, %arg9: memref<!tpu.dma_semaphore, #tpu.memory_space<semaphore_mem>>, %arg10: memref<!tpu.dma_semaphore, #tpu.memory_space<semaphore_mem>>, %arg11: memref<!tpu.dma_semaphore, #tpu.memory_space<semaphore_mem>>, %arg12: memref<!tpu.dma_semaphore, #tpu.memory_space<semaphore_mem>>) attributes {dimension_semantics = [#tpu.dimension_semantics<core_parallel>, #tpu.dimension_semantics<subcore_parallel>], iteration_bounds = array<i64: 2, 16>, scalar_prefetch = 0 : i64, scratch_operands = 8 : i64, tpu.core_type = #tpu.core_type<sc_vector_subcore>, window_params = [{transform_indices = #map}, {transform_indices = #map1}, {transform_indices = #map}]} {
    %mul3A = arith.constant 2 : i32
    %mul3A_0 = arith.muli %arg1, %mul3A : i32
    %add3A = arith.addi %mul3A_0, %arg0 : i32
    %mul3A_1 = arith.constant 10000 : i32
    %mul3A_2 = arith.muli %add3A, %mul3A_1 : i32
    %add3A_3 = arith.constant 0 : i32
    %add3A_4 = arith.addi %mul3A_2, %add3A_3 : i32
    %dma_start3A = arith.constant 0 : i32
    %dma_start3A_5 = arith.constant 0 : i32
    %dma_start3A_6 = tpu.memref_slice %arg5[%dma_start3A, %dma_start3A_5] : memref<2x80xi32, #tpu.memory_space<vmem>> -> memref<1x80xi32, #tpu.memory_space<vmem>>
    %dma_start3A_7 = tpu.memref_squeeze %dma_start3A_6 : memref<1x80xi32, #tpu.memory_space<vmem>> -> memref<80xi32, #tpu.memory_space<vmem>>
    %dma_start3A_8 = tpu.memref_slice %arg3[%add3A_4] : memref<320000xi32, #tpu.memory_space<hbm>> -> memref<80xi32, #tpu.memory_space<hbm>>
    %dma_start3A_9 = arith.constant 0 : i32
    %dma_start3A_10 = tpu.memref_slice %arg5[%dma_start3A, %dma_start3A_9] : memref<2x80xi32, #tpu.memory_space<vmem>> -> memref<1x80xi32, #tpu.memory_space<vmem>>
    %dma_start3A_11 = tpu.memref_squeeze %dma_start3A_10 : memref<1x80xi32, #tpu.memory_space<vmem>> -> memref<80xi32, #tpu.memory_space<vmem>>
    %dma_start3A_12 = tpu.memref_slice %arg3[%add3A_4] : memref<320000xi32, #tpu.memory_space<hbm>> -> memref<80xi32, #tpu.memory_space<hbm>>
    tpu.enqueue_dma source(%dma_start3A_12 : memref<80xi32, #tpu.memory_space<hbm>>) target(%dma_start3A_11 : memref<80xi32, #tpu.memory_space<vmem>>) target_semaphore(%arg7 : memref<!tpu.dma_semaphore, #tpu.memory_space<semaphore_mem>>)
    %scan3A = arith.constant 0 : i32
    %scan3A_13 = arith.constant 0 : i32
    %scan3A_14 = arith.constant 62 : i32
    %scan3A_15 = arith.addi %scan3A_13, %scan3A_14 : i32
    %scan3A_16 = arith.constant 1 : i32
    scf.for %scan3A_118 = %scan3A_13 to %scan3A_15 step %scan3A_16  : i32 {
      %mul3A_119 = arith.constant 2 : i32
      %mul3A_120 = arith.muli %scan3A_118, %mul3A_119 : i32
      %gt3A = arith.constant 0 : i32
      %gt3A_121 = arith.cmpi sgt, %scan3A_118, %gt3A : i32
      %convert_element_type3A = arith.extui %gt3A_121 : i1 to i32
      %cond3A = arith.constant 0 : i32
      %cond3A_122 = arith.cmpi ne, %convert_element_type3A, %cond3A : i32
      scf.if %cond3A_122 {
        %mul3A_276 = arith.constant 10000 : i32
        %mul3A_277 = arith.muli %add3A, %mul3A_276 : i32
        %sub3A = arith.constant 2 : i32
        %sub3A_278 = arith.subi %mul3A_120, %sub3A : i32
        %mul3A_279 = arith.constant 80 : i32
        %mul3A_280 = arith.muli %sub3A_278, %mul3A_279 : i32
        %add3A_281 = arith.addi %mul3A_277, %mul3A_280 : i32
        %dma_wait3A_282 = arith.constant 0 : i32
        %dma_wait3A_283 = arith.constant 0 : i32
        %dma_wait3A_284 = arith.constant 0 : i32
        %dma_wait3A_285 = tpu.memref_slice %arg6[%dma_wait3A_282, %dma_wait3A_283, %dma_wait3A_284] : memref<2x80x128xf32, #tpu.memory_space<vmem>> -> memref<1x80x128xf32, #tpu.memory_space<vmem>>
        %dma_wait3A_286 = tpu.memref_squeeze %dma_wait3A_285 : memref<1x80x128xf32, #tpu.memory_space<vmem>> -> memref<80x128xf32, #tpu.memory_space<vmem>>
        %dma_wait3A_287 = arith.constant 0 : i32
        %dma_wait3A_288 = tpu.memref_slice %arg4[%add3A_281, %dma_wait3A_287] : memref<320000x128xf32, #tpu.memory_space<hbm>> -> memref<80x128xf32, #tpu.memory_space<hbm>>
        %dma_wait3A_289 = arith.constant 0 : i32
        %dma_wait3A_290 = tpu.memref_slice %arg4[%add3A_281, %dma_wait3A_289] : memref<320000x128xf32, #tpu.memory_space<hbm>> -> memref<80x128xf32, #tpu.memory_space<hbm>>
        %dma_wait3A_291 = arith.constant 0 : i32
        %dma_wait3A_292 = arith.constant 0 : i32
        %dma_wait3A_293 = tpu.memref_slice %arg6[%dma_wait3A_282, %dma_wait3A_291, %dma_wait3A_292] : memref<2x80x128xf32, #tpu.memory_space<vmem>> -> memref<1x80x128xf32, #tpu.memory_space<vmem>>
        %dma_wait3A_294 = tpu.memref_squeeze %dma_wait3A_293 : memref<1x80x128xf32, #tpu.memory_space<vmem>> -> memref<80x128xf32, #tpu.memory_space<vmem>>
        tpu.wait_dma2 semaphore(%arg11 : memref<!tpu.dma_semaphore, #tpu.memory_space<semaphore_mem>>) src(%dma_wait3A_294 : memref<80x128xf32, #tpu.memory_space<vmem>>) dst(%dma_wait3A_290 : memref<80x128xf32, #tpu.memory_space<hbm>>)
      } else {
      }
      %mul3A_123 = arith.constant 10000 : i32
      %mul3A_124 = arith.muli %add3A, %mul3A_123 : i32
      %mul3A_125 = arith.constant 80 : i32
      %mul3A_126 = arith.muli %mul3A_120, %mul3A_125 : i32
      %add3A_127 = arith.addi %mul3A_124, %mul3A_126 : i32
      %dma_wait3A_128 = arith.constant 0 : i32
      %dma_wait3A_129 = arith.constant 0 : i32
      %dma_wait3A_130 = tpu.memref_slice %arg5[%dma_wait3A_128, %dma_wait3A_129] : memref<2x80xi32, #tpu.memory_space<vmem>> -> memref<1x80xi32, #tpu.memory_space<vmem>>
      %dma_wait3A_131 = tpu.memref_squeeze %dma_wait3A_130 : memref<1x80xi32, #tpu.memory_space<vmem>> -> memref<80xi32, #tpu.memory_space<vmem>>
      %dma_wait3A_132 = tpu.memref_slice %arg3[%add3A_127] : memref<320000xi32, #tpu.memory_space<hbm>> -> memref<80xi32, #tpu.memory_space<hbm>>
      %dma_wait3A_133 = arith.constant 0 : i32
      %dma_wait3A_134 = tpu.memref_slice %arg5[%dma_wait3A_128, %dma_wait3A_133] : memref<2x80xi32, #tpu.memory_space<vmem>> -> memref<1x80xi32, #tpu.memory_space<vmem>>
      %dma_wait3A_135 = tpu.memref_squeeze %dma_wait3A_134 : memref<1x80xi32, #tpu.memory_space<vmem>> -> memref<80xi32, #tpu.memory_space<vmem>>
      %dma_wait3A_136 = tpu.memref_slice %arg3[%add3A_127] : memref<320000xi32, #tpu.memory_space<hbm>> -> memref<80xi32, #tpu.memory_space<hbm>>
      tpu.wait_dma2 semaphore(%arg7 : memref<!tpu.dma_semaphore, #tpu.memory_space<semaphore_mem>>) src(%dma_wait3A_136 : memref<80xi32, #tpu.memory_space<hbm>>) dst(%dma_wait3A_135 : memref<80xi32, #tpu.memory_space<vmem>>)
      %add3A_137 = arith.constant 1 : i32
      %add3A_138 = arith.addi %mul3A_120, %add3A_137 : i32
      %mul3A_139 = arith.constant 10000 : i32
      %mul3A_140 = arith.muli %add3A, %mul3A_139 : i32
      %mul3A_141 = arith.constant 80 : i32
      %mul3A_142 = arith.muli %add3A_138, %mul3A_141 : i32
      %add3A_143 = arith.addi %mul3A_140, %mul3A_142 : i32
      %dma_start3A_144 = arith.constant 1 : i32
      %dma_start3A_145 = arith.constant 0 : i32
      %dma_start3A_146 = tpu.memref_slice %arg5[%dma_start3A_144, %dma_start3A_145] : memref<2x80xi32, #tpu.memory_space<vmem>> -> memref<1x80xi32, #tpu.memory_space<vmem>>
      %dma_start3A_147 = tpu.memref_squeeze %dma_start3A_146 : memref<1x80xi32, #tpu.memory_space<vmem>> -> memref<80xi32, #tpu.memory_space<vmem>>
      %dma_start3A_148 = tpu.memref_slice %arg3[%add3A_143] : memref<320000xi32, #tpu.memory_space<hbm>> -> memref<80xi32, #tpu.memory_space<hbm>>
      %dma_start3A_149 = arith.constant 0 : i32
      %dma_start3A_150 = tpu.memref_slice %arg5[%dma_start3A_144, %dma_start3A_149] : memref<2x80xi32, #tpu.memory_space<vmem>> -> memref<1x80xi32, #tpu.memory_space<vmem>>
      %dma_start3A_151 = tpu.memref_squeeze %dma_start3A_150 : memref<1x80xi32, #tpu.memory_space<vmem>> -> memref<80xi32, #tpu.memory_space<vmem>>
      %dma_start3A_152 = tpu.memref_slice %arg3[%add3A_143] : memref<320000xi32, #tpu.memory_space<hbm>> -> memref<80xi32, #tpu.memory_space<hbm>>
      tpu.enqueue_dma source(%dma_start3A_152 : memref<80xi32, #tpu.memory_space<hbm>>) target(%dma_start3A_151 : memref<80xi32, #tpu.memory_space<vmem>>) target_semaphore(%arg8 : memref<!tpu.dma_semaphore, #tpu.memory_space<semaphore_mem>>)
      %dma_start3A_153 = arith.constant 0 : i32
      %dma_start3A_154 = arith.constant 0 : i32
      %dma_start3A_155 = arith.constant 0 : i32
      %dma_start3A_156 = arith.constant 0 : i32
      %dma_start3A_157 = tpu.memref_slice %arg6[%dma_start3A_154, %dma_start3A_155, %dma_start3A_156] : memref<2x80x128xf32, #tpu.memory_space<vmem>> -> memref<1x80x128xf32, #tpu.memory_space<vmem>>
      %dma_start3A_158 = tpu.memref_squeeze %dma_start3A_157 : memref<1x80x128xf32, #tpu.memory_space<vmem>> -> memref<80x128xf32, #tpu.memory_space<vmem>>
      %dma_start3A_159 = arith.constant 0 : i32
      %dma_start3A_160 = tpu.memref_slice %arg5[%dma_start3A_153, %dma_start3A_159] : memref<2x80xi32, #tpu.memory_space<vmem>> -> memref<1x80xi32, #tpu.memory_space<vmem>>
      %dma_start3A_161 = tpu.memref_squeeze %dma_start3A_160 : memref<1x80xi32, #tpu.memory_space<vmem>> -> memref<80xi32, #tpu.memory_space<vmem>>
      %dma_start3A_162 = arith.constant 0 : i32
      %dma_start3A_163 = arith.constant 0 : i32
      %dma_start3A_164 = tpu.memref_slice %arg2[%dma_start3A_162, %dma_start3A_163] : memref<20000x128xf32, #tpu.memory_space<hbm>> -> memref<20000x128xf32, #tpu.memory_space<hbm>>
      tpu.enqueue_indirect_dma source(%dma_start3A_164 : memref<20000x128xf32, #tpu.memory_space<hbm>>) target(%dma_start3A_158 : memref<80x128xf32, #tpu.memory_space<vmem>>) offsets(%dma_start3A_161 : memref<80xi32, #tpu.memory_space<vmem>>) semaphore(%arg9 : memref<!tpu.dma_semaphore, #tpu.memory_space<semaphore_mem>>)
      %dma_wait3A_165 = arith.constant 0 : i32
      %dma_wait3A_166 = arith.constant 0 : i32
      %dma_wait3A_167 = arith.constant 0 : i32
      %dma_wait3A_168 = arith.constant 0 : i32
      %dma_wait3A_169 = tpu.memref_slice %arg6[%dma_wait3A_166, %dma_wait3A_167, %dma_wait3A_168] : memref<2x80x128xf32, #tpu.memory_space<vmem>> -> memref<1x80x128xf32, #tpu.memory_space<vmem>>
      %dma_wait3A_170 = tpu.memref_squeeze %dma_wait3A_169 : memref<1x80x128xf32, #tpu.memory_space<vmem>> -> memref<80x128xf32, #tpu.memory_space<vmem>>
      %dma_wait3A_171 = arith.constant 0 : i32
      %dma_wait3A_172 = tpu.memref_slice %arg5[%dma_wait3A_165, %dma_wait3A_171] : memref<2x80xi32, #tpu.memory_space<vmem>> -> memref<1x80xi32, #tpu.memory_space<vmem>>
      %dma_wait3A_173 = tpu.memref_squeeze %dma_wait3A_172 : memref<1x80xi32, #tpu.memory_space<vmem>> -> memref<80xi32, #tpu.memory_space<vmem>>
      %dma_wait3A_174 = arith.constant 0 : i32
      %dma_wait3A_175 = arith.constant 0 : i32
      %dma_wait3A_176 = tpu.memref_slice %arg2[%dma_wait3A_174, %dma_wait3A_175] : memref<20000x128xf32, #tpu.memory_space<hbm>> -> memref<20000x128xf32, #tpu.memory_space<hbm>>
      tpu.wait_indirect_dma semaphore(%arg9 : memref<!tpu.dma_semaphore, #tpu.memory_space<semaphore_mem>>) src(%dma_wait3A_176 : memref<20000x128xf32, #tpu.memory_space<hbm>>) dst(%dma_wait3A_170 : memref<80x128xf32, #tpu.memory_space<vmem>>)
      %mul3A_177 = arith.constant 10000 : i32
      %mul3A_178 = arith.muli %add3A, %mul3A_177 : i32
      %mul3A_179 = arith.constant 80 : i32
      %mul3A_180 = arith.muli %mul3A_120, %mul3A_179 : i32
      %add3A_181 = arith.addi %mul3A_178, %mul3A_180 : i32
      %dma_start3A_182 = arith.constant 0 : i32
      %dma_start3A_183 = arith.constant 0 : i32
      %dma_start3A_184 = arith.constant 0 : i32
      %dma_start3A_185 = tpu.memref_slice %arg6[%dma_start3A_182, %dma_start3A_183, %dma_start3A_184] : memref<2x80x128xf32, #tpu.memory_space<vmem>> -> memref<1x80x128xf32, #tpu.memory_space<vmem>>
      %dma_start3A_186 = tpu.memref_squeeze %dma_start3A_185 : memref<1x80x128xf32, #tpu.memory_space<vmem>> -> memref<80x128xf32, #tpu.memory_space<vmem>>
      %dma_start3A_187 = arith.constant 0 : i32
      %dma_start3A_188 = tpu.memref_slice %arg4[%add3A_181, %dma_start3A_187] : memref<320000x128xf32, #tpu.memory_space<hbm>> -> memref<80x128xf32, #tpu.memory_space<hbm>>
      %dma_start3A_189 = arith.constant 0 : i32
      %dma_start3A_190 = tpu.memref_slice %arg4[%add3A_181, %dma_start3A_189] : memref<320000x128xf32, #tpu.memory_space<hbm>> -> memref<80x128xf32, #tpu.memory_space<hbm>>
      %dma_start3A_191 = arith.constant 0 : i32
      %dma_start3A_192 = arith.constant 0 : i32
      %dma_start3A_193 = tpu.memref_slice %arg6[%dma_start3A_182, %dma_start3A_191, %dma_start3A_192] : memref<2x80x128xf32, #tpu.memory_space<vmem>> -> memref<1x80x128xf32, #tpu.memory_space<vmem>>
      %dma_start3A_194 = tpu.memref_squeeze %dma_start3A_193 : memref<1x80x128xf32, #tpu.memory_space<vmem>> -> memref<80x128xf32, #tpu.memory_space<vmem>>
      tpu.enqueue_dma source(%dma_start3A_194 : memref<80x128xf32, #tpu.memory_space<vmem>>) target(%dma_start3A_190 : memref<80x128xf32, #tpu.memory_space<hbm>>) target_semaphore(%arg11 : memref<!tpu.dma_semaphore, #tpu.memory_space<semaphore_mem>>)
      %gt3A_195 = arith.constant 0 : i32
      %gt3A_196 = arith.cmpi sgt, %scan3A_118, %gt3A_195 : i32
      %convert_element_type3A_197 = arith.extui %gt3A_196 : i1 to i32
      %cond3A_198 = arith.constant 0 : i32
      %cond3A_199 = arith.cmpi ne, %convert_element_type3A_197, %cond3A_198 : i32
      scf.if %cond3A_199 {
        %mul3A_276 = arith.constant 10000 : i32
        %mul3A_277 = arith.muli %add3A, %mul3A_276 : i32
        %sub3A = arith.constant 1 : i32
        %sub3A_278 = arith.subi %mul3A_120, %sub3A : i32
        %mul3A_279 = arith.constant 80 : i32
        %mul3A_280 = arith.muli %sub3A_278, %mul3A_279 : i32
        %add3A_281 = arith.addi %mul3A_277, %mul3A_280 : i32
        %dma_wait3A_282 = arith.constant 1 : i32
        %dma_wait3A_283 = arith.constant 0 : i32
        %dma_wait3A_284 = arith.constant 0 : i32
        %dma_wait3A_285 = tpu.memref_slice %arg6[%dma_wait3A_282, %dma_wait3A_283, %dma_wait3A_284] : memref<2x80x128xf32, #tpu.memory_space<vmem>> -> memref<1x80x128xf32, #tpu.memory_space<vmem>>
        %dma_wait3A_286 = tpu.memref_squeeze %dma_wait3A_285 : memref<1x80x128xf32, #tpu.memory_space<vmem>> -> memref<80x128xf32, #tpu.memory_space<vmem>>
        %dma_wait3A_287 = arith.constant 0 : i32
        %dma_wait3A_288 = tpu.memref_slice %arg4[%add3A_281, %dma_wait3A_287] : memref<320000x128xf32, #tpu.memory_space<hbm>> -> memref<80x128xf32, #tpu.memory_space<hbm>>
        %dma_wait3A_289 = arith.constant 0 : i32
        %dma_wait3A_290 = tpu.memref_slice %arg4[%add3A_281, %dma_wait3A_289] : memref<320000x128xf32, #tpu.memory_space<hbm>> -> memref<80x128xf32, #tpu.memory_space<hbm>>
        %dma_wait3A_291 = arith.constant 0 : i32
        %dma_wait3A_292 = arith.constant 0 : i32
        %dma_wait3A_293 = tpu.memref_slice %arg6[%dma_wait3A_282, %dma_wait3A_291, %dma_wait3A_292] : memref<2x80x128xf32, #tpu.memory_space<vmem>> -> memref<1x80x128xf32, #tpu.memory_space<vmem>>
        %dma_wait3A_294 = tpu.memref_squeeze %dma_wait3A_293 : memref<1x80x128xf32, #tpu.memory_space<vmem>> -> memref<80x128xf32, #tpu.memory_space<vmem>>
        tpu.wait_dma2 semaphore(%arg12 : memref<!tpu.dma_semaphore, #tpu.memory_space<semaphore_mem>>) src(%dma_wait3A_294 : memref<80x128xf32, #tpu.memory_space<vmem>>) dst(%dma_wait3A_290 : memref<80x128xf32, #tpu.memory_space<hbm>>)
      } else {
      }
      %add3A_200 = arith.constant 1 : i32
      %add3A_201 = arith.addi %mul3A_120, %add3A_200 : i32
      %mul3A_202 = arith.constant 10000 : i32
      %mul3A_203 = arith.muli %add3A, %mul3A_202 : i32
      %mul3A_204 = arith.constant 80 : i32
      %mul3A_205 = arith.muli %add3A_201, %mul3A_204 : i32
      %add3A_206 = arith.addi %mul3A_203, %mul3A_205 : i32
      %dma_wait3A_207 = arith.constant 1 : i32
      %dma_wait3A_208 = arith.constant 0 : i32
      %dma_wait3A_209 = tpu.memref_slice %arg5[%dma_wait3A_207, %dma_wait3A_208] : memref<2x80xi32, #tpu.memory_space<vmem>> -> memref<1x80xi32, #tpu.memory_space<vmem>>
      %dma_wait3A_210 = tpu.memref_squeeze %dma_wait3A_209 : memref<1x80xi32, #tpu.memory_space<vmem>> -> memref<80xi32, #tpu.memory_space<vmem>>
      %dma_wait3A_211 = tpu.memref_slice %arg3[%add3A_206] : memref<320000xi32, #tpu.memory_space<hbm>> -> memref<80xi32, #tpu.memory_space<hbm>>
      %dma_wait3A_212 = arith.constant 0 : i32
      %dma_wait3A_213 = tpu.memref_slice %arg5[%dma_wait3A_207, %dma_wait3A_212] : memref<2x80xi32, #tpu.memory_space<vmem>> -> memref<1x80xi32, #tpu.memory_space<vmem>>
      %dma_wait3A_214 = tpu.memref_squeeze %dma_wait3A_213 : memref<1x80xi32, #tpu.memory_space<vmem>> -> memref<80xi32, #tpu.memory_space<vmem>>
      %dma_wait3A_215 = tpu.memref_slice %arg3[%add3A_206] : memref<320000xi32, #tpu.memory_space<hbm>> -> memref<80xi32, #tpu.memory_space<hbm>>
      tpu.wait_dma2 semaphore(%arg8 : memref<!tpu.dma_semaphore, #tpu.memory_space<semaphore_mem>>) src(%dma_wait3A_215 : memref<80xi32, #tpu.memory_space<hbm>>) dst(%dma_wait3A_214 : memref<80xi32, #tpu.memory_space<vmem>>)
      %add3A_216 = arith.constant 2 : i32
      %add3A_217 = arith.addi %mul3A_120, %add3A_216 : i32
      %mul3A_218 = arith.constant 10000 : i32
      %mul3A_219 = arith.muli %add3A, %mul3A_218 : i32
      %mul3A_220 = arith.constant 80 : i32
      %mul3A_221 = arith.muli %add3A_217, %mul3A_220 : i32
      %add3A_222 = arith.addi %mul3A_219, %mul3A_221 : i32
      %dma_start3A_223 = arith.constant 0 : i32
      %dma_start3A_224 = arith.constant 0 : i32
      %dma_start3A_225 = tpu.memref_slice %arg5[%dma_start3A_223, %dma_start3A_224] : memref<2x80xi32, #tpu.memory_space<vmem>> -> memref<1x80xi32, #tpu.memory_space<vmem>>
      %dma_start3A_226 = tpu.memref_squeeze %dma_start3A_225 : memref<1x80xi32, #tpu.memory_space<vmem>> -> memref<80xi32, #tpu.memory_space<vmem>>
      %dma_start3A_227 = tpu.memref_slice %arg3[%add3A_222] : memref<320000xi32, #tpu.memory_space<hbm>> -> memref<80xi32, #tpu.memory_space<hbm>>
      %dma_start3A_228 = arith.constant 0 : i32
      %dma_start3A_229 = tpu.memref_slice %arg5[%dma_start3A_223, %dma_start3A_228] : memref<2x80xi32, #tpu.memory_space<vmem>> -> memref<1x80xi32, #tpu.memory_space<vmem>>
      %dma_start3A_230 = tpu.memref_squeeze %dma_start3A_229 : memref<1x80xi32, #tpu.memory_space<vmem>> -> memref<80xi32, #tpu.memory_space<vmem>>
      %dma_start3A_231 = tpu.memref_slice %arg3[%add3A_222] : memref<320000xi32, #tpu.memory_space<hbm>> -> memref<80xi32, #tpu.memory_space<hbm>>
      tpu.enqueue_dma source(%dma_start3A_231 : memref<80xi32, #tpu.memory_space<hbm>>) target(%dma_start3A_230 : memref<80xi32, #tpu.memory_space<vmem>>) target_semaphore(%arg7 : memref<!tpu.dma_semaphore, #tpu.memory_space<semaphore_mem>>)
      %dma_start3A_232 = arith.constant 1 : i32
      %dma_start3A_233 = arith.constant 1 : i32
      %dma_start3A_234 = arith.constant 0 : i32
      %dma_start3A_235 = arith.constant 0 : i32
      %dma_start3A_236 = tpu.memref_slice %arg6[%dma_start3A_233, %dma_start3A_234, %dma_start3A_235] : memref<2x80x128xf32, #tpu.memory_space<vmem>> -> memref<1x80x128xf32, #tpu.memory_space<vmem>>
      %dma_start3A_237 = tpu.memref_squeeze %dma_start3A_236 : memref<1x80x128xf32, #tpu.memory_space<vmem>> -> memref<80x128xf32, #tpu.memory_space<vmem>>
      %dma_start3A_238 = arith.constant 0 : i32
      %dma_start3A_239 = tpu.memref_slice %arg5[%dma_start3A_232, %dma_start3A_238] : memref<2x80xi32, #tpu.memory_space<vmem>> -> memref<1x80xi32, #tpu.memory_space<vmem>>
      %dma_start3A_240 = tpu.memref_squeeze %dma_start3A_239 : memref<1x80xi32, #tpu.memory_space<vmem>> -> memref<80xi32, #tpu.memory_space<vmem>>
      %dma_start3A_241 = arith.constant 0 : i32
      %dma_start3A_242 = arith.constant 0 : i32
      %dma_start3A_243 = tpu.memref_slice %arg2[%dma_start3A_241, %dma_start3A_242] : memref<20000x128xf32, #tpu.memory_space<hbm>> -> memref<20000x128xf32, #tpu.memory_space<hbm>>
      tpu.enqueue_indirect_dma source(%dma_start3A_243 : memref<20000x128xf32, #tpu.memory_space<hbm>>) target(%dma_start3A_237 : memref<80x128xf32, #tpu.memory_space<vmem>>) offsets(%dma_start3A_240 : memref<80xi32, #tpu.memory_space<vmem>>) semaphore(%arg10 : memref<!tpu.dma_semaphore, #tpu.memory_space<semaphore_mem>>)
      %dma_wait3A_244 = arith.constant 1 : i32
      %dma_wait3A_245 = arith.constant 1 : i32
      %dma_wait3A_246 = arith.constant 0 : i32
      %dma_wait3A_247 = arith.constant 0 : i32
      %dma_wait3A_248 = tpu.memref_slice %arg6[%dma_wait3A_245, %dma_wait3A_246, %dma_wait3A_247] : memref<2x80x128xf32, #tpu.memory_space<vmem>> -> memref<1x80x128xf32, #tpu.memory_space<vmem>>
      %dma_wait3A_249 = tpu.memref_squeeze %dma_wait3A_248 : memref<1x80x128xf32, #tpu.memory_space<vmem>> -> memref<80x128xf32, #tpu.memory_space<vmem>>
      %dma_wait3A_250 = arith.constant 0 : i32
      %dma_wait3A_251 = tpu.memref_slice %arg5[%dma_wait3A_244, %dma_wait3A_250] : memref<2x80xi32, #tpu.memory_space<vmem>> -> memref<1x80xi32, #tpu.memory_space<vmem>>
      %dma_wait3A_252 = tpu.memref_squeeze %dma_wait3A_251 : memref<1x80xi32, #tpu.memory_space<vmem>> -> memref<80xi32, #tpu.memory_space<vmem>>
      %dma_wait3A_253 = arith.constant 0 : i32
      %dma_wait3A_254 = arith.constant 0 : i32
      %dma_wait3A_255 = tpu.memref_slice %arg2[%dma_wait3A_253, %dma_wait3A_254] : memref<20000x128xf32, #tpu.memory_space<hbm>> -> memref<20000x128xf32, #tpu.memory_space<hbm>>
      tpu.wait_indirect_dma semaphore(%arg10 : memref<!tpu.dma_semaphore, #tpu.memory_space<semaphore_mem>>) src(%dma_wait3A_255 : memref<20000x128xf32, #tpu.memory_space<hbm>>) dst(%dma_wait3A_249 : memref<80x128xf32, #tpu.memory_space<vmem>>)
      %mul3A_256 = arith.constant 10000 : i32
      %mul3A_257 = arith.muli %add3A, %mul3A_256 : i32
      %add3A_258 = arith.constant 1 : i32
      %add3A_259 = arith.addi %mul3A_120, %add3A_258 : i32
      %mul3A_260 = arith.constant 80 : i32
      %mul3A_261 = arith.muli %add3A_259, %mul3A_260 : i32
      %add3A_262 = arith.addi %mul3A_257, %mul3A_261 : i32
      %dma_start3A_263 = arith.constant 1 : i32
      %dma_start3A_264 = arith.constant 0 : i32
      %dma_start3A_265 = arith.constant 0 : i32
      %dma_start3A_266 = tpu.memref_slice %arg6[%dma_start3A_263, %dma_start3A_264, %dma_start3A_265] : memref<2x80x128xf32, #tpu.memory_space<vmem>> -> memref<1x80x128xf32, #tpu.memory_space<vmem>>
      %dma_start3A_267 = tpu.memref_squeeze %dma_start3A_266 : memref<1x80x128xf32, #tpu.memory_space<vmem>> -> memref<80x128xf32, #tpu.memory_space<vmem>>
      %dma_start3A_268 = arith.constant 0 : i32
      %dma_start3A_269 = tpu.memref_slice %arg4[%add3A_262, %dma_start3A_268] : memref<320000x128xf32, #tpu.memory_space<hbm>> -> memref<80x128xf32, #tpu.memory_space<hbm>>
      %dma_start3A_270 = arith.constant 0 : i32
      %dma_start3A_271 = tpu.memref_slice %arg4[%add3A_262, %dma_start3A_270] : memref<320000x128xf32, #tpu.memory_space<hbm>> -> memref<80x128xf32, #tpu.memory_space<hbm>>
      %dma_start3A_272 = arith.constant 0 : i32
      %dma_start3A_273 = arith.constant 0 : i32
      %dma_start3A_274 = tpu.memref_slice %arg6[%dma_start3A_263, %dma_start3A_272, %dma_start3A_273] : memref<2x80x128xf32, #tpu.memory_space<vmem>> -> memref<1x80x128xf32, #tpu.memory_space<vmem>>
      %dma_start3A_275 = tpu.memref_squeeze %dma_start3A_274 : memref<1x80x128xf32, #tpu.memory_space<vmem>> -> memref<80x128xf32, #tpu.memory_space<vmem>>
      tpu.enqueue_dma source(%dma_start3A_275 : memref<80x128xf32, #tpu.memory_space<vmem>>) target(%dma_start3A_271 : memref<80x128xf32, #tpu.memory_space<hbm>>) target_semaphore(%arg12 : memref<!tpu.dma_semaphore, #tpu.memory_space<semaphore_mem>>)
    }
    %scan3A_17 = arith.constant 62 : i32
    %mul3A_18 = arith.constant 10000 : i32
    %mul3A_19 = arith.muli %add3A, %mul3A_18 : i32
    %add3A_20 = arith.constant 9760 : i32
    %add3A_21 = arith.addi %mul3A_19, %add3A_20 : i32
    %dma_wait3A = arith.constant 0 : i32
    %dma_wait3A_22 = arith.constant 0 : i32
    %dma_wait3A_23 = arith.constant 0 : i32
    %dma_wait3A_24 = tpu.memref_slice %arg6[%dma_wait3A, %dma_wait3A_22, %dma_wait3A_23] : memref<2x80x128xf32, #tpu.memory_space<vmem>> -> memref<1x80x128xf32, #tpu.memory_space<vmem>>
    %dma_wait3A_25 = tpu.memref_squeeze %dma_wait3A_24 : memref<1x80x128xf32, #tpu.memory_space<vmem>> -> memref<80x128xf32, #tpu.memory_space<vmem>>
    %dma_wait3A_26 = arith.constant 0 : i32
    %dma_wait3A_27 = tpu.memref_slice %arg4[%add3A_21, %dma_wait3A_26] : memref<320000x128xf32, #tpu.memory_space<hbm>> -> memref<80x128xf32, #tpu.memory_space<hbm>>
    %dma_wait3A_28 = arith.constant 0 : i32
    %dma_wait3A_29 = tpu.memref_slice %arg4[%add3A_21, %dma_wait3A_28] : memref<320000x128xf32, #tpu.memory_space<hbm>> -> memref<80x128xf32, #tpu.memory_space<hbm>>
    %dma_wait3A_30 = arith.constant 0 : i32
    %dma_wait3A_31 = arith.constant 0 : i32
    %dma_wait3A_32 = tpu.memref_slice %arg6[%dma_wait3A, %dma_wait3A_30, %dma_wait3A_31] : memref<2x80x128xf32, #tpu.memory_space<vmem>> -> memref<1x80x128xf32, #tpu.memory_space<vmem>>
    %dma_wait3A_33 = tpu.memref_squeeze %dma_wait3A_32 : memref<1x80x128xf32, #tpu.memory_space<vmem>> -> memref<80x128xf32, #tpu.memory_space<vmem>>
    tpu.wait_dma2 semaphore(%arg11 : memref<!tpu.dma_semaphore, #tpu.memory_space<semaphore_mem>>) src(%dma_wait3A_33 : memref<80x128xf32, #tpu.memory_space<vmem>>) dst(%dma_wait3A_29 : memref<80x128xf32, #tpu.memory_space<hbm>>)
    %mul3A_34 = arith.constant 10000 : i32
    %mul3A_35 = arith.muli %add3A, %mul3A_34 : i32
    %add3A_36 = arith.constant 9920 : i32
    %add3A_37 = arith.addi %mul3A_35, %add3A_36 : i32
    %dma_wait3A_38 = arith.constant 0 : i32
    %dma_wait3A_39 = arith.constant 0 : i32
    %dma_wait3A_40 = tpu.memref_slice %arg5[%dma_wait3A_38, %dma_wait3A_39] : memref<2x80xi32, #tpu.memory_space<vmem>> -> memref<1x80xi32, #tpu.memory_space<vmem>>
    %dma_wait3A_41 = tpu.memref_squeeze %dma_wait3A_40 : memref<1x80xi32, #tpu.memory_space<vmem>> -> memref<80xi32, #tpu.memory_space<vmem>>
    %dma_wait3A_42 = tpu.memref_slice %arg3[%add3A_37] : memref<320000xi32, #tpu.memory_space<hbm>> -> memref<80xi32, #tpu.memory_space<hbm>>
    %dma_wait3A_43 = arith.constant 0 : i32
    %dma_wait3A_44 = tpu.memref_slice %arg5[%dma_wait3A_38, %dma_wait3A_43] : memref<2x80xi32, #tpu.memory_space<vmem>> -> memref<1x80xi32, #tpu.memory_space<vmem>>
    %dma_wait3A_45 = tpu.memref_squeeze %dma_wait3A_44 : memref<1x80xi32, #tpu.memory_space<vmem>> -> memref<80xi32, #tpu.memory_space<vmem>>
    %dma_wait3A_46 = tpu.memref_slice %arg3[%add3A_37] : memref<320000xi32, #tpu.memory_space<hbm>> -> memref<80xi32, #tpu.memory_space<hbm>>
    tpu.wait_dma2 semaphore(%arg7 : memref<!tpu.dma_semaphore, #tpu.memory_space<semaphore_mem>>) src(%dma_wait3A_46 : memref<80xi32, #tpu.memory_space<hbm>>) dst(%dma_wait3A_45 : memref<80xi32, #tpu.memory_space<vmem>>)
    %dma_start3A_47 = arith.constant 0 : i32
    %dma_start3A_48 = arith.constant 0 : i32
    %dma_start3A_49 = arith.constant 0 : i32
    %dma_start3A_50 = arith.constant 0 : i32
    %dma_start3A_51 = tpu.memref_slice %arg6[%dma_start3A_48, %dma_start3A_49, %dma_start3A_50] : memref<2x80x128xf32, #tpu.memory_space<vmem>> -> memref<1x80x128xf32, #tpu.memory_space<vmem>>
    %dma_start3A_52 = tpu.memref_squeeze %dma_start3A_51 : memref<1x80x128xf32, #tpu.memory_space<vmem>> -> memref<80x128xf32, #tpu.memory_space<vmem>>
    %dma_start3A_53 = arith.constant 0 : i32
    %dma_start3A_54 = tpu.memref_slice %arg5[%dma_start3A_47, %dma_start3A_53] : memref<2x80xi32, #tpu.memory_space<vmem>> -> memref<1x80xi32, #tpu.memory_space<vmem>>
    %dma_start3A_55 = tpu.memref_squeeze %dma_start3A_54 : memref<1x80xi32, #tpu.memory_space<vmem>> -> memref<80xi32, #tpu.memory_space<vmem>>
    %dma_start3A_56 = arith.constant 0 : i32
    %dma_start3A_57 = arith.constant 0 : i32
    %dma_start3A_58 = tpu.memref_slice %arg2[%dma_start3A_56, %dma_start3A_57] : memref<20000x128xf32, #tpu.memory_space<hbm>> -> memref<20000x128xf32, #tpu.memory_space<hbm>>
    tpu.enqueue_indirect_dma source(%dma_start3A_58 : memref<20000x128xf32, #tpu.memory_space<hbm>>) target(%dma_start3A_52 : memref<80x128xf32, #tpu.memory_space<vmem>>) offsets(%dma_start3A_55 : memref<80xi32, #tpu.memory_space<vmem>>) semaphore(%arg9 : memref<!tpu.dma_semaphore, #tpu.memory_space<semaphore_mem>>)
    %dma_wait3A_59 = arith.constant 0 : i32
    %dma_wait3A_60 = arith.constant 0 : i32
    %dma_wait3A_61 = arith.constant 0 : i32
    %dma_wait3A_62 = arith.constant 0 : i32
    %dma_wait3A_63 = tpu.memref_slice %arg6[%dma_wait3A_60, %dma_wait3A_61, %dma_wait3A_62] : memref<2x80x128xf32, #tpu.memory_space<vmem>> -> memref<1x80x128xf32, #tpu.memory_space<vmem>>
    %dma_wait3A_64 = tpu.memref_squeeze %dma_wait3A_63 : memref<1x80x128xf32, #tpu.memory_space<vmem>> -> memref<80x128xf32, #tpu.memory_space<vmem>>
    %dma_wait3A_65 = arith.constant 0 : i32
    %dma_wait3A_66 = tpu.memref_slice %arg5[%dma_wait3A_59, %dma_wait3A_65] : memref<2x80xi32, #tpu.memory_space<vmem>> -> memref<1x80xi32, #tpu.memory_space<vmem>>
    %dma_wait3A_67 = tpu.memref_squeeze %dma_wait3A_66 : memref<1x80xi32, #tpu.memory_space<vmem>> -> memref<80xi32, #tpu.memory_space<vmem>>
    %dma_wait3A_68 = arith.constant 0 : i32
    %dma_wait3A_69 = arith.constant 0 : i32
    %dma_wait3A_70 = tpu.memref_slice %arg2[%dma_wait3A_68, %dma_wait3A_69] : memref<20000x128xf32, #tpu.memory_space<hbm>> -> memref<20000x128xf32, #tpu.memory_space<hbm>>
    tpu.wait_indirect_dma semaphore(%arg9 : memref<!tpu.dma_semaphore, #tpu.memory_space<semaphore_mem>>) src(%dma_wait3A_70 : memref<20000x128xf32, #tpu.memory_space<hbm>>) dst(%dma_wait3A_64 : memref<80x128xf32, #tpu.memory_space<vmem>>)
    %mul3A_71 = arith.constant 10000 : i32
    %mul3A_72 = arith.muli %add3A, %mul3A_71 : i32
    %add3A_73 = arith.constant 9920 : i32
    %add3A_74 = arith.addi %mul3A_72, %add3A_73 : i32
    %dma_start3A_75 = arith.constant 0 : i32
    %dma_start3A_76 = arith.constant 0 : i32
    %dma_start3A_77 = arith.constant 0 : i32
    %dma_start3A_78 = tpu.memref_slice %arg6[%dma_start3A_75, %dma_start3A_76, %dma_start3A_77] : memref<2x80x128xf32, #tpu.memory_space<vmem>> -> memref<1x80x128xf32, #tpu.memory_space<vmem>>
    %dma_start3A_79 = tpu.memref_squeeze %dma_start3A_78 : memref<1x80x128xf32, #tpu.memory_space<vmem>> -> memref<80x128xf32, #tpu.memory_space<vmem>>
    %dma_start3A_80 = arith.constant 0 : i32
    %dma_start3A_81 = tpu.memref_slice %arg4[%add3A_74, %dma_start3A_80] : memref<320000x128xf32, #tpu.memory_space<hbm>> -> memref<80x128xf32, #tpu.memory_space<hbm>>
    %dma_start3A_82 = arith.constant 0 : i32
    %dma_start3A_83 = tpu.memref_slice %arg4[%add3A_74, %dma_start3A_82] : memref<320000x128xf32, #tpu.memory_space<hbm>> -> memref<80x128xf32, #tpu.memory_space<hbm>>
    %dma_start3A_84 = arith.constant 0 : i32
    %dma_start3A_85 = arith.constant 0 : i32
    %dma_start3A_86 = tpu.memref_slice %arg6[%dma_start3A_75, %dma_start3A_84, %dma_start3A_85] : memref<2x80x128xf32, #tpu.memory_space<vmem>> -> memref<1x80x128xf32, #tpu.memory_space<vmem>>
    %dma_start3A_87 = tpu.memref_squeeze %dma_start3A_86 : memref<1x80x128xf32, #tpu.memory_space<vmem>> -> memref<80x128xf32, #tpu.memory_space<vmem>>
    tpu.enqueue_dma source(%dma_start3A_87 : memref<80x128xf32, #tpu.memory_space<vmem>>) target(%dma_start3A_83 : memref<80x128xf32, #tpu.memory_space<hbm>>) target_semaphore(%arg11 : memref<!tpu.dma_semaphore, #tpu.memory_space<semaphore_mem>>)
    %mul3A_88 = arith.constant 10000 : i32
    %mul3A_89 = arith.muli %add3A, %mul3A_88 : i32
    %add3A_90 = arith.constant 9840 : i32
    %add3A_91 = arith.addi %mul3A_89, %add3A_90 : i32
    %dma_wait3A_92 = arith.constant 1 : i32
    %dma_wait3A_93 = arith.constant 0 : i32
    %dma_wait3A_94 = arith.constant 0 : i32
    %dma_wait3A_95 = tpu.memref_slice %arg6[%dma_wait3A_92, %dma_wait3A_93, %dma_wait3A_94] : memref<2x80x128xf32, #tpu.memory_space<vmem>> -> memref<1x80x128xf32, #tpu.memory_space<vmem>>
    %dma_wait3A_96 = tpu.memref_squeeze %dma_wait3A_95 : memref<1x80x128xf32, #tpu.memory_space<vmem>> -> memref<80x128xf32, #tpu.memory_space<vmem>>
    %dma_wait3A_97 = arith.constant 0 : i32
    %dma_wait3A_98 = tpu.memref_slice %arg4[%add3A_91, %dma_wait3A_97] : memref<320000x128xf32, #tpu.memory_space<hbm>> -> memref<80x128xf32, #tpu.memory_space<hbm>>
    %dma_wait3A_99 = arith.constant 0 : i32
    %dma_wait3A_100 = tpu.memref_slice %arg4[%add3A_91, %dma_wait3A_99] : memref<320000x128xf32, #tpu.memory_space<hbm>> -> memref<80x128xf32, #tpu.memory_space<hbm>>
    %dma_wait3A_101 = arith.constant 0 : i32
    %dma_wait3A_102 = arith.constant 0 : i32
    %dma_wait3A_103 = tpu.memref_slice %arg6[%dma_wait3A_92, %dma_wait3A_101, %dma_wait3A_102] : memref<2x80x128xf32, #tpu.memory_space<vmem>> -> memref<1x80x128xf32, #tpu.memory_space<vmem>>
    %dma_wait3A_104 = tpu.memref_squeeze %dma_wait3A_103 : memref<1x80x128xf32, #tpu.memory_space<vmem>> -> memref<80x128xf32, #tpu.memory_space<vmem>>
    tpu.wait_dma2 semaphore(%arg12 : memref<!tpu.dma_semaphore, #tpu.memory_space<semaphore_mem>>) src(%dma_wait3A_104 : memref<80x128xf32, #tpu.memory_space<vmem>>) dst(%dma_wait3A_100 : memref<80x128xf32, #tpu.memory_space<hbm>>)
    %dma_wait3A_105 = arith.constant 0 : i32
    %dma_wait3A_106 = arith.constant 0 : i32
    %dma_wait3A_107 = arith.constant 0 : i32
    %dma_wait3A_108 = tpu.memref_slice %arg6[%dma_wait3A_105, %dma_wait3A_106, %dma_wait3A_107] : memref<2x80x128xf32, #tpu.memory_space<vmem>> -> memref<1x80x128xf32, #tpu.memory_space<vmem>>
    %dma_wait3A_109 = tpu.memref_squeeze %dma_wait3A_108 : memref<1x80x128xf32, #tpu.memory_space<vmem>> -> memref<80x128xf32, #tpu.memory_space<vmem>>
    %dma_wait3A_110 = arith.constant 0 : i32
    %dma_wait3A_111 = tpu.memref_slice %arg4[%add3A_74, %dma_wait3A_110] : memref<320000x128xf32, #tpu.memory_space<hbm>> -> memref<80x128xf32, #tpu.memory_space<hbm>>
    %dma_wait3A_112 = arith.constant 0 : i32
    %dma_wait3A_113 = tpu.memref_slice %arg4[%add3A_74, %dma_wait3A_112] : memref<320000x128xf32, #tpu.memory_space<hbm>> -> memref<80x128xf32, #tpu.memory_space<hbm>>
    %dma_wait3A_114 = arith.constant 0 : i32
    %dma_wait3A_115 = arith.constant 0 : i32
    %dma_wait3A_116 = tpu.memref_slice %arg6[%dma_wait3A_105, %dma_wait3A_114, %dma_wait3A_115] : memref<2x80x128xf32, #tpu.memory_space<vmem>> -> memref<1x80x128xf32, #tpu.memory_space<vmem>>
    %dma_wait3A_117 = tpu.memref_squeeze %dma_wait3A_116 : memref<1x80x128xf32, #tpu.memory_space<vmem>> -> memref<80x128xf32, #tpu.memory_space<vmem>>
    tpu.wait_dma2 semaphore(%arg11 : memref<!tpu.dma_semaphore, #tpu.memory_space<semaphore_mem>>) src(%dma_wait3A_117 : memref<80x128xf32, #tpu.memory_space<vmem>>) dst(%dma_wait3A_113 : memref<80x128xf32, #tpu.memory_space<hbm>>)
    return
  }
}

#map = affine_map<(d0, d1) -> (0, 0)>
#map1 = affine_map<(d0, d1) -> (0)>
module attributes {stable_mosaic.version = 14 : i64} {
  func.func @sk(%arg0: i32, %arg1: i32, %arg2: memref<320000x64xf32, #tpu.memory_space<hbm>>, %arg3: memref<320000x64xf32, #tpu.memory_space<hbm>>, %arg4: memref<160000xi32, #tpu.memory_space<hbm>>, %arg5: memref<20000x64xf32, #tpu.memory_space<hbm>>, %arg6: memref<20000x64xf32, #tpu.memory_space<hbm>>, %arg7: memref<10000x16xf32, #tpu.memory_space<hbm>>, %arg8: memref<10112x64xf32, #tpu.memory_space<vmem_shared>>, %arg9: memref<10112x16xf32, #tpu.memory_space<vmem_shared>>, %arg10: memref<4x80xi32, #tpu.memory_space<vmem>>, %arg11: memref<4x80x64xf32, #tpu.memory_space<vmem>>, %arg12: memref<80x16xf32, #tpu.memory_space<vmem>>, %arg13: memref<632x64xf32, #tpu.memory_space<vmem>>, %arg14: memref<632x16xf32, #tpu.memory_space<vmem>>, %arg15: memref<!tpu.dma_semaphore, #tpu.memory_space<semaphore_mem>>, %arg16: memref<!tpu.dma_semaphore, #tpu.memory_space<semaphore_mem>>, %arg17: memref<!tpu.dma_semaphore, #tpu.memory_space<semaphore_mem>>, %arg18: memref<!tpu.dma_semaphore, #tpu.memory_space<semaphore_mem>>, %arg19: memref<!tpu.dma_semaphore, #tpu.memory_space<semaphore_mem>>, %arg20: memref<!tpu.dma_semaphore, #tpu.memory_space<semaphore_mem>>, %arg21: memref<!tpu.dma_semaphore, #tpu.memory_space<semaphore_mem>>, %arg22: memref<!tpu.dma_semaphore, #tpu.memory_space<semaphore_mem>>, %arg23: memref<!tpu.dma_semaphore, #tpu.memory_space<semaphore_mem>>, %arg24: memref<!tpu.dma_semaphore, #tpu.memory_space<semaphore_mem>>, %arg25: memref<!tpu.dma_semaphore, #tpu.memory_space<semaphore_mem>>, %arg26: memref<!tpu.dma_semaphore, #tpu.memory_space<semaphore_mem>>, %arg27: memref<!tpu.dma_semaphore, #tpu.memory_space<semaphore_mem>>) attributes {dimension_semantics = [#tpu.dimension_semantics<core_parallel>, #tpu.dimension_semantics<subcore_parallel>], iteration_bounds = array<i64: 2, 16>, scalar_prefetch = 0 : i64, scratch_operands = 20 : i64, tpu.core_type = #tpu.core_type<sc_vector_subcore>, window_params = [{transform_indices = #map}, {transform_indices = #map}, {transform_indices = #map1}, {transform_indices = #map}, {transform_indices = #map}, {transform_indices = #map}]} {
    %scan3A = arith.constant 0 : i32
    %scan3A_0 = arith.constant 0 : i32
    %scan3A_1 = arith.constant 80 : i32
    %scan3A_2 = arith.addi %scan3A_0, %scan3A_1 : i32
    %scan3A_3 = arith.constant 1 : i32
    scf.for %scan3A_342 = %scan3A_0 to %scan3A_2 step %scan3A_3  : i32 {
      %broadcast_in_dim3A = arith.constant 1.000000e+00 : f32
      %broadcast_in_dim3A_343 = vector.broadcast %broadcast_in_dim3A : f32 to vector<16xf32>
      %swap3A = arith.index_cast %scan3A_342 : i32 to index
      %swap3A_344 = arith.constant 0 : index
      %swap3A_345 = tpu.vector_load %arg12[%swap3A, %swap3A_344] {strides = array<i32>} : memref<80x16xf32, #tpu.memory_space<vmem>>, vector<1x16xf32>,
      %swap3A_346 = vector.shape_cast %swap3A_345 : vector<1x16xf32> to vector<16xf32>
      %swap3A_347 = vector.shape_cast %broadcast_in_dim3A_343 : vector<16xf32> to vector<1x16xf32>
      tpu.vector_store %arg12[%swap3A, %swap3A_344], %swap3A_347 {strides = array<i32>} : memref<80x16xf32, #tpu.memory_space<vmem>>, vector<1x16xf32>,
    }
    %scan3A_4 = arith.constant 80 : i32
    %scan3A_5 = arith.constant 0 : i32
    %scan3A_6 = arith.constant 0 : i32
    %scan3A_7 = arith.constant 632 : i32
    %scan3A_8 = arith.addi %scan3A_6, %scan3A_7 : i32
    %scan3A_9 = arith.constant 1 : i32
    scf.for %scan3A_342 = %scan3A_6 to %scan3A_8 step %scan3A_9  : i32 {
      %broadcast_in_dim3A = arith.constant 0.000000e+00 : f32
      %broadcast_in_dim3A_343 = vector.broadcast %broadcast_in_dim3A : f32 to vector<16xf32>
      %swap3A = arith.index_cast %scan3A_342 : i32 to index
      %swap3A_344 = arith.constant 0 : index
      %swap3A_345 = tpu.vector_load %arg13[%swap3A, %swap3A_344] {strides = array<i32>} : memref<632x64xf32, #tpu.memory_space<vmem>>, vector<1x16xf32>,
      %swap3A_346 = vector.shape_cast %swap3A_345 : vector<1x16xf32> to vector<16xf32>
      %swap3A_347 = vector.shape_cast %broadcast_in_dim3A_343 : vector<16xf32> to vector<1x16xf32>
      tpu.vector_store %arg13[%swap3A, %swap3A_344], %swap3A_347 {strides = array<i32>} : memref<632x64xf32, #tpu.memory_space<vmem>>, vector<1x16xf32>,
      %swap3A_348 = arith.index_cast %scan3A_342 : i32 to index
      %swap3A_349 = arith.constant 16 : index
      %swap3A_350 = tpu.vector_load %arg13[%swap3A_348, %swap3A_349] {strides = array<i32>} : memref<632x64xf32, #tpu.memory_space<vmem>>, vector<1x16xf32>,
      %swap3A_351 = vector.shape_cast %swap3A_350 : vector<1x16xf32> to vector<16xf32>
      %swap3A_352 = vector.shape_cast %broadcast_in_dim3A_343 : vector<16xf32> to vector<1x16xf32>
      tpu.vector_store %arg13[%swap3A_348, %swap3A_349], %swap3A_352 {strides = array<i32>} : memref<632x64xf32, #tpu.memory_space<vmem>>, vector<1x16xf32>,
      %swap3A_353 = arith.index_cast %scan3A_342 : i32 to index
      %swap3A_354 = arith.constant 32 : index
      %swap3A_355 = tpu.vector_load %arg13[%swap3A_353, %swap3A_354] {strides = array<i32>} : memref<632x64xf32, #tpu.memory_space<vmem>>, vector<1x16xf32>,
      %swap3A_356 = vector.shape_cast %swap3A_355 : vector<1x16xf32> to vector<16xf32>
      %swap3A_357 = vector.shape_cast %broadcast_in_dim3A_343 : vector<16xf32> to vector<1x16xf32>
      tpu.vector_store %arg13[%swap3A_353, %swap3A_354], %swap3A_357 {strides = array<i32>} : memref<632x64xf32, #tpu.memory_space<vmem>>, vector<1x16xf32>,
      %swap3A_358 = arith.index_cast %scan3A_342 : i32 to index
      %swap3A_359 = arith.constant 48 : index
      %swap3A_360 = tpu.vector_load %arg13[%swap3A_358, %swap3A_359] {strides = array<i32>} : memref<632x64xf32, #tpu.memory_space<vmem>>, vector<1x16xf32>,
      %swap3A_361 = vector.shape_cast %swap3A_360 : vector<1x16xf32> to vector<16xf32>
      %swap3A_362 = vector.shape_cast %broadcast_in_dim3A_343 : vector<16xf32> to vector<1x16xf32>
      tpu.vector_store %arg13[%swap3A_358, %swap3A_359], %swap3A_362 {strides = array<i32>} : memref<632x64xf32, #tpu.memory_space<vmem>>, vector<1x16xf32>,
      %swap3A_363 = arith.index_cast %scan3A_342 : i32 to index
      %swap3A_364 = arith.constant 0 : index
      %swap3A_365 = tpu.vector_load %arg14[%swap3A_363, %swap3A_364] {strides = array<i32>} : memref<632x16xf32, #tpu.memory_space<vmem>>, vector<1x16xf32>,
      %swap3A_366 = vector.shape_cast %swap3A_365 : vector<1x16xf32> to vector<16xf32>
      %swap3A_367 = vector.shape_cast %broadcast_in_dim3A_343 : vector<16xf32> to vector<1x16xf32>
      tpu.vector_store %arg14[%swap3A_363, %swap3A_364], %swap3A_367 {strides = array<i32>} : memref<632x16xf32, #tpu.memory_space<vmem>>, vector<1x16xf32>,
    }
    %scan3A_10 = arith.constant 632 : i32
    %mul3A = arith.constant 632 : i32
    %mul3A_11 = arith.muli %arg1, %mul3A : i32
    "tpu.region"() ({
      %run_scoped3A = tpu.sem_alloc : memref<!tpu.dma_semaphore, #tpu.memory_space<semaphore_mem>>
      %dma_start3A_342 = arith.constant 0 : i32
      %dma_start3A_343 = tpu.memref_slice %arg8[%mul3A_11, %dma_start3A_342] : memref<10112x64xf32, #tpu.memory_space<vmem_shared>> -> memref<632x64xf32, #tpu.memory_space<vmem_shared>>
      %dma_start3A_344 = arith.constant 0 : i32
      %dma_start3A_345 = tpu.memref_slice %arg8[%mul3A_11, %dma_start3A_344] : memref<10112x64xf32, #tpu.memory_space<vmem_shared>> -> memref<632x64xf32, #tpu.memory_space<vmem_shared>>
      tpu.enqueue_dma source(%arg13 : memref<632x64xf32, #tpu.memory_space<vmem>>) target(%dma_start3A_345 : memref<632x64xf32, #tpu.memory_space<vmem_shared>>) target_semaphore(%run_scoped3A : memref<!tpu.dma_semaphore, #tpu.memory_space<semaphore_mem>>)
      %dma_wait3A_346 = arith.constant 0 : i32
      %dma_wait3A_347 = tpu.memref_slice %arg8[%mul3A_11, %dma_wait3A_346] : memref<10112x64xf32, #tpu.memory_space<vmem_shared>> -> memref<632x64xf32, #tpu.memory_space<vmem_shared>>
      %dma_wait3A_348 = arith.constant 0 : i32
      %dma_wait3A_349 = tpu.memref_slice %arg8[%mul3A_11, %dma_wait3A_348] : memref<10112x64xf32, #tpu.memory_space<vmem_shared>> -> memref<632x64xf32, #tpu.memory_space<vmem_shared>>
      tpu.wait_dma2 semaphore(%run_scoped3A : memref<!tpu.dma_semaphore, #tpu.memory_space<semaphore_mem>>) src(%arg13 : memref<632x64xf32, #tpu.memory_space<vmem>>) dst(%dma_wait3A_349 : memref<632x64xf32, #tpu.memory_space<vmem_shared>>)
      tpu.yield
    }) : () -> ()
    %mul3A_12 = arith.constant 632 : i32
    %mul3A_13 = arith.muli %arg1, %mul3A_12 : i32
    "tpu.region"() ({
      %run_scoped3A = tpu.sem_alloc : memref<!tpu.dma_semaphore, #tpu.memory_space<semaphore_mem>>
      %dma_start3A_342 = arith.constant 0 : i32
      %dma_start3A_343 = tpu.memref_slice %arg9[%mul3A_13, %dma_start3A_342] : memref<10112x16xf32, #tpu.memory_space<vmem_shared>> -> memref<632x16xf32, #tpu.memory_space<vmem_shared>>
      %dma_start3A_344 = arith.constant 0 : i32
      %dma_start3A_345 = tpu.memref_slice %arg9[%mul3A_13, %dma_start3A_344] : memref<10112x16xf32, #tpu.memory_space<vmem_shared>> -> memref<632x16xf32, #tpu.memory_space<vmem_shared>>
      tpu.enqueue_dma source(%arg14 : memref<632x16xf32, #tpu.memory_space<vmem>>) target(%dma_start3A_345 : memref<632x16xf32, #tpu.memory_space<vmem_shared>>) target_semaphore(%run_scoped3A : memref<!tpu.dma_semaphore, #tpu.memory_space<semaphore_mem>>)
      %dma_wait3A_346 = arith.constant 0 : i32
      %dma_wait3A_347 = tpu.memref_slice %arg9[%mul3A_13, %dma_wait3A_346] : memref<10112x16xf32, #tpu.memory_space<vmem_shared>> -> memref<632x16xf32, #tpu.memory_space<vmem_shared>>
      %dma_wait3A_348 = arith.constant 0 : i32
      %dma_wait3A_349 = tpu.memref_slice %arg9[%mul3A_13, %dma_wait3A_348] : memref<10112x16xf32, #tpu.memory_space<vmem_shared>> -> memref<632x16xf32, #tpu.memory_space<vmem_shared>>
      tpu.wait_dma2 semaphore(%run_scoped3A : memref<!tpu.dma_semaphore, #tpu.memory_space<semaphore_mem>>) src(%arg14 : memref<632x16xf32, #tpu.memory_space<vmem>>) dst(%dma_wait3A_349 : memref<632x16xf32, #tpu.memory_space<vmem_shared>>)
      tpu.yield
    }) : () -> ()
    %barrier3A = arith.constant 0 : index
    tpu.barrier barrier_id(%barrier3A)
    %mul3A_14 = arith.constant 10000 : i32
    %mul3A_15 = arith.muli %arg1, %mul3A_14 : i32
    %add3A = arith.constant 0 : i32
    %add3A_16 = arith.addi %mul3A_15, %add3A : i32
    %dma_start3A = arith.constant 0 : i32
    %dma_start3A_17 = arith.constant 0 : i32
    %dma_start3A_18 = tpu.memref_slice %arg10[%dma_start3A, %dma_start3A_17] : memref<4x80xi32, #tpu.memory_space<vmem>> -> memref<1x80xi32, #tpu.memory_space<vmem>>
    %dma_start3A_19 = tpu.memref_squeeze %dma_start3A_18 : memref<1x80xi32, #tpu.memory_space<vmem>> -> memref<80xi32, #tpu.memory_space<vmem>>
    %dma_start3A_20 = tpu.memref_slice %arg4[%add3A_16] : memref<160000xi32, #tpu.memory_space<hbm>> -> memref<80xi32, #tpu.memory_space<hbm>>
    %dma_start3A_21 = arith.constant 0 : i32
    %dma_start3A_22 = tpu.memref_slice %arg10[%dma_start3A, %dma_start3A_21] : memref<4x80xi32, #tpu.memory_space<vmem>> -> memref<1x80xi32, #tpu.memory_space<vmem>>
    %dma_start3A_23 = tpu.memref_squeeze %dma_start3A_22 : memref<1x80xi32, #tpu.memory_space<vmem>> -> memref<80xi32, #tpu.memory_space<vmem>>
    %dma_start3A_24 = tpu.memref_slice %arg4[%add3A_16] : memref<160000xi32, #tpu.memory_space<hbm>> -> memref<80xi32, #tpu.memory_space<hbm>>
    tpu.enqueue_dma source(%dma_start3A_24 : memref<80xi32, #tpu.memory_space<hbm>>) target(%dma_start3A_23 : memref<80xi32, #tpu.memory_space<vmem>>) target_semaphore(%arg15 : memref<!tpu.dma_semaphore, #tpu.memory_space<semaphore_mem>>)
    %mul3A_25 = arith.constant 160000 : i32
    %mul3A_26 = arith.muli %arg0, %mul3A_25 : i32
    %add3A_27 = arith.addi %mul3A_26, %add3A_16 : i32
    %dma_start3A_28 = arith.constant 0 : i32
    %dma_start3A_29 = arith.constant 0 : i32
    %dma_start3A_30 = arith.constant 0 : i32
    %dma_start3A_31 = tpu.memref_slice %arg11[%dma_start3A_28, %dma_start3A_29, %dma_start3A_30] : memref<4x80x64xf32, #tpu.memory_space<vmem>> -> memref<1x80x64xf32, #tpu.memory_space<vmem>>
    %dma_start3A_32 = tpu.memref_squeeze %dma_start3A_31 : memref<1x80x64xf32, #tpu.memory_space<vmem>> -> memref<80x64xf32, #tpu.memory_space<vmem>>
    %dma_start3A_33 = arith.constant 0 : i32
    %dma_start3A_34 = tpu.memref_slice %arg2[%add3A_27, %dma_start3A_33] : memref<320000x64xf32, #tpu.memory_space<hbm>> -> memref<80x64xf32, #tpu.memory_space<hbm>>
    %dma_start3A_35 = arith.constant 0 : i32
    %dma_start3A_36 = arith.constant 0 : i32
    %dma_start3A_37 = tpu.memref_slice %arg11[%dma_start3A_28, %dma_start3A_35, %dma_start3A_36] : memref<4x80x64xf32, #tpu.memory_space<vmem>> -> memref<1x80x64xf32, #tpu.memory_space<vmem>>
    %dma_start3A_38 = tpu.memref_squeeze %dma_start3A_37 : memref<1x80x64xf32, #tpu.memory_space<vmem>> -> memref<80x64xf32, #tpu.memory_space<vmem>>
    %dma_start3A_39 = arith.constant 0 : i32
    %dma_start3A_40 = tpu.memref_slice %arg2[%add3A_27, %dma_start3A_39] : memref<320000x64xf32, #tpu.memory_space<hbm>> -> memref<80x64xf32, #tpu.memory_space<hbm>>
    tpu.enqueue_dma source(%dma_start3A_40 : memref<80x64xf32, #tpu.memory_space<hbm>>) target(%dma_start3A_38 : memref<80x64xf32, #tpu.memory_space<vmem>>) target_semaphore(%arg19 : memref<!tpu.dma_semaphore, #tpu.memory_space<semaphore_mem>>)
    %mul3A_41 = arith.constant 10000 : i32
    %mul3A_42 = arith.muli %arg1, %mul3A_41 : i32
    %add3A_43 = arith.constant 80 : i32
    %add3A_44 = arith.addi %mul3A_42, %add3A_43 : i32
    %dma_start3A_45 = arith.constant 1 : i32
    %dma_start3A_46 = arith.constant 0 : i32
    %dma_start3A_47 = tpu.memref_slice %arg10[%dma_start3A_45, %dma_start3A_46] : memref<4x80xi32, #tpu.memory_space<vmem>> -> memref<1x80xi32, #tpu.memory_space<vmem>>
    %dma_start3A_48 = tpu.memref_squeeze %dma_start3A_47 : memref<1x80xi32, #tpu.memory_space<vmem>> -> memref<80xi32, #tpu.memory_space<vmem>>
    %dma_start3A_49 = tpu.memref_slice %arg4[%add3A_44] : memref<160000xi32, #tpu.memory_space<hbm>> -> memref<80xi32, #tpu.memory_space<hbm>>
    %dma_start3A_50 = arith.constant 0 : i32
    %dma_start3A_51 = tpu.memref_slice %arg10[%dma_start3A_45, %dma_start3A_50] : memref<4x80xi32, #tpu.memory_space<vmem>> -> memref<1x80xi32, #tpu.memory_space<vmem>>
    %dma_start3A_52 = tpu.memref_squeeze %dma_start3A_51 : memref<1x80xi32, #tpu.memory_space<vmem>> -> memref<80xi32, #tpu.memory_space<vmem>>
    %dma_start3A_53 = tpu.memref_slice %arg4[%add3A_44] : memref<160000xi32, #tpu.memory_space<hbm>> -> memref<80xi32, #tpu.memory_space<hbm>>
    tpu.enqueue_dma source(%dma_start3A_53 : memref<80xi32, #tpu.memory_space<hbm>>) target(%dma_start3A_52 : memref<80xi32, #tpu.memory_space<vmem>>) target_semaphore(%arg16 : memref<!tpu.dma_semaphore, #tpu.memory_space<semaphore_mem>>)
    %mul3A_54 = arith.constant 160000 : i32
    %mul3A_55 = arith.muli %arg0, %mul3A_54 : i32
    %add3A_56 = arith.addi %mul3A_55, %add3A_44 : i32
    %dma_start3A_57 = arith.constant 1 : i32
    %dma_start3A_58 = arith.constant 0 : i32
    %dma_start3A_59 = arith.constant 0 : i32
    %dma_start3A_60 = tpu.memref_slice %arg11[%dma_start3A_57, %dma_start3A_58, %dma_start3A_59] : memref<4x80x64xf32, #tpu.memory_space<vmem>> -> memref<1x80x64xf32, #tpu.memory_space<vmem>>
    %dma_start3A_61 = tpu.memref_squeeze %dma_start3A_60 : memref<1x80x64xf32, #tpu.memory_space<vmem>> -> memref<80x64xf32, #tpu.memory_space<vmem>>
    %dma_start3A_62 = arith.constant 0 : i32
    %dma_start3A_63 = tpu.memref_slice %arg2[%add3A_56, %dma_start3A_62] : memref<320000x64xf32, #tpu.memory_space<hbm>> -> memref<80x64xf32, #tpu.memory_space<hbm>>
    %dma_start3A_64 = arith.constant 0 : i32
    %dma_start3A_65 = arith.constant 0 : i32
    %dma_start3A_66 = tpu.memref_slice %arg11[%dma_start3A_57, %dma_start3A_64, %dma_start3A_65] : memref<4x80x64xf32, #tpu.memory_space<vmem>> -> memref<1x80x64xf32, #tpu.memory_space<vmem>>
    %dma_start3A_67 = tpu.memref_squeeze %dma_start3A_66 : memref<1x80x64xf32, #tpu.memory_space<vmem>> -> memref<80x64xf32, #tpu.memory_space<vmem>>
    %dma_start3A_68 = arith.constant 0 : i32
    %dma_start3A_69 = tpu.memref_slice %arg2[%add3A_56, %dma_start3A_68] : memref<320000x64xf32, #tpu.memory_space<hbm>> -> memref<80x64xf32, #tpu.memory_space<hbm>>
    tpu.enqueue_dma source(%dma_start3A_69 : memref<80x64xf32, #tpu.memory_space<hbm>>) target(%dma_start3A_67 : memref<80x64xf32, #tpu.memory_space<vmem>>) target_semaphore(%arg20 : memref<!tpu.dma_semaphore, #tpu.memory_space<semaphore_mem>>)
    %scan3A_70 = arith.constant 0 : i32
    %scan3A_71 = arith.constant 0 : i32
    %scan3A_72 = arith.constant 31 : i32
    %scan3A_73 = arith.addi %scan3A_71, %scan3A_72 : i32
    %scan3A_74 = arith.constant 1 : i32
    scf.for %scan3A_342 = %scan3A_71 to %scan3A_73 step %scan3A_74  : i32 {
      %mul3A_343 = arith.constant 4 : i32
      %mul3A_344 = arith.muli %scan3A_342, %mul3A_343 : i32
      %add3A_345 = arith.constant 0 : i32
      %add3A_346 = arith.addi %mul3A_344, %add3A_345 : i32
      %ge3A = arith.constant 2 : i32
      %ge3A_347 = arith.cmpi sge, %add3A_346, %ge3A : i32
      %convert_element_type3A_348 = arith.extui %ge3A_347 : i1 to i32
      %cond3A_349 = arith.constant 0 : i32
      %cond3A_350 = arith.cmpi ne, %convert_element_type3A_348, %cond3A_349 : i32
      scf.if %cond3A_350 {
        %dma_wait3A_593 = arith.constant 2 : i32
        %dma_wait3A_594 = arith.constant 2 : i32
        %dma_wait3A_595 = arith.constant 0 : i32
        %dma_wait3A_596 = arith.constant 0 : i32
        %dma_wait3A_597 = tpu.memref_slice %arg11[%dma_wait3A_593, %dma_wait3A_595, %dma_wait3A_596] : memref<4x80x64xf32, #tpu.memory_space<vmem>> -> memref<1x80x64xf32, #tpu.memory_space<vmem>>
        %dma_wait3A_598 = tpu.memref_squeeze %dma_wait3A_597 : memref<1x80x64xf32, #tpu.memory_space<vmem>> -> memref<80x64xf32, #tpu.memory_space<vmem>>
        %dma_wait3A_599 = arith.constant 0 : i32
        %dma_wait3A_600 = tpu.memref_slice %arg10[%dma_wait3A_594, %dma_wait3A_599] : memref<4x80xi32, #tpu.memory_space<vmem>> -> memref<1x80xi32, #tpu.memory_space<vmem>>
        %dma_wait3A_601 = tpu.memref_squeeze %dma_wait3A_600 : memref<1x80xi32, #tpu.memory_space<vmem>> -> memref<80xi32, #tpu.memory_space<vmem>>
        %dma_wait3A_602 = arith.constant 0 : i32
        %dma_wait3A_603 = arith.constant 0 : i32
        %dma_wait3A_604 = tpu.memref_slice %arg8[%dma_wait3A_602, %dma_wait3A_603] : memref<10112x64xf32, #tpu.memory_space<vmem_shared>> -> memref<10112x64xf32, #tpu.memory_space<vmem_shared>>
        tpu.wait_indirect_dma semaphore(%arg25 : memref<!tpu.dma_semaphore, #tpu.memory_space<semaphore_mem>>) src(%dma_wait3A_598 : memref<80x64xf32, #tpu.memory_space<vmem>>) dst(%dma_wait3A_604 : memref<10112x64xf32, #tpu.memory_space<vmem_shared>>)
      } else {
      }
      %add3A_351 = arith.constant 2 : i32
      %add3A_352 = arith.addi %add3A_346, %add3A_351 : i32
      %le3A = arith.constant 124 : i32
      %le3A_353 = arith.cmpi sle, %add3A_352, %le3A : i32
      %convert_element_type3A_354 = arith.extui %le3A_353 : i1 to i32
      %cond3A_355 = arith.constant 0 : i32
      %cond3A_356 = arith.cmpi ne, %convert_element_type3A_354, %cond3A_355 : i32
      scf.if %cond3A_356 {
        %add3A_593 = arith.constant 2 : i32
        %add3A_594 = arith.addi %add3A_346, %add3A_593 : i32
        %mul3A_595 = arith.constant 10000 : i32
        %mul3A_596 = arith.muli %arg1, %mul3A_595 : i32
        %mul3A_597 = arith.constant 80 : i32
        %mul3A_598 = arith.muli %add3A_594, %mul3A_597 : i32
        %add3A_599 = arith.addi %mul3A_596, %mul3A_598 : i32
        %dma_start3A_600 = arith.constant 2 : i32
        %dma_start3A_601 = arith.constant 0 : i32
        %dma_start3A_602 = tpu.memref_slice %arg10[%dma_start3A_600, %dma_start3A_601] : memref<4x80xi32, #tpu.memory_space<vmem>> -> memref<1x80xi32, #tpu.memory_space<vmem>>
        %dma_start3A_603 = tpu.memref_squeeze %dma_start3A_602 : memref<1x80xi32, #tpu.memory_space<vmem>> -> memref<80xi32, #tpu.memory_space<vmem>>
        %dma_start3A_604 = tpu.memref_slice %arg4[%add3A_599] : memref<160000xi32, #tpu.memory_space<hbm>> -> memref<80xi32, #tpu.memory_space<hbm>>
        %dma_start3A_605 = arith.constant 0 : i32
        %dma_start3A_606 = tpu.memref_slice %arg10[%dma_start3A_600, %dma_start3A_605] : memref<4x80xi32, #tpu.memory_space<vmem>> -> memref<1x80xi32, #tpu.memory_space<vmem>>
        %dma_start3A_607 = tpu.memref_squeeze %dma_start3A_606 : memref<1x80xi32, #tpu.memory_space<vmem>> -> memref<80xi32, #tpu.memory_space<vmem>>
        %dma_start3A_608 = tpu.memref_slice %arg4[%add3A_599] : memref<160000xi32, #tpu.memory_space<hbm>> -> memref<80xi32, #tpu.memory_space<hbm>>
        tpu.enqueue_dma source(%dma_start3A_608 : memref<80xi32, #tpu.memory_space<hbm>>) target(%dma_start3A_607 : memref<80xi32, #tpu.memory_space<vmem>>) target_semaphore(%arg17 : memref<!tpu.dma_semaphore, #tpu.memory_space<semaphore_mem>>)
        %mul3A_609 = arith.constant 160000 : i32
        %mul3A_610 = arith.muli %arg0, %mul3A_609 : i32
        %add3A_611 = arith.addi %mul3A_610, %add3A_599 : i32
        %dma_start3A_612 = arith.constant 2 : i32
        %dma_start3A_613 = arith.constant 0 : i32
        %dma_start3A_614 = arith.constant 0 : i32
        %dma_start3A_615 = tpu.memref_slice %arg11[%dma_start3A_612, %dma_start3A_613, %dma_start3A_614] : memref<4x80x64xf32, #tpu.memory_space<vmem>> -> memref<1x80x64xf32, #tpu.memory_space<vmem>>
        %dma_start3A_616 = tpu.memref_squeeze %dma_start3A_615 : memref<1x80x64xf32, #tpu.memory_space<vmem>> -> memref<80x64xf32, #tpu.memory_space<vmem>>
        %dma_start3A_617 = arith.constant 0 : i32
        %dma_start3A_618 = tpu.memref_slice %arg2[%add3A_611, %dma_start3A_617] : memref<320000x64xf32, #tpu.memory_space<hbm>> -> memref<80x64xf32, #tpu.memory_space<hbm>>
        %dma_start3A_619 = arith.constant 0 : i32
        %dma_start3A_620 = arith.constant 0 : i32
        %dma_start3A_621 = tpu.memref_slice %arg11[%dma_start3A_612, %dma_start3A_619, %dma_start3A_620] : memref<4x80x64xf32, #tpu.memory_space<vmem>> -> memref<1x80x64xf32, #tpu.memory_space<vmem>>
        %dma_start3A_622 = tpu.memref_squeeze %dma_start3A_621 : memref<1x80x64xf32, #tpu.memory_space<vmem>> -> memref<80x64xf32, #tpu.memory_space<vmem>>
        %dma_start3A_623 = arith.constant 0 : i32
        %dma_start3A_624 = tpu.memref_slice %arg2[%add3A_611, %dma_start3A_623] : memref<320000x64xf32, #tpu.memory_space<hbm>> -> memref<80x64xf32, #tpu.memory_space<hbm>>
        tpu.enqueue_dma source(%dma_start3A_624 : memref<80x64xf32, #tpu.memory_space<hbm>>) target(%dma_start3A_622 : memref<80x64xf32, #tpu.memory_space<vmem>>) target_semaphore(%arg21 : memref<!tpu.dma_semaphore, #tpu.memory_space<semaphore_mem>>)
      } else {
      }
      %mul3A_357 = arith.constant 10000 : i32
      %mul3A_358 = arith.muli %arg1, %mul3A_357 : i32
      %mul3A_359 = arith.constant 80 : i32
      %mul3A_360 = arith.muli %add3A_346, %mul3A_359 : i32
      %add3A_361 = arith.addi %mul3A_358, %mul3A_360 : i32
      %dma_wait3A_362 = arith.constant 0 : i32
      %dma_wait3A_363 = arith.constant 0 : i32
      %dma_wait3A_364 = tpu.memref_slice %arg10[%dma_wait3A_362, %dma_wait3A_363] : memref<4x80xi32, #tpu.memory_space<vmem>> -> memref<1x80xi32, #tpu.memory_space<vmem>>
      %dma_wait3A_365 = tpu.memref_squeeze %dma_wait3A_364 : memref<1x80xi32, #tpu.memory_space<vmem>> -> memref<80xi32, #tpu.memory_space<vmem>>
      %dma_wait3A_366 = tpu.memref_slice %arg4[%add3A_361] : memref<160000xi32, #tpu.memory_space<hbm>> -> memref<80xi32, #tpu.memory_space<hbm>>
      %dma_wait3A_367 = arith.constant 0 : i32
      %dma_wait3A_368 = tpu.memref_slice %arg10[%dma_wait3A_362, %dma_wait3A_367] : memref<4x80xi32, #tpu.memory_space<vmem>> -> memref<1x80xi32, #tpu.memory_space<vmem>>
      %dma_wait3A_369 = tpu.memref_squeeze %dma_wait3A_368 : memref<1x80xi32, #tpu.memory_space<vmem>> -> memref<80xi32, #tpu.memory_space<vmem>>
      %dma_wait3A_370 = tpu.memref_slice %arg4[%add3A_361] : memref<160000xi32, #tpu.memory_space<hbm>> -> memref<80xi32, #tpu.memory_space<hbm>>
      tpu.wait_dma2 semaphore(%arg15 : memref<!tpu.dma_semaphore, #tpu.memory_space<semaphore_mem>>) src(%dma_wait3A_370 : memref<80xi32, #tpu.memory_space<hbm>>) dst(%dma_wait3A_369 : memref<80xi32, #tpu.memory_space<vmem>>)
      %mul3A_371 = arith.constant 160000 : i32
      %mul3A_372 = arith.muli %arg0, %mul3A_371 : i32
      %add3A_373 = arith.addi %mul3A_372, %add3A_361 : i32
      %dma_wait3A_374 = arith.constant 0 : i32
      %dma_wait3A_375 = arith.constant 0 : i32
      %dma_wait3A_376 = arith.constant 0 : i32
      %dma_wait3A_377 = tpu.memref_slice %arg11[%dma_wait3A_374, %dma_wait3A_375, %dma_wait3A_376] : memref<4x80x64xf32, #tpu.memory_space<vmem>> -> memref<1x80x64xf32, #tpu.memory_space<vmem>>
      %dma_wait3A_378 = tpu.memref_squeeze %dma_wait3A_377 : memref<1x80x64xf32, #tpu.memory_space<vmem>> -> memref<80x64xf32, #tpu.memory_space<vmem>>
      %dma_wait3A_379 = arith.constant 0 : i32
      %dma_wait3A_380 = tpu.memref_slice %arg2[%add3A_373, %dma_wait3A_379] : memref<320000x64xf32, #tpu.memory_space<hbm>> -> memref<80x64xf32, #tpu.memory_space<hbm>>
      %dma_wait3A_381 = arith.constant 0 : i32
      %dma_wait3A_382 = arith.constant 0 : i32
      %dma_wait3A_383 = tpu.memref_slice %arg11[%dma_wait3A_374, %dma_wait3A_381, %dma_wait3A_382] : memref<4x80x64xf32, #tpu.memory_space<vmem>> -> memref<1x80x64xf32, #tpu.memory_space<vmem>>
      %dma_wait3A_384 = tpu.memref_squeeze %dma_wait3A_383 : memref<1x80x64xf32, #tpu.memory_space<vmem>> -> memref<80x64xf32, #tpu.memory_space<vmem>>
      %dma_wait3A_385 = arith.constant 0 : i32
      %dma_wait3A_386 = tpu.memref_slice %arg2[%add3A_373, %dma_wait3A_385] : memref<320000x64xf32, #tpu.memory_space<hbm>> -> memref<80x64xf32, #tpu.memory_space<hbm>>
      tpu.wait_dma2 semaphore(%arg19 : memref<!tpu.dma_semaphore, #tpu.memory_space<semaphore_mem>>) src(%dma_wait3A_386 : memref<80x64xf32, #tpu.memory_space<hbm>>) dst(%dma_wait3A_384 : memref<80x64xf32, #tpu.memory_space<vmem>>)
      %dma_start3A_387 = arith.constant 0 : i32
      %dma_start3A_388 = arith.constant 0 : i32
      %dma_start3A_389 = arith.constant 0 : i32
      %dma_start3A_390 = arith.constant 0 : i32
      %dma_start3A_391 = tpu.memref_slice %arg11[%dma_start3A_387, %dma_start3A_389, %dma_start3A_390] : memref<4x80x64xf32, #tpu.memory_space<vmem>> -> memref<1x80x64xf32, #tpu.memory_space<vmem>>
      %dma_start3A_392 = tpu.memref_squeeze %dma_start3A_391 : memref<1x80x64xf32, #tpu.memory_space<vmem>> -> memref<80x64xf32, #tpu.memory_space<vmem>>
      %dma_start3A_393 = arith.constant 0 : i32
      %dma_start3A_394 = tpu.memref_slice %arg10[%dma_start3A_388, %dma_start3A_393] : memref<4x80xi32, #tpu.memory_space<vmem>> -> memref<1x80xi32, #tpu.memory_space<vmem>>
      %dma_start3A_395 = tpu.memref_squeeze %dma_start3A_394 : memref<1x80xi32, #tpu.memory_space<vmem>> -> memref<80xi32, #tpu.memory_space<vmem>>
      %dma_start3A_396 = arith.constant 0 : i32
      %dma_start3A_397 = arith.constant 0 : i32
      %dma_start3A_398 = tpu.memref_slice %arg8[%dma_start3A_396, %dma_start3A_397] : memref<10112x64xf32, #tpu.memory_space<vmem_shared>> -> memref<10112x64xf32, #tpu.memory_space<vmem_shared>>
      tpu.enqueue_indirect_dma source(%dma_start3A_392 : memref<80x64xf32, #tpu.memory_space<vmem>>) target(%dma_start3A_398 : memref<10112x64xf32, #tpu.memory_space<vmem_shared>>) offsets(%dma_start3A_395 : memref<80xi32, #tpu.memory_space<vmem>>) semaphore(%arg23 : memref<!tpu.dma_semaphore, #tpu.memory_space<semaphore_mem>>) {add = true}
      %eq3A_399 = arith.constant 0 : i32
      %eq3A_400 = arith.cmpi eq, %arg0, %eq3A_399 : i32
      %convert_element_type3A_401 = arith.extui %eq3A_400 : i1 to i32
      %cond3A_402 = arith.constant 0 : i32
      %cond3A_403 = arith.cmpi ne, %convert_element_type3A_401, %cond3A_402 : i32
      scf.if %cond3A_403 {
        %dma_start3A_593 = arith.constant 0 : i32
        %dma_start3A_594 = arith.constant 0 : i32
        %dma_start3A_595 = tpu.memref_slice %arg10[%dma_start3A_593, %dma_start3A_594] : memref<4x80xi32, #tpu.memory_space<vmem>> -> memref<1x80xi32, #tpu.memory_space<vmem>>
        %dma_start3A_596 = tpu.memref_squeeze %dma_start3A_595 : memref<1x80xi32, #tpu.memory_space<vmem>> -> memref<80xi32, #tpu.memory_space<vmem>>
        %dma_start3A_597 = arith.constant 0 : i32
        %dma_start3A_598 = arith.constant 0 : i32
        %dma_start3A_599 = tpu.memref_slice %arg9[%dma_start3A_597, %dma_start3A_598] : memref<10112x16xf32, #tpu.memory_space<vmem_shared>> -> memref<10112x16xf32, #tpu.memory_space<vmem_shared>>
        tpu.enqueue_indirect_dma source(%arg12 : memref<80x16xf32, #tpu.memory_space<vmem>>) target(%dma_start3A_599 : memref<10112x16xf32, #tpu.memory_space<vmem_shared>>) offsets(%dma_start3A_596 : memref<80xi32, #tpu.memory_space<vmem>>) semaphore(%arg27 : memref<!tpu.dma_semaphore, #tpu.memory_space<semaphore_mem>>) {add = true}
      } else {
      }
      %mul3A_404 = arith.constant 4 : i32
      %mul3A_405 = arith.muli %scan3A_342, %mul3A_404 : i32
      %add3A_406 = arith.constant 1 : i32
      %add3A_407 = arith.addi %mul3A_405, %add3A_406 : i32
      %ge3A_408 = arith.constant 2 : i32
      %ge3A_409 = arith.cmpi sge, %add3A_407, %ge3A_408 : i32
      %convert_element_type3A_410 = arith.extui %ge3A_409 : i1 to i32
      %cond3A_411 = arith.constant 0 : i32
      %cond3A_412 = arith.cmpi ne, %convert_element_type3A_410, %cond3A_411 : i32
      scf.if %cond3A_412 {
        %dma_wait3A_593 = arith.constant 3 : i32
        %dma_wait3A_594 = arith.constant 3 : i32
        %dma_wait3A_595 = arith.constant 0 : i32
        %dma_wait3A_596 = arith.constant 0 : i32
        %dma_wait3A_597 = tpu.memref_slice %arg11[%dma_wait3A_593, %dma_wait3A_595, %dma_wait3A_596] : memref<4x80x64xf32, #tpu.memory_space<vmem>> -> memref<1x80x64xf32, #tpu.memory_space<vmem>>
        %dma_wait3A_598 = tpu.memref_squeeze %dma_wait3A_597 : memref<1x80x64xf32, #tpu.memory_space<vmem>> -> memref<80x64xf32, #tpu.memory_space<vmem>>
        %dma_wait3A_599 = arith.constant 0 : i32
        %dma_wait3A_600 = tpu.memref_slice %arg10[%dma_wait3A_594, %dma_wait3A_599] : memref<4x80xi32, #tpu.memory_space<vmem>> -> memref<1x80xi32, #tpu.memory_space<vmem>>
        %dma_wait3A_601 = tpu.memref_squeeze %dma_wait3A_600 : memref<1x80xi32, #tpu.memory_space<vmem>> -> memref<80xi32, #tpu.memory_space<vmem>>
        %dma_wait3A_602 = arith.constant 0 : i32
        %dma_wait3A_603 = arith.constant 0 : i32
        %dma_wait3A_604 = tpu.memref_slice %arg8[%dma_wait3A_602, %dma_wait3A_603] : memref<10112x64xf32, #tpu.memory_space<vmem_shared>> -> memref<10112x64xf32, #tpu.memory_space<vmem_shared>>
        tpu.wait_indirect_dma semaphore(%arg26 : memref<!tpu.dma_semaphore, #tpu.memory_space<semaphore_mem>>) src(%dma_wait3A_598 : memref<80x64xf32, #tpu.memory_space<vmem>>) dst(%dma_wait3A_604 : memref<10112x64xf32, #tpu.memory_space<vmem_shared>>)
      } else {
      }
      %add3A_413 = arith.constant 2 : i32
      %add3A_414 = arith.addi %add3A_407, %add3A_413 : i32
      %le3A_415 = arith.constant 124 : i32
      %le3A_416 = arith.cmpi sle, %add3A_414, %le3A_415 : i32
      %convert_element_type3A_417 = arith.extui %le3A_416 : i1 to i32
      %cond3A_418 = arith.constant 0 : i32
      %cond3A_419 = arith.cmpi ne, %convert_element_type3A_417, %cond3A_418 : i32
      scf.if %cond3A_419 {
        %add3A_593 = arith.constant 2 : i32
        %add3A_594 = arith.addi %add3A_407, %add3A_593 : i32
        %mul3A_595 = arith.constant 10000 : i32
        %mul3A_596 = arith.muli %arg1, %mul3A_595 : i32
        %mul3A_597 = arith.constant 80 : i32
        %mul3A_598 = arith.muli %add3A_594, %mul3A_597 : i32
        %add3A_599 = arith.addi %mul3A_596, %mul3A_598 : i32
        %dma_start3A_600 = arith.constant 3 : i32
        %dma_start3A_601 = arith.constant 0 : i32
        %dma_start3A_602 = tpu.memref_slice %arg10[%dma_start3A_600, %dma_start3A_601] : memref<4x80xi32, #tpu.memory_space<vmem>> -> memref<1x80xi32, #tpu.memory_space<vmem>>
        %dma_start3A_603 = tpu.memref_squeeze %dma_start3A_602 : memref<1x80xi32, #tpu.memory_space<vmem>> -> memref<80xi32, #tpu.memory_space<vmem>>
        %dma_start3A_604 = tpu.memref_slice %arg4[%add3A_599] : memref<160000xi32, #tpu.memory_space<hbm>> -> memref<80xi32, #tpu.memory_space<hbm>>
        %dma_start3A_605 = arith.constant 0 : i32
        %dma_start3A_606 = tpu.memref_slice %arg10[%dma_start3A_600, %dma_start3A_605] : memref<4x80xi32, #tpu.memory_space<vmem>> -> memref<1x80xi32, #tpu.memory_space<vmem>>
        %dma_start3A_607 = tpu.memref_squeeze %dma_start3A_606 : memref<1x80xi32, #tpu.memory_space<vmem>> -> memref<80xi32, #tpu.memory_space<vmem>>
        %dma_start3A_608 = tpu.memref_slice %arg4[%add3A_599] : memref<160000xi32, #tpu.memory_space<hbm>> -> memref<80xi32, #tpu.memory_space<hbm>>
        tpu.enqueue_dma source(%dma_start3A_608 : memref<80xi32, #tpu.memory_space<hbm>>) target(%dma_start3A_607 : memref<80xi32, #tpu.memory_space<vmem>>) target_semaphore(%arg18 : memref<!tpu.dma_semaphore, #tpu.memory_space<semaphore_mem>>)
        %mul3A_609 = arith.constant 160000 : i32
        %mul3A_610 = arith.muli %arg0, %mul3A_609 : i32
        %add3A_611 = arith.addi %mul3A_610, %add3A_599 : i32
        %dma_start3A_612 = arith.constant 3 : i32
        %dma_start3A_613 = arith.constant 0 : i32
        %dma_start3A_614 = arith.constant 0 : i32
        %dma_start3A_615 = tpu.memref_slice %arg11[%dma_start3A_612, %dma_start3A_613, %dma_start3A_614] : memref<4x80x64xf32, #tpu.memory_space<vmem>> -> memref<1x80x64xf32, #tpu.memory_space<vmem>>
        %dma_start3A_616 = tpu.memref_squeeze %dma_start3A_615 : memref<1x80x64xf32, #tpu.memory_space<vmem>> -> memref<80x64xf32, #tpu.memory_space<vmem>>
        %dma_start3A_617 = arith.constant 0 : i32
        %dma_start3A_618 = tpu.memref_slice %arg2[%add3A_611, %dma_start3A_617] : memref<320000x64xf32, #tpu.memory_space<hbm>> -> memref<80x64xf32, #tpu.memory_space<hbm>>
        %dma_start3A_619 = arith.constant 0 : i32
        %dma_start3A_620 = arith.constant 0 : i32
        %dma_start3A_621 = tpu.memref_slice %arg11[%dma_start3A_612, %dma_start3A_619, %dma_start3A_620] : memref<4x80x64xf32, #tpu.memory_space<vmem>> -> memref<1x80x64xf32, #tpu.memory_space<vmem>>
        %dma_start3A_622 = tpu.memref_squeeze %dma_start3A_621 : memref<1x80x64xf32, #tpu.memory_space<vmem>> -> memref<80x64xf32, #tpu.memory_space<vmem>>
        %dma_start3A_623 = arith.constant 0 : i32
        %dma_start3A_624 = tpu.memref_slice %arg2[%add3A_611, %dma_start3A_623] : memref<320000x64xf32, #tpu.memory_space<hbm>> -> memref<80x64xf32, #tpu.memory_space<hbm>>
        tpu.enqueue_dma source(%dma_start3A_624 : memref<80x64xf32, #tpu.memory_space<hbm>>) target(%dma_start3A_622 : memref<80x64xf32, #tpu.memory_space<vmem>>) target_semaphore(%arg22 : memref<!tpu.dma_semaphore, #tpu.memory_space<semaphore_mem>>)
      } else {
      }
      %mul3A_420 = arith.constant 10000 : i32
      %mul3A_421 = arith.muli %arg1, %mul3A_420 : i32
      %mul3A_422 = arith.constant 80 : i32
      %mul3A_423 = arith.muli %add3A_407, %mul3A_422 : i32
      %add3A_424 = arith.addi %mul3A_421, %mul3A_423 : i32
      %dma_wait3A_425 = arith.constant 1 : i32
      %dma_wait3A_426 = arith.constant 0 : i32
      %dma_wait3A_427 = tpu.memref_slice %arg10[%dma_wait3A_425, %dma_wait3A_426] : memref<4x80xi32, #tpu.memory_space<vmem>> -> memref<1x80xi32, #tpu.memory_space<vmem>>
      %dma_wait3A_428 = tpu.memref_squeeze %dma_wait3A_427 : memref<1x80xi32, #tpu.memory_space<vmem>> -> memref<80xi32, #tpu.memory_space<vmem>>
      %dma_wait3A_429 = tpu.memref_slice %arg4[%add3A_424] : memref<160000xi32, #tpu.memory_space<hbm>> -> memref<80xi32, #tpu.memory_space<hbm>>
      %dma_wait3A_430 = arith.constant 0 : i32
      %dma_wait3A_431 = tpu.memref_slice %arg10[%dma_wait3A_425, %dma_wait3A_430] : memref<4x80xi32, #tpu.memory_space<vmem>> -> memref<1x80xi32, #tpu.memory_space<vmem>>
      %dma_wait3A_432 = tpu.memref_squeeze %dma_wait3A_431 : memref<1x80xi32, #tpu.memory_space<vmem>> -> memref<80xi32, #tpu.memory_space<vmem>>
      %dma_wait3A_433 = tpu.memref_slice %arg4[%add3A_424] : memref<160000xi32, #tpu.memory_space<hbm>> -> memref<80xi32, #tpu.memory_space<hbm>>
      tpu.wait_dma2 semaphore(%arg16 : memref<!tpu.dma_semaphore, #tpu.memory_space<semaphore_mem>>) src(%dma_wait3A_433 : memref<80xi32, #tpu.memory_space<hbm>>) dst(%dma_wait3A_432 : memref<80xi32, #tpu.memory_space<vmem>>)
      %mul3A_434 = arith.constant 160000 : i32
      %mul3A_435 = arith.muli %arg0, %mul3A_434 : i32
      %add3A_436 = arith.addi %mul3A_435, %add3A_424 : i32
      %dma_wait3A_437 = arith.constant 1 : i32
      %dma_wait3A_438 = arith.constant 0 : i32
      %dma_wait3A_439 = arith.constant 0 : i32
      %dma_wait3A_440 = tpu.memref_slice %arg11[%dma_wait3A_437, %dma_wait3A_438, %dma_wait3A_439] : memref<4x80x64xf32, #tpu.memory_space<vmem>> -> memref<1x80x64xf32, #tpu.memory_space<vmem>>
      %dma_wait3A_441 = tpu.memref_squeeze %dma_wait3A_440 : memref<1x80x64xf32, #tpu.memory_space<vmem>> -> memref<80x64xf32, #tpu.memory_space<vmem>>
      %dma_wait3A_442 = arith.constant 0 : i32
      %dma_wait3A_443 = tpu.memref_slice %arg2[%add3A_436, %dma_wait3A_442] : memref<320000x64xf32, #tpu.memory_space<hbm>> -> memref<80x64xf32, #tpu.memory_space<hbm>>
      %dma_wait3A_444 = arith.constant 0 : i32
      %dma_wait3A_445 = arith.constant 0 : i32
      %dma_wait3A_446 = tpu.memref_slice %arg11[%dma_wait3A_437, %dma_wait3A_444, %dma_wait3A_445] : memref<4x80x64xf32, #tpu.memory_space<vmem>> -> memref<1x80x64xf32, #tpu.memory_space<vmem>>
      %dma_wait3A_447 = tpu.memref_squeeze %dma_wait3A_446 : memref<1x80x64xf32, #tpu.memory_space<vmem>> -> memref<80x64xf32, #tpu.memory_space<vmem>>
      %dma_wait3A_448 = arith.constant 0 : i32
      %dma_wait3A_449 = tpu.memref_slice %arg2[%add3A_436, %dma_wait3A_448] : memref<320000x64xf32, #tpu.memory_space<hbm>> -> memref<80x64xf32, #tpu.memory_space<hbm>>
      tpu.wait_dma2 semaphore(%arg20 : memref<!tpu.dma_semaphore, #tpu.memory_space<semaphore_mem>>) src(%dma_wait3A_449 : memref<80x64xf32, #tpu.memory_space<hbm>>) dst(%dma_wait3A_447 : memref<80x64xf32, #tpu.memory_space<vmem>>)
      %dma_start3A_450 = arith.constant 1 : i32
      %dma_start3A_451 = arith.constant 1 : i32
      %dma_start3A_452 = arith.constant 0 : i32
      %dma_start3A_453 = arith.constant 0 : i32
      %dma_start3A_454 = tpu.memref_slice %arg11[%dma_start3A_450, %dma_start3A_452, %dma_start3A_453] : memref<4x80x64xf32, #tpu.memory_space<vmem>> -> memref<1x80x64xf32, #tpu.memory_space<vmem>>
      %dma_start3A_455 = tpu.memref_squeeze %dma_start3A_454 : memref<1x80x64xf32, #tpu.memory_space<vmem>> -> memref<80x64xf32, #tpu.memory_space<vmem>>
      %dma_start3A_456 = arith.constant 0 : i32
      %dma_start3A_457 = tpu.memref_slice %arg10[%dma_start3A_451, %dma_start3A_456] : memref<4x80xi32, #tpu.memory_space<vmem>> -> memref<1x80xi32, #tpu.memory_space<vmem>>
      %dma_start3A_458 = tpu.memref_squeeze %dma_start3A_457 : memref<1x80xi32, #tpu.memory_space<vmem>> -> memref<80xi32, #tpu.memory_space<vmem>>
      %dma_start3A_459 = arith.constant 0 : i32
      %dma_start3A_460 = arith.constant 0 : i32
      %dma_start3A_461 = tpu.memref_slice %arg8[%dma_start3A_459, %dma_start3A_460] : memref<10112x64xf32, #tpu.memory_space<vmem_shared>> -> memref<10112x64xf32, #tpu.memory_space<vmem_shared>>
      tpu.enqueue_indirect_dma source(%dma_start3A_455 : memref<80x64xf32, #tpu.memory_space<vmem>>) target(%dma_start3A_461 : memref<10112x64xf32, #tpu.memory_space<vmem_shared>>) offsets(%dma_start3A_458 : memref<80xi32, #tpu.memory_space<vmem>>) semaphore(%arg24 : memref<!tpu.dma_semaphore, #tpu.memory_space<semaphore_mem>>) {add = true}
      %eq3A_462 = arith.constant 0 : i32
      %eq3A_463 = arith.cmpi eq, %arg0, %eq3A_462 : i32
      %convert_element_type3A_464 = arith.extui %eq3A_463 : i1 to i32
      %cond3A_465 = arith.constant 0 : i32
      %cond3A_466 = arith.cmpi ne, %convert_element_type3A_464, %cond3A_465 : i32
      scf.if %cond3A_466 {
        %dma_start3A_593 = arith.constant 1 : i32
        %dma_start3A_594 = arith.constant 0 : i32
        %dma_start3A_595 = tpu.memref_slice %arg10[%dma_start3A_593, %dma_start3A_594] : memref<4x80xi32, #tpu.memory_space<vmem>> -> memref<1x80xi32, #tpu.memory_space<vmem>>
        %dma_start3A_596 = tpu.memref_squeeze %dma_start3A_595 : memref<1x80xi32, #tpu.memory_space<vmem>> -> memref<80xi32, #tpu.memory_space<vmem>>
        %dma_start3A_597 = arith.constant 0 : i32
        %dma_start3A_598 = arith.constant 0 : i32
        %dma_start3A_599 = tpu.memref_slice %arg9[%dma_start3A_597, %dma_start3A_598] : memref<10112x16xf32, #tpu.memory_space<vmem_shared>> -> memref<10112x16xf32, #tpu.memory_space<vmem_shared>>
        tpu.enqueue_indirect_dma source(%arg12 : memref<80x16xf32, #tpu.memory_space<vmem>>) target(%dma_start3A_599 : memref<10112x16xf32, #tpu.memory_space<vmem_shared>>) offsets(%dma_start3A_596 : memref<80xi32, #tpu.memory_space<vmem>>) semaphore(%arg27 : memref<!tpu.dma_semaphore, #tpu.memory_space<semaphore_mem>>) {add = true}
      } else {
      }
      %mul3A_467 = arith.constant 4 : i32
      %mul3A_468 = arith.muli %scan3A_342, %mul3A_467 : i32
      %add3A_469 = arith.constant 2 : i32
      %add3A_470 = arith.addi %mul3A_468, %add3A_469 : i32
      %ge3A_471 = arith.constant 2 : i32
      %ge3A_472 = arith.cmpi sge, %add3A_470, %ge3A_471 : i32
      %convert_element_type3A_473 = arith.extui %ge3A_472 : i1 to i32
      %cond3A_474 = arith.constant 0 : i32
      %cond3A_475 = arith.cmpi ne, %convert_element_type3A_473, %cond3A_474 : i32
      scf.if %cond3A_475 {
        %dma_wait3A_593 = arith.constant 0 : i32
        %dma_wait3A_594 = arith.constant 0 : i32
        %dma_wait3A_595 = arith.constant 0 : i32
        %dma_wait3A_596 = arith.constant 0 : i32
        %dma_wait3A_597 = tpu.memref_slice %arg11[%dma_wait3A_593, %dma_wait3A_595, %dma_wait3A_596] : memref<4x80x64xf32, #tpu.memory_space<vmem>> -> memref<1x80x64xf32, #tpu.memory_space<vmem>>
        %dma_wait3A_598 = tpu.memref_squeeze %dma_wait3A_597 : memref<1x80x64xf32, #tpu.memory_space<vmem>> -> memref<80x64xf32, #tpu.memory_space<vmem>>
        %dma_wait3A_599 = arith.constant 0 : i32
        %dma_wait3A_600 = tpu.memref_slice %arg10[%dma_wait3A_594, %dma_wait3A_599] : memref<4x80xi32, #tpu.memory_space<vmem>> -> memref<1x80xi32, #tpu.memory_space<vmem>>
        %dma_wait3A_601 = tpu.memref_squeeze %dma_wait3A_600 : memref<1x80xi32, #tpu.memory_space<vmem>> -> memref<80xi32, #tpu.memory_space<vmem>>
        %dma_wait3A_602 = arith.constant 0 : i32
        %dma_wait3A_603 = arith.constant 0 : i32
        %dma_wait3A_604 = tpu.memref_slice %arg8[%dma_wait3A_602, %dma_wait3A_603] : memref<10112x64xf32, #tpu.memory_space<vmem_shared>> -> memref<10112x64xf32, #tpu.memory_space<vmem_shared>>
        tpu.wait_indirect_dma semaphore(%arg23 : memref<!tpu.dma_semaphore, #tpu.memory_space<semaphore_mem>>) src(%dma_wait3A_598 : memref<80x64xf32, #tpu.memory_space<vmem>>) dst(%dma_wait3A_604 : memref<10112x64xf32, #tpu.memory_space<vmem_shared>>)
      } else {
      }
      %add3A_476 = arith.constant 2 : i32
      %add3A_477 = arith.addi %add3A_470, %add3A_476 : i32
      %le3A_478 = arith.constant 124 : i32
      %le3A_479 = arith.cmpi sle, %add3A_477, %le3A_478 : i32
      %convert_element_type3A_480 = arith.extui %le3A_479 : i1 to i32
      %cond3A_481 = arith.constant 0 : i32
      %cond3A_482 = arith.cmpi ne, %convert_element_type3A_480, %cond3A_481 : i32
      scf.if %cond3A_482 {
        %add3A_593 = arith.constant 2 : i32
        %add3A_594 = arith.addi %add3A_470, %add3A_593 : i32
        %mul3A_595 = arith.constant 10000 : i32
        %mul3A_596 = arith.muli %arg1, %mul3A_595 : i32
        %mul3A_597 = arith.constant 80 : i32
        %mul3A_598 = arith.muli %add3A_594, %mul3A_597 : i32
        %add3A_599 = arith.addi %mul3A_596, %mul3A_598 : i32
        %dma_start3A_600 = arith.constant 0 : i32
        %dma_start3A_601 = arith.constant 0 : i32
        %dma_start3A_602 = tpu.memref_slice %arg10[%dma_start3A_600, %dma_start3A_601] : memref<4x80xi32, #tpu.memory_space<vmem>> -> memref<1x80xi32, #tpu.memory_space<vmem>>
        %dma_start3A_603 = tpu.memref_squeeze %dma_start3A_602 : memref<1x80xi32, #tpu.memory_space<vmem>> -> memref<80xi32, #tpu.memory_space<vmem>>
        %dma_start3A_604 = tpu.memref_slice %arg4[%add3A_599] : memref<160000xi32, #tpu.memory_space<hbm>> -> memref<80xi32, #tpu.memory_space<hbm>>
        %dma_start3A_605 = arith.constant 0 : i32
        %dma_start3A_606 = tpu.memref_slice %arg10[%dma_start3A_600, %dma_start3A_605] : memref<4x80xi32, #tpu.memory_space<vmem>> -> memref<1x80xi32, #tpu.memory_space<vmem>>
        %dma_start3A_607 = tpu.memref_squeeze %dma_start3A_606 : memref<1x80xi32, #tpu.memory_space<vmem>> -> memref<80xi32, #tpu.memory_space<vmem>>
        %dma_start3A_608 = tpu.memref_slice %arg4[%add3A_599] : memref<160000xi32, #tpu.memory_space<hbm>> -> memref<80xi32, #tpu.memory_space<hbm>>
        tpu.enqueue_dma source(%dma_start3A_608 : memref<80xi32, #tpu.memory_space<hbm>>) target(%dma_start3A_607 : memref<80xi32, #tpu.memory_space<vmem>>) target_semaphore(%arg15 : memref<!tpu.dma_semaphore, #tpu.memory_space<semaphore_mem>>)
        %mul3A_609 = arith.constant 160000 : i32
        %mul3A_610 = arith.muli %arg0, %mul3A_609 : i32
        %add3A_611 = arith.addi %mul3A_610, %add3A_599 : i32
        %dma_start3A_612 = arith.constant 0 : i32
        %dma_start3A_613 = arith.constant 0 : i32
        %dma_start3A_614 = arith.constant 0 : i32
        %dma_start3A_615 = tpu.memref_slice %arg11[%dma_start3A_612, %dma_start3A_613, %dma_start3A_614] : memref<4x80x64xf32, #tpu.memory_space<vmem>> -> memref<1x80x64xf32, #tpu.memory_space<vmem>>
        %dma_start3A_616 = tpu.memref_squeeze %dma_start3A_615 : memref<1x80x64xf32, #tpu.memory_space<vmem>> -> memref<80x64xf32, #tpu.memory_space<vmem>>
        %dma_start3A_617 = arith.constant 0 : i32
        %dma_start3A_618 = tpu.memref_slice %arg2[%add3A_611, %dma_start3A_617] : memref<320000x64xf32, #tpu.memory_space<hbm>> -> memref<80x64xf32, #tpu.memory_space<hbm>>
        %dma_start3A_619 = arith.constant 0 : i32
        %dma_start3A_620 = arith.constant 0 : i32
        %dma_start3A_621 = tpu.memref_slice %arg11[%dma_start3A_612, %dma_start3A_619, %dma_start3A_620] : memref<4x80x64xf32, #tpu.memory_space<vmem>> -> memref<1x80x64xf32, #tpu.memory_space<vmem>>
        %dma_start3A_622 = tpu.memref_squeeze %dma_start3A_621 : memref<1x80x64xf32, #tpu.memory_space<vmem>> -> memref<80x64xf32, #tpu.memory_space<vmem>>
        %dma_start3A_623 = arith.constant 0 : i32
        %dma_start3A_624 = tpu.memref_slice %arg2[%add3A_611, %dma_start3A_623] : memref<320000x64xf32, #tpu.memory_space<hbm>> -> memref<80x64xf32, #tpu.memory_space<hbm>>
        tpu.enqueue_dma source(%dma_start3A_624 : memref<80x64xf32, #tpu.memory_space<hbm>>) target(%dma_start3A_622 : memref<80x64xf32, #tpu.memory_space<vmem>>) target_semaphore(%arg19 : memref<!tpu.dma_semaphore, #tpu.memory_space<semaphore_mem>>)
      } else {
      }
      %mul3A_483 = arith.constant 10000 : i32
      %mul3A_484 = arith.muli %arg1, %mul3A_483 : i32
      %mul3A_485 = arith.constant 80 : i32
      %mul3A_486 = arith.muli %add3A_470, %mul3A_485 : i32
      %add3A_487 = arith.addi %mul3A_484, %mul3A_486 : i32
      %dma_wait3A_488 = arith.constant 2 : i32
      %dma_wait3A_489 = arith.constant 0 : i32
      %dma_wait3A_490 = tpu.memref_slice %arg10[%dma_wait3A_488, %dma_wait3A_489] : memref<4x80xi32, #tpu.memory_space<vmem>> -> memref<1x80xi32, #tpu.memory_space<vmem>>
      %dma_wait3A_491 = tpu.memref_squeeze %dma_wait3A_490 : memref<1x80xi32, #tpu.memory_space<vmem>> -> memref<80xi32, #tpu.memory_space<vmem>>
      %dma_wait3A_492 = tpu.memref_slice %arg4[%add3A_487] : memref<160000xi32, #tpu.memory_space<hbm>> -> memref<80xi32, #tpu.memory_space<hbm>>
      %dma_wait3A_493 = arith.constant 0 : i32
      %dma_wait3A_494 = tpu.memref_slice %arg10[%dma_wait3A_488, %dma_wait3A_493] : memref<4x80xi32, #tpu.memory_space<vmem>> -> memref<1x80xi32, #tpu.memory_space<vmem>>
      %dma_wait3A_495 = tpu.memref_squeeze %dma_wait3A_494 : memref<1x80xi32, #tpu.memory_space<vmem>> -> memref<80xi32, #tpu.memory_space<vmem>>
      %dma_wait3A_496 = tpu.memref_slice %arg4[%add3A_487] : memref<160000xi32, #tpu.memory_space<hbm>> -> memref<80xi32, #tpu.memory_space<hbm>>
      tpu.wait_dma2 semaphore(%arg17 : memref<!tpu.dma_semaphore, #tpu.memory_space<semaphore_mem>>) src(%dma_wait3A_496 : memref<80xi32, #tpu.memory_space<hbm>>) dst(%dma_wait3A_495 : memref<80xi32, #tpu.memory_space<vmem>>)
      %mul3A_497 = arith.constant 160000 : i32
      %mul3A_498 = arith.muli %arg0, %mul3A_497 : i32
      %add3A_499 = arith.addi %mul3A_498, %add3A_487 : i32
      %dma_wait3A_500 = arith.constant 2 : i32
      %dma_wait3A_501 = arith.constant 0 : i32
      %dma_wait3A_502 = arith.constant 0 : i32
      %dma_wait3A_503 = tpu.memref_slice %arg11[%dma_wait3A_500, %dma_wait3A_501, %dma_wait3A_502] : memref<4x80x64xf32, #tpu.memory_space<vmem>> -> memref<1x80x64xf32, #tpu.memory_space<vmem>>
      %dma_wait3A_504 = tpu.memref_squeeze %dma_wait3A_503 : memref<1x80x64xf32, #tpu.memory_space<vmem>> -> memref<80x64xf32, #tpu.memory_space<vmem>>
      %dma_wait3A_505 = arith.constant 0 : i32
      %dma_wait3A_506 = tpu.memref_slice %arg2[%add3A_499, %dma_wait3A_505] : memref<320000x64xf32, #tpu.memory_space<hbm>> -> memref<80x64xf32, #tpu.memory_space<hbm>>
      %dma_wait3A_507 = arith.constant 0 : i32
      %dma_wait3A_508 = arith.constant 0 : i32
      %dma_wait3A_509 = tpu.memref_slice %arg11[%dma_wait3A_500, %dma_wait3A_507, %dma_wait3A_508] : memref<4x80x64xf32, #tpu.memory_space<vmem>> -> memref<1x80x64xf32, #tpu.memory_space<vmem>>
      %dma_wait3A_510 = tpu.memref_squeeze %dma_wait3A_509 : memref<1x80x64xf32, #tpu.memory_space<vmem>> -> memref<80x64xf32, #tpu.memory_space<vmem>>
      %dma_wait3A_511 = arith.constant 0 : i32
      %dma_wait3A_512 = tpu.memref_slice %arg2[%add3A_499, %dma_wait3A_511] : memref<320000x64xf32, #tpu.memory_space<hbm>> -> memref<80x64xf32, #tpu.memory_space<hbm>>
      tpu.wait_dma2 semaphore(%arg21 : memref<!tpu.dma_semaphore, #tpu.memory_space<semaphore_mem>>) src(%dma_wait3A_512 : memref<80x64xf32, #tpu.memory_space<hbm>>) dst(%dma_wait3A_510 : memref<80x64xf32, #tpu.memory_space<vmem>>)
      %dma_start3A_513 = arith.constant 2 : i32
      %dma_start3A_514 = arith.constant 2 : i32
      %dma_start3A_515 = arith.constant 0 : i32
      %dma_start3A_516 = arith.constant 0 : i32
      %dma_start3A_517 = tpu.memref_slice %arg11[%dma_start3A_513, %dma_start3A_515, %dma_start3A_516] : memref<4x80x64xf32, #tpu.memory_space<vmem>> -> memref<1x80x64xf32, #tpu.memory_space<vmem>>
      %dma_start3A_518 = tpu.memref_squeeze %dma_start3A_517 : memref<1x80x64xf32, #tpu.memory_space<vmem>> -> memref<80x64xf32, #tpu.memory_space<vmem>>
      %dma_start3A_519 = arith.constant 0 : i32
      %dma_start3A_520 = tpu.memref_slice %arg10[%dma_start3A_514, %dma_start3A_519] : memref<4x80xi32, #tpu.memory_space<vmem>> -> memref<1x80xi32, #tpu.memory_space<vmem>>
      %dma_start3A_521 = tpu.memref_squeeze %dma_start3A_520 : memref<1x80xi32, #tpu.memory_space<vmem>> -> memref<80xi32, #tpu.memory_space<vmem>>
      %dma_start3A_522 = arith.constant 0 : i32
      %dma_start3A_523 = arith.constant 0 : i32
      %dma_start3A_524 = tpu.memref_slice %arg8[%dma_start3A_522, %dma_start3A_523] : memref<10112x64xf32, #tpu.memory_space<vmem_shared>> -> memref<10112x64xf32, #tpu.memory_space<vmem_shared>>
      tpu.enqueue_indirect_dma source(%dma_start3A_518 : memref<80x64xf32, #tpu.memory_space<vmem>>) target(%dma_start3A_524 : memref<10112x64xf32, #tpu.memory_space<vmem_shared>>) offsets(%dma_start3A_521 : memref<80xi32, #tpu.memory_space<vmem>>) semaphore(%arg25 : memref<!tpu.dma_semaphore, #tpu.memory_space<semaphore_mem>>) {add = true}
      %eq3A_525 = arith.constant 0 : i32
      %eq3A_526 = arith.cmpi eq, %arg0, %eq3A_525 : i32
      %convert_element_type3A_527 = arith.extui %eq3A_526 : i1 to i32
      %cond3A_528 = arith.constant 0 : i32
      %cond3A_529 = arith.cmpi ne, %convert_element_type3A_527, %cond3A_528 : i32
      scf.if %cond3A_529 {
        %dma_start3A_593 = arith.constant 2 : i32
        %dma_start3A_594 = arith.constant 0 : i32
        %dma_start3A_595 = tpu.memref_slice %arg10[%dma_start3A_593, %dma_start3A_594] : memref<4x80xi32, #tpu.memory_space<vmem>> -> memref<1x80xi32, #tpu.memory_space<vmem>>
        %dma_start3A_596 = tpu.memref_squeeze %dma_start3A_595 : memref<1x80xi32, #tpu.memory_space<vmem>> -> memref<80xi32, #tpu.memory_space<vmem>>
        %dma_start3A_597 = arith.constant 0 : i32
        %dma_start3A_598 = arith.constant 0 : i32
        %dma_start3A_599 = tpu.memref_slice %arg9[%dma_start3A_597, %dma_start3A_598] : memref<10112x16xf32, #tpu.memory_space<vmem_shared>> -> memref<10112x16xf32, #tpu.memory_space<vmem_shared>>
        tpu.enqueue_indirect_dma source(%arg12 : memref<80x16xf32, #tpu.memory_space<vmem>>) target(%dma_start3A_599 : memref<10112x16xf32, #tpu.memory_space<vmem_shared>>) offsets(%dma_start3A_596 : memref<80xi32, #tpu.memory_space<vmem>>) semaphore(%arg27 : memref<!tpu.dma_semaphore, #tpu.memory_space<semaphore_mem>>) {add = true}
      } else {
      }
      %mul3A_530 = arith.constant 4 : i32
      %mul3A_531 = arith.muli %scan3A_342, %mul3A_530 : i32
      %add3A_532 = arith.constant 3 : i32
      %add3A_533 = arith.addi %mul3A_531, %add3A_532 : i32
      %ge3A_534 = arith.constant 2 : i32
      %ge3A_535 = arith.cmpi sge, %add3A_533, %ge3A_534 : i32
      %convert_element_type3A_536 = arith.extui %ge3A_535 : i1 to i32
      %cond3A_537 = arith.constant 0 : i32
      %cond3A_538 = arith.cmpi ne, %convert_element_type3A_536, %cond3A_537 : i32
      scf.if %cond3A_538 {
        %dma_wait3A_593 = arith.constant 1 : i32
        %dma_wait3A_594 = arith.constant 1 : i32
        %dma_wait3A_595 = arith.constant 0 : i32
        %dma_wait3A_596 = arith.constant 0 : i32
        %dma_wait3A_597 = tpu.memref_slice %arg11[%dma_wait3A_593, %dma_wait3A_595, %dma_wait3A_596] : memref<4x80x64xf32, #tpu.memory_space<vmem>> -> memref<1x80x64xf32, #tpu.memory_space<vmem>>
        %dma_wait3A_598 = tpu.memref_squeeze %dma_wait3A_597 : memref<1x80x64xf32, #tpu.memory_space<vmem>> -> memref<80x64xf32, #tpu.memory_space<vmem>>
        %dma_wait3A_599 = arith.constant 0 : i32
        %dma_wait3A_600 = tpu.memref_slice %arg10[%dma_wait3A_594, %dma_wait3A_599] : memref<4x80xi32, #tpu.memory_space<vmem>> -> memref<1x80xi32, #tpu.memory_space<vmem>>
        %dma_wait3A_601 = tpu.memref_squeeze %dma_wait3A_600 : memref<1x80xi32, #tpu.memory_space<vmem>> -> memref<80xi32, #tpu.memory_space<vmem>>
        %dma_wait3A_602 = arith.constant 0 : i32
        %dma_wait3A_603 = arith.constant 0 : i32
        %dma_wait3A_604 = tpu.memref_slice %arg8[%dma_wait3A_602, %dma_wait3A_603] : memref<10112x64xf32, #tpu.memory_space<vmem_shared>> -> memref<10112x64xf32, #tpu.memory_space<vmem_shared>>
        tpu.wait_indirect_dma semaphore(%arg24 : memref<!tpu.dma_semaphore, #tpu.memory_space<semaphore_mem>>) src(%dma_wait3A_598 : memref<80x64xf32, #tpu.memory_space<vmem>>) dst(%dma_wait3A_604 : memref<10112x64xf32, #tpu.memory_space<vmem_shared>>)
      } else {
      }
      %add3A_539 = arith.constant 2 : i32
      %add3A_540 = arith.addi %add3A_533, %add3A_539 : i32
      %le3A_541 = arith.constant 124 : i32
      %le3A_542 = arith.cmpi sle, %add3A_540, %le3A_541 : i32
      %convert_element_type3A_543 = arith.extui %le3A_542 : i1 to i32
      %cond3A_544 = arith.constant 0 : i32
      %cond3A_545 = arith.cmpi ne, %convert_element_type3A_543, %cond3A_544 : i32
      scf.if %cond3A_545 {
        %add3A_593 = arith.constant 2 : i32
        %add3A_594 = arith.addi %add3A_533, %add3A_593 : i32
        %mul3A_595 = arith.constant 10000 : i32
        %mul3A_596 = arith.muli %arg1, %mul3A_595 : i32
        %mul3A_597 = arith.constant 80 : i32
        %mul3A_598 = arith.muli %add3A_594, %mul3A_597 : i32
        %add3A_599 = arith.addi %mul3A_596, %mul3A_598 : i32
        %dma_start3A_600 = arith.constant 1 : i32
        %dma_start3A_601 = arith.constant 0 : i32
        %dma_start3A_602 = tpu.memref_slice %arg10[%dma_start3A_600, %dma_start3A_601] : memref<4x80xi32, #tpu.memory_space<vmem>> -> memref<1x80xi32, #tpu.memory_space<vmem>>
        %dma_start3A_603 = tpu.memref_squeeze %dma_start3A_602 : memref<1x80xi32, #tpu.memory_space<vmem>> -> memref<80xi32, #tpu.memory_space<vmem>>
        %dma_start3A_604 = tpu.memref_slice %arg4[%add3A_599] : memref<160000xi32, #tpu.memory_space<hbm>> -> memref<80xi32, #tpu.memory_space<hbm>>
        %dma_start3A_605 = arith.constant 0 : i32
        %dma_start3A_606 = tpu.memref_slice %arg10[%dma_start3A_600, %dma_start3A_605] : memref<4x80xi32, #tpu.memory_space<vmem>> -> memref<1x80xi32, #tpu.memory_space<vmem>>
        %dma_start3A_607 = tpu.memref_squeeze %dma_start3A_606 : memref<1x80xi32, #tpu.memory_space<vmem>> -> memref<80xi32, #tpu.memory_space<vmem>>
        %dma_start3A_608 = tpu.memref_slice %arg4[%add3A_599] : memref<160000xi32, #tpu.memory_space<hbm>> -> memref<80xi32, #tpu.memory_space<hbm>>
        tpu.enqueue_dma source(%dma_start3A_608 : memref<80xi32, #tpu.memory_space<hbm>>) target(%dma_start3A_607 : memref<80xi32, #tpu.memory_space<vmem>>) target_semaphore(%arg16 : memref<!tpu.dma_semaphore, #tpu.memory_space<semaphore_mem>>)
        %mul3A_609 = arith.constant 160000 : i32
        %mul3A_610 = arith.muli %arg0, %mul3A_609 : i32
        %add3A_611 = arith.addi %mul3A_610, %add3A_599 : i32
        %dma_start3A_612 = arith.constant 1 : i32
        %dma_start3A_613 = arith.constant 0 : i32
        %dma_start3A_614 = arith.constant 0 : i32
        %dma_start3A_615 = tpu.memref_slice %arg11[%dma_start3A_612, %dma_start3A_613, %dma_start3A_614] : memref<4x80x64xf32, #tpu.memory_space<vmem>> -> memref<1x80x64xf32, #tpu.memory_space<vmem>>
        %dma_start3A_616 = tpu.memref_squeeze %dma_start3A_615 : memref<1x80x64xf32, #tpu.memory_space<vmem>> -> memref<80x64xf32, #tpu.memory_space<vmem>>
        %dma_start3A_617 = arith.constant 0 : i32
        %dma_start3A_618 = tpu.memref_slice %arg2[%add3A_611, %dma_start3A_617] : memref<320000x64xf32, #tpu.memory_space<hbm>> -> memref<80x64xf32, #tpu.memory_space<hbm>>
        %dma_start3A_619 = arith.constant 0 : i32
        %dma_start3A_620 = arith.constant 0 : i32
        %dma_start3A_621 = tpu.memref_slice %arg11[%dma_start3A_612, %dma_start3A_619, %dma_start3A_620] : memref<4x80x64xf32, #tpu.memory_space<vmem>> -> memref<1x80x64xf32, #tpu.memory_space<vmem>>
        %dma_start3A_622 = tpu.memref_squeeze %dma_start3A_621 : memref<1x80x64xf32, #tpu.memory_space<vmem>> -> memref<80x64xf32, #tpu.memory_space<vmem>>
        %dma_start3A_623 = arith.constant 0 : i32
        %dma_start3A_624 = tpu.memref_slice %arg2[%add3A_611, %dma_start3A_623] : memref<320000x64xf32, #tpu.memory_space<hbm>> -> memref<80x64xf32, #tpu.memory_space<hbm>>
        tpu.enqueue_dma source(%dma_start3A_624 : memref<80x64xf32, #tpu.memory_space<hbm>>) target(%dma_start3A_622 : memref<80x64xf32, #tpu.memory_space<vmem>>) target_semaphore(%arg20 : memref<!tpu.dma_semaphore, #tpu.memory_space<semaphore_mem>>)
      } else {
      }
      %mul3A_546 = arith.constant 10000 : i32
      %mul3A_547 = arith.muli %arg1, %mul3A_546 : i32
      %mul3A_548 = arith.constant 80 : i32
      %mul3A_549 = arith.muli %add3A_533, %mul3A_548 : i32
      %add3A_550 = arith.addi %mul3A_547, %mul3A_549 : i32
      %dma_wait3A_551 = arith.constant 3 : i32
      %dma_wait3A_552 = arith.constant 0 : i32
      %dma_wait3A_553 = tpu.memref_slice %arg10[%dma_wait3A_551, %dma_wait3A_552] : memref<4x80xi32, #tpu.memory_space<vmem>> -> memref<1x80xi32, #tpu.memory_space<vmem>>
      %dma_wait3A_554 = tpu.memref_squeeze %dma_wait3A_553 : memref<1x80xi32, #tpu.memory_space<vmem>> -> memref<80xi32, #tpu.memory_space<vmem>>
      %dma_wait3A_555 = tpu.memref_slice %arg4[%add3A_550] : memref<160000xi32, #tpu.memory_space<hbm>> -> memref<80xi32, #tpu.memory_space<hbm>>
      %dma_wait3A_556 = arith.constant 0 : i32
      %dma_wait3A_557 = tpu.memref_slice %arg10[%dma_wait3A_551, %dma_wait3A_556] : memref<4x80xi32, #tpu.memory_space<vmem>> -> memref<1x80xi32, #tpu.memory_space<vmem>>
      %dma_wait3A_558 = tpu.memref_squeeze %dma_wait3A_557 : memref<1x80xi32, #tpu.memory_space<vmem>> -> memref<80xi32, #tpu.memory_space<vmem>>
      %dma_wait3A_559 = tpu.memref_slice %arg4[%add3A_550] : memref<160000xi32, #tpu.memory_space<hbm>> -> memref<80xi32, #tpu.memory_space<hbm>>
      tpu.wait_dma2 semaphore(%arg18 : memref<!tpu.dma_semaphore, #tpu.memory_space<semaphore_mem>>) src(%dma_wait3A_559 : memref<80xi32, #tpu.memory_space<hbm>>) dst(%dma_wait3A_558 : memref<80xi32, #tpu.memory_space<vmem>>)
      %mul3A_560 = arith.constant 160000 : i32
      %mul3A_561 = arith.muli %arg0, %mul3A_560 : i32
      %add3A_562 = arith.addi %mul3A_561, %add3A_550 : i32
      %dma_wait3A_563 = arith.constant 3 : i32
      %dma_wait3A_564 = arith.constant 0 : i32
      %dma_wait3A_565 = arith.constant 0 : i32
      %dma_wait3A_566 = tpu.memref_slice %arg11[%dma_wait3A_563, %dma_wait3A_564, %dma_wait3A_565] : memref<4x80x64xf32, #tpu.memory_space<vmem>> -> memref<1x80x64xf32, #tpu.memory_space<vmem>>
      %dma_wait3A_567 = tpu.memref_squeeze %dma_wait3A_566 : memref<1x80x64xf32, #tpu.memory_space<vmem>> -> memref<80x64xf32, #tpu.memory_space<vmem>>
      %dma_wait3A_568 = arith.constant 0 : i32
      %dma_wait3A_569 = tpu.memref_slice %arg2[%add3A_562, %dma_wait3A_568] : memref<320000x64xf32, #tpu.memory_space<hbm>> -> memref<80x64xf32, #tpu.memory_space<hbm>>
      %dma_wait3A_570 = arith.constant 0 : i32
      %dma_wait3A_571 = arith.constant 0 : i32
      %dma_wait3A_572 = tpu.memref_slice %arg11[%dma_wait3A_563, %dma_wait3A_570, %dma_wait3A_571] : memref<4x80x64xf32, #tpu.memory_space<vmem>> -> memref<1x80x64xf32, #tpu.memory_space<vmem>>
      %dma_wait3A_573 = tpu.memref_squeeze %dma_wait3A_572 : memref<1x80x64xf32, #tpu.memory_space<vmem>> -> memref<80x64xf32, #tpu.memory_space<vmem>>
      %dma_wait3A_574 = arith.constant 0 : i32
      %dma_wait3A_575 = tpu.memref_slice %arg2[%add3A_562, %dma_wait3A_574] : memref<320000x64xf32, #tpu.memory_space<hbm>> -> memref<80x64xf32, #tpu.memory_space<hbm>>
      tpu.wait_dma2 semaphore(%arg22 : memref<!tpu.dma_semaphore, #tpu.memory_space<semaphore_mem>>) src(%dma_wait3A_575 : memref<80x64xf32, #tpu.memory_space<hbm>>) dst(%dma_wait3A_573 : memref<80x64xf32, #tpu.memory_space<vmem>>)
      %dma_start3A_576 = arith.constant 3 : i32
      %dma_start3A_577 = arith.constant 3 : i32
      %dma_start3A_578 = arith.constant 0 : i32
      %dma_start3A_579 = arith.constant 0 : i32
      %dma_start3A_580 = tpu.memref_slice %arg11[%dma_start3A_576, %dma_start3A_578, %dma_start3A_579] : memref<4x80x64xf32, #tpu.memory_space<vmem>> -> memref<1x80x64xf32, #tpu.memory_space<vmem>>
      %dma_start3A_581 = tpu.memref_squeeze %dma_start3A_580 : memref<1x80x64xf32, #tpu.memory_space<vmem>> -> memref<80x64xf32, #tpu.memory_space<vmem>>
      %dma_start3A_582 = arith.constant 0 : i32
      %dma_start3A_583 = tpu.memref_slice %arg10[%dma_start3A_577, %dma_start3A_582] : memref<4x80xi32, #tpu.memory_space<vmem>> -> memref<1x80xi32, #tpu.memory_space<vmem>>
      %dma_start3A_584 = tpu.memref_squeeze %dma_start3A_583 : memref<1x80xi32, #tpu.memory_space<vmem>> -> memref<80xi32, #tpu.memory_space<vmem>>
      %dma_start3A_585 = arith.constant 0 : i32
      %dma_start3A_586 = arith.constant 0 : i32
      %dma_start3A_587 = tpu.memref_slice %arg8[%dma_start3A_585, %dma_start3A_586] : memref<10112x64xf32, #tpu.memory_space<vmem_shared>> -> memref<10112x64xf32, #tpu.memory_space<vmem_shared>>
      tpu.enqueue_indirect_dma source(%dma_start3A_581 : memref<80x64xf32, #tpu.memory_space<vmem>>) target(%dma_start3A_587 : memref<10112x64xf32, #tpu.memory_space<vmem_shared>>) offsets(%dma_start3A_584 : memref<80xi32, #tpu.memory_space<vmem>>) semaphore(%arg26 : memref<!tpu.dma_semaphore, #tpu.memory_space<semaphore_mem>>) {add = true}
      %eq3A_588 = arith.constant 0 : i32
      %eq3A_589 = arith.cmpi eq, %arg0, %eq3A_588 : i32
      %convert_element_type3A_590 = arith.extui %eq3A_589 : i1 to i32
      %cond3A_591 = arith.constant 0 : i32
      %cond3A_592 = arith.cmpi ne, %convert_element_type3A_590, %cond3A_591 : i32
      scf.if %cond3A_592 {
        %dma_start3A_593 = arith.constant 3 : i32
        %dma_start3A_594 = arith.constant 0 : i32
        %dma_start3A_595 = tpu.memref_slice %arg10[%dma_start3A_593, %dma_start3A_594] : memref<4x80xi32, #tpu.memory_space<vmem>> -> memref<1x80xi32, #tpu.memory_space<vmem>>
        %dma_start3A_596 = tpu.memref_squeeze %dma_start3A_595 : memref<1x80xi32, #tpu.memory_space<vmem>> -> memref<80xi32, #tpu.memory_space<vmem>>
        %dma_start3A_597 = arith.constant 0 : i32
        %dma_start3A_598 = arith.constant 0 : i32
        %dma_start3A_599 = tpu.memref_slice %arg9[%dma_start3A_597, %dma_start3A_598] : memref<10112x16xf32, #tpu.memory_space<vmem_shared>> -> memref<10112x16xf32, #tpu.memory_space<vmem_shared>>
        tpu.enqueue_indirect_dma source(%arg12 : memref<80x16xf32, #tpu.memory_space<vmem>>) target(%dma_start3A_599 : memref<10112x16xf32, #tpu.memory_space<vmem_shared>>) offsets(%dma_start3A_596 : memref<80xi32, #tpu.memory_space<vmem>>) semaphore(%arg27 : memref<!tpu.dma_semaphore, #tpu.memory_space<semaphore_mem>>) {add = true}
      } else {
      }
    }
    %scan3A_75 = arith.constant 31 : i32
    %dma_wait3A = arith.constant 2 : i32
    %dma_wait3A_76 = arith.constant 2 : i32
    %dma_wait3A_77 = arith.constant 0 : i32
    %dma_wait3A_78 = arith.constant 0 : i32
    %dma_wait3A_79 = tpu.memref_slice %arg11[%dma_wait3A, %dma_wait3A_77, %dma_wait3A_78] : memref<4x80x64xf32, #tpu.memory_space<vmem>> -> memref<1x80x64xf32, #tpu.memory_space<vmem>>
    %dma_wait3A_80 = tpu.memref_squeeze %dma_wait3A_79 : memref<1x80x64xf32, #tpu.memory_space<vmem>> -> memref<80x64xf32, #tpu.memory_space<vmem>>
    %dma_wait3A_81 = arith.constant 0 : i32
    %dma_wait3A_82 = tpu.memref_slice %arg10[%dma_wait3A_76, %dma_wait3A_81] : memref<4x80xi32, #tpu.memory_space<vmem>> -> memref<1x80xi32, #tpu.memory_space<vmem>>
    %dma_wait3A_83 = tpu.memref_squeeze %dma_wait3A_82 : memref<1x80xi32, #tpu.memory_space<vmem>> -> memref<80xi32, #tpu.memory_space<vmem>>
    %dma_wait3A_84 = arith.constant 0 : i32
    %dma_wait3A_85 = arith.constant 0 : i32
    %dma_wait3A_86 = tpu.memref_slice %arg8[%dma_wait3A_84, %dma_wait3A_85] : memref<10112x64xf32, #tpu.memory_space<vmem_shared>> -> memref<10112x64xf32, #tpu.memory_space<vmem_shared>>
    tpu.wait_indirect_dma semaphore(%arg25 : memref<!tpu.dma_semaphore, #tpu.memory_space<semaphore_mem>>) src(%dma_wait3A_80 : memref<80x64xf32, #tpu.memory_space<vmem>>) dst(%dma_wait3A_86 : memref<10112x64xf32, #tpu.memory_space<vmem_shared>>)
    %mul3A_87 = arith.constant 10000 : i32
    %mul3A_88 = arith.muli %arg1, %mul3A_87 : i32
    %add3A_89 = arith.constant 9920 : i32
    %add3A_90 = arith.addi %mul3A_88, %add3A_89 : i32
    %dma_wait3A_91 = arith.constant 0 : i32
    %dma_wait3A_92 = arith.constant 0 : i32
    %dma_wait3A_93 = tpu.memref_slice %arg10[%dma_wait3A_91, %dma_wait3A_92] : memref<4x80xi32, #tpu.memory_space<vmem>> -> memref<1x80xi32, #tpu.memory_space<vmem>>
    %dma_wait3A_94 = tpu.memref_squeeze %dma_wait3A_93 : memref<1x80xi32, #tpu.memory_space<vmem>> -> memref<80xi32, #tpu.memory_space<vmem>>
    %dma_wait3A_95 = tpu.memref_slice %arg4[%add3A_90] : memref<160000xi32, #tpu.memory_space<hbm>> -> memref<80xi32, #tpu.memory_space<hbm>>
    %dma_wait3A_96 = arith.constant 0 : i32
    %dma_wait3A_97 = tpu.memref_slice %arg10[%dma_wait3A_91, %dma_wait3A_96] : memref<4x80xi32, #tpu.memory_space<vmem>> -> memref<1x80xi32, #tpu.memory_space<vmem>>
    %dma_wait3A_98 = tpu.memref_squeeze %dma_wait3A_97 : memref<1x80xi32, #tpu.memory_space<vmem>> -> memref<80xi32, #tpu.memory_space<vmem>>
    %dma_wait3A_99 = tpu.memref_slice %arg4[%add3A_90] : memref<160000xi32, #tpu.memory_space<hbm>> -> memref<80xi32, #tpu.memory_space<hbm>>
    tpu.wait_dma2 semaphore(%arg15 : memref<!tpu.dma_semaphore, #tpu.memory_space<semaphore_mem>>) src(%dma_wait3A_99 : memref<80xi32, #tpu.memory_space<hbm>>) dst(%dma_wait3A_98 : memref<80xi32, #tpu.memory_space<vmem>>)
    %mul3A_100 = arith.constant 160000 : i32
    %mul3A_101 = arith.muli %arg0, %mul3A_100 : i32
    %add3A_102 = arith.addi %mul3A_101, %add3A_90 : i32
    %dma_wait3A_103 = arith.constant 0 : i32
    %dma_wait3A_104 = arith.constant 0 : i32
    %dma_wait3A_105 = arith.constant 0 : i32
    %dma_wait3A_106 = tpu.memref_slice %arg11[%dma_wait3A_103, %dma_wait3A_104, %dma_wait3A_105] : memref<4x80x64xf32, #tpu.memory_space<vmem>> -> memref<1x80x64xf32, #tpu.memory_space<vmem>>
    %dma_wait3A_107 = tpu.memref_squeeze %dma_wait3A_106 : memref<1x80x64xf32, #tpu.memory_space<vmem>> -> memref<80x64xf32, #tpu.memory_space<vmem>>
    %dma_wait3A_108 = arith.constant 0 : i32
    %dma_wait3A_109 = tpu.memref_slice %arg2[%add3A_102, %dma_wait3A_108] : memref<320000x64xf32, #tpu.memory_space<hbm>> -> memref<80x64xf32, #tpu.memory_space<hbm>>
    %dma_wait3A_110 = arith.constant 0 : i32
    %dma_wait3A_111 = arith.constant 0 : i32
    %dma_wait3A_112 = tpu.memref_slice %arg11[%dma_wait3A_103, %dma_wait3A_110, %dma_wait3A_111] : memref<4x80x64xf32, #tpu.memory_space<vmem>> -> memref<1x80x64xf32, #tpu.memory_space<vmem>>
    %dma_wait3A_113 = tpu.memref_squeeze %dma_wait3A_112 : memref<1x80x64xf32, #tpu.memory_space<vmem>> -> memref<80x64xf32, #tpu.memory_space<vmem>>
    %dma_wait3A_114 = arith.constant 0 : i32
    %dma_wait3A_115 = tpu.memref_slice %arg2[%add3A_102, %dma_wait3A_114] : memref<320000x64xf32, #tpu.memory_space<hbm>> -> memref<80x64xf32, #tpu.memory_space<hbm>>
    tpu.wait_dma2 semaphore(%arg19 : memref<!tpu.dma_semaphore, #tpu.memory_space<semaphore_mem>>) src(%dma_wait3A_115 : memref<80x64xf32, #tpu.memory_space<hbm>>) dst(%dma_wait3A_113 : memref<80x64xf32, #tpu.memory_space<vmem>>)
    %dma_start3A_116 = arith.constant 0 : i32
    %dma_start3A_117 = arith.constant 0 : i32
    %dma_start3A_118 = arith.constant 0 : i32
    %dma_start3A_119 = arith.constant 0 : i32
    %dma_start3A_120 = tpu.memref_slice %arg11[%dma_start3A_116, %dma_start3A_118, %dma_start3A_119] : memref<4x80x64xf32, #tpu.memory_space<vmem>> -> memref<1x80x64xf32, #tpu.memory_space<vmem>>
    %dma_start3A_121 = tpu.memref_squeeze %dma_start3A_120 : memref<1x80x64xf32, #tpu.memory_space<vmem>> -> memref<80x64xf32, #tpu.memory_space<vmem>>
    %dma_start3A_122 = arith.constant 0 : i32
    %dma_start3A_123 = tpu.memref_slice %arg10[%dma_start3A_117, %dma_start3A_122] : memref<4x80xi32, #tpu.memory_space<vmem>> -> memref<1x80xi32, #tpu.memory_space<vmem>>
    %dma_start3A_124 = tpu.memref_squeeze %dma_start3A_123 : memref<1x80xi32, #tpu.memory_space<vmem>> -> memref<80xi32, #tpu.memory_space<vmem>>
    %dma_start3A_125 = arith.constant 0 : i32
    %dma_start3A_126 = arith.constant 0 : i32
    %dma_start3A_127 = tpu.memref_slice %arg8[%dma_start3A_125, %dma_start3A_126] : memref<10112x64xf32, #tpu.memory_space<vmem_shared>> -> memref<10112x64xf32, #tpu.memory_space<vmem_shared>>
    tpu.enqueue_indirect_dma source(%dma_start3A_121 : memref<80x64xf32, #tpu.memory_space<vmem>>) target(%dma_start3A_127 : memref<10112x64xf32, #tpu.memory_space<vmem_shared>>) offsets(%dma_start3A_124 : memref<80xi32, #tpu.memory_space<vmem>>) semaphore(%arg23 : memref<!tpu.dma_semaphore, #tpu.memory_space<semaphore_mem>>) {add = true}
    %eq3A = arith.constant 0 : i32
    %eq3A_128 = arith.cmpi eq, %arg0, %eq3A : i32
    %convert_element_type3A = arith.extui %eq3A_128 : i1 to i32
    %cond3A = arith.constant 0 : i32
    %cond3A_129 = arith.cmpi ne, %convert_element_type3A, %cond3A : i32
    scf.if %cond3A_129 {
      %dma_start3A_342 = arith.constant 0 : i32
      %dma_start3A_343 = arith.constant 0 : i32
      %dma_start3A_344 = tpu.memref_slice %arg10[%dma_start3A_342, %dma_start3A_343] : memref<4x80xi32, #tpu.memory_space<vmem>> -> memref<1x80xi32, #tpu.memory_space<vmem>>
      %dma_start3A_345 = tpu.memref_squeeze %dma_start3A_344 : memref<1x80xi32, #tpu.memory_space<vmem>> -> memref<80xi32, #tpu.memory_space<vmem>>
      %dma_start3A_346 = arith.constant 0 : i32
      %dma_start3A_347 = arith.constant 0 : i32
      %dma_start3A_348 = tpu.memref_slice %arg9[%dma_start3A_346, %dma_start3A_347] : memref<10112x16xf32, #tpu.memory_space<vmem_shared>> -> memref<10112x16xf32, #tpu.memory_space<vmem_shared>>
      tpu.enqueue_indirect_dma source(%arg12 : memref<80x16xf32, #tpu.memory_space<vmem>>) target(%dma_start3A_348 : memref<10112x16xf32, #tpu.memory_space<vmem_shared>>) offsets(%dma_start3A_345 : memref<80xi32, #tpu.memory_space<vmem>>) semaphore(%arg27 : memref<!tpu.dma_semaphore, #tpu.memory_space<semaphore_mem>>) {add = true}
    } else {
    }
    %dma_wait3A_130 = arith.constant 3 : i32
    %dma_wait3A_131 = arith.constant 3 : i32
    %dma_wait3A_132 = arith.constant 0 : i32
    %dma_wait3A_133 = arith.constant 0 : i32
    %dma_wait3A_134 = tpu.memref_slice %arg11[%dma_wait3A_130, %dma_wait3A_132, %dma_wait3A_133] : memref<4x80x64xf32, #tpu.memory_space<vmem>> -> memref<1x80x64xf32, #tpu.memory_space<vmem>>
    %dma_wait3A_135 = tpu.memref_squeeze %dma_wait3A_134 : memref<1x80x64xf32, #tpu.memory_space<vmem>> -> memref<80x64xf32, #tpu.memory_space<vmem>>
    %dma_wait3A_136 = arith.constant 0 : i32
    %dma_wait3A_137 = tpu.memref_slice %arg10[%dma_wait3A_131, %dma_wait3A_136] : memref<4x80xi32, #tpu.memory_space<vmem>> -> memref<1x80xi32, #tpu.memory_space<vmem>>
    %dma_wait3A_138 = tpu.memref_squeeze %dma_wait3A_137 : memref<1x80xi32, #tpu.memory_space<vmem>> -> memref<80xi32, #tpu.memory_space<vmem>>
    %dma_wait3A_139 = arith.constant 0 : i32
    %dma_wait3A_140 = arith.constant 0 : i32
    %dma_wait3A_141 = tpu.memref_slice %arg8[%dma_wait3A_139, %dma_wait3A_140] : memref<10112x64xf32, #tpu.memory_space<vmem_shared>> -> memref<10112x64xf32, #tpu.memory_space<vmem_shared>>
    tpu.wait_indirect_dma semaphore(%arg26 : memref<!tpu.dma_semaphore, #tpu.memory_space<semaphore_mem>>) src(%dma_wait3A_135 : memref<80x64xf32, #tpu.memory_space<vmem>>) dst(%dma_wait3A_141 : memref<10112x64xf32, #tpu.memory_space<vmem_shared>>)
    %dma_wait3A_142 = arith.constant 0 : i32
    %dma_wait3A_143 = arith.constant 0 : i32
    %dma_wait3A_144 = arith.constant 0 : i32
    %dma_wait3A_145 = arith.constant 0 : i32
    %dma_wait3A_146 = tpu.memref_slice %arg11[%dma_wait3A_142, %dma_wait3A_144, %dma_wait3A_145] : memref<4x80x64xf32, #tpu.memory_space<vmem>> -> memref<1x80x64xf32, #tpu.memory_space<vmem>>
    %dma_wait3A_147 = tpu.memref_squeeze %dma_wait3A_146 : memref<1x80x64xf32, #tpu.memory_space<vmem>> -> memref<80x64xf32, #tpu.memory_space<vmem>>
    %dma_wait3A_148 = arith.constant 0 : i32
    %dma_wait3A_149 = tpu.memref_slice %arg10[%dma_wait3A_143, %dma_wait3A_148] : memref<4x80xi32, #tpu.memory_space<vmem>> -> memref<1x80xi32, #tpu.memory_space<vmem>>
    %dma_wait3A_150 = tpu.memref_squeeze %dma_wait3A_149 : memref<1x80xi32, #tpu.memory_space<vmem>> -> memref<80xi32, #tpu.memory_space<vmem>>
    %dma_wait3A_151 = arith.constant 0 : i32
    %dma_wait3A_152 = arith.constant 0 : i32
    %dma_wait3A_153 = tpu.memref_slice %arg8[%dma_wait3A_151, %dma_wait3A_152] : memref<10112x64xf32, #tpu.memory_space<vmem_shared>> -> memref<10112x64xf32, #tpu.memory_space<vmem_shared>>
    tpu.wait_indirect_dma semaphore(%arg23 : memref<!tpu.dma_semaphore, #tpu.memory_space<semaphore_mem>>) src(%dma_wait3A_147 : memref<80x64xf32, #tpu.memory_space<vmem>>) dst(%dma_wait3A_153 : memref<10112x64xf32, #tpu.memory_space<vmem_shared>>)
    %eq3A_154 = arith.constant 0 : i32
    %eq3A_155 = arith.cmpi eq, %arg0, %eq3A_154 : i32
    %convert_element_type3A_156 = arith.extui %eq3A_155 : i1 to i32
    %cond3A_157 = arith.constant 0 : i32
    %cond3A_158 = arith.cmpi ne, %convert_element_type3A_156, %cond3A_157 : i32
    scf.if %cond3A_158 {
      %scan3A_342 = arith.constant 0 : i32
      %scan3A_343 = arith.constant 0 : i32
      %scan3A_344 = arith.constant 125 : i32
      %scan3A_345 = arith.addi %scan3A_343, %scan3A_344 : i32
      %scan3A_346 = arith.constant 1 : i32
      scf.for %scan3A_348 = %scan3A_343 to %scan3A_345 step %scan3A_346  : i32 {
        %dma_wait3A_349 = arith.constant 0 : i32
        %dma_wait3A_350 = arith.constant 0 : i32
        %dma_wait3A_351 = tpu.memref_slice %arg10[%dma_wait3A_349, %dma_wait3A_350] : memref<4x80xi32, #tpu.memory_space<vmem>> -> memref<1x80xi32, #tpu.memory_space<vmem>>
        %dma_wait3A_352 = tpu.memref_squeeze %dma_wait3A_351 : memref<1x80xi32, #tpu.memory_space<vmem>> -> memref<80xi32, #tpu.memory_space<vmem>>
        %dma_wait3A_353 = arith.constant 0 : i32
        %dma_wait3A_354 = arith.constant 0 : i32
        %dma_wait3A_355 = tpu.memref_slice %arg9[%dma_wait3A_353, %dma_wait3A_354] : memref<10112x16xf32, #tpu.memory_space<vmem_shared>> -> memref<10112x16xf32, #tpu.memory_space<vmem_shared>>
        tpu.wait_indirect_dma semaphore(%arg27 : memref<!tpu.dma_semaphore, #tpu.memory_space<semaphore_mem>>) src(%arg12 : memref<80x16xf32, #tpu.memory_space<vmem>>) dst(%dma_wait3A_355 : memref<10112x16xf32, #tpu.memory_space<vmem_shared>>)
      }
      %scan3A_347 = arith.constant 125 : i32
    } else {
    }
    %barrier3A_159 = arith.constant 0 : index
    tpu.barrier barrier_id(%barrier3A_159)
    %mul3A_160 = arith.constant 624 : i32
    %mul3A_161 = arith.muli %arg1, %mul3A_160 : i32
    "tpu.region"() ({
      %run_scoped3A = tpu.sem_alloc : memref<!tpu.dma_semaphore, #tpu.memory_space<semaphore_mem>>
      %dma_start3A_342 = arith.constant 0 : i32
      %dma_start3A_343 = arith.constant 0 : i32
      %dma_start3A_344 = tpu.memref_slice %arg13[%dma_start3A_342, %dma_start3A_343] : memref<632x64xf32, #tpu.memory_space<vmem>> -> memref<624x64xf32, #tpu.memory_space<vmem>>
      %dma_start3A_345 = arith.constant 0 : i32
      %dma_start3A_346 = tpu.memref_slice %arg8[%mul3A_161, %dma_start3A_345] : memref<10112x64xf32, #tpu.memory_space<vmem_shared>> -> memref<624x64xf32, #tpu.memory_space<vmem_shared>>
      %dma_start3A_347 = arith.constant 0 : i32
      %dma_start3A_348 = arith.constant 0 : i32
      %dma_start3A_349 = tpu.memref_slice %arg13[%dma_start3A_347, %dma_start3A_348] : memref<632x64xf32, #tpu.memory_space<vmem>> -> memref<624x64xf32, #tpu.memory_space<vmem>>
      %dma_start3A_350 = arith.constant 0 : i32
      %dma_start3A_351 = tpu.memref_slice %arg8[%mul3A_161, %dma_start3A_350] : memref<10112x64xf32, #tpu.memory_space<vmem_shared>> -> memref<624x64xf32, #tpu.memory_space<vmem_shared>>
      tpu.enqueue_dma source(%dma_start3A_351 : memref<624x64xf32, #tpu.memory_space<vmem_shared>>) target(%dma_start3A_349 : memref<624x64xf32, #tpu.memory_space<vmem>>) target_semaphore(%run_scoped3A : memref<!tpu.dma_semaphore, #tpu.memory_space<semaphore_mem>>)
      %dma_wait3A_352 = arith.constant 0 : i32
      %dma_wait3A_353 = arith.constant 0 : i32
      %dma_wait3A_354 = tpu.memref_slice %arg13[%dma_wait3A_352, %dma_wait3A_353] : memref<632x64xf32, #tpu.memory_space<vmem>> -> memref<624x64xf32, #tpu.memory_space<vmem>>
      %dma_wait3A_355 = arith.constant 0 : i32
      %dma_wait3A_356 = tpu.memref_slice %arg8[%mul3A_161, %dma_wait3A_355] : memref<10112x64xf32, #tpu.memory_space<vmem_shared>> -> memref<624x64xf32, #tpu.memory_space<vmem_shared>>
      %dma_wait3A_357 = arith.constant 0 : i32
      %dma_wait3A_358 = arith.constant 0 : i32
      %dma_wait3A_359 = tpu.memref_slice %arg13[%dma_wait3A_357, %dma_wait3A_358] : memref<632x64xf32, #tpu.memory_space<vmem>> -> memref<624x64xf32, #tpu.memory_space<vmem>>
      %dma_wait3A_360 = arith.constant 0 : i32
      %dma_wait3A_361 = tpu.memref_slice %arg8[%mul3A_161, %dma_wait3A_360] : memref<10112x64xf32, #tpu.memory_space<vmem_shared>> -> memref<624x64xf32, #tpu.memory_space<vmem_shared>>
      tpu.wait_dma2 semaphore(%run_scoped3A : memref<!tpu.dma_semaphore, #tpu.memory_space<semaphore_mem>>) src(%dma_wait3A_361 : memref<624x64xf32, #tpu.memory_space<vmem_shared>>) dst(%dma_wait3A_359 : memref<624x64xf32, #tpu.memory_space<vmem>>)
      tpu.yield
    }) : () -> ()
    %mul3A_162 = arith.constant 10000 : i32
    %mul3A_163 = arith.muli %arg0, %mul3A_162 : i32
    %mul3A_164 = arith.constant 624 : i32
    %mul3A_165 = arith.muli %arg1, %mul3A_164 : i32
    %add3A_166 = arith.addi %mul3A_163, %mul3A_165 : i32
    "tpu.region"() ({
      %run_scoped3A = tpu.sem_alloc : memref<!tpu.dma_semaphore, #tpu.memory_space<semaphore_mem>>
      %dma_start3A_342 = arith.constant 0 : i32
      %dma_start3A_343 = arith.constant 0 : i32
      %dma_start3A_344 = tpu.memref_slice %arg13[%dma_start3A_342, %dma_start3A_343] : memref<632x64xf32, #tpu.memory_space<vmem>> -> memref<624x64xf32, #tpu.memory_space<vmem>>
      %dma_start3A_345 = arith.constant 0 : i32
      %dma_start3A_346 = tpu.memref_slice %arg5[%add3A_166, %dma_start3A_345] : memref<20000x64xf32, #tpu.memory_space<hbm>> -> memref<624x64xf32, #tpu.memory_space<hbm>>
      %dma_start3A_347 = arith.constant 0 : i32
      %dma_start3A_348 = tpu.memref_slice %arg5[%add3A_166, %dma_start3A_347] : memref<20000x64xf32, #tpu.memory_space<hbm>> -> memref<624x64xf32, #tpu.memory_space<hbm>>
      %dma_start3A_349 = arith.constant 0 : i32
      %dma_start3A_350 = arith.constant 0 : i32
      %dma_start3A_351 = tpu.memref_slice %arg13[%dma_start3A_349, %dma_start3A_350] : memref<632x64xf32, #tpu.memory_space<vmem>> -> memref<624x64xf32, #tpu.memory_space<vmem>>
      tpu.enqueue_dma source(%dma_start3A_351 : memref<624x64xf32, #tpu.memory_space<vmem>>) target(%dma_start3A_348 : memref<624x64xf32, #tpu.memory_space<hbm>>) target_semaphore(%run_scoped3A : memref<!tpu.dma_semaphore, #tpu.memory_space<semaphore_mem>>)
      %dma_wait3A_352 = arith.constant 0 : i32
      %dma_wait3A_353 = arith.constant 0 : i32
      %dma_wait3A_354 = tpu.memref_slice %arg13[%dma_wait3A_352, %dma_wait3A_353] : memref<632x64xf32, #tpu.memory_space<vmem>> -> memref<624x64xf32, #tpu.memory_space<vmem>>
      %dma_wait3A_355 = arith.constant 0 : i32
      %dma_wait3A_356 = tpu.memref_slice %arg5[%add3A_166, %dma_wait3A_355] : memref<20000x64xf32, #tpu.memory_space<hbm>> -> memref<624x64xf32, #tpu.memory_space<hbm>>
      %dma_wait3A_357 = arith.constant 0 : i32
      %dma_wait3A_358 = tpu.memref_slice %arg5[%add3A_166, %dma_wait3A_357] : memref<20000x64xf32, #tpu.memory_space<hbm>> -> memref<624x64xf32, #tpu.memory_space<hbm>>
      %dma_wait3A_359 = arith.constant 0 : i32
      %dma_wait3A_360 = arith.constant 0 : i32
      %dma_wait3A_361 = tpu.memref_slice %arg13[%dma_wait3A_359, %dma_wait3A_360] : memref<632x64xf32, #tpu.memory_space<vmem>> -> memref<624x64xf32, #tpu.memory_space<vmem>>
      tpu.wait_dma2 semaphore(%run_scoped3A : memref<!tpu.dma_semaphore, #tpu.memory_space<semaphore_mem>>) src(%dma_wait3A_361 : memref<624x64xf32, #tpu.memory_space<vmem>>) dst(%dma_wait3A_358 : memref<624x64xf32, #tpu.memory_space<hbm>>)
      tpu.yield
    }) : () -> ()
    %eq3A_167 = arith.constant 0 : i32
    %eq3A_168 = arith.cmpi eq, %arg0, %eq3A_167 : i32
    %convert_element_type3A_169 = arith.extui %eq3A_168 : i1 to i32
    %cond3A_170 = arith.constant 0 : i32
    %cond3A_171 = arith.cmpi ne, %convert_element_type3A_169, %cond3A_170 : i32
    scf.if %cond3A_171 {
      %mul3A_342 = arith.constant 624 : i32
      %mul3A_343 = arith.muli %arg1, %mul3A_342 : i32
      "tpu.region"() ({
        %run_scoped3A = tpu.sem_alloc : memref<!tpu.dma_semaphore, #tpu.memory_space<semaphore_mem>>
        %dma_start3A_346 = arith.constant 0 : i32
        %dma_start3A_347 = arith.constant 0 : i32
        %dma_start3A_348 = tpu.memref_slice %arg14[%dma_start3A_346, %dma_start3A_347] : memref<632x16xf32, #tpu.memory_space<vmem>> -> memref<624x16xf32, #tpu.memory_space<vmem>>
        %dma_start3A_349 = arith.constant 0 : i32
        %dma_start3A_350 = tpu.memref_slice %arg9[%mul3A_343, %dma_start3A_349] : memref<10112x16xf32, #tpu.memory_space<vmem_shared>> -> memref<624x16xf32, #tpu.memory_space<vmem_shared>>
        %dma_start3A_351 = arith.constant 0 : i32
        %dma_start3A_352 = arith.constant 0 : i32
        %dma_start3A_353 = tpu.memref_slice %arg14[%dma_start3A_351, %dma_start3A_352] : memref<632x16xf32, #tpu.memory_space<vmem>> -> memref<624x16xf32, #tpu.memory_space<vmem>>
        %dma_start3A_354 = arith.constant 0 : i32
        %dma_start3A_355 = tpu.memref_slice %arg9[%mul3A_343, %dma_start3A_354] : memref<10112x16xf32, #tpu.memory_space<vmem_shared>> -> memref<624x16xf32, #tpu.memory_space<vmem_shared>>
        tpu.enqueue_dma source(%dma_start3A_355 : memref<624x16xf32, #tpu.memory_space<vmem_shared>>) target(%dma_start3A_353 : memref<624x16xf32, #tpu.memory_space<vmem>>) target_semaphore(%run_scoped3A : memref<!tpu.dma_semaphore, #tpu.memory_space<semaphore_mem>>)
        %dma_wait3A_356 = arith.constant 0 : i32
        %dma_wait3A_357 = arith.constant 0 : i32
        %dma_wait3A_358 = tpu.memref_slice %arg14[%dma_wait3A_356, %dma_wait3A_357] : memref<632x16xf32, #tpu.memory_space<vmem>> -> memref<624x16xf32, #tpu.memory_space<vmem>>
        %dma_wait3A_359 = arith.constant 0 : i32
        %dma_wait3A_360 = tpu.memref_slice %arg9[%mul3A_343, %dma_wait3A_359] : memref<10112x16xf32, #tpu.memory_space<vmem_shared>> -> memref<624x16xf32, #tpu.memory_space<vmem_shared>>
        %dma_wait3A_361 = arith.constant 0 : i32
        %dma_wait3A_362 = arith.constant 0 : i32
        %dma_wait3A_363 = tpu.memref_slice %arg14[%dma_wait3A_361, %dma_wait3A_362] : memref<632x16xf32, #tpu.memory_space<vmem>> -> memref<624x16xf32, #tpu.memory_space<vmem>>
        %dma_wait3A_364 = arith.constant 0 : i32
        %dma_wait3A_365 = tpu.memref_slice %arg9[%mul3A_343, %dma_wait3A_364] : memref<10112x16xf32, #tpu.memory_space<vmem_shared>> -> memref<624x16xf32, #tpu.memory_space<vmem_shared>>
        tpu.wait_dma2 semaphore(%run_scoped3A : memref<!tpu.dma_semaphore, #tpu.memory_space<semaphore_mem>>) src(%dma_wait3A_365 : memref<624x16xf32, #tpu.memory_space<vmem_shared>>) dst(%dma_wait3A_363 : memref<624x16xf32, #tpu.memory_space<vmem>>)
        tpu.yield
      }) : () -> ()
      %mul3A_344 = arith.constant 624 : i32
      %mul3A_345 = arith.muli %arg1, %mul3A_344 : i32
      "tpu.region"() ({
        %run_scoped3A = tpu.sem_alloc : memref<!tpu.dma_semaphore, #tpu.memory_space<semaphore_mem>>
        %dma_start3A_346 = arith.constant 0 : i32
        %dma_start3A_347 = arith.constant 0 : i32
        %dma_start3A_348 = tpu.memref_slice %arg14[%dma_start3A_346, %dma_start3A_347] : memref<632x16xf32, #tpu.memory_space<vmem>> -> memref<624x16xf32, #tpu.memory_space<vmem>>
        %dma_start3A_349 = arith.constant 0 : i32
        %dma_start3A_350 = tpu.memref_slice %arg7[%mul3A_345, %dma_start3A_349] : memref<10000x16xf32, #tpu.memory_space<hbm>> -> memref<624x16xf32, #tpu.memory_space<hbm>>
        %dma_start3A_351 = arith.constant 0 : i32
        %dma_start3A_352 = tpu.memref_slice %arg7[%mul3A_345, %dma_start3A_351] : memref<10000x16xf32, #tpu.memory_space<hbm>> -> memref<624x16xf32, #tpu.memory_space<hbm>>
        %dma_start3A_353 = arith.constant 0 : i32
        %dma_start3A_354 = arith.constant 0 : i32
        %dma_start3A_355 = tpu.memref_slice %arg14[%dma_start3A_353, %dma_start3A_354] : memref<632x16xf32, #tpu.memory_space<vmem>> -> memref<624x16xf32, #tpu.memory_space<vmem>>
        tpu.enqueue_dma source(%dma_start3A_355 : memref<624x16xf32, #tpu.memory_space<vmem>>) target(%dma_start3A_352 : memref<624x16xf32, #tpu.memory_space<hbm>>) target_semaphore(%run_scoped3A : memref<!tpu.dma_semaphore, #tpu.memory_space<semaphore_mem>>)
        %dma_wait3A_356 = arith.constant 0 : i32
        %dma_wait3A_357 = arith.constant 0 : i32
        %dma_wait3A_358 = tpu.memref_slice %arg14[%dma_wait3A_356, %dma_wait3A_357] : memref<632x16xf32, #tpu.memory_space<vmem>> -> memref<624x16xf32, #tpu.memory_space<vmem>>
        %dma_wait3A_359 = arith.constant 0 : i32
        %dma_wait3A_360 = tpu.memref_slice %arg7[%mul3A_345, %dma_wait3A_359] : memref<10000x16xf32, #tpu.memory_space<hbm>> -> memref<624x16xf32, #tpu.memory_space<hbm>>
        %dma_wait3A_361 = arith.constant 0 : i32
        %dma_wait3A_362 = tpu.memref_slice %arg7[%mul3A_345, %dma_wait3A_361] : memref<10000x16xf32, #tpu.memory_space<hbm>> -> memref<624x16xf32, #tpu.memory_space<hbm>>
        %dma_wait3A_363 = arith.constant 0 : i32
        %dma_wait3A_364 = arith.constant 0 : i32
        %dma_wait3A_365 = tpu.memref_slice %arg14[%dma_wait3A_363, %dma_wait3A_364] : memref<632x16xf32, #tpu.memory_space<vmem>> -> memref<624x16xf32, #tpu.memory_space<vmem>>
        tpu.wait_dma2 semaphore(%run_scoped3A : memref<!tpu.dma_semaphore, #tpu.memory_space<semaphore_mem>>) src(%dma_wait3A_365 : memref<624x16xf32, #tpu.memory_space<vmem>>) dst(%dma_wait3A_362 : memref<624x16xf32, #tpu.memory_space<hbm>>)
        tpu.yield
      }) : () -> ()
    } else {
    }
    %eq3A_172 = arith.constant 15 : i32
    %eq3A_173 = arith.cmpi eq, %arg1, %eq3A_172 : i32
    %convert_element_type3A_174 = arith.extui %eq3A_173 : i1 to i32
    %cond3A_175 = arith.constant 0 : i32
    %cond3A_176 = arith.cmpi ne, %convert_element_type3A_174, %cond3A_175 : i32
    scf.if %cond3A_176 {
      "tpu.region"() ({
        %run_scoped3A = tpu.sem_alloc : memref<!tpu.dma_semaphore, #tpu.memory_space<semaphore_mem>>
        %dma_start3A_351 = arith.constant 0 : i32
        %dma_start3A_352 = arith.constant 0 : i32
        %dma_start3A_353 = tpu.memref_slice %arg13[%dma_start3A_351, %dma_start3A_352] : memref<632x64xf32, #tpu.memory_space<vmem>> -> memref<16x64xf32, #tpu.memory_space<vmem>>
        %dma_start3A_354 = arith.constant 9984 : i32
        %dma_start3A_355 = arith.constant 0 : i32
        %dma_start3A_356 = tpu.memref_slice %arg8[%dma_start3A_354, %dma_start3A_355] : memref<10112x64xf32, #tpu.memory_space<vmem_shared>> -> memref<16x64xf32, #tpu.memory_space<vmem_shared>>
        %dma_start3A_357 = arith.constant 0 : i32
        %dma_start3A_358 = arith.constant 0 : i32
        %dma_start3A_359 = tpu.memref_slice %arg13[%dma_start3A_357, %dma_start3A_358] : memref<632x64xf32, #tpu.memory_space<vmem>> -> memref<16x64xf32, #tpu.memory_space<vmem>>
        %dma_start3A_360 = arith.constant 9984 : i32
        %dma_start3A_361 = arith.constant 0 : i32
        %dma_start3A_362 = tpu.memref_slice %arg8[%dma_start3A_360, %dma_start3A_361] : memref<10112x64xf32, #tpu.memory_space<vmem_shared>> -> memref<16x64xf32, #tpu.memory_space<vmem_shared>>
        tpu.enqueue_dma source(%dma_start3A_362 : memref<16x64xf32, #tpu.memory_space<vmem_shared>>) target(%dma_start3A_359 : memref<16x64xf32, #tpu.memory_space<vmem>>) target_semaphore(%run_scoped3A : memref<!tpu.dma_semaphore, #tpu.memory_space<semaphore_mem>>)
        %dma_wait3A_363 = arith.constant 0 : i32
        %dma_wait3A_364 = arith.constant 0 : i32
        %dma_wait3A_365 = tpu.memref_slice %arg13[%dma_wait3A_363, %dma_wait3A_364] : memref<632x64xf32, #tpu.memory_space<vmem>> -> memref<16x64xf32, #tpu.memory_space<vmem>>
        %dma_wait3A_366 = arith.constant 9984 : i32
        %dma_wait3A_367 = arith.constant 0 : i32
        %dma_wait3A_368 = tpu.memref_slice %arg8[%dma_wait3A_366, %dma_wait3A_367] : memref<10112x64xf32, #tpu.memory_space<vmem_shared>> -> memref<16x64xf32, #tpu.memory_space<vmem_shared>>
        %dma_wait3A_369 = arith.constant 0 : i32
        %dma_wait3A_370 = arith.constant 0 : i32
        %dma_wait3A_371 = tpu.memref_slice %arg13[%dma_wait3A_369, %dma_wait3A_370] : memref<632x64xf32, #tpu.memory_space<vmem>> -> memref<16x64xf32, #tpu.memory_space<vmem>>
        %dma_wait3A_372 = arith.constant 9984 : i32
        %dma_wait3A_373 = arith.constant 0 : i32
        %dma_wait3A_374 = tpu.memref_slice %arg8[%dma_wait3A_372, %dma_wait3A_373] : memref<10112x64xf32, #tpu.memory_space<vmem_shared>> -> memref<16x64xf32, #tpu.memory_space<vmem_shared>>
        tpu.wait_dma2 semaphore(%run_scoped3A : memref<!tpu.dma_semaphore, #tpu.memory_space<semaphore_mem>>) src(%dma_wait3A_374 : memref<16x64xf32, #tpu.memory_space<vmem_shared>>) dst(%dma_wait3A_371 : memref<16x64xf32, #tpu.memory_space<vmem>>)
        tpu.yield
      }) : () -> ()
      %mul3A_342 = arith.constant 10000 : i32
      %mul3A_343 = arith.muli %arg0, %mul3A_342 : i32
      %add3A_344 = arith.constant 9984 : i32
      %add3A_345 = arith.addi %mul3A_343, %add3A_344 : i32
      "tpu.region"() ({
        %run_scoped3A = tpu.sem_alloc : memref<!tpu.dma_semaphore, #tpu.memory_space<semaphore_mem>>
        %dma_start3A_351 = arith.constant 0 : i32
        %dma_start3A_352 = arith.constant 0 : i32
        %dma_start3A_353 = tpu.memref_slice %arg13[%dma_start3A_351, %dma_start3A_352] : memref<632x64xf32, #tpu.memory_space<vmem>> -> memref<16x64xf32, #tpu.memory_space<vmem>>
        %dma_start3A_354 = arith.constant 0 : i32
        %dma_start3A_355 = tpu.memref_slice %arg5[%add3A_345, %dma_start3A_354] : memref<20000x64xf32, #tpu.memory_space<hbm>> -> memref<16x64xf32, #tpu.memory_space<hbm>>
        %dma_start3A_356 = arith.constant 0 : i32
        %dma_start3A_357 = tpu.memref_slice %arg5[%add3A_345, %dma_start3A_356] : memref<20000x64xf32, #tpu.memory_space<hbm>> -> memref<16x64xf32, #tpu.memory_space<hbm>>
        %dma_start3A_358 = arith.constant 0 : i32
        %dma_start3A_359 = arith.constant 0 : i32
        %dma_start3A_360 = tpu.memref_slice %arg13[%dma_start3A_358, %dma_start3A_359] : memref<632x64xf32, #tpu.memory_space<vmem>> -> memref<16x64xf32, #tpu.memory_space<vmem>>
        tpu.enqueue_dma source(%dma_start3A_360 : memref<16x64xf32, #tpu.memory_space<vmem>>) target(%dma_start3A_357 : memref<16x64xf32, #tpu.memory_space<hbm>>) target_semaphore(%run_scoped3A : memref<!tpu.dma_semaphore, #tpu.memory_space<semaphore_mem>>)
        %dma_wait3A_361 = arith.constant 0 : i32
        %dma_wait3A_362 = arith.constant 0 : i32
        %dma_wait3A_363 = tpu.memref_slice %arg13[%dma_wait3A_361, %dma_wait3A_362] : memref<632x64xf32, #tpu.memory_space<vmem>> -> memref<16x64xf32, #tpu.memory_space<vmem>>
        %dma_wait3A_364 = arith.constant 0 : i32
        %dma_wait3A_365 = tpu.memref_slice %arg5[%add3A_345, %dma_wait3A_364] : memref<20000x64xf32, #tpu.memory_space<hbm>> -> memref<16x64xf32, #tpu.memory_space<hbm>>
        %dma_wait3A_366 = arith.constant 0 : i32
        %dma_wait3A_367 = tpu.memref_slice %arg5[%add3A_345, %dma_wait3A_366] : memref<20000x64xf32, #tpu.memory_space<hbm>> -> memref<16x64xf32, #tpu.memory_space<hbm>>
        %dma_wait3A_368 = arith.constant 0 : i32
        %dma_wait3A_369 = arith.constant 0 : i32
        %dma_wait3A_370 = tpu.memref_slice %arg13[%dma_wait3A_368, %dma_wait3A_369] : memref<632x64xf32, #tpu.memory_space<vmem>> -> memref<16x64xf32, #tpu.memory_space<vmem>>
        tpu.wait_dma2 semaphore(%run_scoped3A : memref<!tpu.dma_semaphore, #tpu.memory_space<semaphore_mem>>) src(%dma_wait3A_370 : memref<16x64xf32, #tpu.memory_space<vmem>>) dst(%dma_wait3A_367 : memref<16x64xf32, #tpu.memory_space<hbm>>)
        tpu.yield
      }) : () -> ()
      %eq3A_346 = arith.constant 0 : i32
      %eq3A_347 = arith.cmpi eq, %arg0, %eq3A_346 : i32
      %convert_element_type3A_348 = arith.extui %eq3A_347 : i1 to i32
      %cond3A_349 = arith.constant 0 : i32
      %cond3A_350 = arith.cmpi ne, %convert_element_type3A_348, %cond3A_349 : i32
      scf.if %cond3A_350 {
        "tpu.region"() ({
          %run_scoped3A = tpu.sem_alloc : memref<!tpu.dma_semaphore, #tpu.memory_space<semaphore_mem>>
          %dma_start3A_351 = arith.constant 0 : i32
          %dma_start3A_352 = arith.constant 0 : i32
          %dma_start3A_353 = tpu.memref_slice %arg14[%dma_start3A_351, %dma_start3A_352] : memref<632x16xf32, #tpu.memory_space<vmem>> -> memref<16x16xf32, #tpu.memory_space<vmem>>
          %dma_start3A_354 = arith.constant 9984 : i32
          %dma_start3A_355 = arith.constant 0 : i32
          %dma_start3A_356 = tpu.memref_slice %arg9[%dma_start3A_354, %dma_start3A_355] : memref<10112x16xf32, #tpu.memory_space<vmem_shared>> -> memref<16x16xf32, #tpu.memory_space<vmem_shared>>
          %dma_start3A_357 = arith.constant 0 : i32
          %dma_start3A_358 = arith.constant 0 : i32
          %dma_start3A_359 = tpu.memref_slice %arg14[%dma_start3A_357, %dma_start3A_358] : memref<632x16xf32, #tpu.memory_space<vmem>> -> memref<16x16xf32, #tpu.memory_space<vmem>>
          %dma_start3A_360 = arith.constant 9984 : i32
          %dma_start3A_361 = arith.constant 0 : i32
          %dma_start3A_362 = tpu.memref_slice %arg9[%dma_start3A_360, %dma_start3A_361] : memref<10112x16xf32, #tpu.memory_space<vmem_shared>> -> memref<16x16xf32, #tpu.memory_space<vmem_shared>>
          tpu.enqueue_dma source(%dma_start3A_362 : memref<16x16xf32, #tpu.memory_space<vmem_shared>>) target(%dma_start3A_359 : memref<16x16xf32, #tpu.memory_space<vmem>>) target_semaphore(%run_scoped3A : memref<!tpu.dma_semaphore, #tpu.memory_space<semaphore_mem>>)
          %dma_wait3A_363 = arith.constant 0 : i32
          %dma_wait3A_364 = arith.constant 0 : i32
          %dma_wait3A_365 = tpu.memref_slice %arg14[%dma_wait3A_363, %dma_wait3A_364] : memref<632x16xf32, #tpu.memory_space<vmem>> -> memref<16x16xf32, #tpu.memory_space<vmem>>
          %dma_wait3A_366 = arith.constant 9984 : i32
          %dma_wait3A_367 = arith.constant 0 : i32
          %dma_wait3A_368 = tpu.memref_slice %arg9[%dma_wait3A_366, %dma_wait3A_367] : memref<10112x16xf32, #tpu.memory_space<vmem_shared>> -> memref<16x16xf32, #tpu.memory_space<vmem_shared>>
          %dma_wait3A_369 = arith.constant 0 : i32
          %dma_wait3A_370 = arith.constant 0 : i32
          %dma_wait3A_371 = tpu.memref_slice %arg14[%dma_wait3A_369, %dma_wait3A_370] : memref<632x16xf32, #tpu.memory_space<vmem>> -> memref<16x16xf32, #tpu.memory_space<vmem>>
          %dma_wait3A_372 = arith.constant 9984 : i32
          %dma_wait3A_373 = arith.constant 0 : i32
          %dma_wait3A_374 = tpu.memref_slice %arg9[%dma_wait3A_372, %dma_wait3A_373] : memref<10112x16xf32, #tpu.memory_space<vmem_shared>> -> memref<16x16xf32, #tpu.memory_space<vmem_shared>>
          tpu.wait_dma2 semaphore(%run_scoped3A : memref<!tpu.dma_semaphore, #tpu.memory_space<semaphore_mem>>) src(%dma_wait3A_374 : memref<16x16xf32, #tpu.memory_space<vmem_shared>>) dst(%dma_wait3A_371 : memref<16x16xf32, #tpu.memory_space<vmem>>)
          tpu.yield
        }) : () -> ()
        "tpu.region"() ({
          %run_scoped3A = tpu.sem_alloc : memref<!tpu.dma_semaphore, #tpu.memory_space<semaphore_mem>>
          %dma_start3A_351 = arith.constant 0 : i32
          %dma_start3A_352 = arith.constant 0 : i32
          %dma_start3A_353 = tpu.memref_slice %arg14[%dma_start3A_351, %dma_start3A_352] : memref<632x16xf32, #tpu.memory_space<vmem>> -> memref<16x16xf32, #tpu.memory_space<vmem>>
          %dma_start3A_354 = arith.constant 9984 : i32
          %dma_start3A_355 = arith.constant 0 : i32
          %dma_start3A_356 = tpu.memref_slice %arg7[%dma_start3A_354, %dma_start3A_355] : memref<10000x16xf32, #tpu.memory_space<hbm>> -> memref<16x16xf32, #tpu.memory_space<hbm>>
          %dma_start3A_357 = arith.constant 9984 : i32
          %dma_start3A_358 = arith.constant 0 : i32
          %dma_start3A_359 = tpu.memref_slice %arg7[%dma_start3A_357, %dma_start3A_358] : memref<10000x16xf32, #tpu.memory_space<hbm>> -> memref<16x16xf32, #tpu.memory_space<hbm>>
          %dma_start3A_360 = arith.constant 0 : i32
          %dma_start3A_361 = arith.constant 0 : i32
          %dma_start3A_362 = tpu.memref_slice %arg14[%dma_start3A_360, %dma_start3A_361] : memref<632x16xf32, #tpu.memory_space<vmem>> -> memref<16x16xf32, #tpu.memory_space<vmem>>
          tpu.enqueue_dma source(%dma_start3A_362 : memref<16x16xf32, #tpu.memory_space<vmem>>) target(%dma_start3A_359 : memref<16x16xf32, #tpu.memory_space<hbm>>) target_semaphore(%run_scoped3A : memref<!tpu.dma_semaphore, #tpu.memory_space<semaphore_mem>>)
          %dma_wait3A_363 = arith.constant 0 : i32
          %dma_wait3A_364 = arith.constant 0 : i32
          %dma_wait3A_365 = tpu.memref_slice %arg14[%dma_wait3A_363, %dma_wait3A_364] : memref<632x16xf32, #tpu.memory_space<vmem>> -> memref<16x16xf32, #tpu.memory_space<vmem>>
          %dma_wait3A_366 = arith.constant 9984 : i32
          %dma_wait3A_367 = arith.constant 0 : i32
          %dma_wait3A_368 = tpu.memref_slice %arg7[%dma_wait3A_366, %dma_wait3A_367] : memref<10000x16xf32, #tpu.memory_space<hbm>> -> memref<16x16xf32, #tpu.memory_space<hbm>>
          %dma_wait3A_369 = arith.constant 9984 : i32
          %dma_wait3A_370 = arith.constant 0 : i32
          %dma_wait3A_371 = tpu.memref_slice %arg7[%dma_wait3A_369, %dma_wait3A_370] : memref<10000x16xf32, #tpu.memory_space<hbm>> -> memref<16x16xf32, #tpu.memory_space<hbm>>
          %dma_wait3A_372 = arith.constant 0 : i32
          %dma_wait3A_373 = arith.constant 0 : i32
          %dma_wait3A_374 = tpu.memref_slice %arg14[%dma_wait3A_372, %dma_wait3A_373] : memref<632x16xf32, #tpu.memory_space<vmem>> -> memref<16x16xf32, #tpu.memory_space<vmem>>
          tpu.wait_dma2 semaphore(%run_scoped3A : memref<!tpu.dma_semaphore, #tpu.memory_space<semaphore_mem>>) src(%dma_wait3A_374 : memref<16x16xf32, #tpu.memory_space<vmem>>) dst(%dma_wait3A_371 : memref<16x16xf32, #tpu.memory_space<hbm>>)
          tpu.yield
        }) : () -> ()
      } else {
      }
    } else {
    }
    %barrier3A_177 = arith.constant 0 : index
    tpu.barrier barrier_id(%barrier3A_177)
    %scan3A_178 = arith.constant 0 : i32
    %scan3A_179 = arith.constant 0 : i32
    %scan3A_180 = arith.constant 632 : i32
    %scan3A_181 = arith.addi %scan3A_179, %scan3A_180 : i32
    %scan3A_182 = arith.constant 1 : i32
    scf.for %scan3A_342 = %scan3A_179 to %scan3A_181 step %scan3A_182  : i32 {
      %broadcast_in_dim3A = arith.constant 0.000000e+00 : f32
      %broadcast_in_dim3A_343 = vector.broadcast %broadcast_in_dim3A : f32 to vector<16xf32>
      %swap3A = arith.index_cast %scan3A_342 : i32 to index
      %swap3A_344 = arith.constant 0 : index
      %swap3A_345 = tpu.vector_load %arg13[%swap3A, %swap3A_344] {strides = array<i32>} : memref<632x64xf32, #tpu.memory_space<vmem>>, vector<1x16xf32>,
      %swap3A_346 = vector.shape_cast %swap3A_345 : vector<1x16xf32> to vector<16xf32>
      %swap3A_347 = vector.shape_cast %broadcast_in_dim3A_343 : vector<16xf32> to vector<1x16xf32>
      tpu.vector_store %arg13[%swap3A, %swap3A_344], %swap3A_347 {strides = array<i32>} : memref<632x64xf32, #tpu.memory_space<vmem>>, vector<1x16xf32>,
      %swap3A_348 = arith.index_cast %scan3A_342 : i32 to index
      %swap3A_349 = arith.constant 16 : index
      %swap3A_350 = tpu.vector_load %arg13[%swap3A_348, %swap3A_349] {strides = array<i32>} : memref<632x64xf32, #tpu.memory_space<vmem>>, vector<1x16xf32>,
      %swap3A_351 = vector.shape_cast %swap3A_350 : vector<1x16xf32> to vector<16xf32>
      %swap3A_352 = vector.shape_cast %broadcast_in_dim3A_343 : vector<16xf32> to vector<1x16xf32>
      tpu.vector_store %arg13[%swap3A_348, %swap3A_349], %swap3A_352 {strides = array<i32>} : memref<632x64xf32, #tpu.memory_space<vmem>>, vector<1x16xf32>,
      %swap3A_353 = arith.index_cast %scan3A_342 : i32 to index
      %swap3A_354 = arith.constant 32 : index
      %swap3A_355 = tpu.vector_load %arg13[%swap3A_353, %swap3A_354] {strides = array<i32>} : memref<632x64xf32, #tpu.memory_space<vmem>>, vector<1x16xf32>,
      %swap3A_356 = vector.shape_cast %swap3A_355 : vector<1x16xf32> to vector<16xf32>
      %swap3A_357 = vector.shape_cast %broadcast_in_dim3A_343 : vector<16xf32> to vector<1x16xf32>
      tpu.vector_store %arg13[%swap3A_353, %swap3A_354], %swap3A_357 {strides = array<i32>} : memref<632x64xf32, #tpu.memory_space<vmem>>, vector<1x16xf32>,
      %swap3A_358 = arith.index_cast %scan3A_342 : i32 to index
      %swap3A_359 = arith.constant 48 : index
      %swap3A_360 = tpu.vector_load %arg13[%swap3A_358, %swap3A_359] {strides = array<i32>} : memref<632x64xf32, #tpu.memory_space<vmem>>, vector<1x16xf32>,
      %swap3A_361 = vector.shape_cast %swap3A_360 : vector<1x16xf32> to vector<16xf32>
      %swap3A_362 = vector.shape_cast %broadcast_in_dim3A_343 : vector<16xf32> to vector<1x16xf32>
      tpu.vector_store %arg13[%swap3A_358, %swap3A_359], %swap3A_362 {strides = array<i32>} : memref<632x64xf32, #tpu.memory_space<vmem>>, vector<1x16xf32>,
    }
    %scan3A_183 = arith.constant 632 : i32
    %mul3A_184 = arith.constant 632 : i32
    %mul3A_185 = arith.muli %arg1, %mul3A_184 : i32
    "tpu.region"() ({
      %run_scoped3A = tpu.sem_alloc : memref<!tpu.dma_semaphore, #tpu.memory_space<semaphore_mem>>
      %dma_start3A_342 = arith.constant 0 : i32
      %dma_start3A_343 = tpu.memref_slice %arg8[%mul3A_185, %dma_start3A_342] : memref<10112x64xf32, #tpu.memory_space<vmem_shared>> -> memref<632x64xf32, #tpu.memory_space<vmem_shared>>
      %dma_start3A_344 = arith.constant 0 : i32
      %dma_start3A_345 = tpu.memref_slice %arg8[%mul3A_185, %dma_start3A_344] : memref<10112x64xf32, #tpu.memory_space<vmem_shared>> -> memref<632x64xf32, #tpu.memory_space<vmem_shared>>
      tpu.enqueue_dma source(%arg13 : memref<632x64xf32, #tpu.memory_space<vmem>>) target(%dma_start3A_345 : memref<632x64xf32, #tpu.memory_space<vmem_shared>>) target_semaphore(%run_scoped3A : memref<!tpu.dma_semaphore, #tpu.memory_space<semaphore_mem>>)
      %dma_wait3A_346 = arith.constant 0 : i32
      %dma_wait3A_347 = tpu.memref_slice %arg8[%mul3A_185, %dma_wait3A_346] : memref<10112x64xf32, #tpu.memory_space<vmem_shared>> -> memref<632x64xf32, #tpu.memory_space<vmem_shared>>
      %dma_wait3A_348 = arith.constant 0 : i32
      %dma_wait3A_349 = tpu.memref_slice %arg8[%mul3A_185, %dma_wait3A_348] : memref<10112x64xf32, #tpu.memory_space<vmem_shared>> -> memref<632x64xf32, #tpu.memory_space<vmem_shared>>
      tpu.wait_dma2 semaphore(%run_scoped3A : memref<!tpu.dma_semaphore, #tpu.memory_space<semaphore_mem>>) src(%arg13 : memref<632x64xf32, #tpu.memory_space<vmem>>) dst(%dma_wait3A_349 : memref<632x64xf32, #tpu.memory_space<vmem_shared>>)
      tpu.yield
    }) : () -> ()
    %barrier3A_186 = arith.constant 0 : index
    tpu.barrier barrier_id(%barrier3A_186)
    %mul3A_187 = arith.constant 10000 : i32
    %mul3A_188 = arith.muli %arg1, %mul3A_187 : i32
    %add3A_189 = arith.constant 0 : i32
    %add3A_190 = arith.addi %mul3A_188, %add3A_189 : i32
    %dma_start3A_191 = arith.constant 0 : i32
    %dma_start3A_192 = arith.constant 0 : i32
    %dma_start3A_193 = tpu.memref_slice %arg10[%dma_start3A_191, %dma_start3A_192] : memref<4x80xi32, #tpu.memory_space<vmem>> -> memref<1x80xi32, #tpu.memory_space<vmem>>
    %dma_start3A_194 = tpu.memref_squeeze %dma_start3A_193 : memref<1x80xi32, #tpu.memory_space<vmem>> -> memref<80xi32, #tpu.memory_space<vmem>>
    %dma_start3A_195 = tpu.memref_slice %arg4[%add3A_190] : memref<160000xi32, #tpu.memory_space<hbm>> -> memref<80xi32, #tpu.memory_space<hbm>>
    %dma_start3A_196 = arith.constant 0 : i32
    %dma_start3A_197 = tpu.memref_slice %arg10[%dma_start3A_191, %dma_start3A_196] : memref<4x80xi32, #tpu.memory_space<vmem>> -> memref<1x80xi32, #tpu.memory_space<vmem>>
    %dma_start3A_198 = tpu.memref_squeeze %dma_start3A_197 : memref<1x80xi32, #tpu.memory_space<vmem>> -> memref<80xi32, #tpu.memory_space<vmem>>
    %dma_start3A_199 = tpu.memref_slice %arg4[%add3A_190] : memref<160000xi32, #tpu.memory_space<hbm>> -> memref<80xi32, #tpu.memory_space<hbm>>
    tpu.enqueue_dma source(%dma_start3A_199 : memref<80xi32, #tpu.memory_space<hbm>>) target(%dma_start3A_198 : memref<80xi32, #tpu.memory_space<vmem>>) target_semaphore(%arg15 : memref<!tpu.dma_semaphore, #tpu.memory_space<semaphore_mem>>)
    %mul3A_200 = arith.constant 160000 : i32
    %mul3A_201 = arith.muli %arg0, %mul3A_200 : i32
    %add3A_202 = arith.addi %mul3A_201, %add3A_190 : i32
    %dma_start3A_203 = arith.constant 0 : i32
    %dma_start3A_204 = arith.constant 0 : i32
    %dma_start3A_205 = arith.constant 0 : i32
    %dma_start3A_206 = tpu.memref_slice %arg11[%dma_start3A_203, %dma_start3A_204, %dma_start3A_205] : memref<4x80x64xf32, #tpu.memory_space<vmem>> -> memref<1x80x64xf32, #tpu.memory_space<vmem>>
    %dma_start3A_207 = tpu.memref_squeeze %dma_start3A_206 : memref<1x80x64xf32, #tpu.memory_space<vmem>> -> memref<80x64xf32, #tpu.memory_space<vmem>>
    %dma_start3A_208 = arith.constant 0 : i32
    %dma_start3A_209 = tpu.memref_slice %arg3[%add3A_202, %dma_start3A_208] : memref<320000x64xf32, #tpu.memory_space<hbm>> -> memref<80x64xf32, #tpu.memory_space<hbm>>
    %dma_start3A_210 = arith.constant 0 : i32
    %dma_start3A_211 = arith.constant 0 : i32
    %dma_start3A_212 = tpu.memref_slice %arg11[%dma_start3A_203, %dma_start3A_210, %dma_start3A_211] : memref<4x80x64xf32, #tpu.memory_space<vmem>> -> memref<1x80x64xf32, #tpu.memory_space<vmem>>
    %dma_start3A_213 = tpu.memref_squeeze %dma_start3A_212 : memref<1x80x64xf32, #tpu.memory_space<vmem>> -> memref<80x64xf32, #tpu.memory_space<vmem>>
    %dma_start3A_214 = arith.constant 0 : i32
    %dma_start3A_215 = tpu.memref_slice %arg3[%add3A_202, %dma_start3A_214] : memref<320000x64xf32, #tpu.memory_space<hbm>> -> memref<80x64xf32, #tpu.memory_space<hbm>>
    tpu.enqueue_dma source(%dma_start3A_215 : memref<80x64xf32, #tpu.memory_space<hbm>>) target(%dma_start3A_213 : memref<80x64xf32, #tpu.memory_space<vmem>>) target_semaphore(%arg19 : memref<!tpu.dma_semaphore, #tpu.memory_space<semaphore_mem>>)
    %mul3A_216 = arith.constant 10000 : i32
    %mul3A_217 = arith.muli %arg1, %mul3A_216 : i32
    %add3A_218 = arith.constant 80 : i32
    %add3A_219 = arith.addi %mul3A_217, %add3A_218 : i32
    %dma_start3A_220 = arith.constant 1 : i32
    %dma_start3A_221 = arith.constant 0 : i32
    %dma_start3A_222 = tpu.memref_slice %arg10[%dma_start3A_220, %dma_start3A_221] : memref<4x80xi32, #tpu.memory_space<vmem>> -> memref<1x80xi32, #tpu.memory_space<vmem>>
    %dma_start3A_223 = tpu.memref_squeeze %dma_start3A_222 : memref<1x80xi32, #tpu.memory_space<vmem>> -> memref<80xi32, #tpu.memory_space<vmem>>
    %dma_start3A_224 = tpu.memref_slice %arg4[%add3A_219] : memref<160000xi32, #tpu.memory_space<hbm>> -> memref<80xi32, #tpu.memory_space<hbm>>
    %dma_start3A_225 = arith.constant 0 : i32
    %dma_start3A_226 = tpu.memref_slice %arg10[%dma_start3A_220, %dma_start3A_225] : memref<4x80xi32, #tpu.memory_space<vmem>> -> memref<1x80xi32, #tpu.memory_space<vmem>>
    %dma_start3A_227 = tpu.memref_squeeze %dma_start3A_226 : memref<1x80xi32, #tpu.memory_space<vmem>> -> memref<80xi32, #tpu.memory_space<vmem>>
    %dma_start3A_228 = tpu.memref_slice %arg4[%add3A_219] : memref<160000xi32, #tpu.memory_space<hbm>> -> memref<80xi32, #tpu.memory_space<hbm>>
    tpu.enqueue_dma source(%dma_start3A_228 : memref<80xi32, #tpu.memory_space<hbm>>) target(%dma_start3A_227 : memref<80xi32, #tpu.memory_space<vmem>>) target_semaphore(%arg16 : memref<!tpu.dma_semaphore, #tpu.memory_space<semaphore_mem>>)
    %mul3A_229 = arith.constant 160000 : i32
    %mul3A_230 = arith.muli %arg0, %mul3A_229 : i32
    %add3A_231 = arith.addi %mul3A_230, %add3A_219 : i32
    %dma_start3A_232 = arith.constant 1 : i32
    %dma_start3A_233 = arith.constant 0 : i32
    %dma_start3A_234 = arith.constant 0 : i32
    %dma_start3A_235 = tpu.memref_slice %arg11[%dma_start3A_232, %dma_start3A_233, %dma_start3A_234] : memref<4x80x64xf32, #tpu.memory_space<vmem>> -> memref<1x80x64xf32, #tpu.memory_space<vmem>>
    %dma_start3A_236 = tpu.memref_squeeze %dma_start3A_235 : memref<1x80x64xf32, #tpu.memory_space<vmem>> -> memref<80x64xf32, #tpu.memory_space<vmem>>
    %dma_start3A_237 = arith.constant 0 : i32
    %dma_start3A_238 = tpu.memref_slice %arg3[%add3A_231, %dma_start3A_237] : memref<320000x64xf32, #tpu.memory_space<hbm>> -> memref<80x64xf32, #tpu.memory_space<hbm>>
    %dma_start3A_239 = arith.constant 0 : i32
    %dma_start3A_240 = arith.constant 0 : i32
    %dma_start3A_241 = tpu.memref_slice %arg11[%dma_start3A_232, %dma_start3A_239, %dma_start3A_240] : memref<4x80x64xf32, #tpu.memory_space<vmem>> -> memref<1x80x64xf32, #tpu.memory_space<vmem>>
    %dma_start3A_242 = tpu.memref_squeeze %dma_start3A_241 : memref<1x80x64xf32, #tpu.memory_space<vmem>> -> memref<80x64xf32, #tpu.memory_space<vmem>>
    %dma_start3A_243 = arith.constant 0 : i32
    %dma_start3A_244 = tpu.memref_slice %arg3[%add3A_231, %dma_start3A_243] : memref<320000x64xf32, #tpu.memory_space<hbm>> -> memref<80x64xf32, #tpu.memory_space<hbm>>
    tpu.enqueue_dma source(%dma_start3A_244 : memref<80x64xf32, #tpu.memory_space<hbm>>) target(%dma_start3A_242 : memref<80x64xf32, #tpu.memory_space<vmem>>) target_semaphore(%arg20 : memref<!tpu.dma_semaphore, #tpu.memory_space<semaphore_mem>>)
    %scan3A_245 = arith.constant 0 : i32
    %scan3A_246 = arith.constant 0 : i32
    %scan3A_247 = arith.constant 31 : i32
    %scan3A_248 = arith.addi %scan3A_246, %scan3A_247 : i32
    %scan3A_249 = arith.constant 1 : i32
    scf.for %scan3A_342 = %scan3A_246 to %scan3A_248 step %scan3A_249  : i32 {
      %mul3A_343 = arith.constant 4 : i32
      %mul3A_344 = arith.muli %scan3A_342, %mul3A_343 : i32
      %add3A_345 = arith.constant 0 : i32
      %add3A_346 = arith.addi %mul3A_344, %add3A_345 : i32
      %ge3A = arith.constant 2 : i32
      %ge3A_347 = arith.cmpi sge, %add3A_346, %ge3A : i32
      %convert_element_type3A_348 = arith.extui %ge3A_347 : i1 to i32
      %cond3A_349 = arith.constant 0 : i32
      %cond3A_350 = arith.cmpi ne, %convert_element_type3A_348, %cond3A_349 : i32
      scf.if %cond3A_350 {
        %dma_wait3A_573 = arith.constant 2 : i32
        %dma_wait3A_574 = arith.constant 2 : i32
        %dma_wait3A_575 = arith.constant 0 : i32
        %dma_wait3A_576 = arith.constant 0 : i32
        %dma_wait3A_577 = tpu.memref_slice %arg11[%dma_wait3A_573, %dma_wait3A_575, %dma_wait3A_576] : memref<4x80x64xf32, #tpu.memory_space<vmem>> -> memref<1x80x64xf32, #tpu.memory_space<vmem>>
        %dma_wait3A_578 = tpu.memref_squeeze %dma_wait3A_577 : memref<1x80x64xf32, #tpu.memory_space<vmem>> -> memref<80x64xf32, #tpu.memory_space<vmem>>
        %dma_wait3A_579 = arith.constant 0 : i32
        %dma_wait3A_580 = tpu.memref_slice %arg10[%dma_wait3A_574, %dma_wait3A_579] : memref<4x80xi32, #tpu.memory_space<vmem>> -> memref<1x80xi32, #tpu.memory_space<vmem>>
        %dma_wait3A_581 = tpu.memref_squeeze %dma_wait3A_580 : memref<1x80xi32, #tpu.memory_space<vmem>> -> memref<80xi32, #tpu.memory_space<vmem>>
        %dma_wait3A_582 = arith.constant 0 : i32
        %dma_wait3A_583 = arith.constant 0 : i32
        %dma_wait3A_584 = tpu.memref_slice %arg8[%dma_wait3A_582, %dma_wait3A_583] : memref<10112x64xf32, #tpu.memory_space<vmem_shared>> -> memref<10112x64xf32, #tpu.memory_space<vmem_shared>>
        tpu.wait_indirect_dma semaphore(%arg25 : memref<!tpu.dma_semaphore, #tpu.memory_space<semaphore_mem>>) src(%dma_wait3A_578 : memref<80x64xf32, #tpu.memory_space<vmem>>) dst(%dma_wait3A_584 : memref<10112x64xf32, #tpu.memory_space<vmem_shared>>)
      } else {
      }
      %add3A_351 = arith.constant 2 : i32
      %add3A_352 = arith.addi %add3A_346, %add3A_351 : i32
      %le3A = arith.constant 124 : i32
      %le3A_353 = arith.cmpi sle, %add3A_352, %le3A : i32
      %convert_element_type3A_354 = arith.extui %le3A_353 : i1 to i32
      %cond3A_355 = arith.constant 0 : i32
      %cond3A_356 = arith.cmpi ne, %convert_element_type3A_354, %cond3A_355 : i32
      scf.if %cond3A_356 {
        %add3A_573 = arith.constant 2 : i32
        %add3A_574 = arith.addi %add3A_346, %add3A_573 : i32
        %mul3A_575 = arith.constant 10000 : i32
        %mul3A_576 = arith.muli %arg1, %mul3A_575 : i32
        %mul3A_577 = arith.constant 80 : i32
        %mul3A_578 = arith.muli %add3A_574, %mul3A_577 : i32
        %add3A_579 = arith.addi %mul3A_576, %mul3A_578 : i32
        %dma_start3A_580 = arith.constant 2 : i32
        %dma_start3A_581 = arith.constant 0 : i32
        %dma_start3A_582 = tpu.memref_slice %arg10[%dma_start3A_580, %dma_start3A_581] : memref<4x80xi32, #tpu.memory_space<vmem>> -> memref<1x80xi32, #tpu.memory_space<vmem>>
        %dma_start3A_583 = tpu.memref_squeeze %dma_start3A_582 : memref<1x80xi32, #tpu.memory_space<vmem>> -> memref<80xi32, #tpu.memory_space<vmem>>
        %dma_start3A_584 = tpu.memref_slice %arg4[%add3A_579] : memref<160000xi32, #tpu.memory_space<hbm>> -> memref<80xi32, #tpu.memory_space<hbm>>
        %dma_start3A_585 = arith.constant 0 : i32
        %dma_start3A_586 = tpu.memref_slice %arg10[%dma_start3A_580, %dma_start3A_585] : memref<4x80xi32, #tpu.memory_space<vmem>> -> memref<1x80xi32, #tpu.memory_space<vmem>>
        %dma_start3A_587 = tpu.memref_squeeze %dma_start3A_586 : memref<1x80xi32, #tpu.memory_space<vmem>> -> memref<80xi32, #tpu.memory_space<vmem>>
        %dma_start3A_588 = tpu.memref_slice %arg4[%add3A_579] : memref<160000xi32, #tpu.memory_space<hbm>> -> memref<80xi32, #tpu.memory_space<hbm>>
        tpu.enqueue_dma source(%dma_start3A_588 : memref<80xi32, #tpu.memory_space<hbm>>) target(%dma_start3A_587 : memref<80xi32, #tpu.memory_space<vmem>>) target_semaphore(%arg17 : memref<!tpu.dma_semaphore, #tpu.memory_space<semaphore_mem>>)
        %mul3A_589 = arith.constant 160000 : i32
        %mul3A_590 = arith.muli %arg0, %mul3A_589 : i32
        %add3A_591 = arith.addi %mul3A_590, %add3A_579 : i32
        %dma_start3A_592 = arith.constant 2 : i32
        %dma_start3A_593 = arith.constant 0 : i32
        %dma_start3A_594 = arith.constant 0 : i32
        %dma_start3A_595 = tpu.memref_slice %arg11[%dma_start3A_592, %dma_start3A_593, %dma_start3A_594] : memref<4x80x64xf32, #tpu.memory_space<vmem>> -> memref<1x80x64xf32, #tpu.memory_space<vmem>>
        %dma_start3A_596 = tpu.memref_squeeze %dma_start3A_595 : memref<1x80x64xf32, #tpu.memory_space<vmem>> -> memref<80x64xf32, #tpu.memory_space<vmem>>
        %dma_start3A_597 = arith.constant 0 : i32
        %dma_start3A_598 = tpu.memref_slice %arg3[%add3A_591, %dma_start3A_597] : memref<320000x64xf32, #tpu.memory_space<hbm>> -> memref<80x64xf32, #tpu.memory_space<hbm>>
        %dma_start3A_599 = arith.constant 0 : i32
        %dma_start3A_600 = arith.constant 0 : i32
        %dma_start3A_601 = tpu.memref_slice %arg11[%dma_start3A_592, %dma_start3A_599, %dma_start3A_600] : memref<4x80x64xf32, #tpu.memory_space<vmem>> -> memref<1x80x64xf32, #tpu.memory_space<vmem>>
        %dma_start3A_602 = tpu.memref_squeeze %dma_start3A_601 : memref<1x80x64xf32, #tpu.memory_space<vmem>> -> memref<80x64xf32, #tpu.memory_space<vmem>>
        %dma_start3A_603 = arith.constant 0 : i32
        %dma_start3A_604 = tpu.memref_slice %arg3[%add3A_591, %dma_start3A_603] : memref<320000x64xf32, #tpu.memory_space<hbm>> -> memref<80x64xf32, #tpu.memory_space<hbm>>
        tpu.enqueue_dma source(%dma_start3A_604 : memref<80x64xf32, #tpu.memory_space<hbm>>) target(%dma_start3A_602 : memref<80x64xf32, #tpu.memory_space<vmem>>) target_semaphore(%arg21 : memref<!tpu.dma_semaphore, #tpu.memory_space<semaphore_mem>>)
      } else {
      }
      %mul3A_357 = arith.constant 10000 : i32
      %mul3A_358 = arith.muli %arg1, %mul3A_357 : i32
      %mul3A_359 = arith.constant 80 : i32
      %mul3A_360 = arith.muli %add3A_346, %mul3A_359 : i32
      %add3A_361 = arith.addi %mul3A_358, %mul3A_360 : i32
      %dma_wait3A_362 = arith.constant 0 : i32
      %dma_wait3A_363 = arith.constant 0 : i32
      %dma_wait3A_364 = tpu.memref_slice %arg10[%dma_wait3A_362, %dma_wait3A_363] : memref<4x80xi32, #tpu.memory_space<vmem>> -> memref<1x80xi32, #tpu.memory_space<vmem>>
      %dma_wait3A_365 = tpu.memref_squeeze %dma_wait3A_364 : memref<1x80xi32, #tpu.memory_space<vmem>> -> memref<80xi32, #tpu.memory_space<vmem>>
      %dma_wait3A_366 = tpu.memref_slice %arg4[%add3A_361] : memref<160000xi32, #tpu.memory_space<hbm>> -> memref<80xi32, #tpu.memory_space<hbm>>
      %dma_wait3A_367 = arith.constant 0 : i32
      %dma_wait3A_368 = tpu.memref_slice %arg10[%dma_wait3A_362, %dma_wait3A_367] : memref<4x80xi32, #tpu.memory_space<vmem>> -> memref<1x80xi32, #tpu.memory_space<vmem>>
      %dma_wait3A_369 = tpu.memref_squeeze %dma_wait3A_368 : memref<1x80xi32, #tpu.memory_space<vmem>> -> memref<80xi32, #tpu.memory_space<vmem>>
      %dma_wait3A_370 = tpu.memref_slice %arg4[%add3A_361] : memref<160000xi32, #tpu.memory_space<hbm>> -> memref<80xi32, #tpu.memory_space<hbm>>
      tpu.wait_dma2 semaphore(%arg15 : memref<!tpu.dma_semaphore, #tpu.memory_space<semaphore_mem>>) src(%dma_wait3A_370 : memref<80xi32, #tpu.memory_space<hbm>>) dst(%dma_wait3A_369 : memref<80xi32, #tpu.memory_space<vmem>>)
      %mul3A_371 = arith.constant 160000 : i32
      %mul3A_372 = arith.muli %arg0, %mul3A_371 : i32
      %add3A_373 = arith.addi %mul3A_372, %add3A_361 : i32
      %dma_wait3A_374 = arith.constant 0 : i32
      %dma_wait3A_375 = arith.constant 0 : i32
      %dma_wait3A_376 = arith.constant 0 : i32
      %dma_wait3A_377 = tpu.memref_slice %arg11[%dma_wait3A_374, %dma_wait3A_375, %dma_wait3A_376] : memref<4x80x64xf32, #tpu.memory_space<vmem>> -> memref<1x80x64xf32, #tpu.memory_space<vmem>>
      %dma_wait3A_378 = tpu.memref_squeeze %dma_wait3A_377 : memref<1x80x64xf32, #tpu.memory_space<vmem>> -> memref<80x64xf32, #tpu.memory_space<vmem>>
      %dma_wait3A_379 = arith.constant 0 : i32
      %dma_wait3A_380 = tpu.memref_slice %arg3[%add3A_373, %dma_wait3A_379] : memref<320000x64xf32, #tpu.memory_space<hbm>> -> memref<80x64xf32, #tpu.memory_space<hbm>>
      %dma_wait3A_381 = arith.constant 0 : i32
      %dma_wait3A_382 = arith.constant 0 : i32
      %dma_wait3A_383 = tpu.memref_slice %arg11[%dma_wait3A_374, %dma_wait3A_381, %dma_wait3A_382] : memref<4x80x64xf32, #tpu.memory_space<vmem>> -> memref<1x80x64xf32, #tpu.memory_space<vmem>>
      %dma_wait3A_384 = tpu.memref_squeeze %dma_wait3A_383 : memref<1x80x64xf32, #tpu.memory_space<vmem>> -> memref<80x64xf32, #tpu.memory_space<vmem>>
      %dma_wait3A_385 = arith.constant 0 : i32
      %dma_wait3A_386 = tpu.memref_slice %arg3[%add3A_373, %dma_wait3A_385] : memref<320000x64xf32, #tpu.memory_space<hbm>> -> memref<80x64xf32, #tpu.memory_space<hbm>>
      tpu.wait_dma2 semaphore(%arg19 : memref<!tpu.dma_semaphore, #tpu.memory_space<semaphore_mem>>) src(%dma_wait3A_386 : memref<80x64xf32, #tpu.memory_space<hbm>>) dst(%dma_wait3A_384 : memref<80x64xf32, #tpu.memory_space<vmem>>)
      %dma_start3A_387 = arith.constant 0 : i32
      %dma_start3A_388 = arith.constant 0 : i32
      %dma_start3A_389 = arith.constant 0 : i32
      %dma_start3A_390 = arith.constant 0 : i32
      %dma_start3A_391 = tpu.memref_slice %arg11[%dma_start3A_387, %dma_start3A_389, %dma_start3A_390] : memref<4x80x64xf32, #tpu.memory_space<vmem>> -> memref<1x80x64xf32, #tpu.memory_space<vmem>>
      %dma_start3A_392 = tpu.memref_squeeze %dma_start3A_391 : memref<1x80x64xf32, #tpu.memory_space<vmem>> -> memref<80x64xf32, #tpu.memory_space<vmem>>
      %dma_start3A_393 = arith.constant 0 : i32
      %dma_start3A_394 = tpu.memref_slice %arg10[%dma_start3A_388, %dma_start3A_393] : memref<4x80xi32, #tpu.memory_space<vmem>> -> memref<1x80xi32, #tpu.memory_space<vmem>>
      %dma_start3A_395 = tpu.memref_squeeze %dma_start3A_394 : memref<1x80xi32, #tpu.memory_space<vmem>> -> memref<80xi32, #tpu.memory_space<vmem>>
      %dma_start3A_396 = arith.constant 0 : i32
      %dma_start3A_397 = arith.constant 0 : i32
      %dma_start3A_398 = tpu.memref_slice %arg8[%dma_start3A_396, %dma_start3A_397] : memref<10112x64xf32, #tpu.memory_space<vmem_shared>> -> memref<10112x64xf32, #tpu.memory_space<vmem_shared>>
      tpu.enqueue_indirect_dma source(%dma_start3A_392 : memref<80x64xf32, #tpu.memory_space<vmem>>) target(%dma_start3A_398 : memref<10112x64xf32, #tpu.memory_space<vmem_shared>>) offsets(%dma_start3A_395 : memref<80xi32, #tpu.memory_space<vmem>>) semaphore(%arg23 : memref<!tpu.dma_semaphore, #tpu.memory_space<semaphore_mem>>) {add = true}
      %mul3A_399 = arith.constant 4 : i32
      %mul3A_400 = arith.muli %scan3A_342, %mul3A_399 : i32
      %add3A_401 = arith.constant 1 : i32
      %add3A_402 = arith.addi %mul3A_400, %add3A_401 : i32
      %ge3A_403 = arith.constant 2 : i32
      %ge3A_404 = arith.cmpi sge, %add3A_402, %ge3A_403 : i32
      %convert_element_type3A_405 = arith.extui %ge3A_404 : i1 to i32
      %cond3A_406 = arith.constant 0 : i32
      %cond3A_407 = arith.cmpi ne, %convert_element_type3A_405, %cond3A_406 : i32
      scf.if %cond3A_407 {
        %dma_wait3A_573 = arith.constant 3 : i32
        %dma_wait3A_574 = arith.constant 3 : i32
        %dma_wait3A_575 = arith.constant 0 : i32
        %dma_wait3A_576 = arith.constant 0 : i32
        %dma_wait3A_577 = tpu.memref_slice %arg11[%dma_wait3A_573, %dma_wait3A_575, %dma_wait3A_576] : memref<4x80x64xf32, #tpu.memory_space<vmem>> -> memref<1x80x64xf32, #tpu.memory_space<vmem>>
        %dma_wait3A_578 = tpu.memref_squeeze %dma_wait3A_577 : memref<1x80x64xf32, #tpu.memory_space<vmem>> -> memref<80x64xf32, #tpu.memory_space<vmem>>
        %dma_wait3A_579 = arith.constant 0 : i32
        %dma_wait3A_580 = tpu.memref_slice %arg10[%dma_wait3A_574, %dma_wait3A_579] : memref<4x80xi32, #tpu.memory_space<vmem>> -> memref<1x80xi32, #tpu.memory_space<vmem>>
        %dma_wait3A_581 = tpu.memref_squeeze %dma_wait3A_580 : memref<1x80xi32, #tpu.memory_space<vmem>> -> memref<80xi32, #tpu.memory_space<vmem>>
        %dma_wait3A_582 = arith.constant 0 : i32
        %dma_wait3A_583 = arith.constant 0 : i32
        %dma_wait3A_584 = tpu.memref_slice %arg8[%dma_wait3A_582, %dma_wait3A_583] : memref<10112x64xf32, #tpu.memory_space<vmem_shared>> -> memref<10112x64xf32, #tpu.memory_space<vmem_shared>>
        tpu.wait_indirect_dma semaphore(%arg26 : memref<!tpu.dma_semaphore, #tpu.memory_space<semaphore_mem>>) src(%dma_wait3A_578 : memref<80x64xf32, #tpu.memory_space<vmem>>) dst(%dma_wait3A_584 : memref<10112x64xf32, #tpu.memory_space<vmem_shared>>)
      } else {
      }
      %add3A_408 = arith.constant 2 : i32
      %add3A_409 = arith.addi %add3A_402, %add3A_408 : i32
      %le3A_410 = arith.constant 124 : i32
      %le3A_411 = arith.cmpi sle, %add3A_409, %le3A_410 : i32
      %convert_element_type3A_412 = arith.extui %le3A_411 : i1 to i32
      %cond3A_413 = arith.constant 0 : i32
      %cond3A_414 = arith.cmpi ne, %convert_element_type3A_412, %cond3A_413 : i32
      scf.if %cond3A_414 {
        %add3A_573 = arith.constant 2 : i32
        %add3A_574 = arith.addi %add3A_402, %add3A_573 : i32
        %mul3A_575 = arith.constant 10000 : i32
        %mul3A_576 = arith.muli %arg1, %mul3A_575 : i32
        %mul3A_577 = arith.constant 80 : i32
        %mul3A_578 = arith.muli %add3A_574, %mul3A_577 : i32
        %add3A_579 = arith.addi %mul3A_576, %mul3A_578 : i32
        %dma_start3A_580 = arith.constant 3 : i32
        %dma_start3A_581 = arith.constant 0 : i32
        %dma_start3A_582 = tpu.memref_slice %arg10[%dma_start3A_580, %dma_start3A_581] : memref<4x80xi32, #tpu.memory_space<vmem>> -> memref<1x80xi32, #tpu.memory_space<vmem>>
        %dma_start3A_583 = tpu.memref_squeeze %dma_start3A_582 : memref<1x80xi32, #tpu.memory_space<vmem>> -> memref<80xi32, #tpu.memory_space<vmem>>
        %dma_start3A_584 = tpu.memref_slice %arg4[%add3A_579] : memref<160000xi32, #tpu.memory_space<hbm>> -> memref<80xi32, #tpu.memory_space<hbm>>
        %dma_start3A_585 = arith.constant 0 : i32
        %dma_start3A_586 = tpu.memref_slice %arg10[%dma_start3A_580, %dma_start3A_585] : memref<4x80xi32, #tpu.memory_space<vmem>> -> memref<1x80xi32, #tpu.memory_space<vmem>>
        %dma_start3A_587 = tpu.memref_squeeze %dma_start3A_586 : memref<1x80xi32, #tpu.memory_space<vmem>> -> memref<80xi32, #tpu.memory_space<vmem>>
        %dma_start3A_588 = tpu.memref_slice %arg4[%add3A_579] : memref<160000xi32, #tpu.memory_space<hbm>> -> memref<80xi32, #tpu.memory_space<hbm>>
        tpu.enqueue_dma source(%dma_start3A_588 : memref<80xi32, #tpu.memory_space<hbm>>) target(%dma_start3A_587 : memref<80xi32, #tpu.memory_space<vmem>>) target_semaphore(%arg18 : memref<!tpu.dma_semaphore, #tpu.memory_space<semaphore_mem>>)
        %mul3A_589 = arith.constant 160000 : i32
        %mul3A_590 = arith.muli %arg0, %mul3A_589 : i32
        %add3A_591 = arith.addi %mul3A_590, %add3A_579 : i32
        %dma_start3A_592 = arith.constant 3 : i32
        %dma_start3A_593 = arith.constant 0 : i32
        %dma_start3A_594 = arith.constant 0 : i32
        %dma_start3A_595 = tpu.memref_slice %arg11[%dma_start3A_592, %dma_start3A_593, %dma_start3A_594] : memref<4x80x64xf32, #tpu.memory_space<vmem>> -> memref<1x80x64xf32, #tpu.memory_space<vmem>>
        %dma_start3A_596 = tpu.memref_squeeze %dma_start3A_595 : memref<1x80x64xf32, #tpu.memory_space<vmem>> -> memref<80x64xf32, #tpu.memory_space<vmem>>
        %dma_start3A_597 = arith.constant 0 : i32
        %dma_start3A_598 = tpu.memref_slice %arg3[%add3A_591, %dma_start3A_597] : memref<320000x64xf32, #tpu.memory_space<hbm>> -> memref<80x64xf32, #tpu.memory_space<hbm>>
        %dma_start3A_599 = arith.constant 0 : i32
        %dma_start3A_600 = arith.constant 0 : i32
        %dma_start3A_601 = tpu.memref_slice %arg11[%dma_start3A_592, %dma_start3A_599, %dma_start3A_600] : memref<4x80x64xf32, #tpu.memory_space<vmem>> -> memref<1x80x64xf32, #tpu.memory_space<vmem>>
        %dma_start3A_602 = tpu.memref_squeeze %dma_start3A_601 : memref<1x80x64xf32, #tpu.memory_space<vmem>> -> memref<80x64xf32, #tpu.memory_space<vmem>>
        %dma_start3A_603 = arith.constant 0 : i32
        %dma_start3A_604 = tpu.memref_slice %arg3[%add3A_591, %dma_start3A_603] : memref<320000x64xf32, #tpu.memory_space<hbm>> -> memref<80x64xf32, #tpu.memory_space<hbm>>
        tpu.enqueue_dma source(%dma_start3A_604 : memref<80x64xf32, #tpu.memory_space<hbm>>) target(%dma_start3A_602 : memref<80x64xf32, #tpu.memory_space<vmem>>) target_semaphore(%arg22 : memref<!tpu.dma_semaphore, #tpu.memory_space<semaphore_mem>>)
      } else {
      }
      %mul3A_415 = arith.constant 10000 : i32
      %mul3A_416 = arith.muli %arg1, %mul3A_415 : i32
      %mul3A_417 = arith.constant 80 : i32
      %mul3A_418 = arith.muli %add3A_402, %mul3A_417 : i32
      %add3A_419 = arith.addi %mul3A_416, %mul3A_418 : i32
      %dma_wait3A_420 = arith.constant 1 : i32
      %dma_wait3A_421 = arith.constant 0 : i32
      %dma_wait3A_422 = tpu.memref_slice %arg10[%dma_wait3A_420, %dma_wait3A_421] : memref<4x80xi32, #tpu.memory_space<vmem>> -> memref<1x80xi32, #tpu.memory_space<vmem>>
      %dma_wait3A_423 = tpu.memref_squeeze %dma_wait3A_422 : memref<1x80xi32, #tpu.memory_space<vmem>> -> memref<80xi32, #tpu.memory_space<vmem>>
      %dma_wait3A_424 = tpu.memref_slice %arg4[%add3A_419] : memref<160000xi32, #tpu.memory_space<hbm>> -> memref<80xi32, #tpu.memory_space<hbm>>
      %dma_wait3A_425 = arith.constant 0 : i32
      %dma_wait3A_426 = tpu.memref_slice %arg10[%dma_wait3A_420, %dma_wait3A_425] : memref<4x80xi32, #tpu.memory_space<vmem>> -> memref<1x80xi32, #tpu.memory_space<vmem>>
      %dma_wait3A_427 = tpu.memref_squeeze %dma_wait3A_426 : memref<1x80xi32, #tpu.memory_space<vmem>> -> memref<80xi32, #tpu.memory_space<vmem>>
      %dma_wait3A_428 = tpu.memref_slice %arg4[%add3A_419] : memref<160000xi32, #tpu.memory_space<hbm>> -> memref<80xi32, #tpu.memory_space<hbm>>
      tpu.wait_dma2 semaphore(%arg16 : memref<!tpu.dma_semaphore, #tpu.memory_space<semaphore_mem>>) src(%dma_wait3A_428 : memref<80xi32, #tpu.memory_space<hbm>>) dst(%dma_wait3A_427 : memref<80xi32, #tpu.memory_space<vmem>>)
      %mul3A_429 = arith.constant 160000 : i32
      %mul3A_430 = arith.muli %arg0, %mul3A_429 : i32
      %add3A_431 = arith.addi %mul3A_430, %add3A_419 : i32
      %dma_wait3A_432 = arith.constant 1 : i32
      %dma_wait3A_433 = arith.constant 0 : i32
      %dma_wait3A_434 = arith.constant 0 : i32
      %dma_wait3A_435 = tpu.memref_slice %arg11[%dma_wait3A_432, %dma_wait3A_433, %dma_wait3A_434] : memref<4x80x64xf32, #tpu.memory_space<vmem>> -> memref<1x80x64xf32, #tpu.memory_space<vmem>>
      %dma_wait3A_436 = tpu.memref_squeeze %dma_wait3A_435 : memref<1x80x64xf32, #tpu.memory_space<vmem>> -> memref<80x64xf32, #tpu.memory_space<vmem>>
      %dma_wait3A_437 = arith.constant 0 : i32
      %dma_wait3A_438 = tpu.memref_slice %arg3[%add3A_431, %dma_wait3A_437] : memref<320000x64xf32, #tpu.memory_space<hbm>> -> memref<80x64xf32, #tpu.memory_space<hbm>>
      %dma_wait3A_439 = arith.constant 0 : i32
      %dma_wait3A_440 = arith.constant 0 : i32
      %dma_wait3A_441 = tpu.memref_slice %arg11[%dma_wait3A_432, %dma_wait3A_439, %dma_wait3A_440] : memref<4x80x64xf32, #tpu.memory_space<vmem>> -> memref<1x80x64xf32, #tpu.memory_space<vmem>>
      %dma_wait3A_442 = tpu.memref_squeeze %dma_wait3A_441 : memref<1x80x64xf32, #tpu.memory_space<vmem>> -> memref<80x64xf32, #tpu.memory_space<vmem>>
      %dma_wait3A_443 = arith.constant 0 : i32
      %dma_wait3A_444 = tpu.memref_slice %arg3[%add3A_431, %dma_wait3A_443] : memref<320000x64xf32, #tpu.memory_space<hbm>> -> memref<80x64xf32, #tpu.memory_space<hbm>>
      tpu.wait_dma2 semaphore(%arg20 : memref<!tpu.dma_semaphore, #tpu.memory_space<semaphore_mem>>) src(%dma_wait3A_444 : memref<80x64xf32, #tpu.memory_space<hbm>>) dst(%dma_wait3A_442 : memref<80x64xf32, #tpu.memory_space<vmem>>)
      %dma_start3A_445 = arith.constant 1 : i32
      %dma_start3A_446 = arith.constant 1 : i32
      %dma_start3A_447 = arith.constant 0 : i32
      %dma_start3A_448 = arith.constant 0 : i32
      %dma_start3A_449 = tpu.memref_slice %arg11[%dma_start3A_445, %dma_start3A_447, %dma_start3A_448] : memref<4x80x64xf32, #tpu.memory_space<vmem>> -> memref<1x80x64xf32, #tpu.memory_space<vmem>>
      %dma_start3A_450 = tpu.memref_squeeze %dma_start3A_449 : memref<1x80x64xf32, #tpu.memory_space<vmem>> -> memref<80x64xf32, #tpu.memory_space<vmem>>
      %dma_start3A_451 = arith.constant 0 : i32
      %dma_start3A_452 = tpu.memref_slice %arg10[%dma_start3A_446, %dma_start3A_451] : memref<4x80xi32, #tpu.memory_space<vmem>> -> memref<1x80xi32, #tpu.memory_space<vmem>>
      %dma_start3A_453 = tpu.memref_squeeze %dma_start3A_452 : memref<1x80xi32, #tpu.memory_space<vmem>> -> memref<80xi32, #tpu.memory_space<vmem>>
      %dma_start3A_454 = arith.constant 0 : i32
      %dma_start3A_455 = arith.constant 0 : i32
      %dma_start3A_456 = tpu.memref_slice %arg8[%dma_start3A_454, %dma_start3A_455] : memref<10112x64xf32, #tpu.memory_space<vmem_shared>> -> memref<10112x64xf32, #tpu.memory_space<vmem_shared>>
      tpu.enqueue_indirect_dma source(%dma_start3A_450 : memref<80x64xf32, #tpu.memory_space<vmem>>) target(%dma_start3A_456 : memref<10112x64xf32, #tpu.memory_space<vmem_shared>>) offsets(%dma_start3A_453 : memref<80xi32, #tpu.memory_space<vmem>>) semaphore(%arg24 : memref<!tpu.dma_semaphore, #tpu.memory_space<semaphore_mem>>) {add = true}
      %mul3A_457 = arith.constant 4 : i32
      %mul3A_458 = arith.muli %scan3A_342, %mul3A_457 : i32
      %add3A_459 = arith.constant 2 : i32
      %add3A_460 = arith.addi %mul3A_458, %add3A_459 : i32
      %ge3A_461 = arith.constant 2 : i32
      %ge3A_462 = arith.cmpi sge, %add3A_460, %ge3A_461 : i32
      %convert_element_type3A_463 = arith.extui %ge3A_462 : i1 to i32
      %cond3A_464 = arith.constant 0 : i32
      %cond3A_465 = arith.cmpi ne, %convert_element_type3A_463, %cond3A_464 : i32
      scf.if %cond3A_465 {
        %dma_wait3A_573 = arith.constant 0 : i32
        %dma_wait3A_574 = arith.constant 0 : i32
        %dma_wait3A_575 = arith.constant 0 : i32
        %dma_wait3A_576 = arith.constant 0 : i32
        %dma_wait3A_577 = tpu.memref_slice %arg11[%dma_wait3A_573, %dma_wait3A_575, %dma_wait3A_576] : memref<4x80x64xf32, #tpu.memory_space<vmem>> -> memref<1x80x64xf32, #tpu.memory_space<vmem>>
        %dma_wait3A_578 = tpu.memref_squeeze %dma_wait3A_577 : memref<1x80x64xf32, #tpu.memory_space<vmem>> -> memref<80x64xf32, #tpu.memory_space<vmem>>
        %dma_wait3A_579 = arith.constant 0 : i32
        %dma_wait3A_580 = tpu.memref_slice %arg10[%dma_wait3A_574, %dma_wait3A_579] : memref<4x80xi32, #tpu.memory_space<vmem>> -> memref<1x80xi32, #tpu.memory_space<vmem>>
        %dma_wait3A_581 = tpu.memref_squeeze %dma_wait3A_580 : memref<1x80xi32, #tpu.memory_space<vmem>> -> memref<80xi32, #tpu.memory_space<vmem>>
        %dma_wait3A_582 = arith.constant 0 : i32
        %dma_wait3A_583 = arith.constant 0 : i32
        %dma_wait3A_584 = tpu.memref_slice %arg8[%dma_wait3A_582, %dma_wait3A_583] : memref<10112x64xf32, #tpu.memory_space<vmem_shared>> -> memref<10112x64xf32, #tpu.memory_space<vmem_shared>>
        tpu.wait_indirect_dma semaphore(%arg23 : memref<!tpu.dma_semaphore, #tpu.memory_space<semaphore_mem>>) src(%dma_wait3A_578 : memref<80x64xf32, #tpu.memory_space<vmem>>) dst(%dma_wait3A_584 : memref<10112x64xf32, #tpu.memory_space<vmem_shared>>)
      } else {
      }
      %add3A_466 = arith.constant 2 : i32
      %add3A_467 = arith.addi %add3A_460, %add3A_466 : i32
      %le3A_468 = arith.constant 124 : i32
      %le3A_469 = arith.cmpi sle, %add3A_467, %le3A_468 : i32
      %convert_element_type3A_470 = arith.extui %le3A_469 : i1 to i32
      %cond3A_471 = arith.constant 0 : i32
      %cond3A_472 = arith.cmpi ne, %convert_element_type3A_470, %cond3A_471 : i32
      scf.if %cond3A_472 {
        %add3A_573 = arith.constant 2 : i32
        %add3A_574 = arith.addi %add3A_460, %add3A_573 : i32
        %mul3A_575 = arith.constant 10000 : i32
        %mul3A_576 = arith.muli %arg1, %mul3A_575 : i32
        %mul3A_577 = arith.constant 80 : i32
        %mul3A_578 = arith.muli %add3A_574, %mul3A_577 : i32
        %add3A_579 = arith.addi %mul3A_576, %mul3A_578 : i32
        %dma_start3A_580 = arith.constant 0 : i32
        %dma_start3A_581 = arith.constant 0 : i32
        %dma_start3A_582 = tpu.memref_slice %arg10[%dma_start3A_580, %dma_start3A_581] : memref<4x80xi32, #tpu.memory_space<vmem>> -> memref<1x80xi32, #tpu.memory_space<vmem>>
        %dma_start3A_583 = tpu.memref_squeeze %dma_start3A_582 : memref<1x80xi32, #tpu.memory_space<vmem>> -> memref<80xi32, #tpu.memory_space<vmem>>
        %dma_start3A_584 = tpu.memref_slice %arg4[%add3A_579] : memref<160000xi32, #tpu.memory_space<hbm>> -> memref<80xi32, #tpu.memory_space<hbm>>
        %dma_start3A_585 = arith.constant 0 : i32
        %dma_start3A_586 = tpu.memref_slice %arg10[%dma_start3A_580, %dma_start3A_585] : memref<4x80xi32, #tpu.memory_space<vmem>> -> memref<1x80xi32, #tpu.memory_space<vmem>>
        %dma_start3A_587 = tpu.memref_squeeze %dma_start3A_586 : memref<1x80xi32, #tpu.memory_space<vmem>> -> memref<80xi32, #tpu.memory_space<vmem>>
        %dma_start3A_588 = tpu.memref_slice %arg4[%add3A_579] : memref<160000xi32, #tpu.memory_space<hbm>> -> memref<80xi32, #tpu.memory_space<hbm>>
        tpu.enqueue_dma source(%dma_start3A_588 : memref<80xi32, #tpu.memory_space<hbm>>) target(%dma_start3A_587 : memref<80xi32, #tpu.memory_space<vmem>>) target_semaphore(%arg15 : memref<!tpu.dma_semaphore, #tpu.memory_space<semaphore_mem>>)
        %mul3A_589 = arith.constant 160000 : i32
        %mul3A_590 = arith.muli %arg0, %mul3A_589 : i32
        %add3A_591 = arith.addi %mul3A_590, %add3A_579 : i32
        %dma_start3A_592 = arith.constant 0 : i32
        %dma_start3A_593 = arith.constant 0 : i32
        %dma_start3A_594 = arith.constant 0 : i32
        %dma_start3A_595 = tpu.memref_slice %arg11[%dma_start3A_592, %dma_start3A_593, %dma_start3A_594] : memref<4x80x64xf32, #tpu.memory_space<vmem>> -> memref<1x80x64xf32, #tpu.memory_space<vmem>>
        %dma_start3A_596 = tpu.memref_squeeze %dma_start3A_595 : memref<1x80x64xf32, #tpu.memory_space<vmem>> -> memref<80x64xf32, #tpu.memory_space<vmem>>
        %dma_start3A_597 = arith.constant 0 : i32
        %dma_start3A_598 = tpu.memref_slice %arg3[%add3A_591, %dma_start3A_597] : memref<320000x64xf32, #tpu.memory_space<hbm>> -> memref<80x64xf32, #tpu.memory_space<hbm>>
        %dma_start3A_599 = arith.constant 0 : i32
        %dma_start3A_600 = arith.constant 0 : i32
        %dma_start3A_601 = tpu.memref_slice %arg11[%dma_start3A_592, %dma_start3A_599, %dma_start3A_600] : memref<4x80x64xf32, #tpu.memory_space<vmem>> -> memref<1x80x64xf32, #tpu.memory_space<vmem>>
        %dma_start3A_602 = tpu.memref_squeeze %dma_start3A_601 : memref<1x80x64xf32, #tpu.memory_space<vmem>> -> memref<80x64xf32, #tpu.memory_space<vmem>>
        %dma_start3A_603 = arith.constant 0 : i32
        %dma_start3A_604 = tpu.memref_slice %arg3[%add3A_591, %dma_start3A_603] : memref<320000x64xf32, #tpu.memory_space<hbm>> -> memref<80x64xf32, #tpu.memory_space<hbm>>
        tpu.enqueue_dma source(%dma_start3A_604 : memref<80x64xf32, #tpu.memory_space<hbm>>) target(%dma_start3A_602 : memref<80x64xf32, #tpu.memory_space<vmem>>) target_semaphore(%arg19 : memref<!tpu.dma_semaphore, #tpu.memory_space<semaphore_mem>>)
      } else {
      }
      %mul3A_473 = arith.constant 10000 : i32
      %mul3A_474 = arith.muli %arg1, %mul3A_473 : i32
      %mul3A_475 = arith.constant 80 : i32
      %mul3A_476 = arith.muli %add3A_460, %mul3A_475 : i32
      %add3A_477 = arith.addi %mul3A_474, %mul3A_476 : i32
      %dma_wait3A_478 = arith.constant 2 : i32
      %dma_wait3A_479 = arith.constant 0 : i32
      %dma_wait3A_480 = tpu.memref_slice %arg10[%dma_wait3A_478, %dma_wait3A_479] : memref<4x80xi32, #tpu.memory_space<vmem>> -> memref<1x80xi32, #tpu.memory_space<vmem>>
      %dma_wait3A_481 = tpu.memref_squeeze %dma_wait3A_480 : memref<1x80xi32, #tpu.memory_space<vmem>> -> memref<80xi32, #tpu.memory_space<vmem>>
      %dma_wait3A_482 = tpu.memref_slice %arg4[%add3A_477] : memref<160000xi32, #tpu.memory_space<hbm>> -> memref<80xi32, #tpu.memory_space<hbm>>
      %dma_wait3A_483 = arith.constant 0 : i32
      %dma_wait3A_484 = tpu.memref_slice %arg10[%dma_wait3A_478, %dma_wait3A_483] : memref<4x80xi32, #tpu.memory_space<vmem>> -> memref<1x80xi32, #tpu.memory_space<vmem>>
      %dma_wait3A_485 = tpu.memref_squeeze %dma_wait3A_484 : memref<1x80xi32, #tpu.memory_space<vmem>> -> memref<80xi32, #tpu.memory_space<vmem>>
      %dma_wait3A_486 = tpu.memref_slice %arg4[%add3A_477] : memref<160000xi32, #tpu.memory_space<hbm>> -> memref<80xi32, #tpu.memory_space<hbm>>
      tpu.wait_dma2 semaphore(%arg17 : memref<!tpu.dma_semaphore, #tpu.memory_space<semaphore_mem>>) src(%dma_wait3A_486 : memref<80xi32, #tpu.memory_space<hbm>>) dst(%dma_wait3A_485 : memref<80xi32, #tpu.memory_space<vmem>>)
      %mul3A_487 = arith.constant 160000 : i32
      %mul3A_488 = arith.muli %arg0, %mul3A_487 : i32
      %add3A_489 = arith.addi %mul3A_488, %add3A_477 : i32
      %dma_wait3A_490 = arith.constant 2 : i32
      %dma_wait3A_491 = arith.constant 0 : i32
      %dma_wait3A_492 = arith.constant 0 : i32
      %dma_wait3A_493 = tpu.memref_slice %arg11[%dma_wait3A_490, %dma_wait3A_491, %dma_wait3A_492] : memref<4x80x64xf32, #tpu.memory_space<vmem>> -> memref<1x80x64xf32, #tpu.memory_space<vmem>>
      %dma_wait3A_494 = tpu.memref_squeeze %dma_wait3A_493 : memref<1x80x64xf32, #tpu.memory_space<vmem>> -> memref<80x64xf32, #tpu.memory_space<vmem>>
      %dma_wait3A_495 = arith.constant 0 : i32
      %dma_wait3A_496 = tpu.memref_slice %arg3[%add3A_489, %dma_wait3A_495] : memref<320000x64xf32, #tpu.memory_space<hbm>> -> memref<80x64xf32, #tpu.memory_space<hbm>>
      %dma_wait3A_497 = arith.constant 0 : i32
      %dma_wait3A_498 = arith.constant 0 : i32
      %dma_wait3A_499 = tpu.memref_slice %arg11[%dma_wait3A_490, %dma_wait3A_497, %dma_wait3A_498] : memref<4x80x64xf32, #tpu.memory_space<vmem>> -> memref<1x80x64xf32, #tpu.memory_space<vmem>>
      %dma_wait3A_500 = tpu.memref_squeeze %dma_wait3A_499 : memref<1x80x64xf32, #tpu.memory_space<vmem>> -> memref<80x64xf32, #tpu.memory_space<vmem>>
      %dma_wait3A_501 = arith.constant 0 : i32
      %dma_wait3A_502 = tpu.memref_slice %arg3[%add3A_489, %dma_wait3A_501] : memref<320000x64xf32, #tpu.memory_space<hbm>> -> memref<80x64xf32, #tpu.memory_space<hbm>>
      tpu.wait_dma2 semaphore(%arg21 : memref<!tpu.dma_semaphore, #tpu.memory_space<semaphore_mem>>) src(%dma_wait3A_502 : memref<80x64xf32, #tpu.memory_space<hbm>>) dst(%dma_wait3A_500 : memref<80x64xf32, #tpu.memory_space<vmem>>)
      %dma_start3A_503 = arith.constant 2 : i32
      %dma_start3A_504 = arith.constant 2 : i32
      %dma_start3A_505 = arith.constant 0 : i32
      %dma_start3A_506 = arith.constant 0 : i32
      %dma_start3A_507 = tpu.memref_slice %arg11[%dma_start3A_503, %dma_start3A_505, %dma_start3A_506] : memref<4x80x64xf32, #tpu.memory_space<vmem>> -> memref<1x80x64xf32, #tpu.memory_space<vmem>>
      %dma_start3A_508 = tpu.memref_squeeze %dma_start3A_507 : memref<1x80x64xf32, #tpu.memory_space<vmem>> -> memref<80x64xf32, #tpu.memory_space<vmem>>
      %dma_start3A_509 = arith.constant 0 : i32
      %dma_start3A_510 = tpu.memref_slice %arg10[%dma_start3A_504, %dma_start3A_509] : memref<4x80xi32, #tpu.memory_space<vmem>> -> memref<1x80xi32, #tpu.memory_space<vmem>>
      %dma_start3A_511 = tpu.memref_squeeze %dma_start3A_510 : memref<1x80xi32, #tpu.memory_space<vmem>> -> memref<80xi32, #tpu.memory_space<vmem>>
      %dma_start3A_512 = arith.constant 0 : i32
      %dma_start3A_513 = arith.constant 0 : i32
      %dma_start3A_514 = tpu.memref_slice %arg8[%dma_start3A_512, %dma_start3A_513] : memref<10112x64xf32, #tpu.memory_space<vmem_shared>> -> memref<10112x64xf32, #tpu.memory_space<vmem_shared>>
      tpu.enqueue_indirect_dma source(%dma_start3A_508 : memref<80x64xf32, #tpu.memory_space<vmem>>) target(%dma_start3A_514 : memref<10112x64xf32, #tpu.memory_space<vmem_shared>>) offsets(%dma_start3A_511 : memref<80xi32, #tpu.memory_space<vmem>>) semaphore(%arg25 : memref<!tpu.dma_semaphore, #tpu.memory_space<semaphore_mem>>) {add = true}
      %mul3A_515 = arith.constant 4 : i32
      %mul3A_516 = arith.muli %scan3A_342, %mul3A_515 : i32
      %add3A_517 = arith.constant 3 : i32
      %add3A_518 = arith.addi %mul3A_516, %add3A_517 : i32
      %ge3A_519 = arith.constant 2 : i32
      %ge3A_520 = arith.cmpi sge, %add3A_518, %ge3A_519 : i32
      %convert_element_type3A_521 = arith.extui %ge3A_520 : i1 to i32
      %cond3A_522 = arith.constant 0 : i32
      %cond3A_523 = arith.cmpi ne, %convert_element_type3A_521, %cond3A_522 : i32
      scf.if %cond3A_523 {
        %dma_wait3A_573 = arith.constant 1 : i32
        %dma_wait3A_574 = arith.constant 1 : i32
        %dma_wait3A_575 = arith.constant 0 : i32
        %dma_wait3A_576 = arith.constant 0 : i32
        %dma_wait3A_577 = tpu.memref_slice %arg11[%dma_wait3A_573, %dma_wait3A_575, %dma_wait3A_576] : memref<4x80x64xf32, #tpu.memory_space<vmem>> -> memref<1x80x64xf32, #tpu.memory_space<vmem>>
        %dma_wait3A_578 = tpu.memref_squeeze %dma_wait3A_577 : memref<1x80x64xf32, #tpu.memory_space<vmem>> -> memref<80x64xf32, #tpu.memory_space<vmem>>
        %dma_wait3A_579 = arith.constant 0 : i32
        %dma_wait3A_580 = tpu.memref_slice %arg10[%dma_wait3A_574, %dma_wait3A_579] : memref<4x80xi32, #tpu.memory_space<vmem>> -> memref<1x80xi32, #tpu.memory_space<vmem>>
        %dma_wait3A_581 = tpu.memref_squeeze %dma_wait3A_580 : memref<1x80xi32, #tpu.memory_space<vmem>> -> memref<80xi32, #tpu.memory_space<vmem>>
        %dma_wait3A_582 = arith.constant 0 : i32
        %dma_wait3A_583 = arith.constant 0 : i32
        %dma_wait3A_584 = tpu.memref_slice %arg8[%dma_wait3A_582, %dma_wait3A_583] : memref<10112x64xf32, #tpu.memory_space<vmem_shared>> -> memref<10112x64xf32, #tpu.memory_space<vmem_shared>>
        tpu.wait_indirect_dma semaphore(%arg24 : memref<!tpu.dma_semaphore, #tpu.memory_space<semaphore_mem>>) src(%dma_wait3A_578 : memref<80x64xf32, #tpu.memory_space<vmem>>) dst(%dma_wait3A_584 : memref<10112x64xf32, #tpu.memory_space<vmem_shared>>)
      } else {
      }
      %add3A_524 = arith.constant 2 : i32
      %add3A_525 = arith.addi %add3A_518, %add3A_524 : i32
      %le3A_526 = arith.constant 124 : i32
      %le3A_527 = arith.cmpi sle, %add3A_525, %le3A_526 : i32
      %convert_element_type3A_528 = arith.extui %le3A_527 : i1 to i32
      %cond3A_529 = arith.constant 0 : i32
      %cond3A_530 = arith.cmpi ne, %convert_element_type3A_528, %cond3A_529 : i32
      scf.if %cond3A_530 {
        %add3A_573 = arith.constant 2 : i32
        %add3A_574 = arith.addi %add3A_518, %add3A_573 : i32
        %mul3A_575 = arith.constant 10000 : i32
        %mul3A_576 = arith.muli %arg1, %mul3A_575 : i32
        %mul3A_577 = arith.constant 80 : i32
        %mul3A_578 = arith.muli %add3A_574, %mul3A_577 : i32
        %add3A_579 = arith.addi %mul3A_576, %mul3A_578 : i32
        %dma_start3A_580 = arith.constant 1 : i32
        %dma_start3A_581 = arith.constant 0 : i32
        %dma_start3A_582 = tpu.memref_slice %arg10[%dma_start3A_580, %dma_start3A_581] : memref<4x80xi32, #tpu.memory_space<vmem>> -> memref<1x80xi32, #tpu.memory_space<vmem>>
        %dma_start3A_583 = tpu.memref_squeeze %dma_start3A_582 : memref<1x80xi32, #tpu.memory_space<vmem>> -> memref<80xi32, #tpu.memory_space<vmem>>
        %dma_start3A_584 = tpu.memref_slice %arg4[%add3A_579] : memref<160000xi32, #tpu.memory_space<hbm>> -> memref<80xi32, #tpu.memory_space<hbm>>
        %dma_start3A_585 = arith.constant 0 : i32
        %dma_start3A_586 = tpu.memref_slice %arg10[%dma_start3A_580, %dma_start3A_585] : memref<4x80xi32, #tpu.memory_space<vmem>> -> memref<1x80xi32, #tpu.memory_space<vmem>>
        %dma_start3A_587 = tpu.memref_squeeze %dma_start3A_586 : memref<1x80xi32, #tpu.memory_space<vmem>> -> memref<80xi32, #tpu.memory_space<vmem>>
        %dma_start3A_588 = tpu.memref_slice %arg4[%add3A_579] : memref<160000xi32, #tpu.memory_space<hbm>> -> memref<80xi32, #tpu.memory_space<hbm>>
        tpu.enqueue_dma source(%dma_start3A_588 : memref<80xi32, #tpu.memory_space<hbm>>) target(%dma_start3A_587 : memref<80xi32, #tpu.memory_space<vmem>>) target_semaphore(%arg16 : memref<!tpu.dma_semaphore, #tpu.memory_space<semaphore_mem>>)
        %mul3A_589 = arith.constant 160000 : i32
        %mul3A_590 = arith.muli %arg0, %mul3A_589 : i32
        %add3A_591 = arith.addi %mul3A_590, %add3A_579 : i32
        %dma_start3A_592 = arith.constant 1 : i32
        %dma_start3A_593 = arith.constant 0 : i32
        %dma_start3A_594 = arith.constant 0 : i32
        %dma_start3A_595 = tpu.memref_slice %arg11[%dma_start3A_592, %dma_start3A_593, %dma_start3A_594] : memref<4x80x64xf32, #tpu.memory_space<vmem>> -> memref<1x80x64xf32, #tpu.memory_space<vmem>>
        %dma_start3A_596 = tpu.memref_squeeze %dma_start3A_595 : memref<1x80x64xf32, #tpu.memory_space<vmem>> -> memref<80x64xf32, #tpu.memory_space<vmem>>
        %dma_start3A_597 = arith.constant 0 : i32
        %dma_start3A_598 = tpu.memref_slice %arg3[%add3A_591, %dma_start3A_597] : memref<320000x64xf32, #tpu.memory_space<hbm>> -> memref<80x64xf32, #tpu.memory_space<hbm>>
        %dma_start3A_599 = arith.constant 0 : i32
        %dma_start3A_600 = arith.constant 0 : i32
        %dma_start3A_601 = tpu.memref_slice %arg11[%dma_start3A_592, %dma_start3A_599, %dma_start3A_600] : memref<4x80x64xf32, #tpu.memory_space<vmem>> -> memref<1x80x64xf32, #tpu.memory_space<vmem>>
        %dma_start3A_602 = tpu.memref_squeeze %dma_start3A_601 : memref<1x80x64xf32, #tpu.memory_space<vmem>> -> memref<80x64xf32, #tpu.memory_space<vmem>>
        %dma_start3A_603 = arith.constant 0 : i32
        %dma_start3A_604 = tpu.memref_slice %arg3[%add3A_591, %dma_start3A_603] : memref<320000x64xf32, #tpu.memory_space<hbm>> -> memref<80x64xf32, #tpu.memory_space<hbm>>
        tpu.enqueue_dma source(%dma_start3A_604 : memref<80x64xf32, #tpu.memory_space<hbm>>) target(%dma_start3A_602 : memref<80x64xf32, #tpu.memory_space<vmem>>) target_semaphore(%arg20 : memref<!tpu.dma_semaphore, #tpu.memory_space<semaphore_mem>>)
      } else {
      }
      %mul3A_531 = arith.constant 10000 : i32
      %mul3A_532 = arith.muli %arg1, %mul3A_531 : i32
      %mul3A_533 = arith.constant 80 : i32
      %mul3A_534 = arith.muli %add3A_518, %mul3A_533 : i32
      %add3A_535 = arith.addi %mul3A_532, %mul3A_534 : i32
      %dma_wait3A_536 = arith.constant 3 : i32
      %dma_wait3A_537 = arith.constant 0 : i32
      %dma_wait3A_538 = tpu.memref_slice %arg10[%dma_wait3A_536, %dma_wait3A_537] : memref<4x80xi32, #tpu.memory_space<vmem>> -> memref<1x80xi32, #tpu.memory_space<vmem>>
      %dma_wait3A_539 = tpu.memref_squeeze %dma_wait3A_538 : memref<1x80xi32, #tpu.memory_space<vmem>> -> memref<80xi32, #tpu.memory_space<vmem>>
      %dma_wait3A_540 = tpu.memref_slice %arg4[%add3A_535] : memref<160000xi32, #tpu.memory_space<hbm>> -> memref<80xi32, #tpu.memory_space<hbm>>
      %dma_wait3A_541 = arith.constant 0 : i32
      %dma_wait3A_542 = tpu.memref_slice %arg10[%dma_wait3A_536, %dma_wait3A_541] : memref<4x80xi32, #tpu.memory_space<vmem>> -> memref<1x80xi32, #tpu.memory_space<vmem>>
      %dma_wait3A_543 = tpu.memref_squeeze %dma_wait3A_542 : memref<1x80xi32, #tpu.memory_space<vmem>> -> memref<80xi32, #tpu.memory_space<vmem>>
      %dma_wait3A_544 = tpu.memref_slice %arg4[%add3A_535] : memref<160000xi32, #tpu.memory_space<hbm>> -> memref<80xi32, #tpu.memory_space<hbm>>
      tpu.wait_dma2 semaphore(%arg18 : memref<!tpu.dma_semaphore, #tpu.memory_space<semaphore_mem>>) src(%dma_wait3A_544 : memref<80xi32, #tpu.memory_space<hbm>>) dst(%dma_wait3A_543 : memref<80xi32, #tpu.memory_space<vmem>>)
      %mul3A_545 = arith.constant 160000 : i32
      %mul3A_546 = arith.muli %arg0, %mul3A_545 : i32
      %add3A_547 = arith.addi %mul3A_546, %add3A_535 : i32
      %dma_wait3A_548 = arith.constant 3 : i32
      %dma_wait3A_549 = arith.constant 0 : i32
      %dma_wait3A_550 = arith.constant 0 : i32
      %dma_wait3A_551 = tpu.memref_slice %arg11[%dma_wait3A_548, %dma_wait3A_549, %dma_wait3A_550] : memref<4x80x64xf32, #tpu.memory_space<vmem>> -> memref<1x80x64xf32, #tpu.memory_space<vmem>>
      %dma_wait3A_552 = tpu.memref_squeeze %dma_wait3A_551 : memref<1x80x64xf32, #tpu.memory_space<vmem>> -> memref<80x64xf32, #tpu.memory_space<vmem>>
      %dma_wait3A_553 = arith.constant 0 : i32
      %dma_wait3A_554 = tpu.memref_slice %arg3[%add3A_547, %dma_wait3A_553] : memref<320000x64xf32, #tpu.memory_space<hbm>> -> memref<80x64xf32, #tpu.memory_space<hbm>>
      %dma_wait3A_555 = arith.constant 0 : i32
      %dma_wait3A_556 = arith.constant 0 : i32
      %dma_wait3A_557 = tpu.memref_slice %arg11[%dma_wait3A_548, %dma_wait3A_555, %dma_wait3A_556] : memref<4x80x64xf32, #tpu.memory_space<vmem>> -> memref<1x80x64xf32, #tpu.memory_space<vmem>>
      %dma_wait3A_558 = tpu.memref_squeeze %dma_wait3A_557 : memref<1x80x64xf32, #tpu.memory_space<vmem>> -> memref<80x64xf32, #tpu.memory_space<vmem>>
      %dma_wait3A_559 = arith.constant 0 : i32
      %dma_wait3A_560 = tpu.memref_slice %arg3[%add3A_547, %dma_wait3A_559] : memref<320000x64xf32, #tpu.memory_space<hbm>> -> memref<80x64xf32, #tpu.memory_space<hbm>>
      tpu.wait_dma2 semaphore(%arg22 : memref<!tpu.dma_semaphore, #tpu.memory_space<semaphore_mem>>) src(%dma_wait3A_560 : memref<80x64xf32, #tpu.memory_space<hbm>>) dst(%dma_wait3A_558 : memref<80x64xf32, #tpu.memory_space<vmem>>)
      %dma_start3A_561 = arith.constant 3 : i32
      %dma_start3A_562 = arith.constant 3 : i32
      %dma_start3A_563 = arith.constant 0 : i32
      %dma_start3A_564 = arith.constant 0 : i32
      %dma_start3A_565 = tpu.memref_slice %arg11[%dma_start3A_561, %dma_start3A_563, %dma_start3A_564] : memref<4x80x64xf32, #tpu.memory_space<vmem>> -> memref<1x80x64xf32, #tpu.memory_space<vmem>>
      %dma_start3A_566 = tpu.memref_squeeze %dma_start3A_565 : memref<1x80x64xf32, #tpu.memory_space<vmem>> -> memref<80x64xf32, #tpu.memory_space<vmem>>
      %dma_start3A_567 = arith.constant 0 : i32
      %dma_start3A_568 = tpu.memref_slice %arg10[%dma_start3A_562, %dma_start3A_567] : memref<4x80xi32, #tpu.memory_space<vmem>> -> memref<1x80xi32, #tpu.memory_space<vmem>>
      %dma_start3A_569 = tpu.memref_squeeze %dma_start3A_568 : memref<1x80xi32, #tpu.memory_space<vmem>> -> memref<80xi32, #tpu.memory_space<vmem>>
      %dma_start3A_570 = arith.constant 0 : i32
      %dma_start3A_571 = arith.constant 0 : i32
      %dma_start3A_572 = tpu.memref_slice %arg8[%dma_start3A_570, %dma_start3A_571] : memref<10112x64xf32, #tpu.memory_space<vmem_shared>> -> memref<10112x64xf32, #tpu.memory_space<vmem_shared>>
      tpu.enqueue_indirect_dma source(%dma_start3A_566 : memref<80x64xf32, #tpu.memory_space<vmem>>) target(%dma_start3A_572 : memref<10112x64xf32, #tpu.memory_space<vmem_shared>>) offsets(%dma_start3A_569 : memref<80xi32, #tpu.memory_space<vmem>>) semaphore(%arg26 : memref<!tpu.dma_semaphore, #tpu.memory_space<semaphore_mem>>) {add = true}
    }
    %scan3A_250 = arith.constant 31 : i32
    %dma_wait3A_251 = arith.constant 2 : i32
    %dma_wait3A_252 = arith.constant 2 : i32
    %dma_wait3A_253 = arith.constant 0 : i32
    %dma_wait3A_254 = arith.constant 0 : i32
    %dma_wait3A_255 = tpu.memref_slice %arg11[%dma_wait3A_251, %dma_wait3A_253, %dma_wait3A_254] : memref<4x80x64xf32, #tpu.memory_space<vmem>> -> memref<1x80x64xf32, #tpu.memory_space<vmem>>
    %dma_wait3A_256 = tpu.memref_squeeze %dma_wait3A_255 : memref<1x80x64xf32, #tpu.memory_space<vmem>> -> memref<80x64xf32, #tpu.memory_space<vmem>>
    %dma_wait3A_257 = arith.constant 0 : i32
    %dma_wait3A_258 = tpu.memref_slice %arg10[%dma_wait3A_252, %dma_wait3A_257] : memref<4x80xi32, #tpu.memory_space<vmem>> -> memref<1x80xi32, #tpu.memory_space<vmem>>
    %dma_wait3A_259 = tpu.memref_squeeze %dma_wait3A_258 : memref<1x80xi32, #tpu.memory_space<vmem>> -> memref<80xi32, #tpu.memory_space<vmem>>
    %dma_wait3A_260 = arith.constant 0 : i32
    %dma_wait3A_261 = arith.constant 0 : i32
    %dma_wait3A_262 = tpu.memref_slice %arg8[%dma_wait3A_260, %dma_wait3A_261] : memref<10112x64xf32, #tpu.memory_space<vmem_shared>> -> memref<10112x64xf32, #tpu.memory_space<vmem_shared>>
    tpu.wait_indirect_dma semaphore(%arg25 : memref<!tpu.dma_semaphore, #tpu.memory_space<semaphore_mem>>) src(%dma_wait3A_256 : memref<80x64xf32, #tpu.memory_space<vmem>>) dst(%dma_wait3A_262 : memref<10112x64xf32, #tpu.memory_space<vmem_shared>>)
    %mul3A_263 = arith.constant 10000 : i32
    %mul3A_264 = arith.muli %arg1, %mul3A_263 : i32
    %add3A_265 = arith.constant 9920 : i32
    %add3A_266 = arith.addi %mul3A_264, %add3A_265 : i32
    %dma_wait3A_267 = arith.constant 0 : i32
    %dma_wait3A_268 = arith.constant 0 : i32
    %dma_wait3A_269 = tpu.memref_slice %arg10[%dma_wait3A_267, %dma_wait3A_268] : memref<4x80xi32, #tpu.memory_space<vmem>> -> memref<1x80xi32, #tpu.memory_space<vmem>>
    %dma_wait3A_270 = tpu.memref_squeeze %dma_wait3A_269 : memref<1x80xi32, #tpu.memory_space<vmem>> -> memref<80xi32, #tpu.memory_space<vmem>>
    %dma_wait3A_271 = tpu.memref_slice %arg4[%add3A_266] : memref<160000xi32, #tpu.memory_space<hbm>> -> memref<80xi32, #tpu.memory_space<hbm>>
    %dma_wait3A_272 = arith.constant 0 : i32
    %dma_wait3A_273 = tpu.memref_slice %arg10[%dma_wait3A_267, %dma_wait3A_272] : memref<4x80xi32, #tpu.memory_space<vmem>> -> memref<1x80xi32, #tpu.memory_space<vmem>>
    %dma_wait3A_274 = tpu.memref_squeeze %dma_wait3A_273 : memref<1x80xi32, #tpu.memory_space<vmem>> -> memref<80xi32, #tpu.memory_space<vmem>>
    %dma_wait3A_275 = tpu.memref_slice %arg4[%add3A_266] : memref<160000xi32, #tpu.memory_space<hbm>> -> memref<80xi32, #tpu.memory_space<hbm>>
    tpu.wait_dma2 semaphore(%arg15 : memref<!tpu.dma_semaphore, #tpu.memory_space<semaphore_mem>>) src(%dma_wait3A_275 : memref<80xi32, #tpu.memory_space<hbm>>) dst(%dma_wait3A_274 : memref<80xi32, #tpu.memory_space<vmem>>)
    %mul3A_276 = arith.constant 160000 : i32
    %mul3A_277 = arith.muli %arg0, %mul3A_276 : i32
    %add3A_278 = arith.addi %mul3A_277, %add3A_266 : i32
    %dma_wait3A_279 = arith.constant 0 : i32
    %dma_wait3A_280 = arith.constant 0 : i32
    %dma_wait3A_281 = arith.constant 0 : i32
    %dma_wait3A_282 = tpu.memref_slice %arg11[%dma_wait3A_279, %dma_wait3A_280, %dma_wait3A_281] : memref<4x80x64xf32, #tpu.memory_space<vmem>> -> memref<1x80x64xf32, #tpu.memory_space<vmem>>
    %dma_wait3A_283 = tpu.memref_squeeze %dma_wait3A_282 : memref<1x80x64xf32, #tpu.memory_space<vmem>> -> memref<80x64xf32, #tpu.memory_space<vmem>>
    %dma_wait3A_284 = arith.constant 0 : i32
    %dma_wait3A_285 = tpu.memref_slice %arg3[%add3A_278, %dma_wait3A_284] : memref<320000x64xf32, #tpu.memory_space<hbm>> -> memref<80x64xf32, #tpu.memory_space<hbm>>
    %dma_wait3A_286 = arith.constant 0 : i32
    %dma_wait3A_287 = arith.constant 0 : i32
    %dma_wait3A_288 = tpu.memref_slice %arg11[%dma_wait3A_279, %dma_wait3A_286, %dma_wait3A_287] : memref<4x80x64xf32, #tpu.memory_space<vmem>> -> memref<1x80x64xf32, #tpu.memory_space<vmem>>
    %dma_wait3A_289 = tpu.memref_squeeze %dma_wait3A_288 : memref<1x80x64xf32, #tpu.memory_space<vmem>> -> memref<80x64xf32, #tpu.memory_space<vmem>>
    %dma_wait3A_290 = arith.constant 0 : i32
    %dma_wait3A_291 = tpu.memref_slice %arg3[%add3A_278, %dma_wait3A_290] : memref<320000x64xf32, #tpu.memory_space<hbm>> -> memref<80x64xf32, #tpu.memory_space<hbm>>
    tpu.wait_dma2 semaphore(%arg19 : memref<!tpu.dma_semaphore, #tpu.memory_space<semaphore_mem>>) src(%dma_wait3A_291 : memref<80x64xf32, #tpu.memory_space<hbm>>) dst(%dma_wait3A_289 : memref<80x64xf32, #tpu.memory_space<vmem>>)
    %dma_start3A_292 = arith.constant 0 : i32
    %dma_start3A_293 = arith.constant 0 : i32
    %dma_start3A_294 = arith.constant 0 : i32
    %dma_start3A_295 = arith.constant 0 : i32
    %dma_start3A_296 = tpu.memref_slice %arg11[%dma_start3A_292, %dma_start3A_294, %dma_start3A_295] : memref<4x80x64xf32, #tpu.memory_space<vmem>> -> memref<1x80x64xf32, #tpu.memory_space<vmem>>
    %dma_start3A_297 = tpu.memref_squeeze %dma_start3A_296 : memref<1x80x64xf32, #tpu.memory_space<vmem>> -> memref<80x64xf32, #tpu.memory_space<vmem>>
    %dma_start3A_298 = arith.constant 0 : i32
    %dma_start3A_299 = tpu.memref_slice %arg10[%dma_start3A_293, %dma_start3A_298] : memref<4x80xi32, #tpu.memory_space<vmem>> -> memref<1x80xi32, #tpu.memory_space<vmem>>
    %dma_start3A_300 = tpu.memref_squeeze %dma_start3A_299 : memref<1x80xi32, #tpu.memory_space<vmem>> -> memref<80xi32, #tpu.memory_space<vmem>>
    %dma_start3A_301 = arith.constant 0 : i32
    %dma_start3A_302 = arith.constant 0 : i32
    %dma_start3A_303 = tpu.memref_slice %arg8[%dma_start3A_301, %dma_start3A_302] : memref<10112x64xf32, #tpu.memory_space<vmem_shared>> -> memref<10112x64xf32, #tpu.memory_space<vmem_shared>>
    tpu.enqueue_indirect_dma source(%dma_start3A_297 : memref<80x64xf32, #tpu.memory_space<vmem>>) target(%dma_start3A_303 : memref<10112x64xf32, #tpu.memory_space<vmem_shared>>) offsets(%dma_start3A_300 : memref<80xi32, #tpu.memory_space<vmem>>) semaphore(%arg23 : memref<!tpu.dma_semaphore, #tpu.memory_space<semaphore_mem>>) {add = true}
    %dma_wait3A_304 = arith.constant 3 : i32
    %dma_wait3A_305 = arith.constant 3 : i32
    %dma_wait3A_306 = arith.constant 0 : i32
    %dma_wait3A_307 = arith.constant 0 : i32
    %dma_wait3A_308 = tpu.memref_slice %arg11[%dma_wait3A_304, %dma_wait3A_306, %dma_wait3A_307] : memref<4x80x64xf32, #tpu.memory_space<vmem>> -> memref<1x80x64xf32, #tpu.memory_space<vmem>>
    %dma_wait3A_309 = tpu.memref_squeeze %dma_wait3A_308 : memref<1x80x64xf32, #tpu.memory_space<vmem>> -> memref<80x64xf32, #tpu.memory_space<vmem>>
    %dma_wait3A_310 = arith.constant 0 : i32
    %dma_wait3A_311 = tpu.memref_slice %arg10[%dma_wait3A_305, %dma_wait3A_310] : memref<4x80xi32, #tpu.memory_space<vmem>> -> memref<1x80xi32, #tpu.memory_space<vmem>>
    %dma_wait3A_312 = tpu.memref_squeeze %dma_wait3A_311 : memref<1x80xi32, #tpu.memory_space<vmem>> -> memref<80xi32, #tpu.memory_space<vmem>>
    %dma_wait3A_313 = arith.constant 0 : i32
    %dma_wait3A_314 = arith.constant 0 : i32
    %dma_wait3A_315 = tpu.memref_slice %arg8[%dma_wait3A_313, %dma_wait3A_314] : memref<10112x64xf32, #tpu.memory_space<vmem_shared>> -> memref<10112x64xf32, #tpu.memory_space<vmem_shared>>
    tpu.wait_indirect_dma semaphore(%arg26 : memref<!tpu.dma_semaphore, #tpu.memory_space<semaphore_mem>>) src(%dma_wait3A_309 : memref<80x64xf32, #tpu.memory_space<vmem>>) dst(%dma_wait3A_315 : memref<10112x64xf32, #tpu.memory_space<vmem_shared>>)
    %dma_wait3A_316 = arith.constant 0 : i32
    %dma_wait3A_317 = arith.constant 0 : i32
    %dma_wait3A_318 = arith.constant 0 : i32
    %dma_wait3A_319 = arith.constant 0 : i32
    %dma_wait3A_320 = tpu.memref_slice %arg11[%dma_wait3A_316, %dma_wait3A_318, %dma_wait3A_319] : memref<4x80x64xf32, #tpu.memory_space<vmem>> -> memref<1x80x64xf32, #tpu.memory_space<vmem>>
    %dma_wait3A_321 = tpu.memref_squeeze %dma_wait3A_320 : memref<1x80x64xf32, #tpu.memory_space<vmem>> -> memref<80x64xf32, #tpu.memory_space<vmem>>
    %dma_wait3A_322 = arith.constant 0 : i32
    %dma_wait3A_323 = tpu.memref_slice %arg10[%dma_wait3A_317, %dma_wait3A_322] : memref<4x80xi32, #tpu.memory_space<vmem>> -> memref<1x80xi32, #tpu.memory_space<vmem>>
    %dma_wait3A_324 = tpu.memref_squeeze %dma_wait3A_323 : memref<1x80xi32, #tpu.memory_space<vmem>> -> memref<80xi32, #tpu.memory_space<vmem>>
    %dma_wait3A_325 = arith.constant 0 : i32
    %dma_wait3A_326 = arith.constant 0 : i32
    %dma_wait3A_327 = tpu.memref_slice %arg8[%dma_wait3A_325, %dma_wait3A_326] : memref<10112x64xf32, #tpu.memory_space<vmem_shared>> -> memref<10112x64xf32, #tpu.memory_space<vmem_shared>>
    tpu.wait_indirect_dma semaphore(%arg23 : memref<!tpu.dma_semaphore, #tpu.memory_space<semaphore_mem>>) src(%dma_wait3A_321 : memref<80x64xf32, #tpu.memory_space<vmem>>) dst(%dma_wait3A_327 : memref<10112x64xf32, #tpu.memory_space<vmem_shared>>)
    %barrier3A_328 = arith.constant 0 : index
    tpu.barrier barrier_id(%barrier3A_328)
    %mul3A_329 = arith.constant 624 : i32
    %mul3A_330 = arith.muli %arg1, %mul3A_329 : i32
    "tpu.region"() ({
      %run_scoped3A = tpu.sem_alloc : memref<!tpu.dma_semaphore, #tpu.memory_space<semaphore_mem>>
      %dma_start3A_342 = arith.constant 0 : i32
      %dma_start3A_343 = arith.constant 0 : i32
      %dma_start3A_344 = tpu.memref_slice %arg13[%dma_start3A_342, %dma_start3A_343] : memref<632x64xf32, #tpu.memory_space<vmem>> -> memref<624x64xf32, #tpu.memory_space<vmem>>
      %dma_start3A_345 = arith.constant 0 : i32
      %dma_start3A_346 = tpu.memref_slice %arg8[%mul3A_330, %dma_start3A_345] : memref<10112x64xf32, #tpu.memory_space<vmem_shared>> -> memref<624x64xf32, #tpu.memory_space<vmem_shared>>
      %dma_start3A_347 = arith.constant 0 : i32
      %dma_start3A_348 = arith.constant 0 : i32
      %dma_start3A_349 = tpu.memref_slice %arg13[%dma_start3A_347, %dma_start3A_348] : memref<632x64xf32, #tpu.memory_space<vmem>> -> memref<624x64xf32, #tpu.memory_space<vmem>>
      %dma_start3A_350 = arith.constant 0 : i32
      %dma_start3A_351 = tpu.memref_slice %arg8[%mul3A_330, %dma_start3A_350] : memref<10112x64xf32, #tpu.memory_space<vmem_shared>> -> memref<624x64xf32, #tpu.memory_space<vmem_shared>>
      tpu.enqueue_dma source(%dma_start3A_351 : memref<624x64xf32, #tpu.memory_space<vmem_shared>>) target(%dma_start3A_349 : memref<624x64xf32, #tpu.memory_space<vmem>>) target_semaphore(%run_scoped3A : memref<!tpu.dma_semaphore, #tpu.memory_space<semaphore_mem>>)
      %dma_wait3A_352 = arith.constant 0 : i32
      %dma_wait3A_353 = arith.constant 0 : i32
      %dma_wait3A_354 = tpu.memref_slice %arg13[%dma_wait3A_352, %dma_wait3A_353] : memref<632x64xf32, #tpu.memory_space<vmem>> -> memref<624x64xf32, #tpu.memory_space<vmem>>
      %dma_wait3A_355 = arith.constant 0 : i32
      %dma_wait3A_356 = tpu.memref_slice %arg8[%mul3A_330, %dma_wait3A_355] : memref<10112x64xf32, #tpu.memory_space<vmem_shared>> -> memref<624x64xf32, #tpu.memory_space<vmem_shared>>
      %dma_wait3A_357 = arith.constant 0 : i32
      %dma_wait3A_358 = arith.constant 0 : i32
      %dma_wait3A_359 = tpu.memref_slice %arg13[%dma_wait3A_357, %dma_wait3A_358] : memref<632x64xf32, #tpu.memory_space<vmem>> -> memref<624x64xf32, #tpu.memory_space<vmem>>
      %dma_wait3A_360 = arith.constant 0 : i32
      %dma_wait3A_361 = tpu.memref_slice %arg8[%mul3A_330, %dma_wait3A_360] : memref<10112x64xf32, #tpu.memory_space<vmem_shared>> -> memref<624x64xf32, #tpu.memory_space<vmem_shared>>
      tpu.wait_dma2 semaphore(%run_scoped3A : memref<!tpu.dma_semaphore, #tpu.memory_space<semaphore_mem>>) src(%dma_wait3A_361 : memref<624x64xf32, #tpu.memory_space<vmem_shared>>) dst(%dma_wait3A_359 : memref<624x64xf32, #tpu.memory_space<vmem>>)
      tpu.yield
    }) : () -> ()
    %mul3A_331 = arith.constant 10000 : i32
    %mul3A_332 = arith.muli %arg0, %mul3A_331 : i32
    %mul3A_333 = arith.constant 624 : i32
    %mul3A_334 = arith.muli %arg1, %mul3A_333 : i32
    %add3A_335 = arith.addi %mul3A_332, %mul3A_334 : i32
    "tpu.region"() ({
      %run_scoped3A = tpu.sem_alloc : memref<!tpu.dma_semaphore, #tpu.memory_space<semaphore_mem>>
      %dma_start3A_342 = arith.constant 0 : i32
      %dma_start3A_343 = arith.constant 0 : i32
      %dma_start3A_344 = tpu.memref_slice %arg13[%dma_start3A_342, %dma_start3A_343] : memref<632x64xf32, #tpu.memory_space<vmem>> -> memref<624x64xf32, #tpu.memory_space<vmem>>
      %dma_start3A_345 = arith.constant 0 : i32
      %dma_start3A_346 = tpu.memref_slice %arg6[%add3A_335, %dma_start3A_345] : memref<20000x64xf32, #tpu.memory_space<hbm>> -> memref<624x64xf32, #tpu.memory_space<hbm>>
      %dma_start3A_347 = arith.constant 0 : i32
      %dma_start3A_348 = tpu.memref_slice %arg6[%add3A_335, %dma_start3A_347] : memref<20000x64xf32, #tpu.memory_space<hbm>> -> memref<624x64xf32, #tpu.memory_space<hbm>>
      %dma_start3A_349 = arith.constant 0 : i32
      %dma_start3A_350 = arith.constant 0 : i32
      %dma_start3A_351 = tpu.memref_slice %arg13[%dma_start3A_349, %dma_start3A_350] : memref<632x64xf32, #tpu.memory_space<vmem>> -> memref<624x64xf32, #tpu.memory_space<vmem>>
      tpu.enqueue_dma source(%dma_start3A_351 : memref<624x64xf32, #tpu.memory_space<vmem>>) target(%dma_start3A_348 : memref<624x64xf32, #tpu.memory_space<hbm>>) target_semaphore(%run_scoped3A : memref<!tpu.dma_semaphore, #tpu.memory_space<semaphore_mem>>)
      %dma_wait3A_352 = arith.constant 0 : i32
      %dma_wait3A_353 = arith.constant 0 : i32
      %dma_wait3A_354 = tpu.memref_slice %arg13[%dma_wait3A_352, %dma_wait3A_353] : memref<632x64xf32, #tpu.memory_space<vmem>> -> memref<624x64xf32, #tpu.memory_space<vmem>>
      %dma_wait3A_355 = arith.constant 0 : i32
      %dma_wait3A_356 = tpu.memref_slice %arg6[%add3A_335, %dma_wait3A_355] : memref<20000x64xf32, #tpu.memory_space<hbm>> -> memref<624x64xf32, #tpu.memory_space<hbm>>
      %dma_wait3A_357 = arith.constant 0 : i32
      %dma_wait3A_358 = tpu.memref_slice %arg6[%add3A_335, %dma_wait3A_357] : memref<20000x64xf32, #tpu.memory_space<hbm>> -> memref<624x64xf32, #tpu.memory_space<hbm>>
      %dma_wait3A_359 = arith.constant 0 : i32
      %dma_wait3A_360 = arith.constant 0 : i32
      %dma_wait3A_361 = tpu.memref_slice %arg13[%dma_wait3A_359, %dma_wait3A_360] : memref<632x64xf32, #tpu.memory_space<vmem>> -> memref<624x64xf32, #tpu.memory_space<vmem>>
      tpu.wait_dma2 semaphore(%run_scoped3A : memref<!tpu.dma_semaphore, #tpu.memory_space<semaphore_mem>>) src(%dma_wait3A_361 : memref<624x64xf32, #tpu.memory_space<vmem>>) dst(%dma_wait3A_358 : memref<624x64xf32, #tpu.memory_space<hbm>>)
      tpu.yield
    }) : () -> ()
    %eq3A_336 = arith.constant 15 : i32
    %eq3A_337 = arith.cmpi eq, %arg1, %eq3A_336 : i32
    %convert_element_type3A_338 = arith.extui %eq3A_337 : i1 to i32
    %cond3A_339 = arith.constant 0 : i32
    %cond3A_340 = arith.cmpi ne, %convert_element_type3A_338, %cond3A_339 : i32
    scf.if %cond3A_340 {
      "tpu.region"() ({
        %run_scoped3A = tpu.sem_alloc : memref<!tpu.dma_semaphore, #tpu.memory_space<semaphore_mem>>
        %dma_start3A_346 = arith.constant 0 : i32
        %dma_start3A_347 = arith.constant 0 : i32
        %dma_start3A_348 = tpu.memref_slice %arg13[%dma_start3A_346, %dma_start3A_347] : memref<632x64xf32, #tpu.memory_space<vmem>> -> memref<16x64xf32, #tpu.memory_space<vmem>>
        %dma_start3A_349 = arith.constant 9984 : i32
        %dma_start3A_350 = arith.constant 0 : i32
        %dma_start3A_351 = tpu.memref_slice %arg8[%dma_start3A_349, %dma_start3A_350] : memref<10112x64xf32, #tpu.memory_space<vmem_shared>> -> memref<16x64xf32, #tpu.memory_space<vmem_shared>>
        %dma_start3A_352 = arith.constant 0 : i32
        %dma_start3A_353 = arith.constant 0 : i32
        %dma_start3A_354 = tpu.memref_slice %arg13[%dma_start3A_352, %dma_start3A_353] : memref<632x64xf32, #tpu.memory_space<vmem>> -> memref<16x64xf32, #tpu.memory_space<vmem>>
        %dma_start3A_355 = arith.constant 9984 : i32
        %dma_start3A_356 = arith.constant 0 : i32
        %dma_start3A_357 = tpu.memref_slice %arg8[%dma_start3A_355, %dma_start3A_356] : memref<10112x64xf32, #tpu.memory_space<vmem_shared>> -> memref<16x64xf32, #tpu.memory_space<vmem_shared>>
        tpu.enqueue_dma source(%dma_start3A_357 : memref<16x64xf32, #tpu.memory_space<vmem_shared>>) target(%dma_start3A_354 : memref<16x64xf32, #tpu.memory_space<vmem>>) target_semaphore(%run_scoped3A : memref<!tpu.dma_semaphore, #tpu.memory_space<semaphore_mem>>)
        %dma_wait3A_358 = arith.constant 0 : i32
        %dma_wait3A_359 = arith.constant 0 : i32
        %dma_wait3A_360 = tpu.memref_slice %arg13[%dma_wait3A_358, %dma_wait3A_359] : memref<632x64xf32, #tpu.memory_space<vmem>> -> memref<16x64xf32, #tpu.memory_space<vmem>>
        %dma_wait3A_361 = arith.constant 9984 : i32
        %dma_wait3A_362 = arith.constant 0 : i32
        %dma_wait3A_363 = tpu.memref_slice %arg8[%dma_wait3A_361, %dma_wait3A_362] : memref<10112x64xf32, #tpu.memory_space<vmem_shared>> -> memref<16x64xf32, #tpu.memory_space<vmem_shared>>
        %dma_wait3A_364 = arith.constant 0 : i32
        %dma_wait3A_365 = arith.constant 0 : i32
        %dma_wait3A_366 = tpu.memref_slice %arg13[%dma_wait3A_364, %dma_wait3A_365] : memref<632x64xf32, #tpu.memory_space<vmem>> -> memref<16x64xf32, #tpu.memory_space<vmem>>
        %dma_wait3A_367 = arith.constant 9984 : i32
        %dma_wait3A_368 = arith.constant 0 : i32
        %dma_wait3A_369 = tpu.memref_slice %arg8[%dma_wait3A_367, %dma_wait3A_368] : memref<10112x64xf32, #tpu.memory_space<vmem_shared>> -> memref<16x64xf32, #tpu.memory_space<vmem_shared>>
        tpu.wait_dma2 semaphore(%run_scoped3A : memref<!tpu.dma_semaphore, #tpu.memory_space<semaphore_mem>>) src(%dma_wait3A_369 : memref<16x64xf32, #tpu.memory_space<vmem_shared>>) dst(%dma_wait3A_366 : memref<16x64xf32, #tpu.memory_space<vmem>>)
        tpu.yield
      }) : () -> ()
      %mul3A_342 = arith.constant 10000 : i32
      %mul3A_343 = arith.muli %arg0, %mul3A_342 : i32
      %add3A_344 = arith.constant 9984 : i32
      %add3A_345 = arith.addi %mul3A_343, %add3A_344 : i32
      "tpu.region"() ({
        %run_scoped3A = tpu.sem_alloc : memref<!tpu.dma_semaphore, #tpu.memory_space<semaphore_mem>>
        %dma_start3A_346 = arith.constant 0 : i32
        %dma_start3A_347 = arith.constant 0 : i32
        %dma_start3A_348 = tpu.memref_slice %arg13[%dma_start3A_346, %dma_start3A_347] : memref<632x64xf32, #tpu.memory_space<vmem>> -> memref<16x64xf32, #tpu.memory_space<vmem>>
        %dma_start3A_349 = arith.constant 0 : i32
        %dma_start3A_350 = tpu.memref_slice %arg6[%add3A_345, %dma_start3A_349] : memref<20000x64xf32, #tpu.memory_space<hbm>> -> memref<16x64xf32, #tpu.memory_space<hbm>>
        %dma_start3A_351 = arith.constant 0 : i32
        %dma_start3A_352 = tpu.memref_slice %arg6[%add3A_345, %dma_start3A_351] : memref<20000x64xf32, #tpu.memory_space<hbm>> -> memref<16x64xf32, #tpu.memory_space<hbm>>
        %dma_start3A_353 = arith.constant 0 : i32
        %dma_start3A_354 = arith.constant 0 : i32
        %dma_start3A_355 = tpu.memref_slice %arg13[%dma_start3A_353, %dma_start3A_354] : memref<632x64xf32, #tpu.memory_space<vmem>> -> memref<16x64xf32, #tpu.memory_space<vmem>>
        tpu.enqueue_dma source(%dma_start3A_355 : memref<16x64xf32, #tpu.memory_space<vmem>>) target(%dma_start3A_352 : memref<16x64xf32, #tpu.memory_space<hbm>>) target_semaphore(%run_scoped3A : memref<!tpu.dma_semaphore, #tpu.memory_space<semaphore_mem>>)
        %dma_wait3A_356 = arith.constant 0 : i32
        %dma_wait3A_357 = arith.constant 0 : i32
        %dma_wait3A_358 = tpu.memref_slice %arg13[%dma_wait3A_356, %dma_wait3A_357] : memref<632x64xf32, #tpu.memory_space<vmem>> -> memref<16x64xf32, #tpu.memory_space<vmem>>
        %dma_wait3A_359 = arith.constant 0 : i32
        %dma_wait3A_360 = tpu.memref_slice %arg6[%add3A_345, %dma_wait3A_359] : memref<20000x64xf32, #tpu.memory_space<hbm>> -> memref<16x64xf32, #tpu.memory_space<hbm>>
        %dma_wait3A_361 = arith.constant 0 : i32
        %dma_wait3A_362 = tpu.memref_slice %arg6[%add3A_345, %dma_wait3A_361] : memref<20000x64xf32, #tpu.memory_space<hbm>> -> memref<16x64xf32, #tpu.memory_space<hbm>>
        %dma_wait3A_363 = arith.constant 0 : i32
        %dma_wait3A_364 = arith.constant 0 : i32
        %dma_wait3A_365 = tpu.memref_slice %arg13[%dma_wait3A_363, %dma_wait3A_364] : memref<632x64xf32, #tpu.memory_space<vmem>> -> memref<16x64xf32, #tpu.memory_space<vmem>>
        tpu.wait_dma2 semaphore(%run_scoped3A : memref<!tpu.dma_semaphore, #tpu.memory_space<semaphore_mem>>) src(%dma_wait3A_365 : memref<16x64xf32, #tpu.memory_space<vmem>>) dst(%dma_wait3A_362 : memref<16x64xf32, #tpu.memory_space<hbm>>)
        tpu.yield
      }) : () -> ()
    } else {
    }
    %barrier3A_341 = arith.constant 0 : index
    tpu.barrier barrier_id(%barrier3A_341)
    return
  }
}

module attributes {stable_mosaic.version = 14 : i64} {
  func.func @_edge_compute_body(%arg0: i32, %arg1: memref<2560x16xf32, #tpu.memory_space<vmem>>, %arg2: memref<2560x128xf32, #tpu.memory_space<vmem>>, %arg3: memref<16x64xf32, #tpu.memory_space<vmem>>, %arg4: memref<64xf32, #tpu.memory_space<vmem>>, %arg5: memref<64x256xf32, #tpu.memory_space<vmem>>, %arg6: memref<256xf32, #tpu.memory_space<vmem>>, %arg7: memref<8x128xf32, #tpu.memory_space<vmem>>, %arg8: memref<16x128xf32, #tpu.memory_space<vmem>>, %arg9: memref<2560x64xf32, #tpu.memory_space<vmem>>, %arg10: memref<2560x64xf32, #tpu.memory_space<vmem>>) attributes {dimension_semantics = [#tpu.dimension_semantics<arbitrary>], iteration_bounds = array<i64: 125>, scalar_prefetch = 0 : i64, scratch_operands = 0 : i64, tpu.core_type = #tpu.core_type<tc>, window_params = [{transform_indices = @transform_0, window_bounds = array<i64: 2560, 16>}, {transform_indices = @transform_1, window_bounds = array<i64: 2560, 128>}, {pipeline_mode = #tpu.pipeline_mode<synchronous>, transform_indices = @transform_2, window_bounds = array<i64: 16, 64>}, {pipeline_mode = #tpu.pipeline_mode<synchronous>, transform_indices = @transform_3, window_bounds = array<i64: 64>}, {pipeline_mode = #tpu.pipeline_mode<synchronous>, transform_indices = @transform_4, window_bounds = array<i64: 64, 256>}, {pipeline_mode = #tpu.pipeline_mode<synchronous>, transform_indices = @transform_5, window_bounds = array<i64: 256>}, {pipeline_mode = #tpu.pipeline_mode<synchronous>, transform_indices = @transform_6, window_bounds = array<i64: 8, 128>}, {pipeline_mode = #tpu.pipeline_mode<synchronous>, transform_indices = @transform_7, window_bounds = array<i64: 16, 128>}, {transform_indices = @transform_8, window_bounds = array<i64: 2560, 64>}, {transform_indices = @transform_9, window_bounds = array<i64: 2560, 64>}]} {
    %get3A = arith.constant 0 : index
    %get3A_0 = arith.constant 0 : index
    %get3A_1 = vector.load %arg1[%get3A, %get3A_0] : memref<2560x16xf32, #tpu.memory_space<vmem>>, vector<2560x16xf32>
    %convert_element_type3A = arith.truncf %get3A_1 : vector<2560x16xf32> to vector<2560x16xbf16>
    %get3A_2 = arith.constant 0 : index
    %get3A_3 = arith.constant 0 : index
    %get3A_4 = vector.load %arg3[%get3A_2, %get3A_3] : memref<16x64xf32, #tpu.memory_space<vmem>>, vector<16x64xf32>
    %convert_element_type3A_5 = arith.truncf %get3A_4 : vector<16x64xf32> to vector<16x64xbf16>
    %dot_general3A = arith.constant dense<0.000000e+00> : vector<2560x64xf32>
    %dot_general3A_6 = tpu.matmul %convert_element_type3A, %convert_element_type3A_5, %dot_general3A {dimension_numbers = #tpu.dot_dimension_numbers<[1], [0], [0], [1], [0, 0, 1, 1], [], []>, transpose_lhs_hint = false} : vector<2560x16xbf16>, vector<16x64xbf16>, vector<2560x64xf32> -> vector<2560x64xf32>
    %get3A_7 = arith.constant 0 : index
    %get3A_8 = vector.load %arg4[%get3A_7] : memref<64xf32, #tpu.memory_space<vmem>>, vector<64xf32>
    %broadcast_in_dim3A = vector.shape_cast %get3A_8 : vector<64xf32> to vector<1x64xf32>
    %add3A = vector.broadcast %broadcast_in_dim3A : vector<1x64xf32> to vector<2560x64xf32>
    %add3A_9 = arith.addf %dot_general3A_6, %add3A : vector<2560x64xf32>
    %mul3A = arith.constant 5.000000e-01 : f32
    %mul3A_10 = vector.broadcast %mul3A : f32 to vector<2560x64xf32>
    %mul3A_11 = arith.mulf %mul3A_10, %add3A_9 : vector<2560x64xf32>
    %mul3A_12 = arith.constant 0.707106769 : f32
    %mul3A_13 = vector.broadcast %mul3A_12 : f32 to vector<2560x64xf32>
    %mul3A_14 = arith.mulf %add3A_9, %mul3A_13 : vector<2560x64xf32>
    %abs3A = math.absf %mul3A_14 : vector<2560x64xf32>
    %mul3A_15 = arith.constant 0.327591091 : f32
    %mul3A_16 = vector.broadcast %mul3A_15 : f32 to vector<2560x64xf32>
    %mul3A_17 = arith.mulf %mul3A_16, %abs3A : vector<2560x64xf32>
    %add3A_18 = arith.constant 1.000000e+00 : f32
    %add3A_19 = vector.broadcast %add3A_18 : f32 to vector<2560x64xf32>
    %add3A_20 = arith.addf %add3A_19, %mul3A_17 : vector<2560x64xf32>
    %div3A = arith.constant 1.000000e+00 : f32
    %div3A_21 = vector.broadcast %div3A : f32 to vector<2560x64xf32>
    %div3A_22 = arith.divf %div3A_21, %add3A_20 : vector<2560x64xf32>
    %mul3A_23 = arith.constant 1.06140542 : f32
    %mul3A_24 = vector.broadcast %mul3A_23 : f32 to vector<2560x64xf32>
    %mul3A_25 = arith.mulf %mul3A_24, %div3A_22 : vector<2560x64xf32>
    %add3A_26 = arith.constant -1.45315206 : f32
    %add3A_27 = vector.broadcast %add3A_26 : f32 to vector<2560x64xf32>
    %add3A_28 = arith.addf %mul3A_25, %add3A_27 : vector<2560x64xf32>
    %mul3A_29 = arith.mulf %add3A_28, %div3A_22 : vector<2560x64xf32>
    %add3A_30 = arith.constant 1.42141378 : f32
    %add3A_31 = vector.broadcast %add3A_30 : f32 to vector<2560x64xf32>
    %add3A_32 = arith.addf %mul3A_29, %add3A_31 : vector<2560x64xf32>
    %mul3A_33 = arith.mulf %add3A_32, %div3A_22 : vector<2560x64xf32>
    %add3A_34 = arith.constant -0.284496725 : f32
    %add3A_35 = vector.broadcast %add3A_34 : f32 to vector<2560x64xf32>
    %add3A_36 = arith.addf %mul3A_33, %add3A_35 : vector<2560x64xf32>
    %mul3A_37 = arith.mulf %add3A_36, %div3A_22 : vector<2560x64xf32>
    %add3A_38 = arith.constant 0.254829586 : f32
    %add3A_39 = vector.broadcast %add3A_38 : f32 to vector<2560x64xf32>
    %add3A_40 = arith.addf %mul3A_37, %add3A_39 : vector<2560x64xf32>
    %mul3A_41 = arith.mulf %add3A_40, %div3A_22 : vector<2560x64xf32>
    %neg3A = arith.constant 0.000000e+00 : f32
    %neg3A_42 = vector.broadcast %neg3A : f32 to vector<2560x64xf32>
    %neg3A_43 = arith.subf %neg3A_42, %abs3A : vector<2560x64xf32>
    %mul3A_44 = arith.mulf %neg3A_43, %abs3A : vector<2560x64xf32>
    %exp3A = math.exp %mul3A_44 : vector<2560x64xf32>
    %mul3A_45 = arith.mulf %mul3A_41, %exp3A : vector<2560x64xf32>
    %sub3A = arith.constant 1.000000e+00 : f32
    %sub3A_46 = vector.broadcast %sub3A : f32 to vector<2560x64xf32>
    %sub3A_47 = arith.subf %sub3A_46, %mul3A_45 : vector<2560x64xf32>
    %sign3A = tpu.bitcast %mul3A_14 : vector<2560x64xf32> -> vector<2560x64xi32>
    %sign3A_48 = arith.constant -2147483648 : i32
    %sign3A_49 = vector.broadcast %sign3A_48 : i32 to vector<2560x64xi32>
    %sign3A_50 = arith.andi %sign3A, %sign3A_49 : vector<2560x64xi32>
    %sign3A_51 = arith.constant 1065353216 : i32
    %sign3A_52 = vector.broadcast %sign3A_51 : i32 to vector<2560x64xi32>
    %sign3A_53 = arith.ori %sign3A_52, %sign3A_50 : vector<2560x64xi32>
    %sign3A_54 = tpu.bitcast %sign3A_53 : vector<2560x64xi32> -> vector<2560x64xf32>
    %sign3A_55 = math.absf %mul3A_14 : vector<2560x64xf32>
    %sign3A_56 = arith.constant 0.000000e+00 : f32
    %sign3A_57 = vector.broadcast %sign3A_56 : f32 to vector<2560x64xf32>
    %sign3A_58 = arith.cmpf ogt, %sign3A_55, %sign3A_57 : vector<2560x64xf32>
    %sign3A_59 = arith.select %sign3A_58, %sign3A_54, %mul3A_14 : vector<2560x64xi1>, vector<2560x64xf32>
    %mul3A_60 = arith.mulf %sign3A_59, %sub3A_47 : vector<2560x64xf32>
    %add3A_61 = arith.constant 1.000000e+00 : f32
    %add3A_62 = vector.broadcast %add3A_61 : f32 to vector<2560x64xf32>
    %add3A_63 = arith.addf %add3A_62, %mul3A_60 : vector<2560x64xf32>
    %mul3A_64 = arith.mulf %mul3A_11, %add3A_63 : vector<2560x64xf32>
    %convert_element_type3A_65 = arith.truncf %mul3A_64 : vector<2560x64xf32> to vector<2560x64xbf16>
    %get3A_66 = arith.constant 0 : index
    %get3A_67 = arith.constant 0 : index
    %get3A_68 = vector.load %arg5[%get3A_66, %get3A_67] : memref<64x256xf32, #tpu.memory_space<vmem>>, vector<64x256xf32>
    %convert_element_type3A_69 = arith.truncf %get3A_68 : vector<64x256xf32> to vector<64x256xbf16>
    %dot_general3A_70 = arith.constant dense<0.000000e+00> : vector<2560x256xf32>
    %dot_general3A_71 = tpu.matmul %convert_element_type3A_65, %convert_element_type3A_69, %dot_general3A_70 {dimension_numbers = #tpu.dot_dimension_numbers<[1], [0], [0], [1], [0, 0, 1, 1], [], []>, transpose_lhs_hint = false} : vector<2560x64xbf16>, vector<64x256xbf16>, vector<2560x256xf32> -> vector<2560x256xf32>
    %get3A_72 = arith.constant 0 : index
    %get3A_73 = vector.load %arg6[%get3A_72] : memref<256xf32, #tpu.memory_space<vmem>>, vector<256xf32>
    %broadcast_in_dim3A_74 = vector.shape_cast %get3A_73 : vector<256xf32> to vector<1x256xf32>
    %add3A_75 = vector.broadcast %broadcast_in_dim3A_74 : vector<1x256xf32> to vector<2560x256xf32>
    %add3A_76 = arith.addf %dot_general3A_71, %add3A_75 : vector<2560x256xf32>
    %get3A_77 = arith.constant 0 : index
    %get3A_78 = arith.constant 0 : index
    %get3A_79 = vector.load %arg2[%get3A_77, %get3A_78] : memref<2560x128xf32, #tpu.memory_space<vmem>>, vector<2560x128xf32>
    %convert_element_type3A_80 = arith.truncf %get3A_79 : vector<2560x128xf32> to vector<2560x128xbf16>
    %convert_element_type3A_81 = arith.truncf %add3A_76 : vector<2560x256xf32> to vector<2560x256xbf16>
    %get3A_82 = arith.constant 0 : index
    %get3A_83 = arith.constant 0 : index
    %get3A_84 = vector.load %arg7[%get3A_82, %get3A_83] : memref<8x128xf32, #tpu.memory_space<vmem>>, vector<8x128xf32>
    %convert_element_type3A_85 = arith.truncf %get3A_84 : vector<8x128xf32> to vector<8x128xbf16>
    %get3A_86 = arith.constant 0 : index
    %get3A_87 = arith.constant 0 : index
    %get3A_88 = vector.load %arg8[%get3A_86, %get3A_87] : memref<16x128xf32, #tpu.memory_space<vmem>>, vector<16x128xf32>
    %convert_element_type3A_89 = arith.truncf %get3A_88 : vector<16x128xf32> to vector<16x128xbf16>
    %mul3A_90 = arith.constant 1.010000e+00 : f32
    %mul3A_91 = vector.broadcast %mul3A_90 : f32 to vector<2560x128xf32>
    %mul3A_92 = arith.mulf %mul3A_91, %get3A_79 : vector<2560x128xf32>
    %slice3A = vector.extract_strided_slice %convert_element_type3A_80 {offsets = [0, 0], sizes = [2560, 8], strides = [1, 1]} : vector<2560x128xbf16> to vector<2560x8xbf16>
    %slice3A_93 = vector.extract_strided_slice %convert_element_type3A_81 {offsets = [0, 0], sizes = [2560, 16], strides = [1, 1]} : vector<2560x256xbf16> to vector<2560x16xbf16>
    %dot_general3A_94 = arith.constant dense<0.000000e+00> : vector<2560x128xf32>
    %dot_general3A_95 = tpu.matmul %slice3A, %convert_element_type3A_85, %dot_general3A_94 {dimension_numbers = #tpu.dot_dimension_numbers<[1], [0], [0], [1], [0, 0, 1, 1], [], []>, transpose_lhs_hint = false} : vector<2560x8xbf16>, vector<8x128xbf16>, vector<2560x128xf32> -> vector<2560x128xf32>
    %dot_general3A_96 = arith.constant dense<0.000000e+00> : vector<2560x128xf32>
    %dot_general3A_97 = tpu.matmul %slice3A_93, %convert_element_type3A_89, %dot_general3A_96 {dimension_numbers = #tpu.dot_dimension_numbers<[1], [0], [0], [1], [0, 0, 1, 1], [], []>, transpose_lhs_hint = false} : vector<2560x16xbf16>, vector<16x128xbf16>, vector<2560x128xf32> -> vector<2560x128xf32>
    %mul3A_98 = arith.mulf %dot_general3A_95, %dot_general3A_97 : vector<2560x128xf32>
    %add3A_99 = arith.addf %mul3A_92, %mul3A_98 : vector<2560x128xf32>
    %slice3A_100 = vector.extract_strided_slice %convert_element_type3A_80 {offsets = [0, 8], sizes = [2560, 8], strides = [1, 1]} : vector<2560x128xbf16> to vector<2560x8xbf16>
    %slice3A_101 = vector.extract_strided_slice %convert_element_type3A_81 {offsets = [0, 16], sizes = [2560, 16], strides = [1, 1]} : vector<2560x256xbf16> to vector<2560x16xbf16>
    %dot_general3A_102 = arith.constant dense<0.000000e+00> : vector<2560x128xf32>
    %dot_general3A_103 = tpu.matmul %slice3A_100, %convert_element_type3A_85, %dot_general3A_102 {dimension_numbers = #tpu.dot_dimension_numbers<[1], [0], [0], [1], [0, 0, 1, 1], [], []>, transpose_lhs_hint = false} : vector<2560x8xbf16>, vector<8x128xbf16>, vector<2560x128xf32> -> vector<2560x128xf32>
    %dot_general3A_104 = arith.constant dense<0.000000e+00> : vector<2560x128xf32>
    %dot_general3A_105 = tpu.matmul %slice3A_101, %convert_element_type3A_89, %dot_general3A_104 {dimension_numbers = #tpu.dot_dimension_numbers<[1], [0], [0], [1], [0, 0, 1, 1], [], []>, transpose_lhs_hint = false} : vector<2560x16xbf16>, vector<16x128xbf16>, vector<2560x128xf32> -> vector<2560x128xf32>
    %mul3A_106 = arith.mulf %dot_general3A_103, %dot_general3A_105 : vector<2560x128xf32>
    %add3A_107 = arith.addf %add3A_99, %mul3A_106 : vector<2560x128xf32>
    %slice3A_108 = vector.extract_strided_slice %convert_element_type3A_80 {offsets = [0, 16], sizes = [2560, 8], strides = [1, 1]} : vector<2560x128xbf16> to vector<2560x8xbf16>
    %slice3A_109 = vector.extract_strided_slice %convert_element_type3A_81 {offsets = [0, 32], sizes = [2560, 16], strides = [1, 1]} : vector<2560x256xbf16> to vector<2560x16xbf16>
    %dot_general3A_110 = arith.constant dense<0.000000e+00> : vector<2560x128xf32>
    %dot_general3A_111 = tpu.matmul %slice3A_108, %convert_element_type3A_85, %dot_general3A_110 {dimension_numbers = #tpu.dot_dimension_numbers<[1], [0], [0], [1], [0, 0, 1, 1], [], []>, transpose_lhs_hint = false} : vector<2560x8xbf16>, vector<8x128xbf16>, vector<2560x128xf32> -> vector<2560x128xf32>
    %dot_general3A_112 = arith.constant dense<0.000000e+00> : vector<2560x128xf32>
    %dot_general3A_113 = tpu.matmul %slice3A_109, %convert_element_type3A_89, %dot_general3A_112 {dimension_numbers = #tpu.dot_dimension_numbers<[1], [0], [0], [1], [0, 0, 1, 1], [], []>, transpose_lhs_hint = false} : vector<2560x16xbf16>, vector<16x128xbf16>, vector<2560x128xf32> -> vector<2560x128xf32>
    %mul3A_114 = arith.mulf %dot_general3A_111, %dot_general3A_113 : vector<2560x128xf32>
    %add3A_115 = arith.addf %add3A_107, %mul3A_114 : vector<2560x128xf32>
    %slice3A_116 = vector.extract_strided_slice %convert_element_type3A_80 {offsets = [0, 24], sizes = [2560, 8], strides = [1, 1]} : vector<2560x128xbf16> to vector<2560x8xbf16>
    %slice3A_117 = vector.extract_strided_slice %convert_element_type3A_81 {offsets = [0, 48], sizes = [2560, 16], strides = [1, 1]} : vector<2560x256xbf16> to vector<2560x16xbf16>
    %dot_general3A_118 = arith.constant dense<0.000000e+00> : vector<2560x128xf32>
    %dot_general3A_119 = tpu.matmul %slice3A_116, %convert_element_type3A_85, %dot_general3A_118 {dimension_numbers = #tpu.dot_dimension_numbers<[1], [0], [0], [1], [0, 0, 1, 1], [], []>, transpose_lhs_hint = false} : vector<2560x8xbf16>, vector<8x128xbf16>, vector<2560x128xf32> -> vector<2560x128xf32>
    %dot_general3A_120 = arith.constant dense<0.000000e+00> : vector<2560x128xf32>
    %dot_general3A_121 = tpu.matmul %slice3A_117, %convert_element_type3A_89, %dot_general3A_120 {dimension_numbers = #tpu.dot_dimension_numbers<[1], [0], [0], [1], [0, 0, 1, 1], [], []>, transpose_lhs_hint = false} : vector<2560x16xbf16>, vector<16x128xbf16>, vector<2560x128xf32> -> vector<2560x128xf32>
    %mul3A_122 = arith.mulf %dot_general3A_119, %dot_general3A_121 : vector<2560x128xf32>
    %add3A_123 = arith.addf %add3A_115, %mul3A_122 : vector<2560x128xf32>
    %slice3A_124 = vector.extract_strided_slice %convert_element_type3A_80 {offsets = [0, 32], sizes = [2560, 8], strides = [1, 1]} : vector<2560x128xbf16> to vector<2560x8xbf16>
    %slice3A_125 = vector.extract_strided_slice %convert_element_type3A_81 {offsets = [0, 64], sizes = [2560, 16], strides = [1, 1]} : vector<2560x256xbf16> to vector<2560x16xbf16>
    %dot_general3A_126 = arith.constant dense<0.000000e+00> : vector<2560x128xf32>
    %dot_general3A_127 = tpu.matmul %slice3A_124, %convert_element_type3A_85, %dot_general3A_126 {dimension_numbers = #tpu.dot_dimension_numbers<[1], [0], [0], [1], [0, 0, 1, 1], [], []>, transpose_lhs_hint = false} : vector<2560x8xbf16>, vector<8x128xbf16>, vector<2560x128xf32> -> vector<2560x128xf32>
    %dot_general3A_128 = arith.constant dense<0.000000e+00> : vector<2560x128xf32>
    %dot_general3A_129 = tpu.matmul %slice3A_125, %convert_element_type3A_89, %dot_general3A_128 {dimension_numbers = #tpu.dot_dimension_numbers<[1], [0], [0], [1], [0, 0, 1, 1], [], []>, transpose_lhs_hint = false} : vector<2560x16xbf16>, vector<16x128xbf16>, vector<2560x128xf32> -> vector<2560x128xf32>
    %mul3A_130 = arith.mulf %dot_general3A_127, %dot_general3A_129 : vector<2560x128xf32>
    %add3A_131 = arith.addf %add3A_123, %mul3A_130 : vector<2560x128xf32>
    %slice3A_132 = vector.extract_strided_slice %convert_element_type3A_80 {offsets = [0, 40], sizes = [2560, 8], strides = [1, 1]} : vector<2560x128xbf16> to vector<2560x8xbf16>
    %slice3A_133 = vector.extract_strided_slice %convert_element_type3A_81 {offsets = [0, 80], sizes = [2560, 16], strides = [1, 1]} : vector<2560x256xbf16> to vector<2560x16xbf16>
    %dot_general3A_134 = arith.constant dense<0.000000e+00> : vector<2560x128xf32>
    %dot_general3A_135 = tpu.matmul %slice3A_132, %convert_element_type3A_85, %dot_general3A_134 {dimension_numbers = #tpu.dot_dimension_numbers<[1], [0], [0], [1], [0, 0, 1, 1], [], []>, transpose_lhs_hint = false} : vector<2560x8xbf16>, vector<8x128xbf16>, vector<2560x128xf32> -> vector<2560x128xf32>
    %dot_general3A_136 = arith.constant dense<0.000000e+00> : vector<2560x128xf32>
    %dot_general3A_137 = tpu.matmul %slice3A_133, %convert_element_type3A_89, %dot_general3A_136 {dimension_numbers = #tpu.dot_dimension_numbers<[1], [0], [0], [1], [0, 0, 1, 1], [], []>, transpose_lhs_hint = false} : vector<2560x16xbf16>, vector<16x128xbf16>, vector<2560x128xf32> -> vector<2560x128xf32>
    %mul3A_138 = arith.mulf %dot_general3A_135, %dot_general3A_137 : vector<2560x128xf32>
    %add3A_139 = arith.addf %add3A_131, %mul3A_138 : vector<2560x128xf32>
    %slice3A_140 = vector.extract_strided_slice %convert_element_type3A_80 {offsets = [0, 48], sizes = [2560, 8], strides = [1, 1]} : vector<2560x128xbf16> to vector<2560x8xbf16>
    %slice3A_141 = vector.extract_strided_slice %convert_element_type3A_81 {offsets = [0, 96], sizes = [2560, 16], strides = [1, 1]} : vector<2560x256xbf16> to vector<2560x16xbf16>
    %dot_general3A_142 = arith.constant dense<0.000000e+00> : vector<2560x128xf32>
    %dot_general3A_143 = tpu.matmul %slice3A_140, %convert_element_type3A_85, %dot_general3A_142 {dimension_numbers = #tpu.dot_dimension_numbers<[1], [0], [0], [1], [0, 0, 1, 1], [], []>, transpose_lhs_hint = false} : vector<2560x8xbf16>, vector<8x128xbf16>, vector<2560x128xf32> -> vector<2560x128xf32>
    %dot_general3A_144 = arith.constant dense<0.000000e+00> : vector<2560x128xf32>
    %dot_general3A_145 = tpu.matmul %slice3A_141, %convert_element_type3A_89, %dot_general3A_144 {dimension_numbers = #tpu.dot_dimension_numbers<[1], [0], [0], [1], [0, 0, 1, 1], [], []>, transpose_lhs_hint = false} : vector<2560x16xbf16>, vector<16x128xbf16>, vector<2560x128xf32> -> vector<2560x128xf32>
    %mul3A_146 = arith.mulf %dot_general3A_143, %dot_general3A_145 : vector<2560x128xf32>
    %add3A_147 = arith.addf %add3A_139, %mul3A_146 : vector<2560x128xf32>
    %slice3A_148 = vector.extract_strided_slice %convert_element_type3A_80 {offsets = [0, 56], sizes = [2560, 8], strides = [1, 1]} : vector<2560x128xbf16> to vector<2560x8xbf16>
    %slice3A_149 = vector.extract_strided_slice %convert_element_type3A_81 {offsets = [0, 112], sizes = [2560, 16], strides = [1, 1]} : vector<2560x256xbf16> to vector<2560x16xbf16>
    %dot_general3A_150 = arith.constant dense<0.000000e+00> : vector<2560x128xf32>
    %dot_general3A_151 = tpu.matmul %slice3A_148, %convert_element_type3A_85, %dot_general3A_150 {dimension_numbers = #tpu.dot_dimension_numbers<[1], [0], [0], [1], [0, 0, 1, 1], [], []>, transpose_lhs_hint = false} : vector<2560x8xbf16>, vector<8x128xbf16>, vector<2560x128xf32> -> vector<2560x128xf32>
    %dot_general3A_152 = arith.constant dense<0.000000e+00> : vector<2560x128xf32>
    %dot_general3A_153 = tpu.matmul %slice3A_149, %convert_element_type3A_89, %dot_general3A_152 {dimension_numbers = #tpu.dot_dimension_numbers<[1], [0], [0], [1], [0, 0, 1, 1], [], []>, transpose_lhs_hint = false} : vector<2560x16xbf16>, vector<16x128xbf16>, vector<2560x128xf32> -> vector<2560x128xf32>
    %mul3A_154 = arith.mulf %dot_general3A_151, %dot_general3A_153 : vector<2560x128xf32>
    %add3A_155 = arith.addf %add3A_147, %mul3A_154 : vector<2560x128xf32>
    %slice3A_156 = vector.extract_strided_slice %convert_element_type3A_80 {offsets = [0, 64], sizes = [2560, 8], strides = [1, 1]} : vector<2560x128xbf16> to vector<2560x8xbf16>
    %slice3A_157 = vector.extract_strided_slice %convert_element_type3A_81 {offsets = [0, 128], sizes = [2560, 16], strides = [1, 1]} : vector<2560x256xbf16> to vector<2560x16xbf16>
    %dot_general3A_158 = arith.constant dense<0.000000e+00> : vector<2560x128xf32>
    %dot_general3A_159 = tpu.matmul %slice3A_156, %convert_element_type3A_85, %dot_general3A_158 {dimension_numbers = #tpu.dot_dimension_numbers<[1], [0], [0], [1], [0, 0, 1, 1], [], []>, transpose_lhs_hint = false} : vector<2560x8xbf16>, vector<8x128xbf16>, vector<2560x128xf32> -> vector<2560x128xf32>
    %dot_general3A_160 = arith.constant dense<0.000000e+00> : vector<2560x128xf32>
    %dot_general3A_161 = tpu.matmul %slice3A_157, %convert_element_type3A_89, %dot_general3A_160 {dimension_numbers = #tpu.dot_dimension_numbers<[1], [0], [0], [1], [0, 0, 1, 1], [], []>, transpose_lhs_hint = false} : vector<2560x16xbf16>, vector<16x128xbf16>, vector<2560x128xf32> -> vector<2560x128xf32>
    %mul3A_162 = arith.mulf %dot_general3A_159, %dot_general3A_161 : vector<2560x128xf32>
    %add3A_163 = arith.addf %add3A_155, %mul3A_162 : vector<2560x128xf32>
    %slice3A_164 = vector.extract_strided_slice %convert_element_type3A_80 {offsets = [0, 72], sizes = [2560, 8], strides = [1, 1]} : vector<2560x128xbf16> to vector<2560x8xbf16>
    %slice3A_165 = vector.extract_strided_slice %convert_element_type3A_81 {offsets = [0, 144], sizes = [2560, 16], strides = [1, 1]} : vector<2560x256xbf16> to vector<2560x16xbf16>
    %dot_general3A_166 = arith.constant dense<0.000000e+00> : vector<2560x128xf32>
    %dot_general3A_167 = tpu.matmul %slice3A_164, %convert_element_type3A_85, %dot_general3A_166 {dimension_numbers = #tpu.dot_dimension_numbers<[1], [0], [0], [1], [0, 0, 1, 1], [], []>, transpose_lhs_hint = false} : vector<2560x8xbf16>, vector<8x128xbf16>, vector<2560x128xf32> -> vector<2560x128xf32>
    %dot_general3A_168 = arith.constant dense<0.000000e+00> : vector<2560x128xf32>
    %dot_general3A_169 = tpu.matmul %slice3A_165, %convert_element_type3A_89, %dot_general3A_168 {dimension_numbers = #tpu.dot_dimension_numbers<[1], [0], [0], [1], [0, 0, 1, 1], [], []>, transpose_lhs_hint = false} : vector<2560x16xbf16>, vector<16x128xbf16>, vector<2560x128xf32> -> vector<2560x128xf32>
    %mul3A_170 = arith.mulf %dot_general3A_167, %dot_general3A_169 : vector<2560x128xf32>
    %add3A_171 = arith.addf %add3A_163, %mul3A_170 : vector<2560x128xf32>
    %slice3A_172 = vector.extract_strided_slice %convert_element_type3A_80 {offsets = [0, 80], sizes = [2560, 8], strides = [1, 1]} : vector<2560x128xbf16> to vector<2560x8xbf16>
    %slice3A_173 = vector.extract_strided_slice %convert_element_type3A_81 {offsets = [0, 160], sizes = [2560, 16], strides = [1, 1]} : vector<2560x256xbf16> to vector<2560x16xbf16>
    %dot_general3A_174 = arith.constant dense<0.000000e+00> : vector<2560x128xf32>
    %dot_general3A_175 = tpu.matmul %slice3A_172, %convert_element_type3A_85, %dot_general3A_174 {dimension_numbers = #tpu.dot_dimension_numbers<[1], [0], [0], [1], [0, 0, 1, 1], [], []>, transpose_lhs_hint = false} : vector<2560x8xbf16>, vector<8x128xbf16>, vector<2560x128xf32> -> vector<2560x128xf32>
    %dot_general3A_176 = arith.constant dense<0.000000e+00> : vector<2560x128xf32>
    %dot_general3A_177 = tpu.matmul %slice3A_173, %convert_element_type3A_89, %dot_general3A_176 {dimension_numbers = #tpu.dot_dimension_numbers<[1], [0], [0], [1], [0, 0, 1, 1], [], []>, transpose_lhs_hint = false} : vector<2560x16xbf16>, vector<16x128xbf16>, vector<2560x128xf32> -> vector<2560x128xf32>
    %mul3A_178 = arith.mulf %dot_general3A_175, %dot_general3A_177 : vector<2560x128xf32>
    %add3A_179 = arith.addf %add3A_171, %mul3A_178 : vector<2560x128xf32>
    %slice3A_180 = vector.extract_strided_slice %convert_element_type3A_80 {offsets = [0, 88], sizes = [2560, 8], strides = [1, 1]} : vector<2560x128xbf16> to vector<2560x8xbf16>
    %slice3A_181 = vector.extract_strided_slice %convert_element_type3A_81 {offsets = [0, 176], sizes = [2560, 16], strides = [1, 1]} : vector<2560x256xbf16> to vector<2560x16xbf16>
    %dot_general3A_182 = arith.constant dense<0.000000e+00> : vector<2560x128xf32>
    %dot_general3A_183 = tpu.matmul %slice3A_180, %convert_element_type3A_85, %dot_general3A_182 {dimension_numbers = #tpu.dot_dimension_numbers<[1], [0], [0], [1], [0, 0, 1, 1], [], []>, transpose_lhs_hint = false} : vector<2560x8xbf16>, vector<8x128xbf16>, vector<2560x128xf32> -> vector<2560x128xf32>
    %dot_general3A_184 = arith.constant dense<0.000000e+00> : vector<2560x128xf32>
    %dot_general3A_185 = tpu.matmul %slice3A_181, %convert_element_type3A_89, %dot_general3A_184 {dimension_numbers = #tpu.dot_dimension_numbers<[1], [0], [0], [1], [0, 0, 1, 1], [], []>, transpose_lhs_hint = false} : vector<2560x16xbf16>, vector<16x128xbf16>, vector<2560x128xf32> -> vector<2560x128xf32>
    %mul3A_186 = arith.mulf %dot_general3A_183, %dot_general3A_185 : vector<2560x128xf32>
    %add3A_187 = arith.addf %add3A_179, %mul3A_186 : vector<2560x128xf32>
    %slice3A_188 = vector.extract_strided_slice %convert_element_type3A_80 {offsets = [0, 96], sizes = [2560, 8], strides = [1, 1]} : vector<2560x128xbf16> to vector<2560x8xbf16>
    %slice3A_189 = vector.extract_strided_slice %convert_element_type3A_81 {offsets = [0, 192], sizes = [2560, 16], strides = [1, 1]} : vector<2560x256xbf16> to vector<2560x16xbf16>
    %dot_general3A_190 = arith.constant dense<0.000000e+00> : vector<2560x128xf32>
    %dot_general3A_191 = tpu.matmul %slice3A_188, %convert_element_type3A_85, %dot_general3A_190 {dimension_numbers = #tpu.dot_dimension_numbers<[1], [0], [0], [1], [0, 0, 1, 1], [], []>, transpose_lhs_hint = false} : vector<2560x8xbf16>, vector<8x128xbf16>, vector<2560x128xf32> -> vector<2560x128xf32>
    %dot_general3A_192 = arith.constant dense<0.000000e+00> : vector<2560x128xf32>
    %dot_general3A_193 = tpu.matmul %slice3A_189, %convert_element_type3A_89, %dot_general3A_192 {dimension_numbers = #tpu.dot_dimension_numbers<[1], [0], [0], [1], [0, 0, 1, 1], [], []>, transpose_lhs_hint = false} : vector<2560x16xbf16>, vector<16x128xbf16>, vector<2560x128xf32> -> vector<2560x128xf32>
    %mul3A_194 = arith.mulf %dot_general3A_191, %dot_general3A_193 : vector<2560x128xf32>
    %add3A_195 = arith.addf %add3A_187, %mul3A_194 : vector<2560x128xf32>
    %slice3A_196 = vector.extract_strided_slice %convert_element_type3A_80 {offsets = [0, 104], sizes = [2560, 8], strides = [1, 1]} : vector<2560x128xbf16> to vector<2560x8xbf16>
    %slice3A_197 = vector.extract_strided_slice %convert_element_type3A_81 {offsets = [0, 208], sizes = [2560, 16], strides = [1, 1]} : vector<2560x256xbf16> to vector<2560x16xbf16>
    %dot_general3A_198 = arith.constant dense<0.000000e+00> : vector<2560x128xf32>
    %dot_general3A_199 = tpu.matmul %slice3A_196, %convert_element_type3A_85, %dot_general3A_198 {dimension_numbers = #tpu.dot_dimension_numbers<[1], [0], [0], [1], [0, 0, 1, 1], [], []>, transpose_lhs_hint = false} : vector<2560x8xbf16>, vector<8x128xbf16>, vector<2560x128xf32> -> vector<2560x128xf32>
    %dot_general3A_200 = arith.constant dense<0.000000e+00> : vector<2560x128xf32>
    %dot_general3A_201 = tpu.matmul %slice3A_197, %convert_element_type3A_89, %dot_general3A_200 {dimension_numbers = #tpu.dot_dimension_numbers<[1], [0], [0], [1], [0, 0, 1, 1], [], []>, transpose_lhs_hint = false} : vector<2560x16xbf16>, vector<16x128xbf16>, vector<2560x128xf32> -> vector<2560x128xf32>
    %mul3A_202 = arith.mulf %dot_general3A_199, %dot_general3A_201 : vector<2560x128xf32>
    %add3A_203 = arith.addf %add3A_195, %mul3A_202 : vector<2560x128xf32>
    %slice3A_204 = vector.extract_strided_slice %convert_element_type3A_80 {offsets = [0, 112], sizes = [2560, 8], strides = [1, 1]} : vector<2560x128xbf16> to vector<2560x8xbf16>
    %slice3A_205 = vector.extract_strided_slice %convert_element_type3A_81 {offsets = [0, 224], sizes = [2560, 16], strides = [1, 1]} : vector<2560x256xbf16> to vector<2560x16xbf16>
    %dot_general3A_206 = arith.constant dense<0.000000e+00> : vector<2560x128xf32>
    %dot_general3A_207 = tpu.matmul %slice3A_204, %convert_element_type3A_85, %dot_general3A_206 {dimension_numbers = #tpu.dot_dimension_numbers<[1], [0], [0], [1], [0, 0, 1, 1], [], []>, transpose_lhs_hint = false} : vector<2560x8xbf16>, vector<8x128xbf16>, vector<2560x128xf32> -> vector<2560x128xf32>
    %dot_general3A_208 = arith.constant dense<0.000000e+00> : vector<2560x128xf32>
    %dot_general3A_209 = tpu.matmul %slice3A_205, %convert_element_type3A_89, %dot_general3A_208 {dimension_numbers = #tpu.dot_dimension_numbers<[1], [0], [0], [1], [0, 0, 1, 1], [], []>, transpose_lhs_hint = false} : vector<2560x16xbf16>, vector<16x128xbf16>, vector<2560x128xf32> -> vector<2560x128xf32>
    %mul3A_210 = arith.mulf %dot_general3A_207, %dot_general3A_209 : vector<2560x128xf32>
    %add3A_211 = arith.addf %add3A_203, %mul3A_210 : vector<2560x128xf32>
    %slice3A_212 = vector.extract_strided_slice %convert_element_type3A_80 {offsets = [0, 120], sizes = [2560, 8], strides = [1, 1]} : vector<2560x128xbf16> to vector<2560x8xbf16>
    %slice3A_213 = vector.extract_strided_slice %convert_element_type3A_81 {offsets = [0, 240], sizes = [2560, 16], strides = [1, 1]} : vector<2560x256xbf16> to vector<2560x16xbf16>
    %dot_general3A_214 = arith.constant dense<0.000000e+00> : vector<2560x128xf32>
    %dot_general3A_215 = tpu.matmul %slice3A_212, %convert_element_type3A_85, %dot_general3A_214 {dimension_numbers = #tpu.dot_dimension_numbers<[1], [0], [0], [1], [0, 0, 1, 1], [], []>, transpose_lhs_hint = false} : vector<2560x8xbf16>, vector<8x128xbf16>, vector<2560x128xf32> -> vector<2560x128xf32>
    %dot_general3A_216 = arith.constant dense<0.000000e+00> : vector<2560x128xf32>
    %dot_general3A_217 = tpu.matmul %slice3A_213, %convert_element_type3A_89, %dot_general3A_216 {dimension_numbers = #tpu.dot_dimension_numbers<[1], [0], [0], [1], [0, 0, 1, 1], [], []>, transpose_lhs_hint = false} : vector<2560x16xbf16>, vector<16x128xbf16>, vector<2560x128xf32> -> vector<2560x128xf32>
    %mul3A_218 = arith.mulf %dot_general3A_215, %dot_general3A_217 : vector<2560x128xf32>
    %add3A_219 = arith.addf %add3A_211, %mul3A_218 : vector<2560x128xf32>
    %slice3A_220 = vector.extract_strided_slice %add3A_219 {offsets = [0, 0], sizes = [2560, 64], strides = [1, 1]} : vector<2560x128xf32> to vector<2560x64xf32>
    %swap3A = arith.constant 0 : index
    %swap3A_221 = arith.constant 0 : index
    %swap3A_222 = vector.load %arg9[%swap3A, %swap3A_221] : memref<2560x64xf32, #tpu.memory_space<vmem>>, vector<2560x64xf32>
    tpu.vector_store %arg9[%swap3A, %swap3A_221], %slice3A_220 {strides = array<i32>} : memref<2560x64xf32, #tpu.memory_space<vmem>>, vector<2560x64xf32>,
    %slice3A_223 = vector.extract_strided_slice %add3A_219 {offsets = [0, 64], sizes = [2560, 64], strides = [1, 1]} : vector<2560x128xf32> to vector<2560x64xf32>
    %swap3A_224 = arith.constant 0 : index
    %swap3A_225 = arith.constant 0 : index
    %swap3A_226 = vector.load %arg10[%swap3A_224, %swap3A_225] : memref<2560x64xf32, #tpu.memory_space<vmem>>, vector<2560x64xf32>
    tpu.vector_store %arg10[%swap3A_224, %swap3A_225], %slice3A_223 {strides = array<i32>} : memref<2560x64xf32, #tpu.memory_space<vmem>>, vector<2560x64xf32>,
    return
  }
  func.func @transform_0(%arg0: i32) -> (i32, i32) {
    %c0_i32 = arith.constant 0 : i32
    %c0_i32_0 = arith.constant 0 : i32
    return %arg0, %c0_i32 : i32, i32
  }
  func.func @transform_1(%arg0: i32) -> (i32, i32) {
    %c0_i32 = arith.constant 0 : i32
    %c0_i32_0 = arith.constant 0 : i32
    return %arg0, %c0_i32 : i32, i32
  }
  func.func @transform_2(%arg0: i32) -> (i32, i32) {
    %c0_i32 = arith.constant 0 : i32
    %c0_i32_0 = arith.constant 0 : i32
    %c0_i32_1 = arith.constant 0 : i32
    return %c0_i32, %c0_i32_0 : i32, i32
  }
  func.func @transform_3(%arg0: i32) -> i32 {
    %c0_i32 = arith.constant 0 : i32
    %c0_i32_0 = arith.constant 0 : i32
    return %c0_i32 : i32
  }
  func.func @transform_4(%arg0: i32) -> (i32, i32) {
    %c0_i32 = arith.constant 0 : i32
    %c0_i32_0 = arith.constant 0 : i32
    %c0_i32_1 = arith.constant 0 : i32
    return %c0_i32, %c0_i32_0 : i32, i32
  }
  func.func @transform_5(%arg0: i32) -> i32 {
    %c0_i32 = arith.constant 0 : i32
    %c0_i32_0 = arith.constant 0 : i32
    return %c0_i32 : i32
  }
  func.func @transform_6(%arg0: i32) -> (i32, i32) {
    %c0_i32 = arith.constant 0 : i32
    %c0_i32_0 = arith.constant 0 : i32
    %c0_i32_1 = arith.constant 0 : i32
    return %c0_i32, %c0_i32_0 : i32, i32
  }
  func.func @transform_7(%arg0: i32) -> (i32, i32) {
    %c0_i32 = arith.constant 0 : i32
    %c0_i32_0 = arith.constant 0 : i32
    %c0_i32_1 = arith.constant 0 : i32
    return %c0_i32, %c0_i32_0 : i32, i32
  }
  func.func @transform_8(%arg0: i32) -> (i32, i32) {
    %c0_i32 = arith.constant 0 : i32
    %c0_i32_0 = arith.constant 0 : i32
    return %arg0, %c0_i32 : i32, i32
  }
  func.func @transform_9(%arg0: i32) -> (i32, i32) {
    %c0_i32 = arith.constant 0 : i32
    %c0_i32_0 = arith.constant 0 : i32
    return %arg0, %c0_i32 : i32, i32
  }
}

module attributes {stable_mosaic.version = 14 : i64} {
  func.func @_finalize_body(%arg0: i32, %arg1: memref<2000x64xf32, #tpu.memory_space<vmem>>, %arg2: memref<2000x64xf32, #tpu.memory_space<vmem>>, %arg3: memref<2000x16xf32, #tpu.memory_space<vmem>>, %arg4: memref<128x128xf32, #tpu.memory_space<vmem>>, %arg5: memref<8x128xf32, #tpu.memory_space<vmem>>, %arg6: memref<2000x128xf32, #tpu.memory_space<vmem>>) attributes {dimension_semantics = [#tpu.dimension_semantics<arbitrary>], iteration_bounds = array<i64: 10>, scalar_prefetch = 0 : i64, scratch_operands = 0 : i64, tpu.core_type = #tpu.core_type<tc>, window_params = [{transform_indices = @transform_0, window_bounds = array<i64: 2000, 64>}, {transform_indices = @transform_1, window_bounds = array<i64: 2000, 64>}, {transform_indices = @transform_2, window_bounds = array<i64: 2000, 16>}, {pipeline_mode = #tpu.pipeline_mode<synchronous>, transform_indices = @transform_3, window_bounds = array<i64: 128, 128>}, {pipeline_mode = #tpu.pipeline_mode<synchronous>, transform_indices = @transform_4, window_bounds = array<i64: 8, 128>}, {transform_indices = @transform_5, window_bounds = array<i64: 2000, 128>}]} {
    %get3A = arith.constant 0 : index
    %get3A_0 = arith.constant 0 : index
    %get3A_1 = vector.load %arg3[%get3A, %get3A_0] : memref<2000x16xf32, #tpu.memory_space<vmem>>, vector<2000x16xf32>
    %slice3A = vector.extract_strided_slice %get3A_1 {offsets = [0, 0], sizes = [2000, 1], strides = [1, 1]} : vector<2000x16xf32> to vector<2000x1xf32>
    %max3A = arith.constant 1.000000e+00 : f32
    %max3A_2 = vector.broadcast %max3A : f32 to vector<2000x1xf32>
    %max3A_3 = arith.maximumf %slice3A, %max3A_2 : vector<2000x1xf32>
    %div3A = arith.constant 1.000000e+00 : f32
    %div3A_4 = vector.broadcast %div3A : f32 to vector<2000x1xf32>
    %div3A_5 = arith.divf %div3A_4, %max3A_3 : vector<2000x1xf32>
    %get3A_6 = arith.constant 0 : index
    %get3A_7 = arith.constant 0 : index
    %get3A_8 = vector.load %arg1[%get3A_6, %get3A_7] : memref<2000x64xf32, #tpu.memory_space<vmem>>, vector<2000x64xf32>
    %get3A_9 = arith.constant 0 : index
    %get3A_10 = arith.constant 0 : index
    %get3A_11 = vector.load %arg2[%get3A_9, %get3A_10] : memref<2000x64xf32, #tpu.memory_space<vmem>>, vector<2000x64xf32>
    %concatenate3A = tpu.concatenate %get3A_8, %get3A_11 in 1 : vector<2000x64xf32>, vector<2000x64xf32> -> vector<2000x128xf32>
    %mul3A = vector.broadcast %div3A_5 : vector<2000x1xf32> to vector<2000x128xf32>
    %mul3A_12 = arith.mulf %concatenate3A, %mul3A : vector<2000x128xf32>
    %get3A_13 = arith.constant 0 : index
    %get3A_14 = arith.constant 0 : index
    %get3A_15 = vector.load %arg4[%get3A_13, %get3A_14] : memref<128x128xf32, #tpu.memory_space<vmem>>, vector<128x128xf32>
    %dot_general3A = arith.constant dense<0.000000e+00> : vector<2000x128xf32>
    %dot_general3A_16 = tpu.matmul %mul3A_12, %get3A_15, %dot_general3A {dimension_numbers = #tpu.dot_dimension_numbers<[1], [0], [0], [1], [0, 0, 1, 1], [], []>, transpose_lhs_hint = false} : vector<2000x128xf32>, vector<128x128xf32>, vector<2000x128xf32> -> vector<2000x128xf32>
    %get3A_17 = arith.constant 0 : index
    %get3A_18 = arith.constant 0 : index
    %get3A_19 = vector.load %arg5[%get3A_17, %get3A_18] : memref<8x128xf32, #tpu.memory_space<vmem>>, vector<8x128xf32>
    %slice3A_20 = vector.extract_strided_slice %get3A_19 {offsets = [0, 0], sizes = [1, 128], strides = [1, 1]} : vector<8x128xf32> to vector<1x128xf32>
    %add3A = vector.broadcast %slice3A_20 : vector<1x128xf32> to vector<2000x128xf32>
    %add3A_21 = arith.addf %dot_general3A_16, %add3A : vector<2000x128xf32>
    %swap3A = arith.constant 0 : index
    %swap3A_22 = arith.constant 0 : index
    %swap3A_23 = vector.load %arg6[%swap3A, %swap3A_22] : memref<2000x128xf32, #tpu.memory_space<vmem>>, vector<2000x128xf32>
    tpu.vector_store %arg6[%swap3A, %swap3A_22], %add3A_21 {strides = array<i32>} : memref<2000x128xf32, #tpu.memory_space<vmem>>, vector<2000x128xf32>,
    return
  }
  func.func @transform_0(%arg0: i32) -> (i32, i32) {
    %c0_i32 = arith.constant 0 : i32
    %c0_i32_0 = arith.constant 0 : i32
    return %arg0, %c0_i32 : i32, i32
  }
  func.func @transform_1(%arg0: i32) -> (i32, i32) {
    %c0_i32 = arith.constant 0 : i32
    %c0_i32_0 = arith.constant 0 : i32
    return %arg0, %c0_i32 : i32, i32
  }
  func.func @transform_2(%arg0: i32) -> (i32, i32) {
    %jit3A = arith.constant 5 : i32
    %eq3A = arith.constant 0 : i32
    %eq3A_0 = arith.cmpi eq, %jit3A, %eq3A : i32
    %jit3A_1 = arith.constant 1 : i32
    %select_n3A = arith.select %eq3A_0, %jit3A_1, %jit3A : i32
    %rem3A = arith.remsi %arg0, %select_n3A : i32
    %ne3A = arith.constant 0 : i32
    %ne3A_2 = arith.cmpi ne, %rem3A, %ne3A : i32
    %lt3A = arith.constant 0 : i32
    %lt3A_3 = arith.cmpi slt, %rem3A, %lt3A : i32
    %lt3A_4 = arith.constant 0 : i32
    %lt3A_5 = arith.cmpi slt, %select_n3A, %lt3A_4 : i32
    %ne3A_6 = arith.xori %lt3A_3, %lt3A_5 : i1
    %and3A = arith.andi %ne3A_6, %ne3A_2 : i1
    %add3A = arith.addi %rem3A, %select_n3A : i32
    %select_n3A_7 = arith.select %and3A, %add3A, %rem3A : i32
    %c0_i32 = arith.constant 0 : i32
    %c0_i32_8 = arith.constant 0 : i32
    return %select_n3A_7, %c0_i32 : i32, i32
  }
  func.func @transform_3(%arg0: i32) -> (i32, i32) {
    %c0_i32 = arith.constant 0 : i32
    %c0_i32_0 = arith.constant 0 : i32
    %c0_i32_1 = arith.constant 0 : i32
    return %c0_i32, %c0_i32_0 : i32, i32
  }
  func.func @transform_4(%arg0: i32) -> (i32, i32) {
    %c0_i32 = arith.constant 0 : i32
    %c0_i32_0 = arith.constant 0 : i32
    %c0_i32_1 = arith.constant 0 : i32
    return %c0_i32, %c0_i32_0 : i32, i32
  }
  func.func @transform_5(%arg0: i32) -> (i32, i32) {
    %c0_i32 = arith.constant 0 : i32
    %c0_i32_0 = arith.constant 0 : i32
    return %arg0, %c0_i32 : i32, i32
  }
}

</mosaic_0001>

<sc_bundles>
// kernel: kernel.6.cloned.1.call-start
scs
__scs_entry_jumppad:
0x0: {  	(pc) =	sbr.rel $0x88, $3  }
0x1: {  	(tag) =	ssettag $0x0;
	lr =	simm.s32 $0x1  }
0x2: {  	[smem:$0x3F95] =	sst lr;
	_ =	strace $0xD0000000  }
0x3: {  	_ = 	snop  }
0x4: {  	_ = 	snop  }
0x5: {  	_ = 	snop  }
0x6: {  	_ = 	snop  }
0x7: {  	_ = 	snop  }
__scs_overlays_trampoline_lowered:
0x8: {  	[smem:$0x3FA4] =	sst s0  }
0x9: {  	[smem:$0x3FA5] =	sst s1  }
0xa: {  	[smem:$0x3FA6] =	sst s2  }
0xb: {  	[smem:$0x3FA7] =	sst s3  }
0xc: {  	[smem:$0x3FA8] =	sst s4  }
0xd: {  	[smem:$0x3FA9] =	sst s5  }
0xe: {  	[smem:$0x3FAA] =	sst s6  }
0xf: {  	[smem:$0x3FAB] =	sst s7  }
0x10: {  	[smem:$0x3FAC] =	sst s8  }
0x11: {  	[smem:$0x3FAD] =	sst s9;
	s0 =	simm.s32 @!p0 $0x0  }
0x12: {  	s1 =	sld [smem:$0x3F93];
	s0 =	simm.s32 @p0 $0x1  }
0x13: {  	[smem:$0x3FAE] =	sst s0;
	s0 =	simm.s32 @!p1 $0x0  }
0x14: {  	s2 =	sld [smem:$0x3F92];
	s0 =	simm.s32 @p1 $0x1  }
0x15: {  	[smem:$0x3FAF] =	sst s0;
	s0 =	simm.s32 @!p2 $0x0  }
0x16: {  	s3 =	sld [smem:$0x3FDB];
	s0 =	simm.s32 @p2 $0x1  }
0x17: {  	s4 =	simm.s32 $0x1BF5;
	[smem:$0x3FB1] =	sst s0  }
0x18: {  	s0 =	sld [smem:$0x3F94];
	_ =	swait.ge [sflag:s4], $0x0  }
0x19: {  	s7 =	sld [smem:$0x3F95]  }
0x1a: {  	s8 =	sadd.s32 $0xFFFFE003, lr  }
0x1b: {  	s9 =	sadd.s32 $0xFFFFFEF7, lr;
	s5 =	simm.s32 $0xFFFFFFFF;
	p2 =	slt.u32 s8, $0xFFFFF086  }
0x1c: {  	p1 =	slt.u32 s9, $0xF7A;
	s5 =	simm.s32 @!p2 $0x0  }
0x1d: {  	s5 =	simm.s32 @p1 $0x1;
	p0 =	seq.s32 s7, s2  }
0x1e: {  	s7 =	smul.u32 @!p0 $0xF7A, s2;
	p2 =	seq.s32 @!p0 s5, $0x0  }
0x1f: {  	s9 =	smul.u32 $0xF7A, s1;
	s8 =	simm.s32 @!p0 $0x1BF5;
	p2 =	por !p2, p0  }
0x20: {  	[sflag:s8] =	ssyncset.s32 @!p0 $0xFFFFF086;
	s6 =	sadd.s32 @!p0 s3, s7;
	s7 =	simm.s32 @!p0 $0x108  }
0x21: {  	s3 =	sadd.s32 s3, s9;
	s6 =	sadd.s32 @!p0 $0x88, s6;
	s7 =	simm.s32 @p2 $0x1082  }
0x22: {  	[simem:s7], [sflag:s8] =	dma.local @!p0 [hbm:s6], $0xF7A  }
0x23: {  	s9 =	sor.u32 $0xD0000000, s2;
	s6 =	simm.s32 $0x108;
	_ =	swait.ge @!p0 [sflag:s8], $0x0  }
0x24: {  	s3 =	sadd.s32 $0x88, s3;
	s6 =	simm.s32 @!p1 $0x1082;
	[sflag:s4] =	ssyncset.s32 $0xFFFFF086  }
0x25: {  	[simem:s6], [sflag:s4] =	dma.local [hbm:s3], $0xF7A  }
0x26: {  	[smem:$0x3F95] =	sst s1;
	(tag) =	ssettag s2;
	_ =	strace s9  }
0x27: {  	s1 =	sld [smem:$0x3FA5]  }
0x28: {  	s2 =	sld [smem:$0x3FA6]  }
0x29: {  	s4 =	sld [smem:$0x3FA8]  }
0x2a: {  	p0 =	seq.s32 s5, $0x0;
	s5 =	sld [smem:$0x3FA9]  }
0x2b: {  	s6 =	sld [smem:$0x3FAA]  }
0x2c: {  	s7 =	sld [smem:$0x3FAB]  }
0x2d: {  	s3 =	simm.s32 $0x108;
	s8 =	sld [smem:$0x3FAC]  }
0x2e: {  	s3 =	simm.s32 @!p0 $0x1082;
	s9 =	sld [smem:$0x3FAD]  }
0x2f: {  	lr =	sadd.s32 s0, s3;
	s0 =	sld [smem:$0x3FA4]  }
0x30: {  	s3 =	sld [smem:$0x3FA7]  }
0x31: {  	[smem:$0x3FB0] =	sst s10  }
0x32: {  	s10 =	sld [smem:$0x3FAE];
	_ =	sdelay $0x3  }
0x33: {  	p0 =	seq.s32 s10, $0x1;
	s10 =	sld [smem:$0x3FB0];
	_ =	sdelay $0x3  }
0x34: {  	[smem:$0x3FB0] =	sst s10  }
0x35: {  	s10 =	sld [smem:$0x3FAF];
	_ =	sdelay $0x3  }
0x36: {  	p1 =	seq.s32 s10, $0x1;
	s10 =	sld [smem:$0x3FB0];
	_ =	sdelay $0x3  }
0x37: {  	[smem:$0x3FB0] =	sst s10  }
0x38: {  	s10 =	sld [smem:$0x3FB1]  }
0x39: {  	_ = 	snop;
	(pc) =	sbr.ind lr, $3  }
0x3a: {  	_ = 	snop  }
0x3b: {  	_ = 	snop  }
0x3c: {  	p2 =	seq.s32 s10, $0x1;
	s10 =	sld [smem:$0x3FB0]  }
0x3d: {  	_ =	shalt  }
0x3e: {  	_ =	shalt  }
0x3f: {  	_ =	shalt  }
0x40: {  	_ =	shalt  }
0x41: {  	_ =	shalt  }
0x42: {  	_ =	shalt  }
0x43: {  	_ =	shalt  }
0x44: {  	_ =	shalt  }
0x45: {  	_ =	shalt  }
0x46: {  	_ =	shalt  }
0x47: {  	_ =	shalt  }
0x48: {  	_ =	shalt  }
0x49: {  	_ =	shalt  }
0x4a: {  	_ =	shalt  }
0x4b: {  	_ =	shalt  }
0x4c: {  	_ =	shalt  }
0x4d: {  	_ =	shalt  }
0x4e: {  	_ =	shalt  }
0x4f: {  	_ =	shalt  }
0x50: {  	_ =	shalt  }
0x51: {  	_ =	shalt  }
0x52: {  	_ =	shalt  }
0x53: {  	_ =	shalt  }
0x54: {  	_ =	shalt  }
0x55: {  	_ =	shalt  }
0x56: {  	_ =	shalt  }
0x57: {  	_ =	shalt  }
0x58: {  	_ =	shalt  }
0x59: {  	_ =	shalt  }
0x5a: {  	_ =	shalt  }
0x5b: {  	_ =	shalt  }
0x5c: {  	_ =	shalt  }
0x5d: {  	_ =	shalt  }
0x5e: {  	_ =	shalt  }
0x5f: {  	_ =	shalt  }
0x60: {  	_ =	shalt  }
0x61: {  	_ =	shalt  }
0x62: {  	_ =	shalt  }
0x63: {  	_ =	shalt  }
0x64: {  	_ =	shalt  }
0x65: {  	_ =	shalt  }
0x66: {  	_ =	shalt  }
0x67: {  	_ =	shalt  }
0x68: {  	_ =	shalt  }
0x69: {  	_ =	shalt  }
0x6a: {  	_ =	shalt  }
0x6b: {  	_ =	shalt  }
0x6c: {  	_ =	shalt  }
0x6d: {  	_ =	shalt  }
0x6e: {  	_ =	shalt  }
0x6f: {  	_ =	shalt  }
0x70: {  	_ =	shalt  }
0x71: {  	_ =	shalt  }
0x72: {  	_ =	shalt  }
0x73: {  	_ =	shalt  }
0x74: {  	_ =	shalt  }
0x75: {  	_ =	shalt  }
0x76: {  	_ =	shalt  }
0x77: {  	_ =	shalt  }
0x78: {  	_ =	shalt  }
0x79: {  	_ =	shalt  }
0x7a: {  	_ =	shalt  }
0x7b: {  	_ =	shalt  }
0x7c: {  	_ =	shalt  }
0x7d: {  	_ =	shalt  }
0x7e: {  	_ =	shalt  }
0x7f: {  	_ =	shalt  }
0x80: {  	_ =	shalt  }
0x81: {  	_ =	shalt  }
0x82: {  	_ =	shalt  }
0x83: {  	_ =	shalt  }
0x84: {  	_ =	shalt  }
0x85: {  	_ =	shalt  }
0x86: {  	_ =	shalt  }
0x87: {  	_ =	shalt  }
.Lfunc_end0:
.L_simem_size_0:
called_computation_lowered:
.L_overlay_start_0:
0x88: {  	s2 =	sld [smem:$0x3FD9]  }
0x89: {  	s3 =	sld [smem:$0x3FFE];
	_ =	sdelay $0x1  }
0x8a: {  	s1 =	srdreg.scid  }
0x8b: {  	s0 =	sand.u32 $0x1, s1  }
0x8c: {  	s17 =	sshll.u32 s0, $0xA;
	s2 =	sadd.s32 s3, s2  }
0x8d: {  	s2 =	sadd.s32 s2, s17  }
0x8e: {  	[smem:$0x3FBC] =	sst s2  }
0x8f: {  	_ = 	snop  }
0x90: {  	s2 =	sld [smem:$0x3FD0];
	(tm) =	ssettm $0x1  }
0x91: {  	s18 =	sld [smem:$0x3FFB];
	_ =	sdelay $0x3  }
0x92: {  	_ =	strace s18  }
0x93: {  	s3 =	sld [smem:$0x3FFC];
	_ =	sdelay $0x3  }
0x94: {  	_ =	strace s3  }
0x95: {  	s3 =	sld [smem:$0x3FFD];
	_ =	sdelay $0x3  }
0x96: {  	_ =	strace s3  }
0x97: {  	_ =	strace $0x8FFFFFFF  }
0x98: {  	s19 =	sld [smem:$0x3FDB];
	_ =	sdelay $0x1  }
0x99: {  	s4 =	simm.s32 $_scs_section_size  }
0x9a: {  	s5 =	simm.s32 $_size__tile_overlayer_lowered;
	s6 =	simm.s32 $_tile_overlayer_lowered  }
0x9b: {  	s22 =	simm.s32 $0x1BFF;
	s21 =	sshll.u32 s6, $0x1;
	s3 =	sadd.s32 s4, s19  }
0x9c: {  	s7 =	simm.s32 $0x0;
	s20 =	sshll.u32 s5, $0x1;
	s5 =	sadd.s32 s21, s3  }
0x9d: {  	[timem:s7], [sflag:s22] =	dma.local [hbm:s5], s20  }
0x9e: {  	_ =	swait.ge [sflag:s22], s20  }
0x9f: {  	s4 =	ssub.s32 $0x0, s20;
	[sflag:s22] =	ssyncset.done $0x0  }
0xa0: {  	[sflag:s22] =	ssyncadd.s32 s4;
	_ =	sdelay $0x1  }
0xa1: {  	s23 =	simm.s32 $0x1B8B  }
0xa2: {  	_ =	swait.ge [sflag:s23], $0x1  }
0xa3: {  	[sflag:s23] =	ssyncset.done $0x0  }
0xa4: {  	s25 =	simm.s32 $0x1B8E;
	s24 =	sld [smem:$0x3FFE];
	[sflag:s23] =	ssyncadd.s32 $0xFFFFFFFF  }
0xa5: {  	s26 =	simm.s32 $execute0_lowered;
	[smem:$0x3FD2] =	sst s25  }
0xa6: {  	s5 =	sshll.u32 s26, $0x1;
	_ =	strace $0x80000046;
	[dreg:$0x1] =	wrdreg $0xFFFFFFFF  }
0xa7: {  	s28 =	simm.s32 $_size_execute0_lowered;
	s3 =	sadd.s32 s3, s5;
	[dreg:$0x0] =	wrdreg $0x0  }
0xa8: {  	s5 =	sshll.u32 s28, $0x1;
	[dreg:$0x2] =	wrdreg s3  }
0xa9: {  	[dreg:$0x3] =	wrdreg s5  }
0xaa: {  	[dreg:$0x4] =	wrdreg $0xC0  }
0xab: {  	_ =	task [dreg:s7], $0x5FFFF  }
0xac: {  	[dreg:$0x1] =	wrdreg $0xFFFFFFFF  }
0xad: {  	[dreg:$0x0] =	wrdreg $0x60  }
0xae: {  	[dreg:$0x2] =	wrdreg s2  }
0xaf: {  	[dreg:$0x3] =	wrdreg s24  }
0xb0: {  	[dreg:$0x4] =	wrdreg $0x9  }
0xb1: {  	_ =	task.clear_ibuf [dreg:s7], $0x5FFFF;
	_ =	strace $0x90000046  }
0xb2: {  	s29 =	simm.s32 $0x9;
	_ =	strace $0x80000048  }
0xb3: {  	_ =	swait.ge [sflag:s29], $0x1  }
0xb4: {  	[sflag:s29] =	ssyncadd.s32 $0xFFFFFFFF  }
0xb5: {  	_ =	strace $0x90000048  }
0xb6: {  	_ =	sfence  }
0xb7: {  	s30 =	sld [smem:$0x0];
	_ =	sdelay $0x2  }
0xb8: {  	s31 =	sshll.u32 s1, $0xD;
	s1 =	sshrl.u32 s1, $0x2  }
0xb9: {  	s3 =	sand.u32 $0x4000, s31;
	s1 =	sadd.s32 s1, s30  }
0xba: {  	s0 =	sor.u32 s3, s0;
	s1 =	sshll.u32 s1, $0x11  }
0xbb: {  	s0 =	sor.u32 s1, s0  }
0xbc: {  	s0 =	sadd.s32 $0x8F2B, s0  }
0xbd: {  	[sflag:s0] =	ssyncadd.remote.s32 $0x1  }
0xbe: {  	_ =	sfence.sel $0xFFFF  }
0xbf: {  	[dreg:$0x0] =	wrdreg $0xFFFFFFFF;
	(pc) =	sbr.abs _section_cstart, $3  }
0xc0: {  	[dreg:$0x1] =	wrdreg $0xFFFFFFFF  }
0xc1: {  	_ =	task.clear_ibuf [dreg:s7], $0x2FFFF;
	_ =	strace $0x9FFFFFFF  }
0xc2: {  	(tm) =	ssettm $0x7FFFFFFF  }
0xc3: {  	_ =	shalt  }
tec
execute0_lowered:
.L_overlay_start_1:
0x0: {  	(tag) =	ssettag $0x1  }
0x1: {  	s2 =	rddreg [dreg:$0x0]  }
0x2: {  	s4 =	rddreg [dreg:$0x1]  }
0x3: {  	s0 =	rddreg [dreg:$0x2]  }
0x4: {  	s5 =	srdreg.scid;
	s1 =	stileid.u32;
	s3 =	simm.s32 $0x0  }
0x5: {  	s17 =	simm.s32 $0x100;
	s18 =	simm.s32 $0x3;
	s19 =	simm.s32 $0x2  }
0x6: {  	s20 =	simm.s32 $0x2900;
	s21 =	simm.s32 $0x4;
	s14 =	smul.u32 $0x4E20, s1  }
0x7: {  	s22 =	simm.s32 $0x5;
	s10 =	sand.u32 $0x1, s5;
	s16 =	smul.u32 $0x4E200, s1  }
0x8: {  	s23 =	simm.s32 $0x6;
	s24 =	sshll.u32 s1, $0x1;
	s15 =	smul.u32 $0x2710, s10  }
0x9: {  	[smem:$0x7FF] =	sst s3;
	s5 =	sor.u32 s10, s24;
	s30 =	smul.u32 $0x27100, s10  }
0xa: {  	s13 =	sadd.s32 $0x2400, s4;
	s11 =	sadd.s32 $0xC200, s4;
	s6 =	smul.u32 $0x2710, s5  }
0xb: {  	_ =	strace $0x80000047;
	s7 =	ssub.s32 $0x2, s10;
	s8 =	smul.u32 $0x138800, s5  }
0xc: {  	s24 =	simm.s32 $0x0;
	s25 =	sshrl.u32 s7, $0x1;
	s28 =	smul.u32 $0x27100, s5  }
0xd: {  	s7 =	ssub.s32 s7, s25;
	s14 =	sadd.s32 s15, s14;
	s9 =	sshrl.u32 s6, $0x3  }
0xe: {  	s8 =	sshrl.u32 s8, $0x3;
	s12 =	sadd.s32 $0x50, s6;
	s6 =	smax.u32 s7, $0x1  }
0xf: {  	s31 =	sadd.s32 $0x140, s14;
	s14 =	sadd.s32 $0xF0, s14;
	s4 =	sadd.s32 s13, s9  }
0x10: {  	s26 =	sadd.s32 s11, s8;
	s29 =	sshrl.u32 s12, $0x3;
	s8 =	sadd.s32 s11, s28  }
0x11: {  	s12 =	sshll.u32 s12, $0x4;
	s14 =	sshrl.u32 s14, $0x3;
	s5 =	sadd.s32 $0x26C00, s26  }
0x12: {  	s7 =	sadd.s32 s13, s29;
	s9 =	sadd.s32 $0x14, s4;
	s10 =	sadd.s32 s11, s12  }
0x13: {  	s11 =	sadd.s32 s16, s11;
	s12 =	sshrl.u32 s31, $0x3;
	s16 =	simm.s32 $0x50  }
0x14: {  	s15 =	sadd.s32 s30, s11;
	s11 =	sadd.s32 s12, s13;
	s13 =	sadd.s32 s14, s13  }
0x15: {  	s14 =	simm.s32 $0x1;
	s12 =	sadd.s32 $0xF00, s15;
	s15 =	simm.s32 $0x80  }
.LBB2_1:
0x16: {  	[tilespmem:s3], [sflag:$0x1] =	stream.linear.gather [hbm4b:s4+s3], $0x50, $0x38;
	[tilespmem:$0x5100] =	vst v63  }
0x17: {  	_ =	swait.ge [sflag:s14], $0x50  }
0x18: {  	[sflag:s14] =	ssyncset.done $0x0  }
0x19: {  	[sflag:s14] =	ssyncadd.s32 $0xFFFFFFB0  }
0x1a: {  	[tilespmem:s15], [sflag:$0x2] =	stream.linear.gather [hbm4b:s7+s3], $0x50, $0x38;
	[tilespmem:$0x5100] =	vst v63  }
0x1b: {  	_ = 	snop  }
0x1c: {  	[tilespmem:s17], [sflag:$0x3] =	stream.indirect.gather [hbm4b:s2+s16], $0x80, s3, s16, $0xb8;
	[tilespmem:$0x5100] =	vst v63  }
0x1d: {  	_ =	swait.ge [sflag:s18], $0x2800  }
0x1e: {  	[sflag:s18] =	ssyncset.done $0x0  }
0x1f: {  	[sflag:s18] =	ssyncadd.s32 $0xFFFFD800  }
0x20: {  	[hbm4b:s8+s3] =	stream.linear.scatter [tilespmem:s17], [sflag:$0x5], $0x2800, $0x38;
	[tilespmem:$0x5100] =	vst v63  }
0x21: {  	_ =	swait.ge [sflag:s19], $0x50  }
0x22: {  	[sflag:s19] =	ssyncset.done $0x0  }
0x23: {  	[sflag:s19] =	ssyncadd.s32 $0xFFFFFFB0  }
0x24: {  	[tilespmem:s3], [sflag:$0x1] =	stream.linear.gather [hbm4b:s9+s3], $0x50, $0x38;
	[tilespmem:$0x5100] =	vst v63  }
0x25: {  	_ = 	snop  }
0x26: {  	[tilespmem:s20], [sflag:$0x4] =	stream.indirect.gather [hbm4b:s2+s16], $0x80, s15, s16, $0xb8;
	[tilespmem:$0x5100] =	vst v63  }
0x27: {  	_ =	swait.ge [sflag:s21], $0x2800  }
0x28: {  	[sflag:s21] =	ssyncset.done $0x0  }
0x29: {  	[sflag:s21] =	ssyncadd.s32 $0xFFFFD800  }
0x2a: {  	[hbm4b:s10+s3] =	stream.linear.scatter [tilespmem:s20], [sflag:$0x6], $0x2800, $0x38;
	[tilespmem:$0x5100] =	vst v63  }
0x2b: {  	_ =	swait.ge [sflag:s22], $0x2800  }
0x2c: {  	[sflag:s22] =	ssyncset.done $0x0  }
0x2d: {  	[sflag:s22] =	ssyncadd.s32 $0xFFFFD800  }
0x2e: {  	_ =	swait.ge [sflag:s14], $0x50  }
0x2f: {  	[sflag:s14] =	ssyncset.done $0x0  }
0x30: {  	s25 =	sadd.s32 $0x0, s13;
	[sflag:s14] =	ssyncadd.s32 $0xFFFFFFB0  }
0x31: {  	[tilespmem:s15], [sflag:$0x2] =	stream.linear.gather [hbm4b:s25+s3], $0x50, $0x38;
	[tilespmem:$0x5100] =	vst v63  }
0x32: {  	_ = 	snop  }
0x33: {  	[tilespmem:s17], [sflag:$0x3] =	stream.indirect.gather [hbm4b:s2+s16], $0x80, s3, s16, $0xb8;
	[tilespmem:$0x5100] =	vst v63  }
0x34: {  	_ =	swait.ge [sflag:s18], $0x2800  }
0x35: {  	[sflag:s18] =	ssyncset.done $0x0  }
0x36: {  	s30 =	sadd.s32 $0xFFFFFB00, s12;
	[sflag:s18] =	ssyncadd.s32 $0xFFFFD800  }
0x37: {  	[hbm4b:s30+s3] =	stream.linear.scatter [tilespmem:s17], [sflag:$0x5], $0x2800, $0x38;
	[tilespmem:$0x5100] =	vst v63  }
0x38: {  	_ =	swait.ge [sflag:s23], $0x2800  }
0x39: {  	[sflag:s23] =	ssyncset.done $0x0  }
0x3a: {  	[sflag:s23] =	ssyncadd.s32 $0xFFFFD800  }
0x3b: {  	_ =	swait.ge [sflag:s19], $0x50  }
0x3c: {  	[sflag:s19] =	ssyncset.done $0x0  }
0x3d: {  	s31 =	sadd.s32 $0x0, s11;
	[sflag:s19] =	ssyncadd.s32 $0xFFFFFFB0  }
0x3e: {  	[tilespmem:s3], [sflag:$0x1] =	stream.linear.gather [hbm4b:s31+s3], $0x50, $0x38;
	[tilespmem:$0x5100] =	vst v63  }
0x3f: {  	_ = 	snop  }
0x40: {  	[tilespmem:s20], [sflag:$0x4] =	stream.indirect.gather [hbm4b:s2+s16], $0x80, s15, s16, $0xb8;
	[tilespmem:$0x5100] =	vst v63  }
0x41: {  	_ =	swait.ge [sflag:s21], $0x2800  }
0x42: {  	s26 =	sadd.s32 $0xA00, s12;
	[sflag:s21] =	ssyncset.done $0x0  }
0x43: {  	s28 =	smov.u32 s12;
	s25 =	simm.s32 $0x14;
	[sflag:s21] =	ssyncadd.s32 $0xFFFFD800  }
.LBB2_2:
0x44: {  	[hbm4b:s28+s3] =	stream.linear.scatter [tilespmem:s20], [sflag:$0x6], $0x2800, $0x38;
	[tilespmem:$0x5100] =	vst v63  }
0x45: {  	s29 =	smov.u32 s25;
	s28 =	smov.u32 s26  }
0x46: {  	p0 =	sne.s32 s25, $0x4B0;
	s25 =	sadd.s32 $0x14, s25;
	_ =	swait.ge [sflag:s22], $0x2800  }
0x47: {  	[sflag:s22] =	ssyncset.done $0x0  }
0x48: {  	[sflag:s22] =	ssyncadd.s32 $0xFFFFD800  }
0x49: {  	_ =	swait.ge [sflag:s14], $0x50  }
0x4a: {  	[sflag:s14] =	ssyncset.done $0x0  }
0x4b: {  	s30 =	sadd.s32 s29, s13;
	[sflag:s14] =	ssyncadd.s32 $0xFFFFFFB0  }
0x4c: {  	[tilespmem:s15], [sflag:$0x2] =	stream.linear.gather [hbm4b:s30+s3], $0x50, $0x38;
	[tilespmem:$0x5100] =	vst v63  }
0x4d: {  	_ = 	snop  }
0x4e: {  	[tilespmem:s17], [sflag:$0x3] =	stream.indirect.gather [hbm4b:s2+s16], $0x80, s3, s16, $0xb8;
	[tilespmem:$0x5100] =	vst v63  }
0x4f: {  	_ =	swait.ge [sflag:s18], $0x2800  }
0x50: {  	[sflag:s18] =	ssyncset.done $0x0  }
0x51: {  	s30 =	sadd.s32 $0xFFFFFB00, s26;
	[sflag:s18] =	ssyncadd.s32 $0xFFFFD800  }
0x52: {  	[hbm4b:s30+s3] =	stream.linear.scatter [tilespmem:s17], [sflag:$0x5], $0x2800, $0x38;
	[tilespmem:$0x5100] =	vst v63  }
0x53: {  	_ =	swait.ge [sflag:s23], $0x2800  }
0x54: {  	[sflag:s23] =	ssyncset.done $0x0  }
0x55: {  	[sflag:s23] =	ssyncadd.s32 $0xFFFFD800  }
0x56: {  	_ =	swait.ge [sflag:s19], $0x50  }
0x57: {  	[sflag:s19] =	ssyncset.done $0x0  }
0x58: {  	s29 =	sadd.s32 s29, s11;
	[sflag:s19] =	ssyncadd.s32 $0xFFFFFFB0  }
0x59: {  	[tilespmem:s3], [sflag:$0x1] =	stream.linear.gather [hbm4b:s29+s3], $0x50, $0x38;
	[tilespmem:$0x5100] =	vst v63  }
.Ltmp0:
0x5a: {  	(pc) =	sbr.rel @p0 .LBB2_2-.Ltmp0, $4  }
0x5b: {  	[tilespmem:s20], [sflag:$0x4] =	stream.indirect.gather [hbm4b:s2+s16], $0x80, s15, s16, $0xb8;
	[tilespmem:$0x5100] =	vst v63  }
0x5c: {  	_ =	swait.ge [sflag:s21], $0x2800  }
0x5d: {  	[sflag:s21] =	ssyncset.done $0x0  }
0x5e: {  	s26 =	sadd.s32 $0xA00, s26;
	[sflag:s21] =	ssyncadd.s32 $0xFFFFD800  }
0x5f: {  	[hbm4b:s28+s3] =	stream.linear.scatter [tilespmem:s20], [sflag:$0x6], $0x2800, $0x38;
	[tilespmem:$0x5100] =	vst v63  }
0x60: {  	_ =	swait.ge [sflag:s22], $0x2800  }
0x61: {  	[sflag:s22] =	ssyncset.done $0x0  }
0x62: {  	[sflag:s22] =	ssyncadd.s32 $0xFFFFD800  }
0x63: {  	_ =	swait.ge [sflag:s14], $0x50  }
0x64: {  	[sflag:s14] =	ssyncset.done $0x0  }
0x65: {  	[sflag:s14] =	ssyncadd.s32 $0xFFFFFFB0  }
0x66: {  	[tilespmem:s17], [sflag:$0x3] =	stream.indirect.gather [hbm4b:s2+s16], $0x80, s3, s16, $0xb8;
	[tilespmem:$0x5100] =	vst v63  }
0x67: {  	_ =	swait.ge [sflag:s18], $0x2800  }
0x68: {  	[sflag:s18] =	ssyncset.done $0x0  }
0x69: {  	s24 =	sadd.s32 $0x1, s24;
	[sflag:s18] =	ssyncadd.s32 $0xFFFFD800  }
0x6a: {  	[hbm4b:s5+s3] =	stream.linear.scatter [tilespmem:s17], [sflag:$0x5], $0x2800, $0x38;
	[tilespmem:$0x5100] =	vst v63  }
0x6b: {  	p0 =	sne.s32 s24, s6;
	_ =	swait.ge [sflag:s23], $0x2800  }
.Ltmp1:
0x6c: {  	[sflag:s23] =	ssyncset.done $0x0;
	(pc) =	sbr.rel @p0 .LBB2_1-.Ltmp1, $4  }
0x6d: {  	[sflag:s23] =	ssyncadd.s32 $0xFFFFD800  }
0x6e: {  	_ =	swait.ge [sflag:s22], $0x2800  }
0x6f: {  	[sflag:s22] =	ssyncset.done $0x0  }
0x70: {  	[sflag:s22] =	ssyncadd.s32 $0xFFFFD800  }
0x71: {  	_ =	sfence.sel $0x180000  }
0x72: {  	[bflag:$0x0] =	sbarrier.arrive $0xFFFF  }
0x73: {  	p0 =	sne.s32 s1, $0x0;
	_ =	strace $0x90000047  }
0x74: {  	s0 =	sadd.s32 @!p0 $0x100000, s0;
	[bflag:$0x2] =	sbarrier.arrive $0xFFFF  }
0x75: {  	[sflag:s0] =	ssyncadd.tile.s32 @!p0 $0x1;
	_ =	shalt  }
.Lfunc_end2:
_tile_overlayer_lowered:
.L_overlay_start_2:
0x76: {  	(tag) =	ssettag $0x2  }
0x77: {  	s0 =	rddreg [dreg:$0x0];
	s2 =	stileid.u32  }
0x78: {  	s1 =	rddreg [dreg:$0x1];
	p0 =	sne.s32 s2, $0x0  }
0x79: {  	s3 =	rddreg [dreg:$0x2];
	[bflag:$0x3] =	sbarrier.arrive $0xFFFF;
	s2 =	simm.s32 @!p0 $0x1C07  }
0x7a: {  	[timem:s3], [sflag:s2] =	dma.local @!p0 [hbm:s0], s1  }
0x7b: {  	s0 =	simm.s32 @!p0 $0x7  }
0x7c: {  	_ =	swait.ge @!p0 [sflag:s0], s1  }
0x7d: {  	s1 =	ssub.s32 @!p0 $0x0, s1;
	[sflag:s0] =	ssyncset.done @!p0 $0x0  }
0x7e: {  	[sflag:s0] =	ssyncadd.s32 @!p0 s1  }
0x7f: {  	[bflag:$0x3] =	sbarrier.arrive $0xFFFF  }
0x80: {  	_ =	shalt  }

// kernel: kernel.9.cloned.1.call-start
scs
__scs_entry_jumppad:
0x0: {  	(pc) =	sbr.rel $0x88, $3  }
0x1: {  	(tag) =	ssettag $0x0;
	lr =	simm.s32 $0x1  }
0x2: {  	[smem:$0x3F95] =	sst lr;
	_ =	strace $0xD0000000  }
0x3: {  	_ = 	snop  }
0x4: {  	_ = 	snop  }
0x5: {  	_ = 	snop  }
0x6: {  	_ = 	snop  }
0x7: {  	_ = 	snop  }
__scs_overlays_trampoline_lowered:
0x8: {  	[smem:$0x3FA4] =	sst s0  }
0x9: {  	[smem:$0x3FA5] =	sst s1  }
0xa: {  	[smem:$0x3FA6] =	sst s2  }
0xb: {  	[smem:$0x3FA7] =	sst s3  }
0xc: {  	[smem:$0x3FA8] =	sst s4  }
0xd: {  	[smem:$0x3FA9] =	sst s5  }
0xe: {  	[smem:$0x3FAA] =	sst s6  }
0xf: {  	[smem:$0x3FAB] =	sst s7  }
0x10: {  	[smem:$0x3FAC] =	sst s8  }
0x11: {  	[smem:$0x3FAD] =	sst s9;
	s0 =	simm.s32 @!p0 $0x0  }
0x12: {  	s1 =	sld [smem:$0x3F93];
	s0 =	simm.s32 @p0 $0x1  }
0x13: {  	[smem:$0x3FAE] =	sst s0;
	s0 =	simm.s32 @!p1 $0x0  }
0x14: {  	s2 =	sld [smem:$0x3F92];
	s0 =	simm.s32 @p1 $0x1  }
0x15: {  	[smem:$0x3FAF] =	sst s0;
	s0 =	simm.s32 @!p2 $0x0  }
0x16: {  	s3 =	sld [smem:$0x3FDB];
	s0 =	simm.s32 @p2 $0x1  }
0x17: {  	s4 =	simm.s32 $0x1BF5;
	[smem:$0x3FB1] =	sst s0  }
0x18: {  	s0 =	sld [smem:$0x3F94];
	_ =	swait.ge [sflag:s4], $0x0  }
0x19: {  	s7 =	sld [smem:$0x3F95]  }
0x1a: {  	s8 =	sadd.s32 $0xFFFFE003, lr  }
0x1b: {  	s9 =	sadd.s32 $0xFFFFFEF7, lr;
	s5 =	simm.s32 $0xFFFFFFFF;
	p2 =	slt.u32 s8, $0xFFFFF086  }
0x1c: {  	p1 =	slt.u32 s9, $0xF7A;
	s5 =	simm.s32 @!p2 $0x0  }
0x1d: {  	s5 =	simm.s32 @p1 $0x1;
	p0 =	seq.s32 s7, s2  }
0x1e: {  	s7 =	smul.u32 @!p0 $0xF7A, s2;
	p2 =	seq.s32 @!p0 s5, $0x0  }
0x1f: {  	s9 =	smul.u32 $0xF7A, s1;
	s8 =	simm.s32 @!p0 $0x1BF5;
	p2 =	por !p2, p0  }
0x20: {  	[sflag:s8] =	ssyncset.s32 @!p0 $0xFFFFF086;
	s6 =	sadd.s32 @!p0 s3, s7;
	s7 =	simm.s32 @!p0 $0x108  }
0x21: {  	s3 =	sadd.s32 s3, s9;
	s6 =	sadd.s32 @!p0 $0x88, s6;
	s7 =	simm.s32 @p2 $0x1082  }
0x22: {  	[simem:s7], [sflag:s8] =	dma.local @!p0 [hbm:s6], $0xF7A  }
0x23: {  	s9 =	sor.u32 $0xD0000000, s2;
	s6 =	simm.s32 $0x108;
	_ =	swait.ge @!p0 [sflag:s8], $0x0  }
0x24: {  	s3 =	sadd.s32 $0x88, s3;
	s6 =	simm.s32 @!p1 $0x1082;
	[sflag:s4] =	ssyncset.s32 $0xFFFFF086  }
0x25: {  	[simem:s6], [sflag:s4] =	dma.local [hbm:s3], $0xF7A  }
0x26: {  	[smem:$0x3F95] =	sst s1;
	(tag) =	ssettag s2;
	_ =	strace s9  }
0x27: {  	s1 =	sld [smem:$0x3FA5]  }
0x28: {  	s2 =	sld [smem:$0x3FA6]  }
0x29: {  	s4 =	sld [smem:$0x3FA8]  }
0x2a: {  	p0 =	seq.s32 s5, $0x0;
	s5 =	sld [smem:$0x3FA9]  }
0x2b: {  	s6 =	sld [smem:$0x3FAA]  }
0x2c: {  	s7 =	sld [smem:$0x3FAB]  }
0x2d: {  	s3 =	simm.s32 $0x108;
	s8 =	sld [smem:$0x3FAC]  }
0x2e: {  	s3 =	simm.s32 @!p0 $0x1082;
	s9 =	sld [smem:$0x3FAD]  }
0x2f: {  	lr =	sadd.s32 s0, s3;
	s0 =	sld [smem:$0x3FA4]  }
0x30: {  	s3 =	sld [smem:$0x3FA7]  }
0x31: {  	[smem:$0x3FB0] =	sst s10  }
0x32: {  	s10 =	sld [smem:$0x3FAE];
	_ =	sdelay $0x3  }
0x33: {  	p0 =	seq.s32 s10, $0x1;
	s10 =	sld [smem:$0x3FB0];
	_ =	sdelay $0x3  }
0x34: {  	[smem:$0x3FB0] =	sst s10  }
0x35: {  	s10 =	sld [smem:$0x3FAF];
	_ =	sdelay $0x3  }
0x36: {  	p1 =	seq.s32 s10, $0x1;
	s10 =	sld [smem:$0x3FB0];
	_ =	sdelay $0x3  }
0x37: {  	[smem:$0x3FB0] =	sst s10  }
0x38: {  	s10 =	sld [smem:$0x3FB1]  }
0x39: {  	_ = 	snop;
	(pc) =	sbr.ind lr, $3  }
0x3a: {  	_ = 	snop  }
0x3b: {  	_ = 	snop  }
0x3c: {  	p2 =	seq.s32 s10, $0x1;
	s10 =	sld [smem:$0x3FB0]  }
0x3d: {  	_ =	shalt  }
0x3e: {  	_ =	shalt  }
0x3f: {  	_ =	shalt  }
0x40: {  	_ =	shalt  }
0x41: {  	_ =	shalt  }
0x42: {  	_ =	shalt  }
0x43: {  	_ =	shalt  }
0x44: {  	_ =	shalt  }
0x45: {  	_ =	shalt  }
0x46: {  	_ =	shalt  }
0x47: {  	_ =	shalt  }
0x48: {  	_ =	shalt  }
0x49: {  	_ =	shalt  }
0x4a: {  	_ =	shalt  }
0x4b: {  	_ =	shalt  }
0x4c: {  	_ =	shalt  }
0x4d: {  	_ =	shalt  }
0x4e: {  	_ =	shalt  }
0x4f: {  	_ =	shalt  }
0x50: {  	_ =	shalt  }
0x51: {  	_ =	shalt  }
0x52: {  	_ =	shalt  }
0x53: {  	_ =	shalt  }
0x54: {  	_ =	shalt  }
0x55: {  	_ =	shalt  }
0x56: {  	_ =	shalt  }
0x57: {  	_ =	shalt  }
0x58: {  	_ =	shalt  }
0x59: {  	_ =	shalt  }
0x5a: {  	_ =	shalt  }
0x5b: {  	_ =	shalt  }
0x5c: {  	_ =	shalt  }
0x5d: {  	_ =	shalt  }
0x5e: {  	_ =	shalt  }
0x5f: {  	_ =	shalt  }
0x60: {  	_ =	shalt  }
0x61: {  	_ =	shalt  }
0x62: {  	_ =	shalt  }
0x63: {  	_ =	shalt  }
0x64: {  	_ =	shalt  }
0x65: {  	_ =	shalt  }
0x66: {  	_ =	shalt  }
0x67: {  	_ =	shalt  }
0x68: {  	_ =	shalt  }
0x69: {  	_ =	shalt  }
0x6a: {  	_ =	shalt  }
0x6b: {  	_ =	shalt  }
0x6c: {  	_ =	shalt  }
0x6d: {  	_ =	shalt  }
0x6e: {  	_ =	shalt  }
0x6f: {  	_ =	shalt  }
0x70: {  	_ =	shalt  }
0x71: {  	_ =	shalt  }
0x72: {  	_ =	shalt  }
0x73: {  	_ =	shalt  }
0x74: {  	_ =	shalt  }
0x75: {  	_ =	shalt  }
0x76: {  	_ =	shalt  }
0x77: {  	_ =	shalt  }
0x78: {  	_ =	shalt  }
0x79: {  	_ =	shalt  }
0x7a: {  	_ =	shalt  }
0x7b: {  	_ =	shalt  }
0x7c: {  	_ =	shalt  }
0x7d: {  	_ =	shalt  }
0x7e: {  	_ =	shalt  }
0x7f: {  	_ =	shalt  }
0x80: {  	_ =	shalt  }
0x81: {  	_ =	shalt  }
0x82: {  	_ =	shalt  }
0x83: {  	_ =	shalt  }
0x84: {  	_ =	shalt  }
0x85: {  	_ =	shalt  }
0x86: {  	_ =	shalt  }
0x87: {  	_ =	shalt  }
.Lfunc_end0:
.L_simem_size_0:
called_computation.1_lowered:
.L_overlay_start_0:
0x88: {  	s2 =	sld [smem:$0x3FD9]  }
0x89: {  	s3 =	sld [smem:$0x3FFE];
	_ =	sdelay $0x1  }
0x8a: {  	s1 =	srdreg.scid  }
0x8b: {  	s0 =	sand.u32 $0x1, s1  }
0x8c: {  	s17 =	sshll.u32 s0, $0xA;
	s2 =	sadd.s32 s3, s2  }
0x8d: {  	s2 =	sadd.s32 s2, s17  }
0x8e: {  	[smem:$0x3FBC] =	sst s2  }
0x8f: {  	_ = 	snop  }
0x90: {  	s2 =	sld [smem:$0x3FC3]  }
0x91: {  	s18 =	sld [smem:$0x3FD0];
	(tm) =	ssettm $0x1  }
0x92: {  	s4 =	sld [smem:$0x3FFB];
	_ =	sdelay $0x3  }
0x93: {  	_ =	strace s4  }
0x94: {  	s4 =	sld [smem:$0x3FFC];
	_ =	sdelay $0x3  }
0x95: {  	_ =	strace s4  }
0x96: {  	s4 =	sld [smem:$0x3FFD];
	_ =	sdelay $0x3  }
0x97: {  	_ =	strace s4  }
0x98: {  	_ =	strace $0x8FFFFFFF  }
0x99: {  	s19 =	sld [smem:$0x3FDB];
	_ =	sdelay $0x1  }
0x9a: {  	s5 =	simm.s32 $_scs_section_size  }
0x9b: {  	s6 =	simm.s32 $_size__tile_overlayer_lowered;
	s7 =	simm.s32 $_tile_overlayer_lowered  }
0x9c: {  	s22 =	simm.s32 $0x1BFF;
	s21 =	sshll.u32 s7, $0x1;
	s4 =	sadd.s32 s5, s19  }
0x9d: {  	s8 =	simm.s32 $0x0;
	s20 =	sshll.u32 s6, $0x1;
	s6 =	sadd.s32 s21, s4  }
0x9e: {  	[timem:s8], [sflag:s22] =	dma.local [hbm:s6], s20  }
0x9f: {  	_ =	swait.ge [sflag:s22], s20  }
0xa0: {  	s5 =	ssub.s32 $0x0, s20;
	[sflag:s22] =	ssyncset.done $0x0  }
0xa1: {  	[sflag:s22] =	ssyncadd.s32 s5;
	_ =	sdelay $0x1  }
0xa2: {  	s23 =	simm.s32 $0x1B8B  }
0xa3: {  	_ =	swait.ge [sflag:s23], $0x1  }
0xa4: {  	[sflag:s23] =	ssyncset.done $0x0  }
0xa5: {  	s25 =	simm.s32 $0x1B8E;
	s24 =	sld [smem:$0x3FFE];
	[sflag:s23] =	ssyncadd.s32 $0xFFFFFFFF  }
0xa6: {  	s26 =	simm.s32 $execute0_lowered;
	[smem:$0x3FD2] =	sst s25  }
0xa7: {  	s6 =	sshll.u32 s26, $0x1;
	_ =	strace $0x80000049;
	[dreg:$0x1] =	wrdreg $0xFFFFFFFF  }
0xa8: {  	s28 =	simm.s32 $_size_execute0_lowered;
	s4 =	sadd.s32 s4, s6;
	[dreg:$0x0] =	wrdreg $0x0  }
0xa9: {  	s6 =	sshll.u32 s28, $0x1;
	[dreg:$0x2] =	wrdreg s4  }
0xaa: {  	[dreg:$0x3] =	wrdreg s6  }
0xab: {  	[dreg:$0x4] =	wrdreg $0xC0  }
0xac: {  	_ =	task [dreg:s8], $0x5FFFF  }
0xad: {  	[dreg:$0x1] =	wrdreg $0xFFFFFFFF  }
0xae: {  	[dreg:$0x0] =	wrdreg $0x60  }
0xaf: {  	[dreg:$0x2] =	wrdreg s24  }
0xb0: {  	[dreg:$0x3] =	wrdreg s2  }
0xb1: {  	[dreg:$0x4] =	wrdreg s18  }
0xb2: {  	[dreg:$0x5] =	wrdreg $0x0  }
0xb3: {  	[dreg:$0x6] =	wrdreg $0x9E000  }
0xb4: {  	[dreg:$0x7] =	wrdreg $0x9  }
0xb5: {  	_ =	task.clear_ibuf [dreg:s8], $0x8FFFF;
	_ =	strace $0x90000049  }
0xb6: {  	s29 =	simm.s32 $0x9;
	_ =	strace $0x8000004B  }
0xb7: {  	_ =	swait.ge [sflag:s29], $0x1  }
0xb8: {  	[sflag:s29] =	ssyncadd.s32 $0xFFFFFFFF  }
0xb9: {  	_ =	strace $0x9000004B  }
0xba: {  	_ =	sfence  }
0xbb: {  	s30 =	sld [smem:$0x0];
	_ =	sdelay $0x2  }
0xbc: {  	s31 =	sshll.u32 s1, $0xD;
	s1 =	sshrl.u32 s1, $0x2  }
0xbd: {  	s3 =	sand.u32 $0x4000, s31;
	s1 =	sadd.s32 s1, s30  }
0xbe: {  	s0 =	sor.u32 s3, s0;
	s1 =	sshll.u32 s1, $0x11  }
0xbf: {  	s0 =	sor.u32 s1, s0  }
0xc0: {  	s0 =	sadd.s32 $0x8F2B, s0  }
0xc1: {  	[sflag:s0] =	ssyncadd.remote.s32 $0x1  }
0xc2: {  	_ =	sfence.sel $0xFFFF  }
0xc3: {  	[dreg:$0x0] =	wrdreg $0xFFFFFFFF;
	(pc) =	sbr.abs _section_cstart, $3  }
0xc4: {  	[dreg:$0x1] =	wrdreg $0xFFFFFFFF  }
0xc5: {  	_ =	task.clear_ibuf [dreg:s8], $0x2FFFF;
	_ =	strace $0x9FFFFFFF  }
0xc6: {  	(tm) =	ssettm $0x7FFFFFFF  }
0xc7: {  	_ =	shalt  }
tec
execute0_lowered:
.L_overlay_start_1:
0x0: {  	(tag) =	ssettag $0x1  }
0x1: {  	s0 =	rddreg [dreg:$0x0]  }
0x2: {  	s25 =	rddreg [dreg:$0x1]  }
0x3: {  	s3 =	rddreg [dreg:$0x2]  }
0x4: {  	s2 =	rddreg [dreg:$0x3]  }
0x5: {  	s26 =	rddreg [dreg:$0x4];
	s19 =	stileid.u32  }
0x6: {  	s5 =	simm.s32 $0x0;
	s8 =	srdreg.scid;
	s4 =	smul.u32 $0x2700, s19  }
0x7: {  	s30 =	simm.s32 $0xC5D0;
	s29 =	simm.s32 $0x2;
	s17 =	smul.u32 $0x27800, s19  }
0x8: {  	s31 =	simm.s32 $0x6;
	[smem:$0x7FF] =	sst s5;
	s12 =	smul.u32 $0x9E00, s19  }
0x9: {  	s21 =	sadd.s32 $0x273400, s0;
	s11 =	sand.u32 $0x1, s8;
	s8 =	smul.u32 $0x2710, s19  }
0xa: {  	s7 =	sadd.s32 $0x2400, s0;
	s6 =	sadd.s32 $0x4E4400, s0;
	s20 =	smul.u32 $0x270, s19  }
0xb: {  	p0 =	sne.s32 s19, $0xF;
	_ =	strace $0x8000004A;
	s10 =	ssub.s32 $0x2, s11  }
0xc: {  	s15 =	smul.u32 $0x2710, s11;
	p1 =	sne.s32 s11, $0x0;
	[dreg:$0x1f] =	wrdreg s21  }
0xd: {  	p2 =	sne.s32 @!p0 s11, $0x0;
	[smem:$0x7FD] =	sst s7;
	s9 =	sshrl.u32 s4, $0x3  }
0xe: {  	s13 =	sshrl.u32 s10, $0x1;
	s14 =	sshrl.u32 s17, $0x2;
	s12 =	sshrl.u32 s12, $0x2  }
0xf: {  	s18 =	sshrl.u32 s8, $0x3;
	s16 =	sadd.s32 $0x140, s8;
	s17 =	smul.u32 $0x9C400, s11  }
0x10: {  	s23 =	sadd.s32 $0x190, s8;
	s4 =	sadd.s32 s4, s26;
	p2 =	por p2, p0  }
0x11: {  	s9 =	sadd.s32 s9, s0;
	s13 =	ssub.s32 s10, s13;
	[dreg:$0x6] =	wrdreg s16  }
0x12: {  	s1 =	sadd.s32 s14, s2;
	s10 =	smul.u32 $0x27100, s11;
	[dreg:$0x7] =	wrdreg s23  }
0x13: {  	s12 =	sadd.s32 s12, s26;
	s28 =	sadd.s32 s25, s18;
	[dreg:$0x12] =	wrdreg s4  }
0x14: {  	s18 =	sadd.s32 $0x50, s8;
	s16 =	smul.u32 $0x27000, s19;
	[dreg:$0x8] =	wrdreg s1  }
0x15: {  	s0 =	sadd.s32 $0x510400, s0;
	s11 =	simm.s32 $0x11BC0;
	[dreg:$0x9] =	wrdreg s12  }
0x16: {  	s12 =	sadd.s32 s20, s15;
	s24 =	sshrl.u32 s17, $0x3;
	[dreg:$0x13] =	wrdreg s0  }
0x17: {  	s9 =	sadd.s32 $0x50B600, s9;
	[dreg:$0xa] =	wrdreg s28;
	s22 =	sadd.s32 s8, s10  }
0x18: {  	s12 =	sshll.u32 s12, $0x3;
	s15 =	sadd.s32 $0x13800, s24;
	s24 =	sadd.s32 s10, s18  }
0x19: {  	[dreg:$0x11] =	wrdreg s9;
	s9 =	simm.s32 $0x1;
	s1 =	sadd.s32 s3, s12  }
0x1a: {  	s14 =	sshll.u32 s22, $0x3;
	s3 =	sadd.s32 s3, s15;
	[dreg:$0xb] =	wrdreg s1  }
0x1b: {  	s17 =	sadd.s32 s6, s12;
	s20 =	sadd.s32 s6, s15;
	[dreg:$0xc] =	wrdreg s3  }
0x1c: {  	s22 =	sshrl.u32 s18, $0x3;
	s12 =	smul.u32 $0x4E2, s19;
	[dreg:$0xd] =	wrdreg s17  }
0x1d: {  	s18 =	smax.u32 s13, $0x1;
	s19 =	sadd.s32 $0x9C000, s2;
	[dreg:$0xe] =	wrdreg s20  }
0x1e: {  	s13 =	simm.s32 $0xE;
	s23 =	sadd.s32 s25, s22;
	[dreg:$0x18] =	wrdreg s18  }
0x1f: {  	s1 =	sshrl.u32 s16, $0x2;
	s3 =	sshll.u32 s24, $0x3;
	[dreg:$0x1a] =	wrdreg s19  }
0x20: {  	s15 =	sadd.s32 s21, s14;
	s16 =	sadd.s32 s7, s14;
	[dreg:$0xf] =	wrdreg s23  }
0x21: {  	s22 =	sadd.s32 $0x27000, s26;
	s14 =	simm.s32 $0xC580;
	[dreg:$0x15] =	wrdreg s16  }
0x22: {  	s18 =	simm.s32 $0x102C0;
	s20 =	simm.s32 $0x9;
	[dreg:$0x1b] =	wrdreg s22  }
0x23: {  	s6 =	sadd.s32 s1, s2;
	s17 =	sadd.s32 s21, s3;
	[dreg:$0x14] =	wrdreg s15  }
0x24: {  	s3 =	sadd.s32 s7, s3;
	s0 =	sadd.s32 s12, s25;
	[dreg:$0x10] =	wrdreg s6  }
0x25: {  	s23 =	sadd.s32 $0xC80, s15;
	s24 =	sadd.s32 $0xA00, s15;
	[dreg:$0x16] =	wrdreg s17  }
0x26: {  	s15 =	simm.s32 $0xDAC0;
	s22 =	simm.s32 $0xEEC0;
	[dreg:$0x17] =	wrdreg s3  }
0x27: {  	s12 =	simm.s32 $0x5;
	s1 =	simm.s32 $0x0;
	[dreg:$0x1c] =	wrdreg s23  }
0x28: {  	s0 =	sadd.s32 $0x32, s0;
	[dreg:$0x1d] =	wrdreg s24;
	s23 =	simm.s32 $0xC6C0  }
0x29: {  	v0 =	vimm.f32 $1.000000000e+00;
	v1 =	vimm.f32 $0.0e+00;
	s24 =	simm.s32 $0x50;
	s17 =	simm.s32 $0xC670;
	[dreg:$0x19] =	wrdreg s0  }
.LBB2_1:
0x2a: {  	s0 =	simm.s32 $0x0  }
.LBB2_2:
0x2b: {  	p3 =	sne.s32 s0, $0x13C0  }
.Ltmp0:
0x2c: {  	_ = 	snop;
	(pc) =	sbr.rel @p3 .LBB2_2-.Ltmp0, $3  }
0x2d: {  	_ =	sdelay $0x1  }
0x2e: {  	s3 =	sshra.s32 s0, $0x2  }
0x2f: {  	s0 =	sadd.s32 $0x40, s0;
	[tilespmem:s3+$0x116C0] =	vst v0  }
0x30: {  	s0 =	simm.s32 $0x11BE0  }
0x31: {  	[tilespmem:s0+$0x0] =	vst v1  }
0x32: {  	[tilespmem:s0+$0xFFFFFFE0] =	vst v1  }
0x33: {  	[dreg:$0x1e] =	wrdreg s1;
	s3 =	simm.s32 $0x40;
	[tilespmem:s0+$0x10] =	vst v1  }
0x34: {  	s4 =	simm.s32 $0x0;
	s6 =	simm.s32 $0xC620;
	s1 =	rddreg [dreg:$0x8];
	[tilespmem:s0+$0xFFFFFFF0] =	vst v1  }
.LBB2_4:
0x35: {  	p3 =	sne.s32 s3, $0x9DC0  }
0x36: {  	[tilespmem:s4+$0x1B9C0] =	vst v1;
	s0 =	sadd.s32 $0x40, s0;
	s4 =	smov.u32 s3;
	s3 =	sadd.s32 $0x40, s3  }
.Ltmp1:
0x37: {  	[tilespmem:s0+$0x0] =	vst v1;
	(pc) =	sbr.rel @p3 .LBB2_4-.Ltmp1, $4  }
0x38: {  	_ = 	snop  }
0x39: {  	[tilespmem:s0+$0xFFFFFFE0] =	vst v1  }
0x3a: {  	[tilespmem:s0+$0x10] =	vst v1  }
0x3b: {  	s4 =	sshra.s32 s4, $0x2;
	[tilespmem:s0+$0xFFFFFFF0] =	vst v1  }
0x3c: {  	[tilespmem:s4+$0x1B9C0] =	vst v1  }
0x3d: {  	[spmem:s1] =	stream.linear.scatter [tilespmem:s11], [sflag:$0xE], $0x9E00, $0x38;
	[tilespmem:$0x1E140] =	vst v63  }
0x3e: {  	_ =	swait.ge [sflag:s13], $0x9E00  }
0x3f: {  	[sflag:s13] =	ssyncset.done $0x0  }
0x40: {  	s11 =	simm.s32 $0x1B9C0;
	s0 =	rddreg [dreg:$0x9];
	[sflag:s13] =	ssyncadd.s32 $0xFFFF6200  }
0x41: {  	[spmem:s0] =	stream.linear.scatter [tilespmem:s11], [sflag:$0xE], $0x2780, $0x38;
	[tilespmem:$0x1E140] =	vst v63  }
0x42: {  	_ =	swait.ge [sflag:s13], $0x2780  }
0x43: {  	[sflag:s13] =	ssyncset.done $0x0  }
0x44: {  	[sflag:s13] =	ssyncadd.s32 $0xFFFFD880  }
0x45: {  	[bflag:$0x0] =	sbarrier.arrive $0xFFFF  }
0x46: {  	[tilespmem:s14], [sflag:$0x1] =	stream.linear.gather [hbm4b:s28+s5], $0x50, $0x38;
	[tilespmem:$0x1E140] =	vst v63  }
0x47: {  	p3 =	por $0x1, $0x1;
	s13 =	rddreg [dreg:$0x14]  }
0x48: {  	[tilespmem:s23], [sflag:$0x5] =	stream.linear.gather [hbm4b:s13+s5], $0x1400, $0x38;
	[tilespmem:$0x1E140] =	vst v63  }
0x49: {  	s0 =	simm.s32 @!p3 $0xA0;
	s16 =	rddreg [dreg:$0xf]  }
0x4a: {  	[tilespmem:s30], [sflag:$0x2] =	stream.linear.gather [hbm4b:s16+s5], $0x50, $0x38;
	[tilespmem:$0x1E140] =	vst v63  }
0x4b: {  	s3 =	simm.s32 @!p3 $0xB;
	s0 =	simm.s32 @p3 $0xA0;
	s19 =	rddreg [dreg:$0x16]  }
0x4c: {  	[tilespmem:s15], [sflag:$0x6] =	stream.linear.gather [hbm4b:s19+s5], $0x1400, $0x38;
	[tilespmem:$0x1E140] =	vst v63  }
0x4d: {  	s0 =	sadd.s32 s8, s0;
	_ =	swait.ge @!p3 [sflag:s3], $0x1400  }
0x4e: {  	s1 =	sshrl.u32 s0, $0x3;
	s0 =	sadd.s32 s10, s0;
	[sflag:s3] =	ssyncset.done @!p3 $0x0  }
0x4f: {  	s0 =	sshll.u32 s0, $0x3;
	s7 =	sadd.s32 s25, s1;
	[sflag:s3] =	ssyncadd.s32 @!p3 $0xFFFFEC00  }
0x50: {  	[tilespmem:s6], [sflag:$0x3] =	stream.linear.gather [hbm4b:s7+s5], $0x50, $0x38;
	[tilespmem:$0x1E140] =	vst v63  }
0x51: {  	s0 =	sadd.s32 s21, s0  }
0x52: {  	[tilespmem:s22], [sflag:$0x7] =	stream.linear.gather [hbm4b:s0+s5], $0x1400, $0x38;
	[tilespmem:$0x1E140] =	vst v63  }
0x53: {  	_ =	swait.ge [sflag:s9], $0x50  }
0x54: {  	[sflag:s9] =	ssyncset.done $0x0  }
0x55: {  	[sflag:s9] =	ssyncadd.s32 $0xFFFFFFB0  }
0x56: {  	_ =	swait.ge [sflag:s12], $0x1400  }
0x57: {  	s4 =	simm.s32 @!p1 $0xC580;
	[sflag:s12] =	ssyncset.done $0x0  }
0x58: {  	s28 =	simm.s32 @!p1 $0x116C0;
	s0 =	simm.s32 $0xF0;
	[sflag:s12] =	ssyncadd.s32 $0xFFFFEC00  }
0x59: {  	[spmem:s2] =	stream.indirect.scatter.add.f32 [tilespmem:s23], [sflag:$0x9], $0x40, s14, s24, $0xb8;
	[tilespmem:$0x1E140] =	vst v63  }
0x5a: {  	s15 =	simm.s32 @!p1 $0x50;
	s3 =	simm.s32 @!p3 $0xC;
	s0 =	simm.s32 @p3 $0xF0  }
0x5b: {  	[spmem:s26] =	stream.indirect.scatter.add.f32 @!p1 [tilespmem:s28], [sflag:$0xD], $0x10, s4, s15, $0xb8;
	[tilespmem:$0x1E140] =	vst v63  }
0x5c: {  	s0 =	sadd.s32 s8, s0;
	_ =	swait.ge @!p3 [sflag:s3], $0x1400  }
0x5d: {  	s11 =	sshrl.u32 s0, $0x3;
	s0 =	sadd.s32 s10, s0;
	[sflag:s3] =	ssyncset.done @!p3 $0x0  }
0x5e: {  	s0 =	sshll.u32 s0, $0x3;
	s12 =	sadd.s32 s25, s11;
	[sflag:s3] =	ssyncadd.s32 @!p3 $0xFFFFEC00  }
0x5f: {  	[tilespmem:s17], [sflag:$0x4] =	stream.linear.gather [hbm4b:s12+s5], $0x50, $0x38;
	[tilespmem:$0x1E140] =	vst v63  }
0x60: {  	s0 =	sadd.s32 s21, s0  }
0x61: {  	[tilespmem:s18], [sflag:$0x8] =	stream.linear.gather [hbm4b:s0+s5], $0x1400, $0x38;
	[tilespmem:$0x1E140] =	vst v63  }
0x62: {  	_ =	swait.ge [sflag:s29], $0x50  }
0x63: {  	[sflag:s29] =	ssyncset.done $0x0  }
0x64: {  	[sflag:s29] =	ssyncadd.s32 $0xFFFFFFB0  }
0x65: {  	_ =	swait.ge [sflag:s31], $0x1400  }
0x66: {  	[sflag:s31] =	ssyncset.done $0x0  }
0x67: {  	s9 =	simm.s32 $0xDAC0;
	[sflag:s31] =	ssyncadd.s32 $0xFFFFEC00  }
0x68: {  	[spmem:s2] =	stream.indirect.scatter.add.f32 [tilespmem:s9], [sflag:$0xA], $0x40, s30, s24, $0xb8;
	[tilespmem:$0x1E140] =	vst v63  }
0x69: {  	s0 =	simm.s32 @!p1 $0xC5D0  }
0x6a: {  	[spmem:s26] =	stream.indirect.scatter.add.f32 @!p1 [tilespmem:s28], [sflag:$0xD], $0x10, s0, s15, $0xb8;
	[tilespmem:$0x1E140] =	vst v63  }
0x6b: {  	_ =	swait.ge [sflag:s20], $0x1400  }
0x6c: {  	[sflag:s20] =	ssyncset.done $0x0;
	s6 =	rddreg [dreg:$0x19]  }
0x6d: {  	[sflag:s20] =	ssyncadd.s32 $0xFFFFEC00;
	s17 =	sadd.s32 $0xFFFFFFF6, s6  }
0x6e: {  	[tilespmem:s14], [sflag:$0x1] =	stream.linear.gather [hbm4b:s17+s5], $0x50, $0x38;
	[tilespmem:$0x1E140] =	vst v63  }
0x6f: {  	s30 =	simm.s32 $0x3;
	s19 =	rddreg [dreg:$0x1d]  }
0x70: {  	[tilespmem:s23], [sflag:$0x5] =	stream.linear.gather [hbm4b:s19+s5], $0x1400, $0x38;
	[tilespmem:$0x1E140] =	vst v63  }
0x71: {  	_ =	swait.ge [sflag:s30], $0x50  }
0x72: {  	[sflag:s30] =	ssyncset.done $0x0  }
0x73: {  	s23 =	simm.s32 $0x7;
	[sflag:s30] =	ssyncadd.s32 $0xFFFFFFB0  }
0x74: {  	_ =	swait.ge [sflag:s23], $0x1400  }
0x75: {  	[sflag:s23] =	ssyncset.done $0x0  }
0x76: {  	s13 =	simm.s32 $0xEEC0;
	s16 =	simm.s32 $0xC620;
	[sflag:s23] =	ssyncadd.s32 $0xFFFFEC00  }
0x77: {  	[spmem:s2] =	stream.indirect.scatter.add.f32 [tilespmem:s13], [sflag:$0xB], $0x40, s16, s24, $0xb8;
	[tilespmem:$0x1E140] =	vst v63  }
0x78: {  	s0 =	simm.s32 @!p1 $0xC620;
	s20 =	simm.s32 $0xA  }
0x79: {  	[spmem:s26] =	stream.indirect.scatter.add.f32 @!p1 [tilespmem:s28], [sflag:$0xD], $0x10, s0, s15, $0xb8;
	[tilespmem:$0x1E140] =	vst v63  }
0x7a: {  	p4 =	por $0x0, $0x0;
	p3 =	por $0x0, $0x0;
	_ =	swait.ge [sflag:s20], $0x1400  }
0x7b: {  	s22 =	simm.s32 $0x4;
	s4 =	simm.s32 @!p3 $0xC5D0;
	[sflag:s20] =	ssyncset.done $0x0  }
0x7c: {  	s18 =	simm.s32 $0x6;
	s0 =	simm.s32 @!p3 $0x0;
	[sflag:s20] =	ssyncadd.s32 $0xFFFFEC00  }
0x7d: {  	[tilespmem:s4], [sflag:$0x2] =	stream.linear.gather @!p3 [hbm4b:s6+s0], $0x50, $0x38;
	[tilespmem:$0x1E140] =	vst v63  }
0x7e: {  	s29 =	simm.s32 $0x9;
	s1 =	rddreg [dreg:$0x1c];
	s4 =	simm.s32 @!p3 $0xDAC0  }
0x7f: {  	[tilespmem:s4], [sflag:$0x6] =	stream.linear.gather @!p3 [hbm4b:s1+s0], $0x1400, $0x38;
	[tilespmem:$0x1E140] =	vst v63  }
0x80: {  	s31 =	simm.s32 $0x2;
	s14 =	simm.s32 $0x370;
	_ =	swait.ge [sflag:s22], $0x50  }
0x81: {  	s16 =	sadd.s32 $0xA00, s19;
	s20 =	simm.s32 $0x8;
	[sflag:s22] =	ssyncset.done $0x0  }
0x82: {  	s4 =	simm.s32 $0x230;
	s0 =	sadd.s32 $0xA00, s1;
	[sflag:s22] =	ssyncadd.s32 $0xFFFFFFB0  }
0x83: {  	s1 =	smov.u32 s21;
	s21 =	smov.u32 s25;
	_ =	swait.ge [sflag:s20], $0x1400  }
.LBB2_6:
0x84: {  	[sflag:s20] =	ssyncset.done $0x0  }
0x85: {  	s6 =	sadd.s32 $0x28, s6;
	s19 =	smov.u32 s14;
	s14 =	sadd.s32 $0x140, s14  }
0x86: {  	s3 =	simm.s32 $0x8;
	s20 =	simm.s32 @!p4 $0xB;
	s25 =	sadd.s32 @!p4 $0xFFFFFFB0, s4  }
0x87: {  	s11 =	simm.s32 @!p1 $0xC670;
	s13 =	simm.s32 $0x102C0;
	[sflag:s3] =	ssyncadd.s32 $0xFFFFEC00  }
0x88: {  	s7 =	simm.s32 $0xC670;
	p3 =	sne.s32 s14, $0x27B0;
	s25 =	simm.s32 @p4 $0xA0  }
0x89: {  	[spmem:s2] =	stream.indirect.scatter.add.f32 [tilespmem:s13], [sflag:$0xC], $0x40, s7, s24, $0xb8;
	[tilespmem:$0x1E140] =	vst v63  }
0x8a: {  	s3 =	smov.u32 s26;
	s25 =	sadd.s32 s8, s25  }
0x8b: {  	[spmem:s26] =	stream.indirect.scatter.add.f32 @!p1 [tilespmem:s28], [sflag:$0xD], $0x10, s11, s15, $0xb8;
	[tilespmem:$0x1E140] =	vst v63  }
0x8c: {  	s26 =	sshrl.u32 s25, $0x3;
	s25 =	sadd.s32 s10, s25;
	_ =	swait.ge @!p4 [sflag:s20], $0x1400  }
0x8d: {  	s25 =	sshll.u32 s25, $0x3;
	[sflag:s20] =	ssyncset.done @!p4 $0x0  }
0x8e: {  	s9 =	simm.s32 $0xC620;
	[sflag:s20] =	ssyncadd.s32 @!p4 $0xFFFFEC00;
	s20 =	sadd.s32 s21, s26  }
0x8f: {  	[tilespmem:s9], [sflag:$0x3] =	stream.linear.gather [hbm4b:s20+s5], $0x50, $0x38;
	[tilespmem:$0x1E140] =	vst v63  }
0x90: {  	s22 =	simm.s32 $0xEEC0;
	s12 =	simm.s32 $0x1;
	s20 =	sadd.s32 s1, s25  }
0x91: {  	[tilespmem:s22], [sflag:$0x7] =	stream.linear.gather [hbm4b:s20+s5], $0x1400, $0x38;
	[tilespmem:$0x1E140] =	vst v63  }
0x92: {  	_ =	swait.ge [sflag:s12], $0x50  }
0x93: {  	[sflag:s12] =	ssyncset.done $0x0  }
0x94: {  	s17 =	simm.s32 $0x5;
	[sflag:s12] =	ssyncadd.s32 $0xFFFFFFB0  }
0x95: {  	s25 =	smov.u32 s4;
	_ =	swait.ge [sflag:s17], $0x1400  }
0x96: {  	s24 =	simm.s32 $0xC6C0;
	s25 =	simm.s32 @p4 $0xF0;
	[sflag:s17] =	ssyncset.done $0x0  }
0x97: {  	s12 =	simm.s32 $0xC580;
	[sflag:s17] =	ssyncadd.s32 $0xFFFFEC00;
	s17 =	simm.s32 $0x50  }
0x98: {  	[spmem:s2] =	stream.indirect.scatter.add.f32 [tilespmem:s24], [sflag:$0x9], $0x40, s12, s17, $0xb8;
	[tilespmem:$0x1E140] =	vst v63  }
0x99: {  	s26 =	simm.s32 @!p1 $0xC580;
	s20 =	simm.s32 @!p4 $0xC;
	s25 =	sadd.s32 s8, s25  }
0x9a: {  	[spmem:s3] =	stream.indirect.scatter.add.f32 @!p1 [tilespmem:s28], [sflag:$0xD], $0x10, s26, s15, $0xb8;
	[tilespmem:$0x1E140] =	vst v63  }
0x9b: {  	s26 =	sshrl.u32 s25, $0x3;
	s25 =	sadd.s32 s10, s25;
	_ =	swait.ge @!p4 [sflag:s20], $0x1400  }
0x9c: {  	s25 =	sshll.u32 s25, $0x3;
	[sflag:s20] =	ssyncset.done @!p4 $0x0  }
0x9d: {  	[sflag:s20] =	ssyncadd.s32 @!p4 $0xFFFFEC00;
	s20 =	sadd.s32 s21, s26;
	s26 =	smov.u32 s3  }
0x9e: {  	[tilespmem:s7], [sflag:$0x4] =	stream.linear.gather [hbm4b:s20+s5], $0x50, $0x38;
	[tilespmem:$0x1E140] =	vst v63  }
0x9f: {  	s20 =	sadd.s32 s1, s25  }
0xa0: {  	[tilespmem:s13], [sflag:$0x8] =	stream.linear.gather [hbm4b:s20+s5], $0x1400, $0x38;
	[tilespmem:$0x1E140] =	vst v63  }
0xa1: {  	_ =	swait.ge [sflag:s31], $0x50  }
0xa2: {  	[sflag:s31] =	ssyncset.done $0x0  }
0xa3: {  	[sflag:s31] =	ssyncadd.s32 $0xFFFFFFB0  }
0xa4: {  	_ =	swait.ge [sflag:s18], $0x1400  }
0xa5: {  	[sflag:s18] =	ssyncset.done $0x0  }
0xa6: {  	s3 =	simm.s32 $0xDAC0;
	s7 =	simm.s32 $0xC5D0;
	[sflag:s18] =	ssyncadd.s32 $0xFFFFEC00  }
0xa7: {  	[spmem:s2] =	stream.indirect.scatter.add.f32 [tilespmem:s3], [sflag:$0xA], $0x40, s7, s17, $0xb8;
	[tilespmem:$0x1E140] =	vst v63  }
0xa8: {  	s3 =	simm.s32 @!p1 $0xC5D0  }
0xa9: {  	[spmem:s26] =	stream.indirect.scatter.add.f32 @!p1 [tilespmem:s28], [sflag:$0xD], $0x10, s3, s15, $0xb8;
	[tilespmem:$0x1E140] =	vst v63  }
0xaa: {  	_ =	swait.ge [sflag:s29], $0x1400  }
0xab: {  	[sflag:s29] =	ssyncset.done $0x0  }
0xac: {  	s20 =	sadd.s32 $0xFFFFFFF6, s6;
	[sflag:s29] =	ssyncadd.s32 $0xFFFFEC00  }
0xad: {  	[tilespmem:s12], [sflag:$0x1] =	stream.linear.gather [hbm4b:s20+s5], $0x50, $0x38;
	[tilespmem:$0x1E140] =	vst v63  }
0xae: {  	_ = 	snop  }
0xaf: {  	[tilespmem:s24], [sflag:$0x5] =	stream.linear.gather [hbm4b:s16+s5], $0x1400, $0x38;
	[tilespmem:$0x1E140] =	vst v63  }
0xb0: {  	s24 =	simm.s32 $0x50  }
0xb1: {  	_ =	swait.ge [sflag:s30], $0x50  }
0xb2: {  	[sflag:s30] =	ssyncset.done $0x0  }
0xb3: {  	[sflag:s30] =	ssyncadd.s32 $0xFFFFFFB0  }
0xb4: {  	_ =	swait.ge [sflag:s23], $0x1400  }
0xb5: {  	[sflag:s23] =	ssyncset.done $0x0  }
0xb6: {  	[sflag:s23] =	ssyncadd.s32 $0xFFFFEC00  }
0xb7: {  	[spmem:s2] =	stream.indirect.scatter.add.f32 [tilespmem:s22], [sflag:$0xB], $0x40, s9, s24, $0xb8;
	[tilespmem:$0x1E140] =	vst v63  }
0xb8: {  	s3 =	simm.s32 @!p1 $0xC620  }
0xb9: {  	[spmem:s26] =	stream.indirect.scatter.add.f32 @!p1 [tilespmem:s28], [sflag:$0xD], $0x10, s3, s15, $0xb8;
	[tilespmem:$0x1E140] =	vst v63  }
0xba: {  	s3 =	simm.s32 $0xA  }
0xbb: {  	_ =	swait.ge [sflag:s3], $0x1400  }
0xbc: {  	p4 =	seq.s32 s4, $0x2670;
	s4 =	smov.u32 s19;
	[sflag:s3] =	ssyncset.done $0x0  }
0xbd: {  	s19 =	simm.s32 @!p4 $0x0;
	s20 =	simm.s32 @!p4 $0xC5D0;
	[sflag:s3] =	ssyncadd.s32 $0xFFFFEC00  }
0xbe: {  	[tilespmem:s20], [sflag:$0x2] =	stream.linear.gather @!p4 [hbm4b:s6+s19], $0x50, $0x38;
	[tilespmem:$0x1E140] =	vst v63  }
0xbf: {  	s20 =	simm.s32 @!p4 $0xDAC0  }
0xc0: {  	[tilespmem:s20], [sflag:$0x6] =	stream.linear.gather @!p4 [hbm4b:s0+s19], $0x1400, $0x38;
	[tilespmem:$0x1E140] =	vst v63  }
.Ltmp2:
0xc1: {  	s3 =	simm.s32 $0x4;
	s20 =	simm.s32 $0x8;
	(pc) =	sbr.rel @p3 .LBB2_6-.Ltmp2, $4  }
0xc2: {  	_ =	swait.ge [sflag:s3], $0x50  }
0xc3: {  	[sflag:s3] =	ssyncset.done $0x0  }
0xc4: {  	s16 =	sadd.s32 $0xA00, s16;
	[sflag:s3] =	ssyncadd.s32 $0xFFFFFFB0  }
0xc5: {  	p4 =	seq.s32 s4, $0xF0;
	s0 =	sadd.s32 $0xA00, s0;
	_ =	swait.ge [sflag:s20], $0x1400  }
0xc6: {  	[sflag:s20] =	ssyncset.done $0x0;
	s3 =	sadd.s32 @!p4 $0xFFFFFFB0, s4  }
0xc7: {  	s7 =	simm.s32 $0x102C0;
	s25 =	simm.s32 $0xC670;
	[sflag:s20] =	ssyncadd.s32 $0xFFFFEC00  }
0xc8: {  	[spmem:s2] =	stream.indirect.scatter.add.f32 [tilespmem:s7], [sflag:$0xC], $0x40, s25, s24, $0xb8;
	[tilespmem:$0x1E140] =	vst v63  }
0xc9: {  	s13 =	simm.s32 @!p4 $0xB;
	s3 =	simm.s32 @p4 $0xA0  }
0xca: {  	[spmem:s26] =	stream.indirect.scatter.add.f32 @!p1 [tilespmem:s28], [sflag:$0xD], $0x10, s11, s15, $0xb8;
	[tilespmem:$0x1E140] =	vst v63  }
0xcb: {  	s9 =	simm.s32 $0xC620;
	s3 =	sadd.s32 s8, s3;
	_ =	swait.ge @!p4 [sflag:s13], $0x1400  }
0xcc: {  	s14 =	sshrl.u32 s3, $0x3;
	s3 =	sadd.s32 s10, s3;
	[sflag:s13] =	ssyncset.done @!p4 $0x0  }
0xcd: {  	s3 =	sshll.u32 s3, $0x3;
	s28 =	sadd.s32 s21, s14;
	[sflag:s13] =	ssyncadd.s32 @!p4 $0xFFFFEC00  }
0xce: {  	[tilespmem:s9], [sflag:$0x3] =	stream.linear.gather [hbm4b:s28+s5], $0x50, $0x38;
	[tilespmem:$0x1E140] =	vst v63  }
0xcf: {  	s22 =	simm.s32 $0xEEC0;
	s12 =	simm.s32 $0x1;
	s3 =	sadd.s32 s1, s3  }
0xd0: {  	[tilespmem:s22], [sflag:$0x7] =	stream.linear.gather [hbm4b:s3+s5], $0x1400, $0x38;
	[tilespmem:$0x1E140] =	vst v63  }
0xd1: {  	_ =	swait.ge [sflag:s12], $0x50  }
0xd2: {  	[sflag:s12] =	ssyncset.done $0x0  }
0xd3: {  	s17 =	simm.s32 $0x5;
	[sflag:s12] =	ssyncadd.s32 $0xFFFFFFB0  }
0xd4: {  	s19 =	simm.s32 @!p4 $0xC;
	_ =	swait.ge [sflag:s17], $0x1400  }
0xd5: {  	s7 =	simm.s32 $0xC6C0;
	s14 =	smov.u32 s4;
	[sflag:s17] =	ssyncset.done $0x0  }
0xd6: {  	s15 =	simm.s32 @!p1 $0x50;
	s28 =	simm.s32 $0xC580;
	[sflag:s17] =	ssyncadd.s32 $0xFFFFEC00  }
0xd7: {  	[spmem:s2] =	stream.indirect.scatter.add.f32 [tilespmem:s7], [sflag:$0x9], $0x40, s28, s24, $0xb8;
	[tilespmem:$0x1E140] =	vst v63  }
0xd8: {  	s14 =	simm.s32 @p4 $0xF0;
	s13 =	simm.s32 @!p1 $0x116C0;
	s3 =	simm.s32 @!p1 $0xC580  }
0xd9: {  	[spmem:s26] =	stream.indirect.scatter.add.f32 @!p1 [tilespmem:s13], [sflag:$0xD], $0x10, s3, s15, $0xb8;
	[tilespmem:$0x1E140] =	vst v63  }
0xda: {  	s3 =	sadd.s32 s8, s14;
	_ =	swait.ge @!p4 [sflag:s19], $0x1400  }
0xdb: {  	s14 =	sshrl.u32 s3, $0x3;
	s3 =	sadd.s32 s10, s3;
	[sflag:s19] =	ssyncset.done @!p4 $0x0  }
0xdc: {  	s14 =	sadd.s32 s21, s14;
	s3 =	sshll.u32 s3, $0x3;
	[sflag:s19] =	ssyncadd.s32 @!p4 $0xFFFFEC00  }
0xdd: {  	[tilespmem:s25], [sflag:$0x4] =	stream.linear.gather [hbm4b:s14+s5], $0x50, $0x38;
	[tilespmem:$0x1E140] =	vst v63  }
0xde: {  	s3 =	sadd.s32 s1, s3;
	s1 =	simm.s32 $0x102C0  }
0xdf: {  	[tilespmem:s1], [sflag:$0x8] =	stream.linear.gather [hbm4b:s3+s5], $0x1400, $0x38;
	[tilespmem:$0x1E140] =	vst v63  }
0xe0: {  	_ =	swait.ge [sflag:s31], $0x50  }
0xe1: {  	[sflag:s31] =	ssyncset.done $0x0  }
0xe2: {  	[sflag:s31] =	ssyncadd.s32 $0xFFFFFFB0  }
0xe3: {  	_ =	swait.ge [sflag:s18], $0x1400  }
0xe4: {  	[sflag:s18] =	ssyncset.done $0x0  }
0xe5: {  	s14 =	simm.s32 $0xDAC0;
	[sflag:s18] =	ssyncadd.s32 $0xFFFFEC00;
	s18 =	simm.s32 $0xC5D0  }
0xe6: {  	[spmem:s2] =	stream.indirect.scatter.add.f32 [tilespmem:s14], [sflag:$0xA], $0x40, s18, s24, $0xb8;
	[tilespmem:$0x1E140] =	vst v63  }
0xe7: {  	s3 =	simm.s32 @!p1 $0xC5D0  }
0xe8: {  	[spmem:s26] =	stream.indirect.scatter.add.f32 @!p1 [tilespmem:s13], [sflag:$0xD], $0x10, s3, s15, $0xb8;
	[tilespmem:$0x1E140] =	vst v63  }
0xe9: {  	_ =	swait.ge [sflag:s29], $0x1400  }
0xea: {  	s3 =	sadd.s32 $0x28, s6;
	[sflag:s29] =	ssyncset.done $0x0  }
0xeb: {  	s6 =	sadd.s32 $0xFFFFFFF6, s3;
	[sflag:s29] =	ssyncadd.s32 $0xFFFFEC00  }
0xec: {  	[tilespmem:s28], [sflag:$0x1] =	stream.linear.gather [hbm4b:s6+s5], $0x50, $0x38;
	[tilespmem:$0x1E140] =	vst v63  }
0xed: {  	_ = 	snop  }
0xee: {  	[tilespmem:s7], [sflag:$0x5] =	stream.linear.gather [hbm4b:s16+s5], $0x1400, $0x38;
	[tilespmem:$0x1E140] =	vst v63  }
0xef: {  	_ =	swait.ge [sflag:s30], $0x50  }
0xf0: {  	[sflag:s30] =	ssyncset.done $0x0  }
0xf1: {  	[sflag:s30] =	ssyncadd.s32 $0xFFFFFFB0  }
0xf2: {  	_ =	swait.ge [sflag:s23], $0x1400  }
0xf3: {  	[sflag:s23] =	ssyncset.done $0x0  }
0xf4: {  	[sflag:s23] =	ssyncadd.s32 $0xFFFFEC00  }
0xf5: {  	[spmem:s2] =	stream.indirect.scatter.add.f32 [tilespmem:s22], [sflag:$0xB], $0x40, s9, s24, $0xb8;
	[tilespmem:$0x1E140] =	vst v63  }
0xf6: {  	s6 =	simm.s32 @!p1 $0xC620;
	s23 =	simm.s32 $0xA  }
0xf7: {  	[spmem:s26] =	stream.indirect.scatter.add.f32 @!p1 [tilespmem:s13], [sflag:$0xD], $0x10, s6, s15, $0xb8;
	[tilespmem:$0x1E140] =	vst v63  }
0xf8: {  	_ =	swait.ge [sflag:s23], $0x1400  }
0xf9: {  	p3 =	seq.s32 s4, $0x2670;
	[sflag:s23] =	ssyncset.done $0x0  }
0xfa: {  	s4 =	simm.s32 @!p3 $0x0;
	s6 =	simm.s32 @!p3 $0xC5D0;
	[sflag:s23] =	ssyncadd.s32 $0xFFFFEC00  }
0xfb: {  	[tilespmem:s6], [sflag:$0x2] =	stream.linear.gather @!p3 [hbm4b:s3+s4], $0x50, $0x38;
	[tilespmem:$0x1E140] =	vst v63  }
0xfc: {  	s29 =	simm.s32 $0x4;
	s3 =	simm.s32 @!p3 $0xDAC0  }
0xfd: {  	[tilespmem:s3], [sflag:$0x6] =	stream.linear.gather @!p3 [hbm4b:s0+s4], $0x1400, $0x38;
	[tilespmem:$0x1E140] =	vst v63  }
0xfe: {  	_ =	swait.ge [sflag:s29], $0x50  }
0xff: {  	[sflag:s29] =	ssyncset.done $0x0  }
0x100: {  	[sflag:s29] =	ssyncadd.s32 $0xFFFFFFB0  }
0x101: {  	_ =	swait.ge [sflag:s20], $0x1400  }
0x102: {  	[sflag:s20] =	ssyncset.done $0x0  }
0x103: {  	[sflag:s20] =	ssyncadd.s32 $0xFFFFEC00  }
0x104: {  	[spmem:s2] =	stream.indirect.scatter.add.f32 [tilespmem:s1], [sflag:$0xC], $0x40, s25, s24, $0xb8;
	[tilespmem:$0x1E140] =	vst v63  }
0x105: {  	s30 =	simm.s32 $0xB  }
0x106: {  	[spmem:s26] =	stream.indirect.scatter.add.f32 @!p1 [tilespmem:s13], [sflag:$0xD], $0x10, s11, s15, $0xb8;
	[tilespmem:$0x1E140] =	vst v63  }
0x107: {  	_ =	swait.ge [sflag:s30], $0x1400  }
0x108: {  	[sflag:s30] =	ssyncset.done $0x0  }
0x109: {  	[sflag:s30] =	ssyncadd.s32 $0xFFFFEC00  }
0x10a: {  	_ =	swait.ge [sflag:s12], $0x50  }
0x10b: {  	s31 =	simm.s32 $0x6;
	s14 =	simm.s32 $0xC580;
	[sflag:s12] =	ssyncset.done $0x0  }
.Ltmp3:
0x10c: {  	s18 =	simm.s32 $0x102C0;
	[sflag:s12] =	ssyncadd.s32 $0xFFFFFFB0;
	(pc) =	sbr.rel @p1 .LBB2_11-.Ltmp3, $4  }
0x10d: {  	s22 =	simm.s32 $0xEEC0;
	s9 =	simm.s32 $0x1;
	_ =	swait.ge [sflag:s17], $0x1400  }
0x10e: {  	s23 =	simm.s32 $0xC6C0;
	s0 =	simm.s32 $0x9;
	[sflag:s17] =	ssyncset.done $0x0  }
0x10f: {  	s25 =	smov.u32 s21;
	s12 =	simm.s32 $0x5;
	[sflag:s17] =	ssyncadd.s32 $0xFFFFEC00  }
0x110: {  	[spmem:s2] =	stream.indirect.scatter.add.f32 [tilespmem:s7], [sflag:$0x9], $0x40, s28, s24, $0xb8;
	[tilespmem:$0x1E140] =	vst v63  }
0x111: {  	s1 =	simm.s32 $0x116C0;
	s30 =	simm.s32 $0xC  }
0x112: {  	[spmem:s26] =	stream.indirect.scatter.add.f32 [tilespmem:s1], [sflag:$0xD], $0x10, s14, s24, $0xb8;
	[tilespmem:$0x1E140] =	vst v63  }
0x113: {  	_ =	swait.ge [sflag:s30], $0x1400  }
0x114: {  	[sflag:s30] =	ssyncset.done $0x0  }
0x115: {  	[sflag:s30] =	ssyncadd.s32 $0xFFFFEC00  }
0x116: {  	_ =	swait.ge [sflag:s0], $0x1400  }
0x117: {  	[sflag:s0] =	ssyncset.done $0x0  }
0x118: {  	s1 =	simm.s32 $0xD;
	[sflag:s0] =	ssyncadd.s32 $0xFFFFEC00  }
0x119: {  	_ =	swait.ge [sflag:s1], $0x500  }
0x11a: {  	s19 =	rddreg [dreg:$0x8]  }
0x11b: {  	s16 =	rddreg [dreg:$0xa]  }
0x11c: {  	s20 =	rddreg [dreg:$0xf]  }
0x11d: {  	s4 =	rddreg [dreg:$0x10]  }
0x11e: {  	s13 =	simm.s32 $0xE;
	s3 =	rddreg [dreg:$0x1a]  }
0x11f: {  	s0 =	simm.s32 $0x7C;
	[sflag:s1] =	ssyncset.done $0x0;
	s7 =	sld [smem:$0x7FD]  }
.LBB2_9:
0x120: {  	p3 =	seq.s32 s0, $0x1;
	s0 =	sadd.s32 $0xFFFFFFFF, s0;
	[sflag:s1] =	ssyncadd.s32 $0xFFFFFB00  }
.Ltmp4:
0x121: {  	(pc) =	sbr.rel @!p3 .LBB2_9-.Ltmp4, $3  }
0x122: {  	_ =	sdelay $0x1  }
0x123: {  	_ =	swait.ge [sflag:s1], $0x500  }
0x124: {  	[sflag:s1] =	ssyncset.done $0x0  }
.Ltmp5:
0x125: {  	(pc) =	sbr.rel .LBB2_12-.Ltmp5, $4  }
0x126: {  	_ = 	snop  }
0x127: {  	[sflag:s1] =	ssyncadd.s32 $0xFFFFFB00  }
0x128: {  	s11 =	simm.s32 $0x11BC0;
	s30 =	simm.s32 $0xC5D0;
	s15 =	simm.s32 $0xDAC0  }
0x129: {  	s17 =	simm.s32 $0xC670;
	s29 =	simm.s32 $0x2;
	s1 =	smov.u32 s3  }
.LBB2_11:
0x12a: {  	s1 =	simm.s32 $0xC  }
0x12b: {  	_ =	swait.ge [sflag:s1], $0x1400  }
0x12c: {  	[sflag:s1] =	ssyncset.done $0x0  }
0x12d: {  	[sflag:s1] =	ssyncadd.s32 $0xFFFFEC00  }
0x12e: {  	_ =	swait.ge [sflag:s0], $0x1400  }
0x12f: {  	s19 =	rddreg [dreg:$0x8]  }
0x130: {  	s16 =	rddreg [dreg:$0xa]  }
0x131: {  	s11 =	simm.s32 $0x11BC0;
	s13 =	simm.s32 $0xE;
	s20 =	rddreg [dreg:$0xf]  }
0x132: {  	s30 =	simm.s32 $0xC5D0;
	s15 =	simm.s32 $0xDAC0;
	s4 =	rddreg [dreg:$0x10]  }
0x133: {  	s17 =	simm.s32 $0xC670;
	[sflag:s0] =	ssyncset.done $0x0;
	s1 =	rddreg [dreg:$0x1a]  }
0x134: {  	s29 =	simm.s32 $0x2;
	s7 =	sld [smem:$0x7FD];
	[sflag:s0] =	ssyncadd.s32 $0xFFFFEC00  }
.LBB2_12:
0x135: {  	[bflag:$0x0] =	sbarrier.arrive $0xFFFF  }
0x136: {  	[tilespmem:s11], [sflag:$0xE] =	stream.linear.gather [spmem:s4], $0x9C00, $0x38;
	[tilespmem:$0x1E140] =	vst v63  }
0x137: {  	_ =	swait.ge [sflag:s13], $0x9C00  }
0x138: {  	[sflag:s13] =	ssyncset.done $0x0  }
0x139: {  	s0 =	rddreg [dreg:$0xb];
	[sflag:s13] =	ssyncadd.s32 $0xFFFF6400  }
0x13a: {  	[hbm4b:s0+s5] =	stream.linear.scatter [tilespmem:s11], [sflag:$0xE], $0x9C00, $0x38;
	[tilespmem:$0x1E140] =	vst v63  }
0x13b: {  	_ =	swait.ge [sflag:s13], $0x9C00  }
0x13c: {  	[sflag:s13] =	ssyncset.done $0x0  }
0x13d: {  	s0 =	simm.s32 @!p1 $0x1B9C0;
	s3 =	rddreg [dreg:$0x12];
	[sflag:s13] =	ssyncadd.s32 $0xFFFF6400  }
0x13e: {  	[tilespmem:s0], [sflag:$0xE] =	stream.linear.gather @!p1 [spmem:s3], $0x2700, $0x38;
	[tilespmem:$0x1E140] =	vst v63  }
0x13f: {  	s3 =	simm.s32 @!p1 $0xE  }
0x140: {  	_ =	swait.ge @!p1 [sflag:s3], $0x2700  }
0x141: {  	[sflag:s3] =	ssyncset.done @!p1 $0x0  }
0x142: {  	s4 =	simm.s32 @!p1 $0x0;
	s6 =	rddreg [dreg:$0x11];
	[sflag:s3] =	ssyncadd.s32 @!p1 $0xFFFFD900  }
0x143: {  	[hbm4b:s6+s4] =	stream.linear.scatter @!p1 [tilespmem:s0], [sflag:$0xE], $0x2700, $0x38;
	[tilespmem:$0x1E140] =	vst v63  }
0x144: {  	_ =	swait.ge @!p1 [sflag:s3], $0x2700  }
0x145: {  	[sflag:s3] =	ssyncset.done @!p1 $0x0  }
0x146: {  	s0 =	simm.s32 @!p0 $0x11BC0;
	[sflag:s3] =	ssyncadd.s32 @!p1 $0xFFFFD900;
	s3 =	simm.s32 @!p0 $0xE  }
0x147: {  	[tilespmem:s0], [sflag:$0xE] =	stream.linear.gather @!p0 [spmem:s1], $0x400, $0x38;
	[tilespmem:$0x1E140] =	vst v63  }
0x148: {  	_ =	swait.ge @!p0 [sflag:s3], $0x400  }
0x149: {  	[sflag:s3] =	ssyncset.done @!p0 $0x0  }
0x14a: {  	s4 =	simm.s32 @!p0 $0x0;
	s6 =	rddreg [dreg:$0xc];
	[sflag:s3] =	ssyncadd.s32 @!p0 $0xFFFFFC00  }
0x14b: {  	[hbm4b:s6+s4] =	stream.linear.scatter @!p0 [tilespmem:s0], [sflag:$0xE], $0x400, $0x38;
	[tilespmem:$0x1E140] =	vst v63  }
0x14c: {  	_ =	swait.ge @!p0 [sflag:s3], $0x400  }
0x14d: {  	[sflag:s3] =	ssyncset.done @!p0 $0x0  }
0x14e: {  	s0 =	simm.s32 @!p2 $0x1B9C0;
	[sflag:s3] =	ssyncadd.s32 @!p0 $0xFFFFFC00;
	s3 =	rddreg [dreg:$0x1b]  }
0x14f: {  	[tilespmem:s0], [sflag:$0xE] =	stream.linear.gather @!p2 [spmem:s3], $0x100, $0x38;
	[tilespmem:$0x1E140] =	vst v63  }
0x150: {  	s3 =	simm.s32 @!p2 $0xE  }
0x151: {  	_ =	swait.ge @!p2 [sflag:s3], $0x100  }
0x152: {  	[sflag:s3] =	ssyncset.done @!p2 $0x0  }
0x153: {  	s4 =	simm.s32 @!p2 $0x0;
	s6 =	rddreg [dreg:$0x13];
	[sflag:s3] =	ssyncadd.s32 @!p2 $0xFFFFFF00  }
0x154: {  	[hbm4b:s6+s4] =	stream.linear.scatter @!p2 [tilespmem:s0], [sflag:$0xE], $0x100, $0x38;
	[tilespmem:$0x1E140] =	vst v63  }
0x155: {  	_ =	swait.ge @!p2 [sflag:s3], $0x100  }
0x156: {  	[sflag:s3] =	ssyncset.done @!p2 $0x0  }
0x157: {  	[sflag:s3] =	ssyncadd.s32 @!p2 $0xFFFFFF00  }
0x158: {  	s0 =	simm.s32 $0x0;
	s3 =	simm.s32 $0x100;
	[bflag:$0x0] =	sbarrier.arrive $0xFFFF  }
.LBB2_13:
0x159: {  	p3 =	sne.s32 s3, $0x27700;
	[tilespmem:s0+$0x11BF0] =	vst v1;
	s4 =	smov.u32 s3;
	s3 =	sadd.s32 $0x100, s3  }
.Ltmp6:
0x15a: {  	[tilespmem:s0+$0x11BE0] =	vst v1;
	(pc) =	sbr.rel @p3 .LBB2_13-.Ltmp6, $3  }
0x15b: {  	[tilespmem:s0+$0x11BC0] =	vst v1  }
0x15c: {  	[tilespmem:s0+$0x11BD0] =	vst v1;
	_ =	sdelay $0x1  }
0x15d: {  	s0 =	sshra.s32 s4, $0x2  }
0x15e: {  	[tilespmem:s0+$0x11BF0] =	vst v1  }
0x15f: {  	[tilespmem:s0+$0x11BE0] =	vst v1  }
0x160: {  	[tilespmem:s0+$0x11BC0] =	vst v1  }
0x161: {  	[tilespmem:s0+$0x11BD0] =	vst v1  }
0x162: {  	[spmem:s19] =	stream.linear.scatter [tilespmem:s11], [sflag:$0xE], $0x9E00, $0x38;
	[tilespmem:$0x1E140] =	vst v63  }
0x163: {  	_ =	swait.ge [sflag:s13], $0x9E00  }
0x164: {  	[sflag:s13] =	ssyncset.done $0x0  }
0x165: {  	[sflag:s13] =	ssyncadd.s32 $0xFFFF6200  }
0x166: {  	s0 =	simm.s32 $0x0;
	[bflag:$0x0] =	sbarrier.arrive $0xFFFF  }
0x167: {  	[tilespmem:s14], [sflag:$0x1] =	stream.linear.gather [hbm4b:s16+s0], $0x50, $0x38;
	[tilespmem:$0x1E140] =	vst v63  }
0x168: {  	s3 =	rddreg [dreg:$0x15]  }
0x169: {  	[tilespmem:s23], [sflag:$0x5] =	stream.linear.gather [hbm4b:s3+s0], $0x1400, $0x38;
	[tilespmem:$0x1E140] =	vst v63  }
0x16a: {  	p3 =	por $0x1, $0x1  }
0x16b: {  	[tilespmem:s30], [sflag:$0x2] =	stream.linear.gather [hbm4b:s20+s0], $0x50, $0x38;
	[tilespmem:$0x1E140] =	vst v63  }
0x16c: {  	s4 =	rddreg [dreg:$0x17];
	s3 =	simm.s32 @!p3 $0xA0  }
0x16d: {  	[tilespmem:s15], [sflag:$0x6] =	stream.linear.gather [hbm4b:s4+s0], $0x1400, $0x38;
	[tilespmem:$0x1E140] =	vst v63  }
0x16e: {  	s3 =	simm.s32 @p3 $0xA0;
	s4 =	simm.s32 @!p3 $0xB  }
0x16f: {  	s3 =	sadd.s32 s8, s3;
	s20 =	simm.s32 $0xC620;
	_ =	swait.ge @!p3 [sflag:s4], $0x1400  }
0x170: {  	s6 =	sshrl.u32 s3, $0x3;
	s3 =	sadd.s32 s10, s3;
	[sflag:s4] =	ssyncset.done @!p3 $0x0  }
0x171: {  	s3 =	sshll.u32 s3, $0x3;
	s6 =	sadd.s32 s25, s6;
	[sflag:s4] =	ssyncadd.s32 @!p3 $0xFFFFEC00  }
0x172: {  	[tilespmem:s20], [sflag:$0x3] =	stream.linear.gather [hbm4b:s6+s5], $0x50, $0x38;
	[tilespmem:$0x1E140] =	vst v63  }
0x173: {  	s3 =	sadd.s32 s7, s3  }
0x174: {  	[tilespmem:s22], [sflag:$0x7] =	stream.linear.gather [hbm4b:s3+s5], $0x1400, $0x38;
	[tilespmem:$0x1E140] =	vst v63  }
0x175: {  	_ =	swait.ge [sflag:s9], $0x50  }
0x176: {  	[sflag:s9] =	ssyncset.done $0x0  }
0x177: {  	[sflag:s9] =	ssyncadd.s32 $0xFFFFFFB0  }
0x178: {  	_ =	swait.ge [sflag:s12], $0x1400  }
0x179: {  	s3 =	simm.s32 @!p3 $0xF0;
	[sflag:s12] =	ssyncset.done $0x0  }
0x17a: {  	s4 =	simm.s32 @!p3 $0xC;
	s3 =	simm.s32 @p3 $0xF0;
	[sflag:s12] =	ssyncadd.s32 $0xFFFFEC00  }
0x17b: {  	[spmem:s2] =	stream.indirect.scatter.add.f32 [tilespmem:s23], [sflag:$0x9], $0x40, s14, s24, $0xb8;
	[tilespmem:$0x1E140] =	vst v63  }
0x17c: {  	s3 =	sadd.s32 s8, s3;
	_ =	swait.ge @!p3 [sflag:s4], $0x1400  }
0x17d: {  	s11 =	sshrl.u32 s3, $0x3;
	s3 =	sadd.s32 s10, s3;
	[sflag:s4] =	ssyncset.done @!p3 $0x0  }
0x17e: {  	s3 =	sshll.u32 s3, $0x3;
	s13 =	sadd.s32 s25, s11;
	[sflag:s4] =	ssyncadd.s32 @!p3 $0xFFFFEC00  }
0x17f: {  	[tilespmem:s17], [sflag:$0x4] =	stream.linear.gather [hbm4b:s13+s5], $0x50, $0x38;
	[tilespmem:$0x1E140] =	vst v63  }
0x180: {  	s3 =	sadd.s32 s7, s3  }
0x181: {  	[tilespmem:s18], [sflag:$0x8] =	stream.linear.gather [hbm4b:s3+s5], $0x1400, $0x38;
	[tilespmem:$0x1E140] =	vst v63  }
0x182: {  	_ =	swait.ge [sflag:s29], $0x50  }
0x183: {  	[sflag:s29] =	ssyncset.done $0x0  }
0x184: {  	[sflag:s29] =	ssyncadd.s32 $0xFFFFFFB0  }
0x185: {  	_ =	swait.ge [sflag:s31], $0x1400  }
0x186: {  	[sflag:s31] =	ssyncset.done $0x0  }
0x187: {  	s21 =	simm.s32 $0x9;
	[sflag:s31] =	ssyncadd.s32 $0xFFFFEC00  }
0x188: {  	[spmem:s2] =	stream.indirect.scatter.add.f32 [tilespmem:s15], [sflag:$0xA], $0x40, s30, s24, $0xb8;
	[tilespmem:$0x1E140] =	vst v63  }
0x189: {  	_ =	swait.ge [sflag:s21], $0x1400  }
0x18a: {  	s0 =	simm.s32 @p3 $0x0;
	s16 =	rddreg [dreg:$0x6]  }
0x18b: {  	s3 =	sadd.s32 s0, s16  }
0x18c: {  	[sflag:s21] =	ssyncset.done $0x0;
	s19 =	sshrl.u32 s3, $0x3;
	s3 =	sadd.s32 s10, s3  }
0x18d: {  	[sflag:s21] =	ssyncadd.s32 $0xFFFFEC00;
	s4 =	sadd.s32 s25, s19;
	s3 =	sshll.u32 s3, $0x3  }
0x18e: {  	[tilespmem:s14], [sflag:$0x1] =	stream.linear.gather [hbm4b:s4+s5], $0x50, $0x38;
	[tilespmem:$0x1E140] =	vst v63  }
0x18f: {  	s3 =	sand.u32 $0x1FFFFF80, s3  }
0x190: {  	s1 =	simm.s32 $0x3;
	s3 =	sadd.s32 s7, s3  }
0x191: {  	[tilespmem:s23], [sflag:$0x5] =	stream.linear.gather [hbm4b:s3+s5], $0x1400, $0x38;
	[tilespmem:$0x1E140] =	vst v63  }
0x192: {  	_ =	swait.ge [sflag:s1], $0x50  }
0x193: {  	[sflag:s1] =	ssyncset.done $0x0  }
0x194: {  	s28 =	simm.s32 $0x7;
	[sflag:s1] =	ssyncadd.s32 $0xFFFFFFB0  }
0x195: {  	_ =	swait.ge [sflag:s28], $0x1400  }
0x196: {  	[sflag:s28] =	ssyncset.done $0x0  }
0x197: {  	s19 =	simm.s32 $0xA;
	[sflag:s28] =	ssyncadd.s32 $0xFFFFEC00  }
0x198: {  	[spmem:s2] =	stream.indirect.scatter.add.f32 [tilespmem:s22], [sflag:$0xB], $0x40, s20, s24, $0xb8;
	[tilespmem:$0x1E140] =	vst v63  }
0x199: {  	_ =	swait.ge [sflag:s19], $0x1400  }
0x19a: {  	p3 =	por $0x0, $0x0;
	s3 =	rddreg [dreg:$0x7]  }
0x19b: {  	s6 =	simm.s32 @!p3 $0xC5D0;
	[sflag:s19] =	ssyncset.done $0x0;
	s0 =	sadd.s32 @!p3 s0, s3  }
0x19c: {  	s3 =	simm.s32 @!p3 $0x0;
	s4 =	sshrl.u32 @!p3 s0, $0x3;
	s0 =	sadd.s32 @!p3 s10, s0  }
0x19d: {  	[sflag:s19] =	ssyncadd.s32 $0xFFFFEC00;
	s4 =	sadd.s32 @!p3 s25, s4;
	s0 =	sshll.u32 @!p3 s0, $0x3  }
0x19e: {  	[tilespmem:s6], [sflag:$0x2] =	stream.linear.gather @!p3 [hbm4b:s4+s3], $0x50, $0x38;
	[tilespmem:$0x1E140] =	vst v63  }
0x19f: {  	s11 =	simm.s32 $0x4;
	s0 =	sand.u32 @!p3 $0x1FFFFF80, s0  }
0x1a0: {  	s16 =	simm.s32 $0x8;
	s4 =	simm.s32 @!p3 $0xDAC0;
	s0 =	sadd.s32 @!p3 s7, s0  }
0x1a1: {  	[tilespmem:s4], [sflag:$0x6] =	stream.linear.gather @!p3 [hbm4b:s0+s3], $0x1400, $0x38;
	[tilespmem:$0x1E140] =	vst v63  }
0x1a2: {  	s4 =	simm.s32 $0x140;
	s0 =	simm.s32 $0x280;
	_ =	swait.ge [sflag:s11], $0x50  }
.LBB2_15:
0x1a3: {  	[sflag:s11] =	ssyncset.done $0x0;
	s13 =	simm.s32 $0x4  }
0x1a4: {  	[sflag:s13] =	ssyncadd.s32 $0xFFFFFFB0  }
0x1a5: {  	p4 =	seq.s32 s4, $0x0;
	_ =	swait.ge [sflag:s16], $0x1400  }
0x1a6: {  	s6 =	sadd.s32 @!p4 $0xA0, s4;
	[sflag:s16] =	ssyncset.done $0x0  }
0x1a7: {  	s13 =	simm.s32 @!p4 $0xB;
	s6 =	simm.s32 @p4 $0xA0;
	[sflag:s16] =	ssyncadd.s32 $0xFFFFEC00  }
0x1a8: {  	[spmem:s2] =	stream.indirect.scatter.add.f32 [tilespmem:s18], [sflag:$0xC], $0x40, s17, s24, $0xb8;
	[tilespmem:$0x1E140] =	vst v63  }
0x1a9: {  	s6 =	sadd.s32 s8, s6;
	_ =	swait.ge @!p4 [sflag:s13], $0x1400  }
0x1aa: {  	s14 =	sshrl.u32 s6, $0x3;
	s6 =	sadd.s32 s10, s6;
	[sflag:s13] =	ssyncset.done @!p4 $0x0  }
0x1ab: {  	s6 =	sshll.u32 s6, $0x3;
	[sflag:s13] =	ssyncadd.s32 @!p4 $0xFFFFEC00;
	s13 =	sadd.s32 s25, s14  }
0x1ac: {  	[tilespmem:s20], [sflag:$0x3] =	stream.linear.gather [hbm4b:s13+s5], $0x50, $0x38;
	[tilespmem:$0x1E140] =	vst v63  }
0x1ad: {  	s6 =	sadd.s32 s7, s6  }
0x1ae: {  	[tilespmem:s22], [sflag:$0x7] =	stream.linear.gather [hbm4b:s6+s5], $0x1400, $0x38;
	[tilespmem:$0x1E140] =	vst v63  }
0x1af: {  	_ =	swait.ge [sflag:s9], $0x50  }
0x1b0: {  	[sflag:s9] =	ssyncset.done $0x0  }
0x1b1: {  	[sflag:s9] =	ssyncadd.s32 $0xFFFFFFB0  }
0x1b2: {  	s11 =	sadd.s32 @!p4 $0xF0, s4;
	_ =	swait.ge [sflag:s12], $0x1400  }
0x1b3: {  	s11 =	simm.s32 @p4 $0xF0;
	[sflag:s12] =	ssyncset.done $0x0  }
0x1b4: {  	s14 =	simm.s32 $0xC580;
	s6 =	simm.s32 @!p4 $0xC;
	[sflag:s12] =	ssyncadd.s32 $0xFFFFEC00  }
0x1b5: {  	[spmem:s2] =	stream.indirect.scatter.add.f32 [tilespmem:s23], [sflag:$0x9], $0x40, s14, s24, $0xb8;
	[tilespmem:$0x1E140] =	vst v63  }
0x1b6: {  	s11 =	sadd.s32 s8, s11;
	_ =	swait.ge @!p4 [sflag:s6], $0x1400  }
0x1b7: {  	s15 =	sshrl.u32 s11, $0x3;
	s11 =	sadd.s32 s10, s11;
	[sflag:s6] =	ssyncset.done @!p4 $0x0  }
0x1b8: {  	s11 =	sshll.u32 s11, $0x3;
	s13 =	sadd.s32 s25, s15;
	[sflag:s6] =	ssyncadd.s32 @!p4 $0xFFFFEC00  }
0x1b9: {  	[tilespmem:s17], [sflag:$0x4] =	stream.linear.gather [hbm4b:s13+s5], $0x50, $0x38;
	[tilespmem:$0x1E140] =	vst v63  }
0x1ba: {  	s11 =	sadd.s32 s7, s11  }
0x1bb: {  	[tilespmem:s18], [sflag:$0x8] =	stream.linear.gather [hbm4b:s11+s5], $0x1400, $0x38;
	[tilespmem:$0x1E140] =	vst v63  }
0x1bc: {  	_ =	swait.ge [sflag:s29], $0x50  }
0x1bd: {  	[sflag:s29] =	ssyncset.done $0x0  }
0x1be: {  	[sflag:s29] =	ssyncadd.s32 $0xFFFFFFB0  }
0x1bf: {  	_ =	swait.ge [sflag:s31], $0x1400  }
0x1c0: {  	[sflag:s31] =	ssyncset.done $0x0  }
0x1c1: {  	s15 =	simm.s32 $0xDAC0;
	[sflag:s31] =	ssyncadd.s32 $0xFFFFEC00  }
0x1c2: {  	[spmem:s2] =	stream.indirect.scatter.add.f32 [tilespmem:s15], [sflag:$0xA], $0x40, s30, s24, $0xb8;
	[tilespmem:$0x1E140] =	vst v63  }
0x1c3: {  	s11 =	smov.u32 s4;
	_ =	swait.ge [sflag:s21], $0x1400  }
0x1c4: {  	s11 =	simm.s32 @p4 $0x0;
	s13 =	rddreg [dreg:$0x6]  }
0x1c5: {  	s6 =	sadd.s32 s11, s13  }
0x1c6: {  	[sflag:s21] =	ssyncset.done $0x0;
	s13 =	sshrl.u32 s6, $0x3;
	s6 =	sadd.s32 s10, s6  }
0x1c7: {  	[sflag:s21] =	ssyncadd.s32 $0xFFFFEC00;
	s13 =	sadd.s32 s25, s13;
	s6 =	sshll.u32 s6, $0x3  }
0x1c8: {  	[tilespmem:s14], [sflag:$0x1] =	stream.linear.gather [hbm4b:s13+s5], $0x50, $0x38;
	[tilespmem:$0x1E140] =	vst v63  }
0x1c9: {  	s6 =	sand.u32 $0x1FFFFF80, s6  }
0x1ca: {  	s6 =	sadd.s32 s7, s6  }
0x1cb: {  	[tilespmem:s23], [sflag:$0x5] =	stream.linear.gather [hbm4b:s6+s5], $0x1400, $0x38;
	[tilespmem:$0x1E140] =	vst v63  }
0x1cc: {  	_ =	swait.ge [sflag:s1], $0x50  }
0x1cd: {  	[sflag:s1] =	ssyncset.done $0x0  }
0x1ce: {  	[sflag:s1] =	ssyncadd.s32 $0xFFFFFFB0  }
0x1cf: {  	_ =	swait.ge [sflag:s28], $0x1400  }
0x1d0: {  	[sflag:s28] =	ssyncset.done $0x0  }
0x1d1: {  	s3 =	smov.u32 s0;
	s0 =	sadd.s32 $0x140, s0;
	[sflag:s28] =	ssyncadd.s32 $0xFFFFEC00  }
0x1d2: {  	[spmem:s2] =	stream.indirect.scatter.add.f32 [tilespmem:s22], [sflag:$0xB], $0x40, s20, s24, $0xb8;
	[tilespmem:$0x1E140] =	vst v63  }
0x1d3: {  	p3 =	sne.s32 s0, $0x26C0;
	_ =	swait.ge [sflag:s19], $0x1400  }
0x1d4: {  	p4 =	seq.s32 s4, $0x2580;
	s4 =	smov.u32 s3;
	s6 =	rddreg [dreg:$0x7]  }
0x1d5: {  	[sflag:s19] =	ssyncset.done $0x0;
	s3 =	sadd.s32 @!p4 s11, s6;
	s6 =	simm.s32 @!p4 $0x0  }
0x1d6: {  	s11 =	simm.s32 @!p4 $0xC5D0;
	s13 =	sshrl.u32 @!p4 s3, $0x3;
	s3 =	sadd.s32 @!p4 s10, s3  }
0x1d7: {  	[sflag:s19] =	ssyncadd.s32 $0xFFFFEC00;
	s13 =	sadd.s32 @!p4 s25, s13;
	s3 =	sshll.u32 @!p4 s3, $0x3  }
0x1d8: {  	[tilespmem:s11], [sflag:$0x2] =	stream.linear.gather @!p4 [hbm4b:s13+s6], $0x50, $0x38;
	[tilespmem:$0x1E140] =	vst v63  }
.Ltmp7:
0x1d9: {  	s3 =	sand.u32 @!p4 $0x1FFFFF80, s3;
	(pc) =	sbr.rel @p3 .LBB2_15-.Ltmp7, $4  }
0x1da: {  	s11 =	simm.s32 @!p4 $0xDAC0;
	s3 =	sadd.s32 @!p4 s7, s3  }
0x1db: {  	[tilespmem:s11], [sflag:$0x6] =	stream.linear.gather @!p4 [hbm4b:s3+s6], $0x1400, $0x38;
	[tilespmem:$0x1E140] =	vst v63  }
0x1dc: {  	s11 =	simm.s32 $0x4  }
0x1dd: {  	_ =	swait.ge [sflag:s11], $0x50  }
0x1de: {  	[sflag:s11] =	ssyncset.done $0x0  }
0x1df: {  	[sflag:s11] =	ssyncadd.s32 $0xFFFFFFB0  }
0x1e0: {  	p3 =	seq.s32 s4, $0x0;
	_ =	swait.ge [sflag:s16], $0x1400  }
0x1e1: {  	s0 =	sadd.s32 @!p3 $0xA0, s4;
	[sflag:s16] =	ssyncset.done $0x0  }
0x1e2: {  	s3 =	simm.s32 @!p3 $0xB;
	s0 =	simm.s32 @p3 $0xA0;
	[sflag:s16] =	ssyncadd.s32 $0xFFFFEC00  }
0x1e3: {  	[spmem:s2] =	stream.indirect.scatter.add.f32 [tilespmem:s18], [sflag:$0xC], $0x40, s17, s24, $0xb8;
	[tilespmem:$0x1E140] =	vst v63  }
0x1e4: {  	s0 =	sadd.s32 s8, s0;
	_ =	swait.ge @!p3 [sflag:s3], $0x1400  }
0x1e5: {  	s6 =	sshrl.u32 s0, $0x3;
	s0 =	sadd.s32 s10, s0;
	[sflag:s3] =	ssyncset.done @!p3 $0x0  }
0x1e6: {  	s0 =	sshll.u32 s0, $0x3;
	s6 =	sadd.s32 s25, s6;
	[sflag:s3] =	ssyncadd.s32 @!p3 $0xFFFFEC00  }
0x1e7: {  	[tilespmem:s20], [sflag:$0x3] =	stream.linear.gather [hbm4b:s6+s5], $0x50, $0x38;
	[tilespmem:$0x1E140] =	vst v63  }
0x1e8: {  	s0 =	sadd.s32 s7, s0  }
0x1e9: {  	[tilespmem:s22], [sflag:$0x7] =	stream.linear.gather [hbm4b:s0+s5], $0x1400, $0x38;
	[tilespmem:$0x1E140] =	vst v63  }
0x1ea: {  	_ =	swait.ge [sflag:s9], $0x50  }
0x1eb: {  	[sflag:s9] =	ssyncset.done $0x0  }
0x1ec: {  	[sflag:s9] =	ssyncadd.s32 $0xFFFFFFB0  }
0x1ed: {  	_ =	swait.ge [sflag:s12], $0x1400  }
0x1ee: {  	s0 =	sadd.s32 @!p3 $0xF0, s4;
	[sflag:s12] =	ssyncset.done $0x0  }
0x1ef: {  	s3 =	simm.s32 @!p3 $0xC;
	s0 =	simm.s32 @p3 $0xF0;
	[sflag:s12] =	ssyncadd.s32 $0xFFFFEC00  }
0x1f0: {  	[spmem:s2] =	stream.indirect.scatter.add.f32 [tilespmem:s23], [sflag:$0x9], $0x40, s14, s24, $0xb8;
	[tilespmem:$0x1E140] =	vst v63  }
0x1f1: {  	s0 =	sadd.s32 s8, s0;
	_ =	swait.ge @!p3 [sflag:s3], $0x1400  }
0x1f2: {  	s13 =	sshrl.u32 s0, $0x3;
	s0 =	sadd.s32 s10, s0;
	[sflag:s3] =	ssyncset.done @!p3 $0x0  }
0x1f3: {  	s0 =	sshll.u32 s0, $0x3;
	s13 =	sadd.s32 s25, s13;
	[sflag:s3] =	ssyncadd.s32 @!p3 $0xFFFFEC00  }
0x1f4: {  	[tilespmem:s17], [sflag:$0x4] =	stream.linear.gather [hbm4b:s13+s5], $0x50, $0x38;
	[tilespmem:$0x1E140] =	vst v63  }
0x1f5: {  	s0 =	sadd.s32 s7, s0  }
0x1f6: {  	[tilespmem:s18], [sflag:$0x8] =	stream.linear.gather [hbm4b:s0+s5], $0x1400, $0x38;
	[tilespmem:$0x1E140] =	vst v63  }
0x1f7: {  	_ =	swait.ge [sflag:s29], $0x50  }
0x1f8: {  	[sflag:s29] =	ssyncset.done $0x0  }
0x1f9: {  	[sflag:s29] =	ssyncadd.s32 $0xFFFFFFB0  }
0x1fa: {  	_ =	swait.ge [sflag:s31], $0x1400  }
0x1fb: {  	[sflag:s31] =	ssyncset.done $0x0  }
0x1fc: {  	[sflag:s31] =	ssyncadd.s32 $0xFFFFEC00  }
0x1fd: {  	[spmem:s2] =	stream.indirect.scatter.add.f32 [tilespmem:s15], [sflag:$0xA], $0x40, s30, s24, $0xb8;
	[tilespmem:$0x1E140] =	vst v63  }
0x1fe: {  	s3 =	smov.u32 s4;
	_ =	swait.ge [sflag:s21], $0x1400  }
0x1ff: {  	s3 =	simm.s32 @p3 $0x0;
	s6 =	rddreg [dreg:$0x6]  }
0x200: {  	s0 =	sadd.s32 s3, s6  }
0x201: {  	[sflag:s21] =	ssyncset.done $0x0;
	s13 =	sshrl.u32 s0, $0x3;
	s0 =	sadd.s32 s10, s0  }
0x202: {  	[sflag:s21] =	ssyncadd.s32 $0xFFFFEC00;
	s6 =	sadd.s32 s25, s13;
	s0 =	sshll.u32 s0, $0x3  }
0x203: {  	[tilespmem:s14], [sflag:$0x1] =	stream.linear.gather [hbm4b:s6+s5], $0x50, $0x38;
	[tilespmem:$0x1E140] =	vst v63  }
0x204: {  	s0 =	sand.u32 $0x1FFFFF80, s0  }
0x205: {  	s0 =	sadd.s32 s7, s0  }
0x206: {  	[tilespmem:s23], [sflag:$0x5] =	stream.linear.gather [hbm4b:s0+s5], $0x1400, $0x38;
	[tilespmem:$0x1E140] =	vst v63  }
0x207: {  	_ =	swait.ge [sflag:s1], $0x50  }
0x208: {  	[sflag:s1] =	ssyncset.done $0x0  }
0x209: {  	[sflag:s1] =	ssyncadd.s32 $0xFFFFFFB0  }
0x20a: {  	_ =	swait.ge [sflag:s28], $0x1400  }
0x20b: {  	[sflag:s28] =	ssyncset.done $0x0  }
0x20c: {  	[sflag:s28] =	ssyncadd.s32 $0xFFFFEC00  }
0x20d: {  	[spmem:s2] =	stream.indirect.scatter.add.f32 [tilespmem:s22], [sflag:$0xB], $0x40, s20, s24, $0xb8;
	[tilespmem:$0x1E140] =	vst v63  }
0x20e: {  	_ =	swait.ge [sflag:s19], $0x1400  }
0x20f: {  	p3 =	seq.s32 s4, $0x2580;
	s0 =	rddreg [dreg:$0x7]  }
0x210: {  	s6 =	simm.s32 @!p3 $0xC5D0;
	[sflag:s19] =	ssyncset.done $0x0;
	s0 =	sadd.s32 @!p3 s3, s0  }
0x211: {  	s3 =	simm.s32 @!p3 $0x0;
	s4 =	sshrl.u32 @!p3 s0, $0x3;
	s0 =	sadd.s32 @!p3 s10, s0  }
0x212: {  	[sflag:s19] =	ssyncadd.s32 $0xFFFFEC00;
	s4 =	sadd.s32 @!p3 s25, s4;
	s0 =	sshll.u32 @!p3 s0, $0x3  }
0x213: {  	[tilespmem:s6], [sflag:$0x2] =	stream.linear.gather @!p3 [hbm4b:s4+s3], $0x50, $0x38;
	[tilespmem:$0x1E140] =	vst v63  }
0x214: {  	s0 =	sand.u32 @!p3 $0x1FFFFF80, s0  }
0x215: {  	s4 =	simm.s32 @!p3 $0xDAC0;
	s0 =	sadd.s32 @!p3 s7, s0  }
0x216: {  	[tilespmem:s4], [sflag:$0x6] =	stream.linear.gather @!p3 [hbm4b:s0+s3], $0x1400, $0x38;
	[tilespmem:$0x1E140] =	vst v63  }
0x217: {  	_ =	swait.ge [sflag:s11], $0x50  }
0x218: {  	[sflag:s11] =	ssyncset.done $0x0  }
0x219: {  	[sflag:s11] =	ssyncadd.s32 $0xFFFFFFB0  }
0x21a: {  	_ =	swait.ge [sflag:s16], $0x1400  }
0x21b: {  	[sflag:s16] =	ssyncset.done $0x0  }
0x21c: {  	s11 =	simm.s32 $0xB;
	[sflag:s16] =	ssyncadd.s32 $0xFFFFEC00  }
0x21d: {  	[spmem:s2] =	stream.indirect.scatter.add.f32 [tilespmem:s18], [sflag:$0xC], $0x40, s17, s24, $0xb8;
	[tilespmem:$0x1E140] =	vst v63  }
0x21e: {  	_ =	swait.ge [sflag:s11], $0x1400  }
0x21f: {  	[sflag:s11] =	ssyncset.done $0x0  }
0x220: {  	[sflag:s11] =	ssyncadd.s32 $0xFFFFEC00  }
0x221: {  	_ =	swait.ge [sflag:s9], $0x50  }
0x222: {  	[sflag:s9] =	ssyncset.done $0x0  }
0x223: {  	[sflag:s9] =	ssyncadd.s32 $0xFFFFFFB0  }
0x224: {  	_ =	swait.ge [sflag:s12], $0x1400  }
0x225: {  	[sflag:s12] =	ssyncset.done $0x0  }
0x226: {  	s13 =	simm.s32 $0xC;
	[sflag:s12] =	ssyncadd.s32 $0xFFFFEC00  }
0x227: {  	[spmem:s2] =	stream.indirect.scatter.add.f32 [tilespmem:s23], [sflag:$0x9], $0x40, s14, s24, $0xb8;
	[tilespmem:$0x1E140] =	vst v63  }
0x228: {  	_ =	swait.ge [sflag:s13], $0x1400  }
0x229: {  	[sflag:s13] =	ssyncset.done $0x0  }
0x22a: {  	[sflag:s13] =	ssyncadd.s32 $0xFFFFEC00  }
0x22b: {  	_ =	swait.ge [sflag:s21], $0x1400  }
0x22c: {  	[sflag:s21] =	ssyncset.done $0x0  }
0x22d: {  	[sflag:s21] =	ssyncadd.s32 $0xFFFFEC00  }
0x22e: {  	[bflag:$0x0] =	sbarrier.arrive $0xFFFF  }
0x22f: {  	s11 =	simm.s32 $0x11BC0;
	s13 =	simm.s32 $0xE;
	s16 =	rddreg [dreg:$0x10]  }
0x230: {  	[tilespmem:s11], [sflag:$0xE] =	stream.linear.gather [spmem:s16], $0x9C00, $0x38;
	[tilespmem:$0x1E140] =	vst v63  }
0x231: {  	_ =	swait.ge [sflag:s13], $0x9C00  }
0x232: {  	[sflag:s13] =	ssyncset.done $0x0  }
0x233: {  	s19 =	rddreg [dreg:$0xd];
	[sflag:s13] =	ssyncadd.s32 $0xFFFF6400  }
0x234: {  	[hbm4b:s19+s5] =	stream.linear.scatter [tilespmem:s11], [sflag:$0xE], $0x9C00, $0x38;
	[tilespmem:$0x1E140] =	vst v63  }
0x235: {  	_ =	swait.ge [sflag:s13], $0x9C00  }
0x236: {  	s0 =	simm.s32 @!p0 $0x11BC0;
	[sflag:s13] =	ssyncset.done $0x0  }
0x237: {  	s3 =	simm.s32 @!p0 $0xE;
	s16 =	rddreg [dreg:$0x1a];
	[sflag:s13] =	ssyncadd.s32 $0xFFFF6400  }
0x238: {  	[tilespmem:s0], [sflag:$0xE] =	stream.linear.gather @!p0 [spmem:s16], $0x400, $0x38;
	[tilespmem:$0x1E140] =	vst v63  }
0x239: {  	_ =	swait.ge @!p0 [sflag:s3], $0x400  }
0x23a: {  	[sflag:s3] =	ssyncset.done @!p0 $0x0  }
0x23b: {  	s4 =	simm.s32 @!p0 $0x0;
	s6 =	rddreg [dreg:$0xe];
	[sflag:s3] =	ssyncadd.s32 @!p0 $0xFFFFFC00  }
0x23c: {  	[hbm4b:s6+s4] =	stream.linear.scatter @!p0 [tilespmem:s0], [sflag:$0xE], $0x400, $0x38;
	[tilespmem:$0x1E140] =	vst v63  }
0x23d: {  	_ =	swait.ge @!p0 [sflag:s3], $0x400  }
0x23e: {  	s20 =	rddreg [dreg:$0x1e]  }
0x23f: {  	s21 =	rddreg [dreg:$0x18];
	s1 =	sadd.s32 $0x1, s20  }
0x240: {  	p3 =	sne.s32 s1, s21  }
.Ltmp8:
0x241: {  	[sflag:s3] =	ssyncset.done @!p0 $0x0;
	(pc) =	sbr.rel @p3 .LBB2_1-.Ltmp8, $4  }
0x242: {  	[sflag:s3] =	ssyncadd.s32 @!p0 $0xFFFFFC00  }
0x243: {  	[bflag:$0x0] =	sbarrier.arrive $0xFFFF  }
0x244: {  	s21 =	rddreg [dreg:$0x1f]  }
0x245: {  	s20 =	simm.s32 $0x9;
	s28 =	rddreg [dreg:$0xa]  }
0x246: {  	_ =	sfence.sel $0x180000  }
0x247: {  	[bflag:$0x0] =	sbarrier.arrive $0xFFFF  }
0x248: {  	_ =	strace $0x9000004A  }
0x249: {  	s0 =	stileid.u32;
	[bflag:$0x2] =	sbarrier.arrive $0xFFFF  }
0x24a: {  	p0 =	sne.s32 s0, $0x0;
	s0 =	rddreg [dreg:$0x5]  }
0x24b: {  	s0 =	sadd.s32 @!p0 $0x100000, s0  }
0x24c: {  	[sflag:s0] =	ssyncadd.tile.s32 @!p0 $0x1;
	_ =	shalt  }
.Lfunc_end2:
_tile_overlayer_lowered:
.L_overlay_start_2:
0x24d: {  	(tag) =	ssettag $0x2  }
0x24e: {  	s0 =	rddreg [dreg:$0x0];
	s2 =	stileid.u32  }
0x24f: {  	s1 =	rddreg [dreg:$0x1];
	p0 =	sne.s32 s2, $0x0  }
0x250: {  	s3 =	rddreg [dreg:$0x2];
	[bflag:$0x3] =	sbarrier.arrive $0xFFFF;
	s2 =	simm.s32 @!p0 $0x1C0E  }
0x251: {  	[timem:s3], [sflag:s2] =	dma.local @!p0 [hbm:s0], s1  }
0x252: {  	s0 =	simm.s32 @!p0 $0xE  }
0x253: {  	_ =	swait.ge @!p0 [sflag:s0], s1  }
0x254: {  	s1 =	ssub.s32 @!p0 $0x0, s1;
	[sflag:s0] =	ssyncset.done @!p0 $0x0  }
0x255: {  	[sflag:s0] =	ssyncadd.s32 @!p0 s1  }
0x256: {  	[bflag:$0x3] =	sbarrier.arrive $0xFFFF  }
0x257: {  	_ =	shalt  }

</sc_bundles>
